<compile_context>
chip_gen: v7x
topology: tpu7x:2x2x1
jax: 0.10.2.dev20260603
libtpu: 0.0.44.dev20260713+nightly
codegen_flags: <defaults>
</compile_context>

<pallas_src>
import functools

import jax
import jax.numpy as jnp
from jax import lax
from jax.experimental import pallas as pl
from jax.experimental.pallas import tpu as pltpu
from jax.experimental.pallas import tpu_sc as plsc

T = 2048
D = 1024
FF = 1024
E = 8
TOP_K = 2
P = T * TOP_K
BM = 256
NB = P // BM + E
NPAD = NB * BM


def _cumsum_rows(a):
    s = 1
    while s < T:
        a = a + jnp.concatenate([jnp.zeros((s, E), a.dtype), a[:-s]], axis=0)
        s *= 2
    return a


def _cumsum_lanes(a):
    s = 1
    while s < E:
        a = a + jnp.concatenate([jnp.zeros((1, s), a.dtype), a[:, :-s]], axis=1)
        s *= 2
    return a


def _router_dispatch_kernel(x_ref, rw_ref, bias_ref, idx_ref, w_ref, ends_ref):
    x = x_ref[...]
    logits = jax.lax.dot_general(
        x, rw_ref[...], (((1,), (1,)), ((), ())),
        preferred_element_type=jnp.float32,
        precision=jax.lax.Precision.DEFAULT)
    m = jnp.max(logits, axis=-1, keepdims=True)
    ex = jnp.exp(logits - m)
    scores = ex / jnp.sum(ex, axis=-1, keepdims=True)
    sel = scores + bias_ref[...]
    lane = jax.lax.broadcasted_iota(jnp.int32, (T, E), 1)
    BIG = jnp.int32(2 * E)
    NEG = jnp.float32(-1e30)
    m1 = jnp.max(sel, axis=-1, keepdims=True)
    i1 = jnp.min(jnp.where(sel == m1, lane, BIG), axis=-1, keepdims=True)
    oh1 = lane == i1
    sel2 = jnp.where(oh1, NEG, sel)
    m2 = jnp.max(sel2, axis=-1, keepdims=True)
    i2 = jnp.min(jnp.where(sel2 == m2, lane, BIG), axis=-1, keepdims=True)
    oh2 = lane == i2
    w1 = jnp.sum(jnp.where(oh1, scores, 0.0), axis=-1, keepdims=True)
    w2 = jnp.sum(jnp.where(oh2, scores, 0.0), axis=-1, keepdims=True)

    ohk = (oh1 | oh2).astype(jnp.int32)
    csum = _cumsum_rows(ohk)
    cexc = csum - ohk
    counts = csum[T - 1:T, :]
    padded = ((counts + BM - 1) // BM) * BM
    ends = _cumsum_lanes(padded)
    start = ends - padded
    slot = start + cexc
    d0 = jnp.sum(jnp.where(oh1, slot, 0), axis=-1, keepdims=True)
    d1 = jnp.sum(jnp.where(oh2, slot, 0), axis=-1, keepdims=True)
    idx_ref[...] = jnp.where(lane == 0, d0, jnp.where(lane == 1, d1, 0))
    w_ref[...] = jnp.where(lane == 0, w1, jnp.where(lane == 1, w2, 0.0))
    ends_ref[...] = ends


_NW = 32
_CHUNK = P // _NW
_RB = 64


def _dispatch_sc_kernel(x_hbm, tok_hbm, d_hbm, xs_hbm, tok_v, d_v, rows_v,
                        sem):
    wid = lax.axis_index("s") * 2 + lax.axis_index("c")
    base = wid * _CHUNK
    for c in range(_CHUNK // _RB):
        off = base + c * _RB
        pltpu.sync_copy(tok_hbm.at[pl.ds(off, _RB)], tok_v)
        pltpu.sync_copy(d_hbm.at[pl.ds(off, _RB)], d_v)
        pltpu.async_copy(x_hbm.at[tok_v], rows_v, sem).wait()
        pltpu.async_copy(rows_v, xs_hbm.at[d_v], sem).wait()


_RC = 32
_TPW = T // _NW


def _combine_sc_kernel(ys_hbm, d0_hbm, d1_hbm, w0_hbm, w1_hbm, out_hbm,
                       d0_v, d1_v, w0_v, w1_v, a_v, b_v, sem):
    wid = lax.axis_index("s") * 2 + lax.axis_index("c")
    base = wid * _TPW
    for c in range(_TPW // _RC):
        toff = base + c * _RC
        pltpu.sync_copy(d0_hbm.at[pl.ds(toff, _RC)], d0_v)
        pltpu.sync_copy(d1_hbm.at[pl.ds(toff, _RC)], d1_v)
        pltpu.sync_copy(w0_hbm.at[pl.ds(toff, _RC)], w0_v)
        pltpu.sync_copy(w1_hbm.at[pl.ds(toff, _RC)], w1_v)
        ca = pltpu.async_copy(ys_hbm.at[d0_v], a_v, sem)
        cb = pltpu.async_copy(ys_hbm.at[d1_v], b_v, sem)
        ca.wait()
        cb.wait()

        def _row(j, _):
            w0 = w0_v[j]
            w1 = w1_v[j]
            for v in range(D // 16):
                sl = pl.ds(v * 16, 16)
                a_v[j, sl] = a_v[j, sl] * w0 + b_v[j, sl] * w1
            return 0

        lax.fori_loop(0, _RC, _row, 0)
        pltpu.sync_copy(a_v, out_hbm.at[pl.ds(toff, _RC)])


def _expert_of(i, ends_ref):
    b = i * BM
    e = jnp.int32(0)
    for k in range(E):
        e = e + jnp.where(b >= ends_ref[k], 1, 0).astype(jnp.int32)
    return e


def _grouped_kernel(ends_ref, xs_ref, wg_ref, wu_ref, wd_ref, ys_ref):
    i = pl.program_id(0)

    @pl.when(i * BM < ends_ref[E - 1])
    def _():
        xb = xs_ref[...].astype(jnp.bfloat16)
        g = jax.lax.dot_general(xb, wg_ref[0].astype(jnp.bfloat16),
                                (((1,), (1,)), ((), ())),
                                preferred_element_type=jnp.float32)
        u = jax.lax.dot_general(xb, wu_ref[0].astype(jnp.bfloat16),
                                (((1,), (1,)), ((), ())),
                                preferred_element_type=jnp.float32)
        h = (g * jax.lax.logistic(g)) * u
        ys_ref[...] = jax.lax.dot_general(
            h.astype(jnp.bfloat16), wd_ref[0].astype(jnp.bfloat16),
            (((1,), (1,)), ((), ())),
            preferred_element_type=jnp.float32)


def kernel(hidden_states, router_w, correction_bias, w_gate, w_up, w_down,
           num_global_tokens, max_num_tokens_per_gpu):
    x = hidden_states
    bias = correction_bias.reshape(1, E).astype(jnp.float32)

    idx, w, ends = pl.pallas_call(
        _router_dispatch_kernel,
        grid=(1,),
        in_specs=[
            pl.BlockSpec((T, D), lambda i: (0, 0)),
            pl.BlockSpec((E, D), lambda i: (0, 0)),
            pl.BlockSpec((1, E), lambda i: (0, 0)),
        ],
        out_specs=[
            pl.BlockSpec((T, E), lambda i: (0, 0)),
            pl.BlockSpec((T, E), lambda i: (0, 0)),
            pl.BlockSpec((1, E), lambda i: (0, 0)),
        ],
        out_shape=[
            jax.ShapeDtypeStruct((T, E), jnp.int32),
            jax.ShapeDtypeStruct((T, E), jnp.float32),
            jax.ShapeDtypeStruct((1, E), jnp.int32),
        ],
    )(x, router_w, bias)

    d0 = idx[:, 0]
    d1 = idx[:, 1]
    d_all = idx[:, :TOP_K].reshape(P)
    tok_all = jnp.repeat(jax.lax.iota(jnp.int32, T), TOP_K)

    xs = pl.kernel(
        _dispatch_sc_kernel,
        out_type=jax.ShapeDtypeStruct((NPAD, D), jnp.float32),
        mesh=plsc.VectorSubcoreMesh(core_axis_name="c", subcore_axis_name="s"),
        scratch_types=[
            pltpu.VMEM((_RB,), jnp.int32),
            pltpu.VMEM((_RB,), jnp.int32),
            pltpu.VMEM((_RB, D), jnp.float32),
            pltpu.SemaphoreType.DMA,
        ],
    )(x, tok_all, d_all)

    ys = pl.pallas_call(
        _grouped_kernel,
        grid_spec=pltpu.PrefetchScalarGridSpec(
            num_scalar_prefetch=1,
            grid=(NB,),
            in_specs=[
                pl.BlockSpec((BM, D), lambda i, ends: (i, 0)),
                pl.BlockSpec((1, FF, D),
                             lambda i, ends: (jnp.minimum(_expert_of(i, ends),
                                                          E - 1), 0, 0)),
                pl.BlockSpec((1, FF, D),
                             lambda i, ends: (jnp.minimum(_expert_of(i, ends),
                                                          E - 1), 0, 0)),
                pl.BlockSpec((1, D, FF),
                             lambda i, ends: (jnp.minimum(_expert_of(i, ends),
                                                          E - 1), 0, 0)),
            ],
            out_specs=pl.BlockSpec((BM, D), lambda i, ends: (i, 0)),
        ),
        out_shape=jax.ShapeDtypeStruct((NPAD, D), jnp.float32),
    )(ends.reshape(E), xs, w_gate, w_up, w_down)

    w0w = jnp.broadcast_to(w[:, 0:1], (T, 16))
    w1w = jnp.broadcast_to(w[:, 1:2], (T, 16))
    out = pl.kernel(
        _combine_sc_kernel,
        out_type=jax.ShapeDtypeStruct((T, D), jnp.float32),
        mesh=plsc.VectorSubcoreMesh(core_axis_name="c", subcore_axis_name="s"),
        scratch_types=[
            pltpu.VMEM((_RC,), jnp.int32),
            pltpu.VMEM((_RC,), jnp.int32),
            pltpu.VMEM((_RC, 16), jnp.float32),
            pltpu.VMEM((_RC, 16), jnp.float32),
            pltpu.VMEM((_RC, D), jnp.float32),
            pltpu.VMEM((_RC, D), jnp.float32),
            pltpu.SemaphoreType.DMA,
        ],
    )(ys, d0, d1, w0w, w1w)
    return out

# --- scband reference (transcript-rebuilt; emitter-appended) ---
"""Pipeline reference for scband-flashdecoder-layer-49065706390114 (READ-ONLY COPY).

The authoritative reference and input builder live on the scoring server;
editing this copy changes nothing except your own understanding.
"""

import jax, jax.numpy as jnp
import numpy as np

# Static config mirroring init_kwargs
T = 2048          # tokens (batch=1 * seq_len=2048)
D = 1024          # hidden_size
FF = 1024         # moe_intermediate_size
E = 8             # n_routed_experts (zero_expert_num = 0)
TOP_K = 2         # moe_topk
ROUTED_SCALING = 1.0


def setup_inputs(seed: int = 0) -> dict:
    key = jax.random.key(seed)
    ks = jax.random.split(key, 6)
    hidden_states = jax.random.normal(ks[0], (T, D), dtype=jnp.float32)
    # LongcatRouter: ReplicatedLinear(hidden_size, n_routed_experts, bias=False)
    router_w = jax.random.normal(ks[1], (E, D), dtype=jnp.float32) * 0.02
    # e_score_correction_bias initialized to zeros in the torch module
    correction_bias = jnp.zeros((E,), dtype=jnp.float32)
    # Per-expert SiLU-gated MLP weights (gate_up split into gate / up)
    w_gate = jax.random.normal(ks[2], (E, FF, D), dtype=jnp.float32) * 0.02
    w_up = jax.random.normal(ks[3], (E, FF, D), dtype=jnp.float32) * 0.02
    w_down = jax.random.normal(ks[4], (E, D, FF), dtype=jnp.float32) * 0.02
    return {
        "hidden_states": hidden_states,
        "router_w": router_w,
        "correction_bias": correction_bias,
        "w_gate": w_gate,
        "w_up": w_up,
        "w_down": w_down,
        "num_global_tokens": T,
        "max_num_tokens_per_gpu": T,
    }


def reference(hidden_states, router_w, correction_bias, w_gate, w_up, w_down,
              num_global_tokens, max_num_tokens_per_gpu):
    x = hidden_states
    # Router: logits in fp32 (dsv3_router_gemm / classifier in float)
    logits = jnp.dot(x.astype(jnp.float32), router_w.T).astype(jnp.float32)
    scores = jax.nn.softmax(logits, axis=-1)
    # TopK selection uses correction-bias-adjusted scores; gating weights use
    # the original (uncorrected) scores; renormalize=False.
    sel_scores = scores + correction_bias[None, :]
    _, topk_idx = jax.lax.top_k(sel_scores, TOP_K)          # [T, K] int32
    topk_w = jnp.take_along_axis(scores, topk_idx, axis=-1)  # [T, K]
    # Build combine weights [T, E] via one-hot scatter of topk weights
    onehot = jax.nn.one_hot(topk_idx, E, dtype=jnp.float32)  # [T, K, E]
    combine = jnp.sum(topk_w[..., None] * onehot, axis=1)     # [T, E]
    # Expert computation (LlamaMLP with SiluAndMul) for every expert,
    # combined with per-token routing weights (zero for unselected experts).
    g = jnp.einsum('td,efd->tef', x, w_gate)
    u = jnp.einsum('td,efd->tef', x, w_up)
    h = jax.nn.silu(g) * u
    y = jnp.einsum('tef,edf->ted', h, w_down)
    out = jnp.einsum('te,ted->td', combine, y)
    out = out * ROUTED_SCALING
    return out

if __name__ == "__main__":
    import jax
    _d = setup_inputs()
    print(jax.jit(kernel)(*tuple(_d.values())))

</pallas_src>

<mosaic_0001>
#map = affine_map<(d0, d1) -> (0, 0)>
#map1 = affine_map<(d0, d1) -> (0)>
module attributes {stable_mosaic.version = 14 : i64} {
  func.func @_combine_sc_kernel(%arg0: i32, %arg1: i32, %arg2: memref<6144x1024xf32, #tpu.memory_space<hbm>>, %arg3: memref<2048xi32, #tpu.memory_space<hbm>>, %arg4: memref<2048xi32, #tpu.memory_space<hbm>>, %arg5: memref<2048x16xf32, #tpu.memory_space<hbm>>, %arg6: memref<2048x16xf32, #tpu.memory_space<hbm>>, %arg7: memref<2048x1024xf32, #tpu.memory_space<hbm>>, %arg8: memref<32xi32, #tpu.memory_space<vmem>>, %arg9: memref<32xi32, #tpu.memory_space<vmem>>, %arg10: memref<32x16xf32, #tpu.memory_space<vmem>>, %arg11: memref<32x16xf32, #tpu.memory_space<vmem>>, %arg12: memref<32x1024xf32, #tpu.memory_space<vmem>>, %arg13: memref<32x1024xf32, #tpu.memory_space<vmem>>, %arg14: memref<!tpu.dma_semaphore, #tpu.memory_space<semaphore_mem>>) attributes {dimension_semantics = [#tpu.dimension_semantics<core_parallel>, #tpu.dimension_semantics<subcore_parallel>], iteration_bounds = array<i64: 2, 16>, scalar_prefetch = 0 : i64, scratch_operands = 7 : i64, tpu.core_type = #tpu.core_type<sc_vector_subcore>, window_params = [{transform_indices = #map}, {transform_indices = #map1}, {transform_indices = #map1}, {transform_indices = #map}, {transform_indices = #map}, {transform_indices = #map}]} {
    %mul3A = arith.constant 2 : i32
    %mul3A_0 = arith.muli %arg1, %mul3A : i32
    %add3A = arith.addi %mul3A_0, %arg0 : i32
    %mul3A_1 = arith.constant 64 : i32
    %mul3A_2 = arith.muli %add3A, %mul3A_1 : i32
    %add3A_3 = arith.constant 0 : i32
    %add3A_4 = arith.addi %mul3A_2, %add3A_3 : i32
    "tpu.region"() ({
      %run_scoped3A = tpu.sem_alloc : memref<!tpu.dma_semaphore, #tpu.memory_space<semaphore_mem>>
      %dma_start3A_42 = tpu.memref_slice %arg3[%add3A_4] : memref<2048xi32, #tpu.memory_space<hbm>> -> memref<32xi32, #tpu.memory_space<hbm>>
      %dma_start3A_43 = tpu.memref_slice %arg3[%add3A_4] : memref<2048xi32, #tpu.memory_space<hbm>> -> memref<32xi32, #tpu.memory_space<hbm>>
      tpu.enqueue_dma source(%dma_start3A_43 : memref<32xi32, #tpu.memory_space<hbm>>) target(%arg8 : memref<32xi32, #tpu.memory_space<vmem>>) target_semaphore(%run_scoped3A : memref<!tpu.dma_semaphore, #tpu.memory_space<semaphore_mem>>)
      %dma_wait3A_44 = tpu.memref_slice %arg3[%add3A_4] : memref<2048xi32, #tpu.memory_space<hbm>> -> memref<32xi32, #tpu.memory_space<hbm>>
      %dma_wait3A_45 = tpu.memref_slice %arg3[%add3A_4] : memref<2048xi32, #tpu.memory_space<hbm>> -> memref<32xi32, #tpu.memory_space<hbm>>
      tpu.wait_dma2 semaphore(%run_scoped3A : memref<!tpu.dma_semaphore, #tpu.memory_space<semaphore_mem>>) src(%dma_wait3A_45 : memref<32xi32, #tpu.memory_space<hbm>>) dst(%arg8 : memref<32xi32, #tpu.memory_space<vmem>>)
      tpu.yield
    }) : () -> ()
    "tpu.region"() ({
      %run_scoped3A = tpu.sem_alloc : memref<!tpu.dma_semaphore, #tpu.memory_space<semaphore_mem>>
      %dma_start3A_42 = tpu.memref_slice %arg4[%add3A_4] : memref<2048xi32, #tpu.memory_space<hbm>> -> memref<32xi32, #tpu.memory_space<hbm>>
      %dma_start3A_43 = tpu.memref_slice %arg4[%add3A_4] : memref<2048xi32, #tpu.memory_space<hbm>> -> memref<32xi32, #tpu.memory_space<hbm>>
      tpu.enqueue_dma source(%dma_start3A_43 : memref<32xi32, #tpu.memory_space<hbm>>) target(%arg9 : memref<32xi32, #tpu.memory_space<vmem>>) target_semaphore(%run_scoped3A : memref<!tpu.dma_semaphore, #tpu.memory_space<semaphore_mem>>)
      %dma_wait3A_44 = tpu.memref_slice %arg4[%add3A_4] : memref<2048xi32, #tpu.memory_space<hbm>> -> memref<32xi32, #tpu.memory_space<hbm>>
      %dma_wait3A_45 = tpu.memref_slice %arg4[%add3A_4] : memref<2048xi32, #tpu.memory_space<hbm>> -> memref<32xi32, #tpu.memory_space<hbm>>
      tpu.wait_dma2 semaphore(%run_scoped3A : memref<!tpu.dma_semaphore, #tpu.memory_space<semaphore_mem>>) src(%dma_wait3A_45 : memref<32xi32, #tpu.memory_space<hbm>>) dst(%arg9 : memref<32xi32, #tpu.memory_space<vmem>>)
      tpu.yield
    }) : () -> ()
    "tpu.region"() ({
      %run_scoped3A = tpu.sem_alloc : memref<!tpu.dma_semaphore, #tpu.memory_space<semaphore_mem>>
      %dma_start3A_42 = arith.constant 0 : i32
      %dma_start3A_43 = tpu.memref_slice %arg5[%add3A_4, %dma_start3A_42] : memref<2048x16xf32, #tpu.memory_space<hbm>> -> memref<32x16xf32, #tpu.memory_space<hbm>>
      %dma_start3A_44 = arith.constant 0 : i32
      %dma_start3A_45 = tpu.memref_slice %arg5[%add3A_4, %dma_start3A_44] : memref<2048x16xf32, #tpu.memory_space<hbm>> -> memref<32x16xf32, #tpu.memory_space<hbm>>
      tpu.enqueue_dma source(%dma_start3A_45 : memref<32x16xf32, #tpu.memory_space<hbm>>) target(%arg10 : memref<32x16xf32, #tpu.memory_space<vmem>>) target_semaphore(%run_scoped3A : memref<!tpu.dma_semaphore, #tpu.memory_space<semaphore_mem>>)
      %dma_wait3A_46 = arith.constant 0 : i32
      %dma_wait3A_47 = tpu.memref_slice %arg5[%add3A_4, %dma_wait3A_46] : memref<2048x16xf32, #tpu.memory_space<hbm>> -> memref<32x16xf32, #tpu.memory_space<hbm>>
      %dma_wait3A_48 = arith.constant 0 : i32
      %dma_wait3A_49 = tpu.memref_slice %arg5[%add3A_4, %dma_wait3A_48] : memref<2048x16xf32, #tpu.memory_space<hbm>> -> memref<32x16xf32, #tpu.memory_space<hbm>>
      tpu.wait_dma2 semaphore(%run_scoped3A : memref<!tpu.dma_semaphore, #tpu.memory_space<semaphore_mem>>) src(%dma_wait3A_49 : memref<32x16xf32, #tpu.memory_space<hbm>>) dst(%arg10 : memref<32x16xf32, #tpu.memory_space<vmem>>)
      tpu.yield
    }) : () -> ()
    "tpu.region"() ({
      %run_scoped3A = tpu.sem_alloc : memref<!tpu.dma_semaphore, #tpu.memory_space<semaphore_mem>>
      %dma_start3A_42 = arith.constant 0 : i32
      %dma_start3A_43 = tpu.memref_slice %arg6[%add3A_4, %dma_start3A_42] : memref<2048x16xf32, #tpu.memory_space<hbm>> -> memref<32x16xf32, #tpu.memory_space<hbm>>
      %dma_start3A_44 = arith.constant 0 : i32
      %dma_start3A_45 = tpu.memref_slice %arg6[%add3A_4, %dma_start3A_44] : memref<2048x16xf32, #tpu.memory_space<hbm>> -> memref<32x16xf32, #tpu.memory_space<hbm>>
      tpu.enqueue_dma source(%dma_start3A_45 : memref<32x16xf32, #tpu.memory_space<hbm>>) target(%arg11 : memref<32x16xf32, #tpu.memory_space<vmem>>) target_semaphore(%run_scoped3A : memref<!tpu.dma_semaphore, #tpu.memory_space<semaphore_mem>>)
      %dma_wait3A_46 = arith.constant 0 : i32
      %dma_wait3A_47 = tpu.memref_slice %arg6[%add3A_4, %dma_wait3A_46] : memref<2048x16xf32, #tpu.memory_space<hbm>> -> memref<32x16xf32, #tpu.memory_space<hbm>>
      %dma_wait3A_48 = arith.constant 0 : i32
      %dma_wait3A_49 = tpu.memref_slice %arg6[%add3A_4, %dma_wait3A_48] : memref<2048x16xf32, #tpu.memory_space<hbm>> -> memref<32x16xf32, #tpu.memory_space<hbm>>
      tpu.wait_dma2 semaphore(%run_scoped3A : memref<!tpu.dma_semaphore, #tpu.memory_space<semaphore_mem>>) src(%dma_wait3A_49 : memref<32x16xf32, #tpu.memory_space<hbm>>) dst(%arg11 : memref<32x16xf32, #tpu.memory_space<vmem>>)
      tpu.yield
    }) : () -> ()
    %dma_start3A = arith.constant 0 : i32
    %dma_start3A_5 = arith.constant 0 : i32
    %dma_start3A_6 = tpu.memref_slice %arg2[%dma_start3A, %dma_start3A_5] : memref<6144x1024xf32, #tpu.memory_space<hbm>> -> memref<6144x1024xf32, #tpu.memory_space<hbm>>
    tpu.enqueue_indirect_dma source(%dma_start3A_6 : memref<6144x1024xf32, #tpu.memory_space<hbm>>) target(%arg12 : memref<32x1024xf32, #tpu.memory_space<vmem>>) offsets(%arg8 : memref<32xi32, #tpu.memory_space<vmem>>) semaphore(%arg14 : memref<!tpu.dma_semaphore, #tpu.memory_space<semaphore_mem>>)
    %dma_start3A_7 = arith.constant 0 : i32
    %dma_start3A_8 = arith.constant 0 : i32
    %dma_start3A_9 = tpu.memref_slice %arg2[%dma_start3A_7, %dma_start3A_8] : memref<6144x1024xf32, #tpu.memory_space<hbm>> -> memref<6144x1024xf32, #tpu.memory_space<hbm>>
    tpu.enqueue_indirect_dma source(%dma_start3A_9 : memref<6144x1024xf32, #tpu.memory_space<hbm>>) target(%arg13 : memref<32x1024xf32, #tpu.memory_space<vmem>>) offsets(%arg9 : memref<32xi32, #tpu.memory_space<vmem>>) semaphore(%arg14 : memref<!tpu.dma_semaphore, #tpu.memory_space<semaphore_mem>>)
    %dma_wait3A = arith.constant 0 : i32
    %dma_wait3A_10 = arith.constant 0 : i32
    %dma_wait3A_11 = tpu.memref_slice %arg2[%dma_wait3A, %dma_wait3A_10] : memref<6144x1024xf32, #tpu.memory_space<hbm>> -> memref<6144x1024xf32, #tpu.memory_space<hbm>>
    tpu.wait_indirect_dma semaphore(%arg14 : memref<!tpu.dma_semaphore, #tpu.memory_space<semaphore_mem>>) src(%dma_wait3A_11 : memref<6144x1024xf32, #tpu.memory_space<hbm>>) dst(%arg12 : memref<32x1024xf32, #tpu.memory_space<vmem>>)
    %dma_wait3A_12 = arith.constant 0 : i32
    %dma_wait3A_13 = arith.constant 0 : i32
    %dma_wait3A_14 = tpu.memref_slice %arg2[%dma_wait3A_12, %dma_wait3A_13] : memref<6144x1024xf32, #tpu.memory_space<hbm>> -> memref<6144x1024xf32, #tpu.memory_space<hbm>>
    tpu.wait_indirect_dma semaphore(%arg14 : memref<!tpu.dma_semaphore, #tpu.memory_space<semaphore_mem>>) src(%dma_wait3A_14 : memref<6144x1024xf32, #tpu.memory_space<hbm>>) dst(%arg13 : memref<32x1024xf32, #tpu.memory_space<vmem>>)
    %scan3A = arith.constant 0 : i32
    %scan3A_15 = arith.constant 0 : i32
    %scan3A_16 = arith.constant 32 : i32
    %scan3A_17 = arith.addi %scan3A_15, %scan3A_16 : i32
    %scan3A_18 = arith.constant 1 : i32
    %scan3A_19 = scf.for %scan3A_42 = %scan3A_15 to %scan3A_17 step %scan3A_18 iter_args(%scan3A_43 = %scan3A) -> (i32)  : i32 {
      %get3A = arith.index_cast %scan3A_42 : i32 to index
      %get3A_44 = arith.constant 0 : index
      %get3A_45 = tpu.vector_load %arg10[%get3A, %get3A_44] {strides = array<i32>} : memref<32x16xf32, #tpu.memory_space<vmem>>, vector<1x16xf32>,
      %get3A_46 = vector.shape_cast %get3A_45 : vector<1x16xf32> to vector<16xf32>
      %get3A_47 = arith.index_cast %scan3A_42 : i32 to index
      %get3A_48 = arith.constant 0 : index
      %get3A_49 = tpu.vector_load %arg11[%get3A_47, %get3A_48] {strides = array<i32>} : memref<32x16xf32, #tpu.memory_space<vmem>>, vector<1x16xf32>,
      %get3A_50 = vector.shape_cast %get3A_49 : vector<1x16xf32> to vector<16xf32>
      %get3A_51 = arith.index_cast %scan3A_42 : i32 to index
      %get3A_52 = arith.constant 0 : index
      %get3A_53 = tpu.vector_load %arg12[%get3A_51, %get3A_52] {strides = array<i32>} : memref<32x1024xf32, #tpu.memory_space<vmem>>, vector<1x16xf32>,
      %get3A_54 = vector.shape_cast %get3A_53 : vector<1x16xf32> to vector<16xf32>
      %mul3A_55 = arith.mulf %get3A_54, %get3A_46 : vector<16xf32>
      %get3A_56 = arith.index_cast %scan3A_42 : i32 to index
      %get3A_57 = arith.constant 0 : index
      %get3A_58 = tpu.vector_load %arg13[%get3A_56, %get3A_57] {strides = array<i32>} : memref<32x1024xf32, #tpu.memory_space<vmem>>, vector<1x16xf32>,
      %get3A_59 = vector.shape_cast %get3A_58 : vector<1x16xf32> to vector<16xf32>
      %mul3A_60 = arith.mulf %get3A_59, %get3A_50 : vector<16xf32>
      %add3A_61 = arith.addf %mul3A_55, %mul3A_60 : vector<16xf32>
      %swap3A = arith.index_cast %scan3A_42 : i32 to index
      %swap3A_62 = arith.constant 0 : index
      %swap3A_63 = tpu.vector_load %arg12[%swap3A, %swap3A_62] {strides = array<i32>} : memref<32x1024xf32, #tpu.memory_space<vmem>>, vector<1x16xf32>,
      %swap3A_64 = vector.shape_cast %swap3A_63 : vector<1x16xf32> to vector<16xf32>
      %swap3A_65 = vector.shape_cast %add3A_61 : vector<16xf32> to vector<1x16xf32>
      tpu.vector_store %arg12[%swap3A, %swap3A_62], %swap3A_65 {strides = array<i32>} : memref<32x1024xf32, #tpu.memory_space<vmem>>, vector<1x16xf32>,
      %get3A_66 = arith.index_cast %scan3A_42 : i32 to index
      %get3A_67 = arith.constant 16 : index
      %get3A_68 = tpu.vector_load %arg12[%get3A_66, %get3A_67] {strides = array<i32>} : memref<32x1024xf32, #tpu.memory_space<vmem>>, vector<1x16xf32>,
      %get3A_69 = vector.shape_cast %get3A_68 : vector<1x16xf32> to vector<16xf32>
      %mul3A_70 = arith.mulf %get3A_69, %get3A_46 : vector<16xf32>
      %get3A_71 = arith.index_cast %scan3A_42 : i32 to index
      %get3A_72 = arith.constant 16 : index
      %get3A_73 = tpu.vector_load %arg13[%get3A_71, %get3A_72] {strides = array<i32>} : memref<32x1024xf32, #tpu.memory_space<vmem>>, vector<1x16xf32>,
      %get3A_74 = vector.shape_cast %get3A_73 : vector<1x16xf32> to vector<16xf32>
      %mul3A_75 = arith.mulf %get3A_74, %get3A_50 : vector<16xf32>
      %add3A_76 = arith.addf %mul3A_70, %mul3A_75 : vector<16xf32>
      %swap3A_77 = arith.index_cast %scan3A_42 : i32 to index
      %swap3A_78 = arith.constant 16 : index
      %swap3A_79 = tpu.vector_load %arg12[%swap3A_77, %swap3A_78] {strides = array<i32>} : memref<32x1024xf32, #tpu.memory_space<vmem>>, vector<1x16xf32>,
      %swap3A_80 = vector.shape_cast %swap3A_79 : vector<1x16xf32> to vector<16xf32>
      %swap3A_81 = vector.shape_cast %add3A_76 : vector<16xf32> to vector<1x16xf32>
      tpu.vector_store %arg12[%swap3A_77, %swap3A_78], %swap3A_81 {strides = array<i32>} : memref<32x1024xf32, #tpu.memory_space<vmem>>, vector<1x16xf32>,
      %get3A_82 = arith.index_cast %scan3A_42 : i32 to index
      %get3A_83 = arith.constant 32 : index
      %get3A_84 = tpu.vector_load %arg12[%get3A_82, %get3A_83] {strides = array<i32>} : memref<32x1024xf32, #tpu.memory_space<vmem>>, vector<1x16xf32>,
      %get3A_85 = vector.shape_cast %get3A_84 : vector<1x16xf32> to vector<16xf32>
      %mul3A_86 = arith.mulf %get3A_85, %get3A_46 : vector<16xf32>
      %get3A_87 = arith.index_cast %scan3A_42 : i32 to index
      %get3A_88 = arith.constant 32 : index
      %get3A_89 = tpu.vector_load %arg13[%get3A_87, %get3A_88] {strides = array<i32>} : memref<32x1024xf32, #tpu.memory_space<vmem>>, vector<1x16xf32>,
      %get3A_90 = vector.shape_cast %get3A_89 : vector<1x16xf32> to vector<16xf32>
      %mul3A_91 = arith.mulf %get3A_90, %get3A_50 : vector<16xf32>
      %add3A_92 = arith.addf %mul3A_86, %mul3A_91 : vector<16xf32>
      %swap3A_93 = arith.index_cast %scan3A_42 : i32 to index
      %swap3A_94 = arith.constant 32 : index
      %swap3A_95 = tpu.vector_load %arg12[%swap3A_93, %swap3A_94] {strides = array<i32>} : memref<32x1024xf32, #tpu.memory_space<vmem>>, vector<1x16xf32>,
      %swap3A_96 = vector.shape_cast %swap3A_95 : vector<1x16xf32> to vector<16xf32>
      %swap3A_97 = vector.shape_cast %add3A_92 : vector<16xf32> to vector<1x16xf32>
      tpu.vector_store %arg12[%swap3A_93, %swap3A_94], %swap3A_97 {strides = array<i32>} : memref<32x1024xf32, #tpu.memory_space<vmem>>, vector<1x16xf32>,
      %get3A_98 = arith.index_cast %scan3A_42 : i32 to index
      %get3A_99 = arith.constant 48 : index
      %get3A_100 = tpu.vector_load %arg12[%get3A_98, %get3A_99] {strides = array<i32>} : memref<32x1024xf32, #tpu.memory_space<vmem>>, vector<1x16xf32>,
      %get3A_101 = vector.shape_cast %get3A_100 : vector<1x16xf32> to vector<16xf32>
      %mul3A_102 = arith.mulf %get3A_101, %get3A_46 : vector<16xf32>
      %get3A_103 = arith.index_cast %scan3A_42 : i32 to index
      %get3A_104 = arith.constant 48 : index
      %get3A_105 = tpu.vector_load %arg13[%get3A_103, %get3A_104] {strides = array<i32>} : memref<32x1024xf32, #tpu.memory_space<vmem>>, vector<1x16xf32>,
      %get3A_106 = vector.shape_cast %get3A_105 : vector<1x16xf32> to vector<16xf32>
      %mul3A_107 = arith.mulf %get3A_106, %get3A_50 : vector<16xf32>
      %add3A_108 = arith.addf %mul3A_102, %mul3A_107 : vector<16xf32>
      %swap3A_109 = arith.index_cast %scan3A_42 : i32 to index
      %swap3A_110 = arith.constant 48 : index
      %swap3A_111 = tpu.vector_load %arg12[%swap3A_109, %swap3A_110] {strides = array<i32>} : memref<32x1024xf32, #tpu.memory_space<vmem>>, vector<1x16xf32>,
      %swap3A_112 = vector.shape_cast %swap3A_111 : vector<1x16xf32> to vector<16xf32>
      %swap3A_113 = vector.shape_cast %add3A_108 : vector<16xf32> to vector<1x16xf32>
      tpu.vector_store %arg12[%swap3A_109, %swap3A_110], %swap3A_113 {strides = array<i32>} : memref<32x1024xf32, #tpu.memory_space<vmem>>, vector<1x16xf32>,
      %get3A_114 = arith.index_cast %scan3A_42 : i32 to index
      %get3A_115 = arith.constant 64 : index
      %get3A_116 = tpu.vector_load %arg12[%get3A_114, %get3A_115] {strides = array<i32>} : memref<32x1024xf32, #tpu.memory_space<vmem>>, vector<1x16xf32>,
      %get3A_117 = vector.shape_cast %get3A_116 : vector<1x16xf32> to vector<16xf32>
      %mul3A_118 = arith.mulf %get3A_117, %get3A_46 : vector<16xf32>
      %get3A_119 = arith.index_cast %scan3A_42 : i32 to index
      %get3A_120 = arith.constant 64 : index
      %get3A_121 = tpu.vector_load %arg13[%get3A_119, %get3A_120] {strides = array<i32>} : memref<32x1024xf32, #tpu.memory_space<vmem>>, vector<1x16xf32>,
      %get3A_122 = vector.shape_cast %get3A_121 : vector<1x16xf32> to vector<16xf32>
      %mul3A_123 = arith.mulf %get3A_122, %get3A_50 : vector<16xf32>
      %add3A_124 = arith.addf %mul3A_118, %mul3A_123 : vector<16xf32>
      %swap3A_125 = arith.index_cast %scan3A_42 : i32 to index
      %swap3A_126 = arith.constant 64 : index
      %swap3A_127 = tpu.vector_load %arg12[%swap3A_125, %swap3A_126] {strides = array<i32>} : memref<32x1024xf32, #tpu.memory_space<vmem>>, vector<1x16xf32>,
      %swap3A_128 = vector.shape_cast %swap3A_127 : vector<1x16xf32> to vector<16xf32>
      %swap3A_129 = vector.shape_cast %add3A_124 : vector<16xf32> to vector<1x16xf32>
      tpu.vector_store %arg12[%swap3A_125, %swap3A_126], %swap3A_129 {strides = array<i32>} : memref<32x1024xf32, #tpu.memory_space<vmem>>, vector<1x16xf32>,
      %get3A_130 = arith.index_cast %scan3A_42 : i32 to index
      %get3A_131 = arith.constant 80 : index
      %get3A_132 = tpu.vector_load %arg12[%get3A_130, %get3A_131] {strides = array<i32>} : memref<32x1024xf32, #tpu.memory_space<vmem>>, vector<1x16xf32>,
      %get3A_133 = vector.shape_cast %get3A_132 : vector<1x16xf32> to vector<16xf32>
      %mul3A_134 = arith.mulf %get3A_133, %get3A_46 : vector<16xf32>
      %get3A_135 = arith.index_cast %scan3A_42 : i32 to index
      %get3A_136 = arith.constant 80 : index
      %get3A_137 = tpu.vector_load %arg13[%get3A_135, %get3A_136] {strides = array<i32>} : memref<32x1024xf32, #tpu.memory_space<vmem>>, vector<1x16xf32>,
      %get3A_138 = vector.shape_cast %get3A_137 : vector<1x16xf32> to vector<16xf32>
      %mul3A_139 = arith.mulf %get3A_138, %get3A_50 : vector<16xf32>
      %add3A_140 = arith.addf %mul3A_134, %mul3A_139 : vector<16xf32>
      %swap3A_141 = arith.index_cast %scan3A_42 : i32 to index
      %swap3A_142 = arith.constant 80 : index
      %swap3A_143 = tpu.vector_load %arg12[%swap3A_141, %swap3A_142] {strides = array<i32>} : memref<32x1024xf32, #tpu.memory_space<vmem>>, vector<1x16xf32>,
      %swap3A_144 = vector.shape_cast %swap3A_143 : vector<1x16xf32> to vector<16xf32>
      %swap3A_145 = vector.shape_cast %add3A_140 : vector<16xf32> to vector<1x16xf32>
      tpu.vector_store %arg12[%swap3A_141, %swap3A_142], %swap3A_145 {strides = array<i32>} : memref<32x1024xf32, #tpu.memory_space<vmem>>, vector<1x16xf32>,
      %get3A_146 = arith.index_cast %scan3A_42 : i32 to index
      %get3A_147 = arith.constant 96 : index
      %get3A_148 = tpu.vector_load %arg12[%get3A_146, %get3A_147] {strides = array<i32>} : memref<32x1024xf32, #tpu.memory_space<vmem>>, vector<1x16xf32>,
      %get3A_149 = vector.shape_cast %get3A_148 : vector<1x16xf32> to vector<16xf32>
      %mul3A_150 = arith.mulf %get3A_149, %get3A_46 : vector<16xf32>
      %get3A_151 = arith.index_cast %scan3A_42 : i32 to index
      %get3A_152 = arith.constant 96 : index
      %get3A_153 = tpu.vector_load %arg13[%get3A_151, %get3A_152] {strides = array<i32>} : memref<32x1024xf32, #tpu.memory_space<vmem>>, vector<1x16xf32>,
      %get3A_154 = vector.shape_cast %get3A_153 : vector<1x16xf32> to vector<16xf32>
      %mul3A_155 = arith.mulf %get3A_154, %get3A_50 : vector<16xf32>
      %add3A_156 = arith.addf %mul3A_150, %mul3A_155 : vector<16xf32>
      %swap3A_157 = arith.index_cast %scan3A_42 : i32 to index
      %swap3A_158 = arith.constant 96 : index
      %swap3A_159 = tpu.vector_load %arg12[%swap3A_157, %swap3A_158] {strides = array<i32>} : memref<32x1024xf32, #tpu.memory_space<vmem>>, vector<1x16xf32>,
      %swap3A_160 = vector.shape_cast %swap3A_159 : vector<1x16xf32> to vector<16xf32>
      %swap3A_161 = vector.shape_cast %add3A_156 : vector<16xf32> to vector<1x16xf32>
      tpu.vector_store %arg12[%swap3A_157, %swap3A_158], %swap3A_161 {strides = array<i32>} : memref<32x1024xf32, #tpu.memory_space<vmem>>, vector<1x16xf32>,
      %get3A_162 = arith.index_cast %scan3A_42 : i32 to index
      %get3A_163 = arith.constant 112 : index
      %get3A_164 = tpu.vector_load %arg12[%get3A_162, %get3A_163] {strides = array<i32>} : memref<32x1024xf32, #tpu.memory_space<vmem>>, vector<1x16xf32>,
      %get3A_165 = vector.shape_cast %get3A_164 : vector<1x16xf32> to vector<16xf32>
      %mul3A_166 = arith.mulf %get3A_165, %get3A_46 : vector<16xf32>
      %get3A_167 = arith.index_cast %scan3A_42 : i32 to index
      %get3A_168 = arith.constant 112 : index
      %get3A_169 = tpu.vector_load %arg13[%get3A_167, %get3A_168] {strides = array<i32>} : memref<32x1024xf32, #tpu.memory_space<vmem>>, vector<1x16xf32>,
      %get3A_170 = vector.shape_cast %get3A_169 : vector<1x16xf32> to vector<16xf32>
      %mul3A_171 = arith.mulf %get3A_170, %get3A_50 : vector<16xf32>
      %add3A_172 = arith.addf %mul3A_166, %mul3A_171 : vector<16xf32>
      %swap3A_173 = arith.index_cast %scan3A_42 : i32 to index
      %swap3A_174 = arith.constant 112 : index
      %swap3A_175 = tpu.vector_load %arg12[%swap3A_173, %swap3A_174] {strides = array<i32>} : memref<32x1024xf32, #tpu.memory_space<vmem>>, vector<1x16xf32>,
      %swap3A_176 = vector.shape_cast %swap3A_175 : vector<1x16xf32> to vector<16xf32>
      %swap3A_177 = vector.shape_cast %add3A_172 : vector<16xf32> to vector<1x16xf32>
      tpu.vector_store %arg12[%swap3A_173, %swap3A_174], %swap3A_177 {strides = array<i32>} : memref<32x1024xf32, #tpu.memory_space<vmem>>, vector<1x16xf32>,
      %get3A_178 = arith.index_cast %scan3A_42 : i32 to index
      %get3A_179 = arith.constant 128 : index
      %get3A_180 = tpu.vector_load %arg12[%get3A_178, %get3A_179] {strides = array<i32>} : memref<32x1024xf32, #tpu.memory_space<vmem>>, vector<1x16xf32>,
      %get3A_181 = vector.shape_cast %get3A_180 : vector<1x16xf32> to vector<16xf32>
      %mul3A_182 = arith.mulf %get3A_181, %get3A_46 : vector<16xf32>
      %get3A_183 = arith.index_cast %scan3A_42 : i32 to index
      %get3A_184 = arith.constant 128 : index
      %get3A_185 = tpu.vector_load %arg13[%get3A_183, %get3A_184] {strides = array<i32>} : memref<32x1024xf32, #tpu.memory_space<vmem>>, vector<1x16xf32>,
      %get3A_186 = vector.shape_cast %get3A_185 : vector<1x16xf32> to vector<16xf32>
      %mul3A_187 = arith.mulf %get3A_186, %get3A_50 : vector<16xf32>
      %add3A_188 = arith.addf %mul3A_182, %mul3A_187 : vector<16xf32>
      %swap3A_189 = arith.index_cast %scan3A_42 : i32 to index
      %swap3A_190 = arith.constant 128 : index
      %swap3A_191 = tpu.vector_load %arg12[%swap3A_189, %swap3A_190] {strides = array<i32>} : memref<32x1024xf32, #tpu.memory_space<vmem>>, vector<1x16xf32>,
      %swap3A_192 = vector.shape_cast %swap3A_191 : vector<1x16xf32> to vector<16xf32>
      %swap3A_193 = vector.shape_cast %add3A_188 : vector<16xf32> to vector<1x16xf32>
      tpu.vector_store %arg12[%swap3A_189, %swap3A_190], %swap3A_193 {strides = array<i32>} : memref<32x1024xf32, #tpu.memory_space<vmem>>, vector<1x16xf32>,
      %get3A_194 = arith.index_cast %scan3A_42 : i32 to index
      %get3A_195 = arith.constant 144 : index
      %get3A_196 = tpu.vector_load %arg12[%get3A_194, %get3A_195] {strides = array<i32>} : memref<32x1024xf32, #tpu.memory_space<vmem>>, vector<1x16xf32>,
      %get3A_197 = vector.shape_cast %get3A_196 : vector<1x16xf32> to vector<16xf32>
      %mul3A_198 = arith.mulf %get3A_197, %get3A_46 : vector<16xf32>
      %get3A_199 = arith.index_cast %scan3A_42 : i32 to index
      %get3A_200 = arith.constant 144 : index
      %get3A_201 = tpu.vector_load %arg13[%get3A_199, %get3A_200] {strides = array<i32>} : memref<32x1024xf32, #tpu.memory_space<vmem>>, vector<1x16xf32>,
      %get3A_202 = vector.shape_cast %get3A_201 : vector<1x16xf32> to vector<16xf32>
      %mul3A_203 = arith.mulf %get3A_202, %get3A_50 : vector<16xf32>
      %add3A_204 = arith.addf %mul3A_198, %mul3A_203 : vector<16xf32>
      %swap3A_205 = arith.index_cast %scan3A_42 : i32 to index
      %swap3A_206 = arith.constant 144 : index
      %swap3A_207 = tpu.vector_load %arg12[%swap3A_205, %swap3A_206] {strides = array<i32>} : memref<32x1024xf32, #tpu.memory_space<vmem>>, vector<1x16xf32>,
      %swap3A_208 = vector.shape_cast %swap3A_207 : vector<1x16xf32> to vector<16xf32>
      %swap3A_209 = vector.shape_cast %add3A_204 : vector<16xf32> to vector<1x16xf32>
      tpu.vector_store %arg12[%swap3A_205, %swap3A_206], %swap3A_209 {strides = array<i32>} : memref<32x1024xf32, #tpu.memory_space<vmem>>, vector<1x16xf32>,
      %get3A_210 = arith.index_cast %scan3A_42 : i32 to index
      %get3A_211 = arith.constant 160 : index
      %get3A_212 = tpu.vector_load %arg12[%get3A_210, %get3A_211] {strides = array<i32>} : memref<32x1024xf32, #tpu.memory_space<vmem>>, vector<1x16xf32>,
      %get3A_213 = vector.shape_cast %get3A_212 : vector<1x16xf32> to vector<16xf32>
      %mul3A_214 = arith.mulf %get3A_213, %get3A_46 : vector<16xf32>
      %get3A_215 = arith.index_cast %scan3A_42 : i32 to index
      %get3A_216 = arith.constant 160 : index
      %get3A_217 = tpu.vector_load %arg13[%get3A_215, %get3A_216] {strides = array<i32>} : memref<32x1024xf32, #tpu.memory_space<vmem>>, vector<1x16xf32>,
      %get3A_218 = vector.shape_cast %get3A_217 : vector<1x16xf32> to vector<16xf32>
      %mul3A_219 = arith.mulf %get3A_218, %get3A_50 : vector<16xf32>
      %add3A_220 = arith.addf %mul3A_214, %mul3A_219 : vector<16xf32>
      %swap3A_221 = arith.index_cast %scan3A_42 : i32 to index
      %swap3A_222 = arith.constant 160 : index
      %swap3A_223 = tpu.vector_load %arg12[%swap3A_221, %swap3A_222] {strides = array<i32>} : memref<32x1024xf32, #tpu.memory_space<vmem>>, vector<1x16xf32>,
      %swap3A_224 = vector.shape_cast %swap3A_223 : vector<1x16xf32> to vector<16xf32>
      %swap3A_225 = vector.shape_cast %add3A_220 : vector<16xf32> to vector<1x16xf32>
      tpu.vector_store %arg12[%swap3A_221, %swap3A_222], %swap3A_225 {strides = array<i32>} : memref<32x1024xf32, #tpu.memory_space<vmem>>, vector<1x16xf32>,
      %get3A_226 = arith.index_cast %scan3A_42 : i32 to index
      %get3A_227 = arith.constant 176 : index
      %get3A_228 = tpu.vector_load %arg12[%get3A_226, %get3A_227] {strides = array<i32>} : memref<32x1024xf32, #tpu.memory_space<vmem>>, vector<1x16xf32>,
      %get3A_229 = vector.shape_cast %get3A_228 : vector<1x16xf32> to vector<16xf32>
      %mul3A_230 = arith.mulf %get3A_229, %get3A_46 : vector<16xf32>
      %get3A_231 = arith.index_cast %scan3A_42 : i32 to index
      %get3A_232 = arith.constant 176 : index
      %get3A_233 = tpu.vector_load %arg13[%get3A_231, %get3A_232] {strides = array<i32>} : memref<32x1024xf32, #tpu.memory_space<vmem>>, vector<1x16xf32>,
      %get3A_234 = vector.shape_cast %get3A_233 : vector<1x16xf32> to vector<16xf32>
      %mul3A_235 = arith.mulf %get3A_234, %get3A_50 : vector<16xf32>
      %add3A_236 = arith.addf %mul3A_230, %mul3A_235 : vector<16xf32>
      %swap3A_237 = arith.index_cast %scan3A_42 : i32 to index
      %swap3A_238 = arith.constant 176 : index
      %swap3A_239 = tpu.vector_load %arg12[%swap3A_237, %swap3A_238] {strides = array<i32>} : memref<32x1024xf32, #tpu.memory_space<vmem>>, vector<1x16xf32>,
      %swap3A_240 = vector.shape_cast %swap3A_239 : vector<1x16xf32> to vector<16xf32>
      %swap3A_241 = vector.shape_cast %add3A_236 : vector<16xf32> to vector<1x16xf32>
      tpu.vector_store %arg12[%swap3A_237, %swap3A_238], %swap3A_241 {strides = array<i32>} : memref<32x1024xf32, #tpu.memory_space<vmem>>, vector<1x16xf32>,
      %get3A_242 = arith.index_cast %scan3A_42 : i32 to index
      %get3A_243 = arith.constant 192 : index
      %get3A_244 = tpu.vector_load %arg12[%get3A_242, %get3A_243] {strides = array<i32>} : memref<32x1024xf32, #tpu.memory_space<vmem>>, vector<1x16xf32>,
      %get3A_245 = vector.shape_cast %get3A_244 : vector<1x16xf32> to vector<16xf32>
      %mul3A_246 = arith.mulf %get3A_245, %get3A_46 : vector<16xf32>
      %get3A_247 = arith.index_cast %scan3A_42 : i32 to index
      %get3A_248 = arith.constant 192 : index
      %get3A_249 = tpu.vector_load %arg13[%get3A_247, %get3A_248] {strides = array<i32>} : memref<32x1024xf32, #tpu.memory_space<vmem>>, vector<1x16xf32>,
      %get3A_250 = vector.shape_cast %get3A_249 : vector<1x16xf32> to vector<16xf32>
      %mul3A_251 = arith.mulf %get3A_250, %get3A_50 : vector<16xf32>
      %add3A_252 = arith.addf %mul3A_246, %mul3A_251 : vector<16xf32>
      %swap3A_253 = arith.index_cast %scan3A_42 : i32 to index
      %swap3A_254 = arith.constant 192 : index
      %swap3A_255 = tpu.vector_load %arg12[%swap3A_253, %swap3A_254] {strides = array<i32>} : memref<32x1024xf32, #tpu.memory_space<vmem>>, vector<1x16xf32>,
      %swap3A_256 = vector.shape_cast %swap3A_255 : vector<1x16xf32> to vector<16xf32>
      %swap3A_257 = vector.shape_cast %add3A_252 : vector<16xf32> to vector<1x16xf32>
      tpu.vector_store %arg12[%swap3A_253, %swap3A_254], %swap3A_257 {strides = array<i32>} : memref<32x1024xf32, #tpu.memory_space<vmem>>, vector<1x16xf32>,
      %get3A_258 = arith.index_cast %scan3A_42 : i32 to index
      %get3A_259 = arith.constant 208 : index
      %get3A_260 = tpu.vector_load %arg12[%get3A_258, %get3A_259] {strides = array<i32>} : memref<32x1024xf32, #tpu.memory_space<vmem>>, vector<1x16xf32>,
      %get3A_261 = vector.shape_cast %get3A_260 : vector<1x16xf32> to vector<16xf32>
      %mul3A_262 = arith.mulf %get3A_261, %get3A_46 : vector<16xf32>
      %get3A_263 = arith.index_cast %scan3A_42 : i32 to index
      %get3A_264 = arith.constant 208 : index
      %get3A_265 = tpu.vector_load %arg13[%get3A_263, %get3A_264] {strides = array<i32>} : memref<32x1024xf32, #tpu.memory_space<vmem>>, vector<1x16xf32>,
      %get3A_266 = vector.shape_cast %get3A_265 : vector<1x16xf32> to vector<16xf32>
      %mul3A_267 = arith.mulf %get3A_266, %get3A_50 : vector<16xf32>
      %add3A_268 = arith.addf %mul3A_262, %mul3A_267 : vector<16xf32>
      %swap3A_269 = arith.index_cast %scan3A_42 : i32 to index
      %swap3A_270 = arith.constant 208 : index
      %swap3A_271 = tpu.vector_load %arg12[%swap3A_269, %swap3A_270] {strides = array<i32>} : memref<32x1024xf32, #tpu.memory_space<vmem>>, vector<1x16xf32>,
      %swap3A_272 = vector.shape_cast %swap3A_271 : vector<1x16xf32> to vector<16xf32>
      %swap3A_273 = vector.shape_cast %add3A_268 : vector<16xf32> to vector<1x16xf32>
      tpu.vector_store %arg12[%swap3A_269, %swap3A_270], %swap3A_273 {strides = array<i32>} : memref<32x1024xf32, #tpu.memory_space<vmem>>, vector<1x16xf32>,
      %get3A_274 = arith.index_cast %scan3A_42 : i32 to index
      %get3A_275 = arith.constant 224 : index
      %get3A_276 = tpu.vector_load %arg12[%get3A_274, %get3A_275] {strides = array<i32>} : memref<32x1024xf32, #tpu.memory_space<vmem>>, vector<1x16xf32>,
      %get3A_277 = vector.shape_cast %get3A_276 : vector<1x16xf32> to vector<16xf32>
      %mul3A_278 = arith.mulf %get3A_277, %get3A_46 : vector<16xf32>
      %get3A_279 = arith.index_cast %scan3A_42 : i32 to index
      %get3A_280 = arith.constant 224 : index
      %get3A_281 = tpu.vector_load %arg13[%get3A_279, %get3A_280] {strides = array<i32>} : memref<32x1024xf32, #tpu.memory_space<vmem>>, vector<1x16xf32>,
      %get3A_282 = vector.shape_cast %get3A_281 : vector<1x16xf32> to vector<16xf32>
      %mul3A_283 = arith.mulf %get3A_282, %get3A_50 : vector<16xf32>
      %add3A_284 = arith.addf %mul3A_278, %mul3A_283 : vector<16xf32>
      %swap3A_285 = arith.index_cast %scan3A_42 : i32 to index
      %swap3A_286 = arith.constant 224 : index
      %swap3A_287 = tpu.vector_load %arg12[%swap3A_285, %swap3A_286] {strides = array<i32>} : memref<32x1024xf32, #tpu.memory_space<vmem>>, vector<1x16xf32>,
      %swap3A_288 = vector.shape_cast %swap3A_287 : vector<1x16xf32> to vector<16xf32>
      %swap3A_289 = vector.shape_cast %add3A_284 : vector<16xf32> to vector<1x16xf32>
      tpu.vector_store %arg12[%swap3A_285, %swap3A_286], %swap3A_289 {strides = array<i32>} : memref<32x1024xf32, #tpu.memory_space<vmem>>, vector<1x16xf32>,
      %get3A_290 = arith.index_cast %scan3A_42 : i32 to index
      %get3A_291 = arith.constant 240 : index
      %get3A_292 = tpu.vector_load %arg12[%get3A_290, %get3A_291] {strides = array<i32>} : memref<32x1024xf32, #tpu.memory_space<vmem>>, vector<1x16xf32>,
      %get3A_293 = vector.shape_cast %get3A_292 : vector<1x16xf32> to vector<16xf32>
      %mul3A_294 = arith.mulf %get3A_293, %get3A_46 : vector<16xf32>
      %get3A_295 = arith.index_cast %scan3A_42 : i32 to index
      %get3A_296 = arith.constant 240 : index
      %get3A_297 = tpu.vector_load %arg13[%get3A_295, %get3A_296] {strides = array<i32>} : memref<32x1024xf32, #tpu.memory_space<vmem>>, vector<1x16xf32>,
      %get3A_298 = vector.shape_cast %get3A_297 : vector<1x16xf32> to vector<16xf32>
      %mul3A_299 = arith.mulf %get3A_298, %get3A_50 : vector<16xf32>
      %add3A_300 = arith.addf %mul3A_294, %mul3A_299 : vector<16xf32>
      %swap3A_301 = arith.index_cast %scan3A_42 : i32 to index
      %swap3A_302 = arith.constant 240 : index
      %swap3A_303 = tpu.vector_load %arg12[%swap3A_301, %swap3A_302] {strides = array<i32>} : memref<32x1024xf32, #tpu.memory_space<vmem>>, vector<1x16xf32>,
      %swap3A_304 = vector.shape_cast %swap3A_303 : vector<1x16xf32> to vector<16xf32>
      %swap3A_305 = vector.shape_cast %add3A_300 : vector<16xf32> to vector<1x16xf32>
      tpu.vector_store %arg12[%swap3A_301, %swap3A_302], %swap3A_305 {strides = array<i32>} : memref<32x1024xf32, #tpu.memory_space<vmem>>, vector<1x16xf32>,
      %get3A_306 = arith.index_cast %scan3A_42 : i32 to index
      %get3A_307 = arith.constant 256 : index
      %get3A_308 = tpu.vector_load %arg12[%get3A_306, %get3A_307] {strides = array<i32>} : memref<32x1024xf32, #tpu.memory_space<vmem>>, vector<1x16xf32>,
      %get3A_309 = vector.shape_cast %get3A_308 : vector<1x16xf32> to vector<16xf32>
      %mul3A_310 = arith.mulf %get3A_309, %get3A_46 : vector<16xf32>
      %get3A_311 = arith.index_cast %scan3A_42 : i32 to index
      %get3A_312 = arith.constant 256 : index
      %get3A_313 = tpu.vector_load %arg13[%get3A_311, %get3A_312] {strides = array<i32>} : memref<32x1024xf32, #tpu.memory_space<vmem>>, vector<1x16xf32>,
      %get3A_314 = vector.shape_cast %get3A_313 : vector<1x16xf32> to vector<16xf32>
      %mul3A_315 = arith.mulf %get3A_314, %get3A_50 : vector<16xf32>
      %add3A_316 = arith.addf %mul3A_310, %mul3A_315 : vector<16xf32>
      %swap3A_317 = arith.index_cast %scan3A_42 : i32 to index
      %swap3A_318 = arith.constant 256 : index
      %swap3A_319 = tpu.vector_load %arg12[%swap3A_317, %swap3A_318] {strides = array<i32>} : memref<32x1024xf32, #tpu.memory_space<vmem>>, vector<1x16xf32>,
      %swap3A_320 = vector.shape_cast %swap3A_319 : vector<1x16xf32> to vector<16xf32>
      %swap3A_321 = vector.shape_cast %add3A_316 : vector<16xf32> to vector<1x16xf32>
      tpu.vector_store %arg12[%swap3A_317, %swap3A_318], %swap3A_321 {strides = array<i32>} : memref<32x1024xf32, #tpu.memory_space<vmem>>, vector<1x16xf32>,
      %get3A_322 = arith.index_cast %scan3A_42 : i32 to index
      %get3A_323 = arith.constant 272 : index
      %get3A_324 = tpu.vector_load %arg12[%get3A_322, %get3A_323] {strides = array<i32>} : memref<32x1024xf32, #tpu.memory_space<vmem>>, vector<1x16xf32>,
      %get3A_325 = vector.shape_cast %get3A_324 : vector<1x16xf32> to vector<16xf32>
      %mul3A_326 = arith.mulf %get3A_325, %get3A_46 : vector<16xf32>
      %get3A_327 = arith.index_cast %scan3A_42 : i32 to index
      %get3A_328 = arith.constant 272 : index
      %get3A_329 = tpu.vector_load %arg13[%get3A_327, %get3A_328] {strides = array<i32>} : memref<32x1024xf32, #tpu.memory_space<vmem>>, vector<1x16xf32>,
      %get3A_330 = vector.shape_cast %get3A_329 : vector<1x16xf32> to vector<16xf32>
      %mul3A_331 = arith.mulf %get3A_330, %get3A_50 : vector<16xf32>
      %add3A_332 = arith.addf %mul3A_326, %mul3A_331 : vector<16xf32>
      %swap3A_333 = arith.index_cast %scan3A_42 : i32 to index
      %swap3A_334 = arith.constant 272 : index
      %swap3A_335 = tpu.vector_load %arg12[%swap3A_333, %swap3A_334] {strides = array<i32>} : memref<32x1024xf32, #tpu.memory_space<vmem>>, vector<1x16xf32>,
      %swap3A_336 = vector.shape_cast %swap3A_335 : vector<1x16xf32> to vector<16xf32>
      %swap3A_337 = vector.shape_cast %add3A_332 : vector<16xf32> to vector<1x16xf32>
      tpu.vector_store %arg12[%swap3A_333, %swap3A_334], %swap3A_337 {strides = array<i32>} : memref<32x1024xf32, #tpu.memory_space<vmem>>, vector<1x16xf32>,
      %get3A_338 = arith.index_cast %scan3A_42 : i32 to index
      %get3A_339 = arith.constant 288 : index
      %get3A_340 = tpu.vector_load %arg12[%get3A_338, %get3A_339] {strides = array<i32>} : memref<32x1024xf32, #tpu.memory_space<vmem>>, vector<1x16xf32>,
      %get3A_341 = vector.shape_cast %get3A_340 : vector<1x16xf32> to vector<16xf32>
      %mul3A_342 = arith.mulf %get3A_341, %get3A_46 : vector<16xf32>
      %get3A_343 = arith.index_cast %scan3A_42 : i32 to index
      %get3A_344 = arith.constant 288 : index
      %get3A_345 = tpu.vector_load %arg13[%get3A_343, %get3A_344] {strides = array<i32>} : memref<32x1024xf32, #tpu.memory_space<vmem>>, vector<1x16xf32>,
      %get3A_346 = vector.shape_cast %get3A_345 : vector<1x16xf32> to vector<16xf32>
      %mul3A_347 = arith.mulf %get3A_346, %get3A_50 : vector<16xf32>
      %add3A_348 = arith.addf %mul3A_342, %mul3A_347 : vector<16xf32>
      %swap3A_349 = arith.index_cast %scan3A_42 : i32 to index
      %swap3A_350 = arith.constant 288 : index
      %swap3A_351 = tpu.vector_load %arg12[%swap3A_349, %swap3A_350] {strides = array<i32>} : memref<32x1024xf32, #tpu.memory_space<vmem>>, vector<1x16xf32>,
      %swap3A_352 = vector.shape_cast %swap3A_351 : vector<1x16xf32> to vector<16xf32>
      %swap3A_353 = vector.shape_cast %add3A_348 : vector<16xf32> to vector<1x16xf32>
      tpu.vector_store %arg12[%swap3A_349, %swap3A_350], %swap3A_353 {strides = array<i32>} : memref<32x1024xf32, #tpu.memory_space<vmem>>, vector<1x16xf32>,
      %get3A_354 = arith.index_cast %scan3A_42 : i32 to index
      %get3A_355 = arith.constant 304 : index
      %get3A_356 = tpu.vector_load %arg12[%get3A_354, %get3A_355] {strides = array<i32>} : memref<32x1024xf32, #tpu.memory_space<vmem>>, vector<1x16xf32>,
      %get3A_357 = vector.shape_cast %get3A_356 : vector<1x16xf32> to vector<16xf32>
      %mul3A_358 = arith.mulf %get3A_357, %get3A_46 : vector<16xf32>
      %get3A_359 = arith.index_cast %scan3A_42 : i32 to index
      %get3A_360 = arith.constant 304 : index
      %get3A_361 = tpu.vector_load %arg13[%get3A_359, %get3A_360] {strides = array<i32>} : memref<32x1024xf32, #tpu.memory_space<vmem>>, vector<1x16xf32>,
      %get3A_362 = vector.shape_cast %get3A_361 : vector<1x16xf32> to vector<16xf32>
      %mul3A_363 = arith.mulf %get3A_362, %get3A_50 : vector<16xf32>
      %add3A_364 = arith.addf %mul3A_358, %mul3A_363 : vector<16xf32>
      %swap3A_365 = arith.index_cast %scan3A_42 : i32 to index
      %swap3A_366 = arith.constant 304 : index
      %swap3A_367 = tpu.vector_load %arg12[%swap3A_365, %swap3A_366] {strides = array<i32>} : memref<32x1024xf32, #tpu.memory_space<vmem>>, vector<1x16xf32>,
      %swap3A_368 = vector.shape_cast %swap3A_367 : vector<1x16xf32> to vector<16xf32>
      %swap3A_369 = vector.shape_cast %add3A_364 : vector<16xf32> to vector<1x16xf32>
      tpu.vector_store %arg12[%swap3A_365, %swap3A_366], %swap3A_369 {strides = array<i32>} : memref<32x1024xf32, #tpu.memory_space<vmem>>, vector<1x16xf32>,
      %get3A_370 = arith.index_cast %scan3A_42 : i32 to index
      %get3A_371 = arith.constant 320 : index
      %get3A_372 = tpu.vector_load %arg12[%get3A_370, %get3A_371] {strides = array<i32>} : memref<32x1024xf32, #tpu.memory_space<vmem>>, vector<1x16xf32>,
      %get3A_373 = vector.shape_cast %get3A_372 : vector<1x16xf32> to vector<16xf32>
      %mul3A_374 = arith.mulf %get3A_373, %get3A_46 : vector<16xf32>
      %get3A_375 = arith.index_cast %scan3A_42 : i32 to index
      %get3A_376 = arith.constant 320 : index
      %get3A_377 = tpu.vector_load %arg13[%get3A_375, %get3A_376] {strides = array<i32>} : memref<32x1024xf32, #tpu.memory_space<vmem>>, vector<1x16xf32>,
      %get3A_378 = vector.shape_cast %get3A_377 : vector<1x16xf32> to vector<16xf32>
      %mul3A_379 = arith.mulf %get3A_378, %get3A_50 : vector<16xf32>
      %add3A_380 = arith.addf %mul3A_374, %mul3A_379 : vector<16xf32>
      %swap3A_381 = arith.index_cast %scan3A_42 : i32 to index
      %swap3A_382 = arith.constant 320 : index
      %swap3A_383 = tpu.vector_load %arg12[%swap3A_381, %swap3A_382] {strides = array<i32>} : memref<32x1024xf32, #tpu.memory_space<vmem>>, vector<1x16xf32>,
      %swap3A_384 = vector.shape_cast %swap3A_383 : vector<1x16xf32> to vector<16xf32>
      %swap3A_385 = vector.shape_cast %add3A_380 : vector<16xf32> to vector<1x16xf32>
      tpu.vector_store %arg12[%swap3A_381, %swap3A_382], %swap3A_385 {strides = array<i32>} : memref<32x1024xf32, #tpu.memory_space<vmem>>, vector<1x16xf32>,
      %get3A_386 = arith.index_cast %scan3A_42 : i32 to index
      %get3A_387 = arith.constant 336 : index
      %get3A_388 = tpu.vector_load %arg12[%get3A_386, %get3A_387] {strides = array<i32>} : memref<32x1024xf32, #tpu.memory_space<vmem>>, vector<1x16xf32>,
      %get3A_389 = vector.shape_cast %get3A_388 : vector<1x16xf32> to vector<16xf32>
      %mul3A_390 = arith.mulf %get3A_389, %get3A_46 : vector<16xf32>
      %get3A_391 = arith.index_cast %scan3A_42 : i32 to index
      %get3A_392 = arith.constant 336 : index
      %get3A_393 = tpu.vector_load %arg13[%get3A_391, %get3A_392] {strides = array<i32>} : memref<32x1024xf32, #tpu.memory_space<vmem>>, vector<1x16xf32>,
      %get3A_394 = vector.shape_cast %get3A_393 : vector<1x16xf32> to vector<16xf32>
      %mul3A_395 = arith.mulf %get3A_394, %get3A_50 : vector<16xf32>
      %add3A_396 = arith.addf %mul3A_390, %mul3A_395 : vector<16xf32>
      %swap3A_397 = arith.index_cast %scan3A_42 : i32 to index
      %swap3A_398 = arith.constant 336 : index
      %swap3A_399 = tpu.vector_load %arg12[%swap3A_397, %swap3A_398] {strides = array<i32>} : memref<32x1024xf32, #tpu.memory_space<vmem>>, vector<1x16xf32>,
      %swap3A_400 = vector.shape_cast %swap3A_399 : vector<1x16xf32> to vector<16xf32>
      %swap3A_401 = vector.shape_cast %add3A_396 : vector<16xf32> to vector<1x16xf32>
      tpu.vector_store %arg12[%swap3A_397, %swap3A_398], %swap3A_401 {strides = array<i32>} : memref<32x1024xf32, #tpu.memory_space<vmem>>, vector<1x16xf32>,
      %get3A_402 = arith.index_cast %scan3A_42 : i32 to index
      %get3A_403 = arith.constant 352 : index
      %get3A_404 = tpu.vector_load %arg12[%get3A_402, %get3A_403] {strides = array<i32>} : memref<32x1024xf32, #tpu.memory_space<vmem>>, vector<1x16xf32>,
      %get3A_405 = vector.shape_cast %get3A_404 : vector<1x16xf32> to vector<16xf32>
      %mul3A_406 = arith.mulf %get3A_405, %get3A_46 : vector<16xf32>
      %get3A_407 = arith.index_cast %scan3A_42 : i32 to index
      %get3A_408 = arith.constant 352 : index
      %get3A_409 = tpu.vector_load %arg13[%get3A_407, %get3A_408] {strides = array<i32>} : memref<32x1024xf32, #tpu.memory_space<vmem>>, vector<1x16xf32>,
      %get3A_410 = vector.shape_cast %get3A_409 : vector<1x16xf32> to vector<16xf32>
      %mul3A_411 = arith.mulf %get3A_410, %get3A_50 : vector<16xf32>
      %add3A_412 = arith.addf %mul3A_406, %mul3A_411 : vector<16xf32>
      %swap3A_413 = arith.index_cast %scan3A_42 : i32 to index
      %swap3A_414 = arith.constant 352 : index
      %swap3A_415 = tpu.vector_load %arg12[%swap3A_413, %swap3A_414] {strides = array<i32>} : memref<32x1024xf32, #tpu.memory_space<vmem>>, vector<1x16xf32>,
      %swap3A_416 = vector.shape_cast %swap3A_415 : vector<1x16xf32> to vector<16xf32>
      %swap3A_417 = vector.shape_cast %add3A_412 : vector<16xf32> to vector<1x16xf32>
      tpu.vector_store %arg12[%swap3A_413, %swap3A_414], %swap3A_417 {strides = array<i32>} : memref<32x1024xf32, #tpu.memory_space<vmem>>, vector<1x16xf32>,
      %get3A_418 = arith.index_cast %scan3A_42 : i32 to index
      %get3A_419 = arith.constant 368 : index
      %get3A_420 = tpu.vector_load %arg12[%get3A_418, %get3A_419] {strides = array<i32>} : memref<32x1024xf32, #tpu.memory_space<vmem>>, vector<1x16xf32>,
      %get3A_421 = vector.shape_cast %get3A_420 : vector<1x16xf32> to vector<16xf32>
      %mul3A_422 = arith.mulf %get3A_421, %get3A_46 : vector<16xf32>
      %get3A_423 = arith.index_cast %scan3A_42 : i32 to index
      %get3A_424 = arith.constant 368 : index
      %get3A_425 = tpu.vector_load %arg13[%get3A_423, %get3A_424] {strides = array<i32>} : memref<32x1024xf32, #tpu.memory_space<vmem>>, vector<1x16xf32>,
      %get3A_426 = vector.shape_cast %get3A_425 : vector<1x16xf32> to vector<16xf32>
      %mul3A_427 = arith.mulf %get3A_426, %get3A_50 : vector<16xf32>
      %add3A_428 = arith.addf %mul3A_422, %mul3A_427 : vector<16xf32>
      %swap3A_429 = arith.index_cast %scan3A_42 : i32 to index
      %swap3A_430 = arith.constant 368 : index
      %swap3A_431 = tpu.vector_load %arg12[%swap3A_429, %swap3A_430] {strides = array<i32>} : memref<32x1024xf32, #tpu.memory_space<vmem>>, vector<1x16xf32>,
      %swap3A_432 = vector.shape_cast %swap3A_431 : vector<1x16xf32> to vector<16xf32>
      %swap3A_433 = vector.shape_cast %add3A_428 : vector<16xf32> to vector<1x16xf32>
      tpu.vector_store %arg12[%swap3A_429, %swap3A_430], %swap3A_433 {strides = array<i32>} : memref<32x1024xf32, #tpu.memory_space<vmem>>, vector<1x16xf32>,
      %get3A_434 = arith.index_cast %scan3A_42 : i32 to index
      %get3A_435 = arith.constant 384 : index
      %get3A_436 = tpu.vector_load %arg12[%get3A_434, %get3A_435] {strides = array<i32>} : memref<32x1024xf32, #tpu.memory_space<vmem>>, vector<1x16xf32>,
      %get3A_437 = vector.shape_cast %get3A_436 : vector<1x16xf32> to vector<16xf32>
      %mul3A_438 = arith.mulf %get3A_437, %get3A_46 : vector<16xf32>
      %get3A_439 = arith.index_cast %scan3A_42 : i32 to index
      %get3A_440 = arith.constant 384 : index
      %get3A_441 = tpu.vector_load %arg13[%get3A_439, %get3A_440] {strides = array<i32>} : memref<32x1024xf32, #tpu.memory_space<vmem>>, vector<1x16xf32>,
      %get3A_442 = vector.shape_cast %get3A_441 : vector<1x16xf32> to vector<16xf32>
      %mul3A_443 = arith.mulf %get3A_442, %get3A_50 : vector<16xf32>
      %add3A_444 = arith.addf %mul3A_438, %mul3A_443 : vector<16xf32>
      %swap3A_445 = arith.index_cast %scan3A_42 : i32 to index
      %swap3A_446 = arith.constant 384 : index
      %swap3A_447 = tpu.vector_load %arg12[%swap3A_445, %swap3A_446] {strides = array<i32>} : memref<32x1024xf32, #tpu.memory_space<vmem>>, vector<1x16xf32>,
      %swap3A_448 = vector.shape_cast %swap3A_447 : vector<1x16xf32> to vector<16xf32>
      %swap3A_449 = vector.shape_cast %add3A_444 : vector<16xf32> to vector<1x16xf32>
      tpu.vector_store %arg12[%swap3A_445, %swap3A_446], %swap3A_449 {strides = array<i32>} : memref<32x1024xf32, #tpu.memory_space<vmem>>, vector<1x16xf32>,
      %get3A_450 = arith.index_cast %scan3A_42 : i32 to index
      %get3A_451 = arith.constant 400 : index
      %get3A_452 = tpu.vector_load %arg12[%get3A_450, %get3A_451] {strides = array<i32>} : memref<32x1024xf32, #tpu.memory_space<vmem>>, vector<1x16xf32>,
      %get3A_453 = vector.shape_cast %get3A_452 : vector<1x16xf32> to vector<16xf32>
      %mul3A_454 = arith.mulf %get3A_453, %get3A_46 : vector<16xf32>
      %get3A_455 = arith.index_cast %scan3A_42 : i32 to index
      %get3A_456 = arith.constant 400 : index
      %get3A_457 = tpu.vector_load %arg13[%get3A_455, %get3A_456] {strides = array<i32>} : memref<32x1024xf32, #tpu.memory_space<vmem>>, vector<1x16xf32>,
      %get3A_458 = vector.shape_cast %get3A_457 : vector<1x16xf32> to vector<16xf32>
      %mul3A_459 = arith.mulf %get3A_458, %get3A_50 : vector<16xf32>
      %add3A_460 = arith.addf %mul3A_454, %mul3A_459 : vector<16xf32>
      %swap3A_461 = arith.index_cast %scan3A_42 : i32 to index
      %swap3A_462 = arith.constant 400 : index
      %swap3A_463 = tpu.vector_load %arg12[%swap3A_461, %swap3A_462] {strides = array<i32>} : memref<32x1024xf32, #tpu.memory_space<vmem>>, vector<1x16xf32>,
      %swap3A_464 = vector.shape_cast %swap3A_463 : vector<1x16xf32> to vector<16xf32>
      %swap3A_465 = vector.shape_cast %add3A_460 : vector<16xf32> to vector<1x16xf32>
      tpu.vector_store %arg12[%swap3A_461, %swap3A_462], %swap3A_465 {strides = array<i32>} : memref<32x1024xf32, #tpu.memory_space<vmem>>, vector<1x16xf32>,
      %get3A_466 = arith.index_cast %scan3A_42 : i32 to index
      %get3A_467 = arith.constant 416 : index
      %get3A_468 = tpu.vector_load %arg12[%get3A_466, %get3A_467] {strides = array<i32>} : memref<32x1024xf32, #tpu.memory_space<vmem>>, vector<1x16xf32>,
      %get3A_469 = vector.shape_cast %get3A_468 : vector<1x16xf32> to vector<16xf32>
      %mul3A_470 = arith.mulf %get3A_469, %get3A_46 : vector<16xf32>
      %get3A_471 = arith.index_cast %scan3A_42 : i32 to index
      %get3A_472 = arith.constant 416 : index
      %get3A_473 = tpu.vector_load %arg13[%get3A_471, %get3A_472] {strides = array<i32>} : memref<32x1024xf32, #tpu.memory_space<vmem>>, vector<1x16xf32>,
      %get3A_474 = vector.shape_cast %get3A_473 : vector<1x16xf32> to vector<16xf32>
      %mul3A_475 = arith.mulf %get3A_474, %get3A_50 : vector<16xf32>
      %add3A_476 = arith.addf %mul3A_470, %mul3A_475 : vector<16xf32>
      %swap3A_477 = arith.index_cast %scan3A_42 : i32 to index
      %swap3A_478 = arith.constant 416 : index
      %swap3A_479 = tpu.vector_load %arg12[%swap3A_477, %swap3A_478] {strides = array<i32>} : memref<32x1024xf32, #tpu.memory_space<vmem>>, vector<1x16xf32>,
      %swap3A_480 = vector.shape_cast %swap3A_479 : vector<1x16xf32> to vector<16xf32>
      %swap3A_481 = vector.shape_cast %add3A_476 : vector<16xf32> to vector<1x16xf32>
      tpu.vector_store %arg12[%swap3A_477, %swap3A_478], %swap3A_481 {strides = array<i32>} : memref<32x1024xf32, #tpu.memory_space<vmem>>, vector<1x16xf32>,
      %get3A_482 = arith.index_cast %scan3A_42 : i32 to index
      %get3A_483 = arith.constant 432 : index
      %get3A_484 = tpu.vector_load %arg12[%get3A_482, %get3A_483] {strides = array<i32>} : memref<32x1024xf32, #tpu.memory_space<vmem>>, vector<1x16xf32>,
      %get3A_485 = vector.shape_cast %get3A_484 : vector<1x16xf32> to vector<16xf32>
      %mul3A_486 = arith.mulf %get3A_485, %get3A_46 : vector<16xf32>
      %get3A_487 = arith.index_cast %scan3A_42 : i32 to index
      %get3A_488 = arith.constant 432 : index
      %get3A_489 = tpu.vector_load %arg13[%get3A_487, %get3A_488] {strides = array<i32>} : memref<32x1024xf32, #tpu.memory_space<vmem>>, vector<1x16xf32>,
      %get3A_490 = vector.shape_cast %get3A_489 : vector<1x16xf32> to vector<16xf32>
      %mul3A_491 = arith.mulf %get3A_490, %get3A_50 : vector<16xf32>
      %add3A_492 = arith.addf %mul3A_486, %mul3A_491 : vector<16xf32>
      %swap3A_493 = arith.index_cast %scan3A_42 : i32 to index
      %swap3A_494 = arith.constant 432 : index
      %swap3A_495 = tpu.vector_load %arg12[%swap3A_493, %swap3A_494] {strides = array<i32>} : memref<32x1024xf32, #tpu.memory_space<vmem>>, vector<1x16xf32>,
      %swap3A_496 = vector.shape_cast %swap3A_495 : vector<1x16xf32> to vector<16xf32>
      %swap3A_497 = vector.shape_cast %add3A_492 : vector<16xf32> to vector<1x16xf32>
      tpu.vector_store %arg12[%swap3A_493, %swap3A_494], %swap3A_497 {strides = array<i32>} : memref<32x1024xf32, #tpu.memory_space<vmem>>, vector<1x16xf32>,
      %get3A_498 = arith.index_cast %scan3A_42 : i32 to index
      %get3A_499 = arith.constant 448 : index
      %get3A_500 = tpu.vector_load %arg12[%get3A_498, %get3A_499] {strides = array<i32>} : memref<32x1024xf32, #tpu.memory_space<vmem>>, vector<1x16xf32>,
      %get3A_501 = vector.shape_cast %get3A_500 : vector<1x16xf32> to vector<16xf32>
      %mul3A_502 = arith.mulf %get3A_501, %get3A_46 : vector<16xf32>
      %get3A_503 = arith.index_cast %scan3A_42 : i32 to index
      %get3A_504 = arith.constant 448 : index
      %get3A_505 = tpu.vector_load %arg13[%get3A_503, %get3A_504] {strides = array<i32>} : memref<32x1024xf32, #tpu.memory_space<vmem>>, vector<1x16xf32>,
      %get3A_506 = vector.shape_cast %get3A_505 : vector<1x16xf32> to vector<16xf32>
      %mul3A_507 = arith.mulf %get3A_506, %get3A_50 : vector<16xf32>
      %add3A_508 = arith.addf %mul3A_502, %mul3A_507 : vector<16xf32>
      %swap3A_509 = arith.index_cast %scan3A_42 : i32 to index
      %swap3A_510 = arith.constant 448 : index
      %swap3A_511 = tpu.vector_load %arg12[%swap3A_509, %swap3A_510] {strides = array<i32>} : memref<32x1024xf32, #tpu.memory_space<vmem>>, vector<1x16xf32>,
      %swap3A_512 = vector.shape_cast %swap3A_511 : vector<1x16xf32> to vector<16xf32>
      %swap3A_513 = vector.shape_cast %add3A_508 : vector<16xf32> to vector<1x16xf32>
      tpu.vector_store %arg12[%swap3A_509, %swap3A_510], %swap3A_513 {strides = array<i32>} : memref<32x1024xf32, #tpu.memory_space<vmem>>, vector<1x16xf32>,
      %get3A_514 = arith.index_cast %scan3A_42 : i32 to index
      %get3A_515 = arith.constant 464 : index
      %get3A_516 = tpu.vector_load %arg12[%get3A_514, %get3A_515] {strides = array<i32>} : memref<32x1024xf32, #tpu.memory_space<vmem>>, vector<1x16xf32>,
      %get3A_517 = vector.shape_cast %get3A_516 : vector<1x16xf32> to vector<16xf32>
      %mul3A_518 = arith.mulf %get3A_517, %get3A_46 : vector<16xf32>
      %get3A_519 = arith.index_cast %scan3A_42 : i32 to index
      %get3A_520 = arith.constant 464 : index
      %get3A_521 = tpu.vector_load %arg13[%get3A_519, %get3A_520] {strides = array<i32>} : memref<32x1024xf32, #tpu.memory_space<vmem>>, vector<1x16xf32>,
      %get3A_522 = vector.shape_cast %get3A_521 : vector<1x16xf32> to vector<16xf32>
      %mul3A_523 = arith.mulf %get3A_522, %get3A_50 : vector<16xf32>
      %add3A_524 = arith.addf %mul3A_518, %mul3A_523 : vector<16xf32>
      %swap3A_525 = arith.index_cast %scan3A_42 : i32 to index
      %swap3A_526 = arith.constant 464 : index
      %swap3A_527 = tpu.vector_load %arg12[%swap3A_525, %swap3A_526] {strides = array<i32>} : memref<32x1024xf32, #tpu.memory_space<vmem>>, vector<1x16xf32>,
      %swap3A_528 = vector.shape_cast %swap3A_527 : vector<1x16xf32> to vector<16xf32>
      %swap3A_529 = vector.shape_cast %add3A_524 : vector<16xf32> to vector<1x16xf32>
      tpu.vector_store %arg12[%swap3A_525, %swap3A_526], %swap3A_529 {strides = array<i32>} : memref<32x1024xf32, #tpu.memory_space<vmem>>, vector<1x16xf32>,
      %get3A_530 = arith.index_cast %scan3A_42 : i32 to index
      %get3A_531 = arith.constant 480 : index
      %get3A_532 = tpu.vector_load %arg12[%get3A_530, %get3A_531] {strides = array<i32>} : memref<32x1024xf32, #tpu.memory_space<vmem>>, vector<1x16xf32>,
      %get3A_533 = vector.shape_cast %get3A_532 : vector<1x16xf32> to vector<16xf32>
      %mul3A_534 = arith.mulf %get3A_533, %get3A_46 : vector<16xf32>
      %get3A_535 = arith.index_cast %scan3A_42 : i32 to index
      %get3A_536 = arith.constant 480 : index
      %get3A_537 = tpu.vector_load %arg13[%get3A_535, %get3A_536] {strides = array<i32>} : memref<32x1024xf32, #tpu.memory_space<vmem>>, vector<1x16xf32>,
      %get3A_538 = vector.shape_cast %get3A_537 : vector<1x16xf32> to vector<16xf32>
      %mul3A_539 = arith.mulf %get3A_538, %get3A_50 : vector<16xf32>
      %add3A_540 = arith.addf %mul3A_534, %mul3A_539 : vector<16xf32>
      %swap3A_541 = arith.index_cast %scan3A_42 : i32 to index
      %swap3A_542 = arith.constant 480 : index
      %swap3A_543 = tpu.vector_load %arg12[%swap3A_541, %swap3A_542] {strides = array<i32>} : memref<32x1024xf32, #tpu.memory_space<vmem>>, vector<1x16xf32>,
      %swap3A_544 = vector.shape_cast %swap3A_543 : vector<1x16xf32> to vector<16xf32>
      %swap3A_545 = vector.shape_cast %add3A_540 : vector<16xf32> to vector<1x16xf32>
      tpu.vector_store %arg12[%swap3A_541, %swap3A_542], %swap3A_545 {strides = array<i32>} : memref<32x1024xf32, #tpu.memory_space<vmem>>, vector<1x16xf32>,
      %get3A_546 = arith.index_cast %scan3A_42 : i32 to index
      %get3A_547 = arith.constant 496 : index
      %get3A_548 = tpu.vector_load %arg12[%get3A_546, %get3A_547] {strides = array<i32>} : memref<32x1024xf32, #tpu.memory_space<vmem>>, vector<1x16xf32>,
      %get3A_549 = vector.shape_cast %get3A_548 : vector<1x16xf32> to vector<16xf32>
      %mul3A_550 = arith.mulf %get3A_549, %get3A_46 : vector<16xf32>
      %get3A_551 = arith.index_cast %scan3A_42 : i32 to index
      %get3A_552 = arith.constant 496 : index
      %get3A_553 = tpu.vector_load %arg13[%get3A_551, %get3A_552] {strides = array<i32>} : memref<32x1024xf32, #tpu.memory_space<vmem>>, vector<1x16xf32>,
      %get3A_554 = vector.shape_cast %get3A_553 : vector<1x16xf32> to vector<16xf32>
      %mul3A_555 = arith.mulf %get3A_554, %get3A_50 : vector<16xf32>
      %add3A_556 = arith.addf %mul3A_550, %mul3A_555 : vector<16xf32>
      %swap3A_557 = arith.index_cast %scan3A_42 : i32 to index
      %swap3A_558 = arith.constant 496 : index
      %swap3A_559 = tpu.vector_load %arg12[%swap3A_557, %swap3A_558] {strides = array<i32>} : memref<32x1024xf32, #tpu.memory_space<vmem>>, vector<1x16xf32>,
      %swap3A_560 = vector.shape_cast %swap3A_559 : vector<1x16xf32> to vector<16xf32>
      %swap3A_561 = vector.shape_cast %add3A_556 : vector<16xf32> to vector<1x16xf32>
      tpu.vector_store %arg12[%swap3A_557, %swap3A_558], %swap3A_561 {strides = array<i32>} : memref<32x1024xf32, #tpu.memory_space<vmem>>, vector<1x16xf32>,
      %get3A_562 = arith.index_cast %scan3A_42 : i32 to index
      %get3A_563 = arith.constant 512 : index
      %get3A_564 = tpu.vector_load %arg12[%get3A_562, %get3A_563] {strides = array<i32>} : memref<32x1024xf32, #tpu.memory_space<vmem>>, vector<1x16xf32>,
      %get3A_565 = vector.shape_cast %get3A_564 : vector<1x16xf32> to vector<16xf32>
      %mul3A_566 = arith.mulf %get3A_565, %get3A_46 : vector<16xf32>
      %get3A_567 = arith.index_cast %scan3A_42 : i32 to index
      %get3A_568 = arith.constant 512 : index
      %get3A_569 = tpu.vector_load %arg13[%get3A_567, %get3A_568] {strides = array<i32>} : memref<32x1024xf32, #tpu.memory_space<vmem>>, vector<1x16xf32>,
      %get3A_570 = vector.shape_cast %get3A_569 : vector<1x16xf32> to vector<16xf32>
      %mul3A_571 = arith.mulf %get3A_570, %get3A_50 : vector<16xf32>
      %add3A_572 = arith.addf %mul3A_566, %mul3A_571 : vector<16xf32>
      %swap3A_573 = arith.index_cast %scan3A_42 : i32 to index
      %swap3A_574 = arith.constant 512 : index
      %swap3A_575 = tpu.vector_load %arg12[%swap3A_573, %swap3A_574] {strides = array<i32>} : memref<32x1024xf32, #tpu.memory_space<vmem>>, vector<1x16xf32>,
      %swap3A_576 = vector.shape_cast %swap3A_575 : vector<1x16xf32> to vector<16xf32>
      %swap3A_577 = vector.shape_cast %add3A_572 : vector<16xf32> to vector<1x16xf32>
      tpu.vector_store %arg12[%swap3A_573, %swap3A_574], %swap3A_577 {strides = array<i32>} : memref<32x1024xf32, #tpu.memory_space<vmem>>, vector<1x16xf32>,
      %get3A_578 = arith.index_cast %scan3A_42 : i32 to index
      %get3A_579 = arith.constant 528 : index
      %get3A_580 = tpu.vector_load %arg12[%get3A_578, %get3A_579] {strides = array<i32>} : memref<32x1024xf32, #tpu.memory_space<vmem>>, vector<1x16xf32>,
      %get3A_581 = vector.shape_cast %get3A_580 : vector<1x16xf32> to vector<16xf32>
      %mul3A_582 = arith.mulf %get3A_581, %get3A_46 : vector<16xf32>
      %get3A_583 = arith.index_cast %scan3A_42 : i32 to index
      %get3A_584 = arith.constant 528 : index
      %get3A_585 = tpu.vector_load %arg13[%get3A_583, %get3A_584] {strides = array<i32>} : memref<32x1024xf32, #tpu.memory_space<vmem>>, vector<1x16xf32>,
      %get3A_586 = vector.shape_cast %get3A_585 : vector<1x16xf32> to vector<16xf32>
      %mul3A_587 = arith.mulf %get3A_586, %get3A_50 : vector<16xf32>
      %add3A_588 = arith.addf %mul3A_582, %mul3A_587 : vector<16xf32>
      %swap3A_589 = arith.index_cast %scan3A_42 : i32 to index
      %swap3A_590 = arith.constant 528 : index
      %swap3A_591 = tpu.vector_load %arg12[%swap3A_589, %swap3A_590] {strides = array<i32>} : memref<32x1024xf32, #tpu.memory_space<vmem>>, vector<1x16xf32>,
      %swap3A_592 = vector.shape_cast %swap3A_591 : vector<1x16xf32> to vector<16xf32>
      %swap3A_593 = vector.shape_cast %add3A_588 : vector<16xf32> to vector<1x16xf32>
      tpu.vector_store %arg12[%swap3A_589, %swap3A_590], %swap3A_593 {strides = array<i32>} : memref<32x1024xf32, #tpu.memory_space<vmem>>, vector<1x16xf32>,
      %get3A_594 = arith.index_cast %scan3A_42 : i32 to index
      %get3A_595 = arith.constant 544 : index
      %get3A_596 = tpu.vector_load %arg12[%get3A_594, %get3A_595] {strides = array<i32>} : memref<32x1024xf32, #tpu.memory_space<vmem>>, vector<1x16xf32>,
      %get3A_597 = vector.shape_cast %get3A_596 : vector<1x16xf32> to vector<16xf32>
      %mul3A_598 = arith.mulf %get3A_597, %get3A_46 : vector<16xf32>
      %get3A_599 = arith.index_cast %scan3A_42 : i32 to index
      %get3A_600 = arith.constant 544 : index
      %get3A_601 = tpu.vector_load %arg13[%get3A_599, %get3A_600] {strides = array<i32>} : memref<32x1024xf32, #tpu.memory_space<vmem>>, vector<1x16xf32>,
      %get3A_602 = vector.shape_cast %get3A_601 : vector<1x16xf32> to vector<16xf32>
      %mul3A_603 = arith.mulf %get3A_602, %get3A_50 : vector<16xf32>
      %add3A_604 = arith.addf %mul3A_598, %mul3A_603 : vector<16xf32>
      %swap3A_605 = arith.index_cast %scan3A_42 : i32 to index
      %swap3A_606 = arith.constant 544 : index
      %swap3A_607 = tpu.vector_load %arg12[%swap3A_605, %swap3A_606] {strides = array<i32>} : memref<32x1024xf32, #tpu.memory_space<vmem>>, vector<1x16xf32>,
      %swap3A_608 = vector.shape_cast %swap3A_607 : vector<1x16xf32> to vector<16xf32>
      %swap3A_609 = vector.shape_cast %add3A_604 : vector<16xf32> to vector<1x16xf32>
      tpu.vector_store %arg12[%swap3A_605, %swap3A_606], %swap3A_609 {strides = array<i32>} : memref<32x1024xf32, #tpu.memory_space<vmem>>, vector<1x16xf32>,
      %get3A_610 = arith.index_cast %scan3A_42 : i32 to index
      %get3A_611 = arith.constant 560 : index
      %get3A_612 = tpu.vector_load %arg12[%get3A_610, %get3A_611] {strides = array<i32>} : memref<32x1024xf32, #tpu.memory_space<vmem>>, vector<1x16xf32>,
      %get3A_613 = vector.shape_cast %get3A_612 : vector<1x16xf32> to vector<16xf32>
      %mul3A_614 = arith.mulf %get3A_613, %get3A_46 : vector<16xf32>
      %get3A_615 = arith.index_cast %scan3A_42 : i32 to index
      %get3A_616 = arith.constant 560 : index
      %get3A_617 = tpu.vector_load %arg13[%get3A_615, %get3A_616] {strides = array<i32>} : memref<32x1024xf32, #tpu.memory_space<vmem>>, vector<1x16xf32>,
      %get3A_618 = vector.shape_cast %get3A_617 : vector<1x16xf32> to vector<16xf32>
      %mul3A_619 = arith.mulf %get3A_618, %get3A_50 : vector<16xf32>
      %add3A_620 = arith.addf %mul3A_614, %mul3A_619 : vector<16xf32>
      %swap3A_621 = arith.index_cast %scan3A_42 : i32 to index
      %swap3A_622 = arith.constant 560 : index
      %swap3A_623 = tpu.vector_load %arg12[%swap3A_621, %swap3A_622] {strides = array<i32>} : memref<32x1024xf32, #tpu.memory_space<vmem>>, vector<1x16xf32>,
      %swap3A_624 = vector.shape_cast %swap3A_623 : vector<1x16xf32> to vector<16xf32>
      %swap3A_625 = vector.shape_cast %add3A_620 : vector<16xf32> to vector<1x16xf32>
      tpu.vector_store %arg12[%swap3A_621, %swap3A_622], %swap3A_625 {strides = array<i32>} : memref<32x1024xf32, #tpu.memory_space<vmem>>, vector<1x16xf32>,
      %get3A_626 = arith.index_cast %scan3A_42 : i32 to index
      %get3A_627 = arith.constant 576 : index
      %get3A_628 = tpu.vector_load %arg12[%get3A_626, %get3A_627] {strides = array<i32>} : memref<32x1024xf32, #tpu.memory_space<vmem>>, vector<1x16xf32>,
      %get3A_629 = vector.shape_cast %get3A_628 : vector<1x16xf32> to vector<16xf32>
      %mul3A_630 = arith.mulf %get3A_629, %get3A_46 : vector<16xf32>
      %get3A_631 = arith.index_cast %scan3A_42 : i32 to index
      %get3A_632 = arith.constant 576 : index
      %get3A_633 = tpu.vector_load %arg13[%get3A_631, %get3A_632] {strides = array<i32>} : memref<32x1024xf32, #tpu.memory_space<vmem>>, vector<1x16xf32>,
      %get3A_634 = vector.shape_cast %get3A_633 : vector<1x16xf32> to vector<16xf32>
      %mul3A_635 = arith.mulf %get3A_634, %get3A_50 : vector<16xf32>
      %add3A_636 = arith.addf %mul3A_630, %mul3A_635 : vector<16xf32>
      %swap3A_637 = arith.index_cast %scan3A_42 : i32 to index
      %swap3A_638 = arith.constant 576 : index
      %swap3A_639 = tpu.vector_load %arg12[%swap3A_637, %swap3A_638] {strides = array<i32>} : memref<32x1024xf32, #tpu.memory_space<vmem>>, vector<1x16xf32>,
      %swap3A_640 = vector.shape_cast %swap3A_639 : vector<1x16xf32> to vector<16xf32>
      %swap3A_641 = vector.shape_cast %add3A_636 : vector<16xf32> to vector<1x16xf32>
      tpu.vector_store %arg12[%swap3A_637, %swap3A_638], %swap3A_641 {strides = array<i32>} : memref<32x1024xf32, #tpu.memory_space<vmem>>, vector<1x16xf32>,
      %get3A_642 = arith.index_cast %scan3A_42 : i32 to index
      %get3A_643 = arith.constant 592 : index
      %get3A_644 = tpu.vector_load %arg12[%get3A_642, %get3A_643] {strides = array<i32>} : memref<32x1024xf32, #tpu.memory_space<vmem>>, vector<1x16xf32>,
      %get3A_645 = vector.shape_cast %get3A_644 : vector<1x16xf32> to vector<16xf32>
      %mul3A_646 = arith.mulf %get3A_645, %get3A_46 : vector<16xf32>
      %get3A_647 = arith.index_cast %scan3A_42 : i32 to index
      %get3A_648 = arith.constant 592 : index
      %get3A_649 = tpu.vector_load %arg13[%get3A_647, %get3A_648] {strides = array<i32>} : memref<32x1024xf32, #tpu.memory_space<vmem>>, vector<1x16xf32>,
      %get3A_650 = vector.shape_cast %get3A_649 : vector<1x16xf32> to vector<16xf32>
      %mul3A_651 = arith.mulf %get3A_650, %get3A_50 : vector<16xf32>
      %add3A_652 = arith.addf %mul3A_646, %mul3A_651 : vector<16xf32>
      %swap3A_653 = arith.index_cast %scan3A_42 : i32 to index
      %swap3A_654 = arith.constant 592 : index
      %swap3A_655 = tpu.vector_load %arg12[%swap3A_653, %swap3A_654] {strides = array<i32>} : memref<32x1024xf32, #tpu.memory_space<vmem>>, vector<1x16xf32>,
      %swap3A_656 = vector.shape_cast %swap3A_655 : vector<1x16xf32> to vector<16xf32>
      %swap3A_657 = vector.shape_cast %add3A_652 : vector<16xf32> to vector<1x16xf32>
      tpu.vector_store %arg12[%swap3A_653, %swap3A_654], %swap3A_657 {strides = array<i32>} : memref<32x1024xf32, #tpu.memory_space<vmem>>, vector<1x16xf32>,
      %get3A_658 = arith.index_cast %scan3A_42 : i32 to index
      %get3A_659 = arith.constant 608 : index
      %get3A_660 = tpu.vector_load %arg12[%get3A_658, %get3A_659] {strides = array<i32>} : memref<32x1024xf32, #tpu.memory_space<vmem>>, vector<1x16xf32>,
      %get3A_661 = vector.shape_cast %get3A_660 : vector<1x16xf32> to vector<16xf32>
      %mul3A_662 = arith.mulf %get3A_661, %get3A_46 : vector<16xf32>
      %get3A_663 = arith.index_cast %scan3A_42 : i32 to index
      %get3A_664 = arith.constant 608 : index
      %get3A_665 = tpu.vector_load %arg13[%get3A_663, %get3A_664] {strides = array<i32>} : memref<32x1024xf32, #tpu.memory_space<vmem>>, vector<1x16xf32>,
      %get3A_666 = vector.shape_cast %get3A_665 : vector<1x16xf32> to vector<16xf32>
      %mul3A_667 = arith.mulf %get3A_666, %get3A_50 : vector<16xf32>
      %add3A_668 = arith.addf %mul3A_662, %mul3A_667 : vector<16xf32>
      %swap3A_669 = arith.index_cast %scan3A_42 : i32 to index
      %swap3A_670 = arith.constant 608 : index
      %swap3A_671 = tpu.vector_load %arg12[%swap3A_669, %swap3A_670] {strides = array<i32>} : memref<32x1024xf32, #tpu.memory_space<vmem>>, vector<1x16xf32>,
      %swap3A_672 = vector.shape_cast %swap3A_671 : vector<1x16xf32> to vector<16xf32>
      %swap3A_673 = vector.shape_cast %add3A_668 : vector<16xf32> to vector<1x16xf32>
      tpu.vector_store %arg12[%swap3A_669, %swap3A_670], %swap3A_673 {strides = array<i32>} : memref<32x1024xf32, #tpu.memory_space<vmem>>, vector<1x16xf32>,
      %get3A_674 = arith.index_cast %scan3A_42 : i32 to index
      %get3A_675 = arith.constant 624 : index
      %get3A_676 = tpu.vector_load %arg12[%get3A_674, %get3A_675] {strides = array<i32>} : memref<32x1024xf32, #tpu.memory_space<vmem>>, vector<1x16xf32>,
      %get3A_677 = vector.shape_cast %get3A_676 : vector<1x16xf32> to vector<16xf32>
      %mul3A_678 = arith.mulf %get3A_677, %get3A_46 : vector<16xf32>
      %get3A_679 = arith.index_cast %scan3A_42 : i32 to index
      %get3A_680 = arith.constant 624 : index
      %get3A_681 = tpu.vector_load %arg13[%get3A_679, %get3A_680] {strides = array<i32>} : memref<32x1024xf32, #tpu.memory_space<vmem>>, vector<1x16xf32>,
      %get3A_682 = vector.shape_cast %get3A_681 : vector<1x16xf32> to vector<16xf32>
      %mul3A_683 = arith.mulf %get3A_682, %get3A_50 : vector<16xf32>
      %add3A_684 = arith.addf %mul3A_678, %mul3A_683 : vector<16xf32>
      %swap3A_685 = arith.index_cast %scan3A_42 : i32 to index
      %swap3A_686 = arith.constant 624 : index
      %swap3A_687 = tpu.vector_load %arg12[%swap3A_685, %swap3A_686] {strides = array<i32>} : memref<32x1024xf32, #tpu.memory_space<vmem>>, vector<1x16xf32>,
      %swap3A_688 = vector.shape_cast %swap3A_687 : vector<1x16xf32> to vector<16xf32>
      %swap3A_689 = vector.shape_cast %add3A_684 : vector<16xf32> to vector<1x16xf32>
      tpu.vector_store %arg12[%swap3A_685, %swap3A_686], %swap3A_689 {strides = array<i32>} : memref<32x1024xf32, #tpu.memory_space<vmem>>, vector<1x16xf32>,
      %get3A_690 = arith.index_cast %scan3A_42 : i32 to index
      %get3A_691 = arith.constant 640 : index
      %get3A_692 = tpu.vector_load %arg12[%get3A_690, %get3A_691] {strides = array<i32>} : memref<32x1024xf32, #tpu.memory_space<vmem>>, vector<1x16xf32>,
      %get3A_693 = vector.shape_cast %get3A_692 : vector<1x16xf32> to vector<16xf32>
      %mul3A_694 = arith.mulf %get3A_693, %get3A_46 : vector<16xf32>
      %get3A_695 = arith.index_cast %scan3A_42 : i32 to index
      %get3A_696 = arith.constant 640 : index
      %get3A_697 = tpu.vector_load %arg13[%get3A_695, %get3A_696] {strides = array<i32>} : memref<32x1024xf32, #tpu.memory_space<vmem>>, vector<1x16xf32>,
      %get3A_698 = vector.shape_cast %get3A_697 : vector<1x16xf32> to vector<16xf32>
      %mul3A_699 = arith.mulf %get3A_698, %get3A_50 : vector<16xf32>
      %add3A_700 = arith.addf %mul3A_694, %mul3A_699 : vector<16xf32>
      %swap3A_701 = arith.index_cast %scan3A_42 : i32 to index
      %swap3A_702 = arith.constant 640 : index
      %swap3A_703 = tpu.vector_load %arg12[%swap3A_701, %swap3A_702] {strides = array<i32>} : memref<32x1024xf32, #tpu.memory_space<vmem>>, vector<1x16xf32>,
      %swap3A_704 = vector.shape_cast %swap3A_703 : vector<1x16xf32> to vector<16xf32>
      %swap3A_705 = vector.shape_cast %add3A_700 : vector<16xf32> to vector<1x16xf32>
      tpu.vector_store %arg12[%swap3A_701, %swap3A_702], %swap3A_705 {strides = array<i32>} : memref<32x1024xf32, #tpu.memory_space<vmem>>, vector<1x16xf32>,
      %get3A_706 = arith.index_cast %scan3A_42 : i32 to index
      %get3A_707 = arith.constant 656 : index
      %get3A_708 = tpu.vector_load %arg12[%get3A_706, %get3A_707] {strides = array<i32>} : memref<32x1024xf32, #tpu.memory_space<vmem>>, vector<1x16xf32>,
      %get3A_709 = vector.shape_cast %get3A_708 : vector<1x16xf32> to vector<16xf32>
      %mul3A_710 = arith.mulf %get3A_709, %get3A_46 : vector<16xf32>
      %get3A_711 = arith.index_cast %scan3A_42 : i32 to index
      %get3A_712 = arith.constant 656 : index
      %get3A_713 = tpu.vector_load %arg13[%get3A_711, %get3A_712] {strides = array<i32>} : memref<32x1024xf32, #tpu.memory_space<vmem>>, vector<1x16xf32>,
      %get3A_714 = vector.shape_cast %get3A_713 : vector<1x16xf32> to vector<16xf32>
      %mul3A_715 = arith.mulf %get3A_714, %get3A_50 : vector<16xf32>
      %add3A_716 = arith.addf %mul3A_710, %mul3A_715 : vector<16xf32>
      %swap3A_717 = arith.index_cast %scan3A_42 : i32 to index
      %swap3A_718 = arith.constant 656 : index
      %swap3A_719 = tpu.vector_load %arg12[%swap3A_717, %swap3A_718] {strides = array<i32>} : memref<32x1024xf32, #tpu.memory_space<vmem>>, vector<1x16xf32>,
      %swap3A_720 = vector.shape_cast %swap3A_719 : vector<1x16xf32> to vector<16xf32>
      %swap3A_721 = vector.shape_cast %add3A_716 : vector<16xf32> to vector<1x16xf32>
      tpu.vector_store %arg12[%swap3A_717, %swap3A_718], %swap3A_721 {strides = array<i32>} : memref<32x1024xf32, #tpu.memory_space<vmem>>, vector<1x16xf32>,
      %get3A_722 = arith.index_cast %scan3A_42 : i32 to index
      %get3A_723 = arith.constant 672 : index
      %get3A_724 = tpu.vector_load %arg12[%get3A_722, %get3A_723] {strides = array<i32>} : memref<32x1024xf32, #tpu.memory_space<vmem>>, vector<1x16xf32>,
      %get3A_725 = vector.shape_cast %get3A_724 : vector<1x16xf32> to vector<16xf32>
      %mul3A_726 = arith.mulf %get3A_725, %get3A_46 : vector<16xf32>
      %get3A_727 = arith.index_cast %scan3A_42 : i32 to index
      %get3A_728 = arith.constant 672 : index
      %get3A_729 = tpu.vector_load %arg13[%get3A_727, %get3A_728] {strides = array<i32>} : memref<32x1024xf32, #tpu.memory_space<vmem>>, vector<1x16xf32>,
      %get3A_730 = vector.shape_cast %get3A_729 : vector<1x16xf32> to vector<16xf32>
      %mul3A_731 = arith.mulf %get3A_730, %get3A_50 : vector<16xf32>
      %add3A_732 = arith.addf %mul3A_726, %mul3A_731 : vector<16xf32>
      %swap3A_733 = arith.index_cast %scan3A_42 : i32 to index
      %swap3A_734 = arith.constant 672 : index
      %swap3A_735 = tpu.vector_load %arg12[%swap3A_733, %swap3A_734] {strides = array<i32>} : memref<32x1024xf32, #tpu.memory_space<vmem>>, vector<1x16xf32>,
      %swap3A_736 = vector.shape_cast %swap3A_735 : vector<1x16xf32> to vector<16xf32>
      %swap3A_737 = vector.shape_cast %add3A_732 : vector<16xf32> to vector<1x16xf32>
      tpu.vector_store %arg12[%swap3A_733, %swap3A_734], %swap3A_737 {strides = array<i32>} : memref<32x1024xf32, #tpu.memory_space<vmem>>, vector<1x16xf32>,
      %get3A_738 = arith.index_cast %scan3A_42 : i32 to index
      %get3A_739 = arith.constant 688 : index
      %get3A_740 = tpu.vector_load %arg12[%get3A_738, %get3A_739] {strides = array<i32>} : memref<32x1024xf32, #tpu.memory_space<vmem>>, vector<1x16xf32>,
      %get3A_741 = vector.shape_cast %get3A_740 : vector<1x16xf32> to vector<16xf32>
      %mul3A_742 = arith.mulf %get3A_741, %get3A_46 : vector<16xf32>
      %get3A_743 = arith.index_cast %scan3A_42 : i32 to index
      %get3A_744 = arith.constant 688 : index
      %get3A_745 = tpu.vector_load %arg13[%get3A_743, %get3A_744] {strides = array<i32>} : memref<32x1024xf32, #tpu.memory_space<vmem>>, vector<1x16xf32>,
      %get3A_746 = vector.shape_cast %get3A_745 : vector<1x16xf32> to vector<16xf32>
      %mul3A_747 = arith.mulf %get3A_746, %get3A_50 : vector<16xf32>
      %add3A_748 = arith.addf %mul3A_742, %mul3A_747 : vector<16xf32>
      %swap3A_749 = arith.index_cast %scan3A_42 : i32 to index
      %swap3A_750 = arith.constant 688 : index
      %swap3A_751 = tpu.vector_load %arg12[%swap3A_749, %swap3A_750] {strides = array<i32>} : memref<32x1024xf32, #tpu.memory_space<vmem>>, vector<1x16xf32>,
      %swap3A_752 = vector.shape_cast %swap3A_751 : vector<1x16xf32> to vector<16xf32>
      %swap3A_753 = vector.shape_cast %add3A_748 : vector<16xf32> to vector<1x16xf32>
      tpu.vector_store %arg12[%swap3A_749, %swap3A_750], %swap3A_753 {strides = array<i32>} : memref<32x1024xf32, #tpu.memory_space<vmem>>, vector<1x16xf32>,
      %get3A_754 = arith.index_cast %scan3A_42 : i32 to index
      %get3A_755 = arith.constant 704 : index
      %get3A_756 = tpu.vector_load %arg12[%get3A_754, %get3A_755] {strides = array<i32>} : memref<32x1024xf32, #tpu.memory_space<vmem>>, vector<1x16xf32>,
      %get3A_757 = vector.shape_cast %get3A_756 : vector<1x16xf32> to vector<16xf32>
      %mul3A_758 = arith.mulf %get3A_757, %get3A_46 : vector<16xf32>
      %get3A_759 = arith.index_cast %scan3A_42 : i32 to index
      %get3A_760 = arith.constant 704 : index
      %get3A_761 = tpu.vector_load %arg13[%get3A_759, %get3A_760] {strides = array<i32>} : memref<32x1024xf32, #tpu.memory_space<vmem>>, vector<1x16xf32>,
      %get3A_762 = vector.shape_cast %get3A_761 : vector<1x16xf32> to vector<16xf32>
      %mul3A_763 = arith.mulf %get3A_762, %get3A_50 : vector<16xf32>
      %add3A_764 = arith.addf %mul3A_758, %mul3A_763 : vector<16xf32>
      %swap3A_765 = arith.index_cast %scan3A_42 : i32 to index
      %swap3A_766 = arith.constant 704 : index
      %swap3A_767 = tpu.vector_load %arg12[%swap3A_765, %swap3A_766] {strides = array<i32>} : memref<32x1024xf32, #tpu.memory_space<vmem>>, vector<1x16xf32>,
      %swap3A_768 = vector.shape_cast %swap3A_767 : vector<1x16xf32> to vector<16xf32>
      %swap3A_769 = vector.shape_cast %add3A_764 : vector<16xf32> to vector<1x16xf32>
      tpu.vector_store %arg12[%swap3A_765, %swap3A_766], %swap3A_769 {strides = array<i32>} : memref<32x1024xf32, #tpu.memory_space<vmem>>, vector<1x16xf32>,
      %get3A_770 = arith.index_cast %scan3A_42 : i32 to index
      %get3A_771 = arith.constant 720 : index
      %get3A_772 = tpu.vector_load %arg12[%get3A_770, %get3A_771] {strides = array<i32>} : memref<32x1024xf32, #tpu.memory_space<vmem>>, vector<1x16xf32>,
      %get3A_773 = vector.shape_cast %get3A_772 : vector<1x16xf32> to vector<16xf32>
      %mul3A_774 = arith.mulf %get3A_773, %get3A_46 : vector<16xf32>
      %get3A_775 = arith.index_cast %scan3A_42 : i32 to index
      %get3A_776 = arith.constant 720 : index
      %get3A_777 = tpu.vector_load %arg13[%get3A_775, %get3A_776] {strides = array<i32>} : memref<32x1024xf32, #tpu.memory_space<vmem>>, vector<1x16xf32>,
      %get3A_778 = vector.shape_cast %get3A_777 : vector<1x16xf32> to vector<16xf32>
      %mul3A_779 = arith.mulf %get3A_778, %get3A_50 : vector<16xf32>
      %add3A_780 = arith.addf %mul3A_774, %mul3A_779 : vector<16xf32>
      %swap3A_781 = arith.index_cast %scan3A_42 : i32 to index
      %swap3A_782 = arith.constant 720 : index
      %swap3A_783 = tpu.vector_load %arg12[%swap3A_781, %swap3A_782] {strides = array<i32>} : memref<32x1024xf32, #tpu.memory_space<vmem>>, vector<1x16xf32>,
      %swap3A_784 = vector.shape_cast %swap3A_783 : vector<1x16xf32> to vector<16xf32>
      %swap3A_785 = vector.shape_cast %add3A_780 : vector<16xf32> to vector<1x16xf32>
      tpu.vector_store %arg12[%swap3A_781, %swap3A_782], %swap3A_785 {strides = array<i32>} : memref<32x1024xf32, #tpu.memory_space<vmem>>, vector<1x16xf32>,
      %get3A_786 = arith.index_cast %scan3A_42 : i32 to index
      %get3A_787 = arith.constant 736 : index
      %get3A_788 = tpu.vector_load %arg12[%get3A_786, %get3A_787] {strides = array<i32>} : memref<32x1024xf32, #tpu.memory_space<vmem>>, vector<1x16xf32>,
      %get3A_789 = vector.shape_cast %get3A_788 : vector<1x16xf32> to vector<16xf32>
      %mul3A_790 = arith.mulf %get3A_789, %get3A_46 : vector<16xf32>
      %get3A_791 = arith.index_cast %scan3A_42 : i32 to index
      %get3A_792 = arith.constant 736 : index
      %get3A_793 = tpu.vector_load %arg13[%get3A_791, %get3A_792] {strides = array<i32>} : memref<32x1024xf32, #tpu.memory_space<vmem>>, vector<1x16xf32>,
      %get3A_794 = vector.shape_cast %get3A_793 : vector<1x16xf32> to vector<16xf32>
      %mul3A_795 = arith.mulf %get3A_794, %get3A_50 : vector<16xf32>
      %add3A_796 = arith.addf %mul3A_790, %mul3A_795 : vector<16xf32>
      %swap3A_797 = arith.index_cast %scan3A_42 : i32 to index
      %swap3A_798 = arith.constant 736 : index
      %swap3A_799 = tpu.vector_load %arg12[%swap3A_797, %swap3A_798] {strides = array<i32>} : memref<32x1024xf32, #tpu.memory_space<vmem>>, vector<1x16xf32>,
      %swap3A_800 = vector.shape_cast %swap3A_799 : vector<1x16xf32> to vector<16xf32>
      %swap3A_801 = vector.shape_cast %add3A_796 : vector<16xf32> to vector<1x16xf32>
      tpu.vector_store %arg12[%swap3A_797, %swap3A_798], %swap3A_801 {strides = array<i32>} : memref<32x1024xf32, #tpu.memory_space<vmem>>, vector<1x16xf32>,
      %get3A_802 = arith.index_cast %scan3A_42 : i32 to index
      %get3A_803 = arith.constant 752 : index
      %get3A_804 = tpu.vector_load %arg12[%get3A_802, %get3A_803] {strides = array<i32>} : memref<32x1024xf32, #tpu.memory_space<vmem>>, vector<1x16xf32>,
      %get3A_805 = vector.shape_cast %get3A_804 : vector<1x16xf32> to vector<16xf32>
      %mul3A_806 = arith.mulf %get3A_805, %get3A_46 : vector<16xf32>
      %get3A_807 = arith.index_cast %scan3A_42 : i32 to index
      %get3A_808 = arith.constant 752 : index
      %get3A_809 = tpu.vector_load %arg13[%get3A_807, %get3A_808] {strides = array<i32>} : memref<32x1024xf32, #tpu.memory_space<vmem>>, vector<1x16xf32>,
      %get3A_810 = vector.shape_cast %get3A_809 : vector<1x16xf32> to vector<16xf32>
      %mul3A_811 = arith.mulf %get3A_810, %get3A_50 : vector<16xf32>
      %add3A_812 = arith.addf %mul3A_806, %mul3A_811 : vector<16xf32>
      %swap3A_813 = arith.index_cast %scan3A_42 : i32 to index
      %swap3A_814 = arith.constant 752 : index
      %swap3A_815 = tpu.vector_load %arg12[%swap3A_813, %swap3A_814] {strides = array<i32>} : memref<32x1024xf32, #tpu.memory_space<vmem>>, vector<1x16xf32>,
      %swap3A_816 = vector.shape_cast %swap3A_815 : vector<1x16xf32> to vector<16xf32>
      %swap3A_817 = vector.shape_cast %add3A_812 : vector<16xf32> to vector<1x16xf32>
      tpu.vector_store %arg12[%swap3A_813, %swap3A_814], %swap3A_817 {strides = array<i32>} : memref<32x1024xf32, #tpu.memory_space<vmem>>, vector<1x16xf32>,
      %get3A_818 = arith.index_cast %scan3A_42 : i32 to index
      %get3A_819 = arith.constant 768 : index
      %get3A_820 = tpu.vector_load %arg12[%get3A_818, %get3A_819] {strides = array<i32>} : memref<32x1024xf32, #tpu.memory_space<vmem>>, vector<1x16xf32>,
      %get3A_821 = vector.shape_cast %get3A_820 : vector<1x16xf32> to vector<16xf32>
      %mul3A_822 = arith.mulf %get3A_821, %get3A_46 : vector<16xf32>
      %get3A_823 = arith.index_cast %scan3A_42 : i32 to index
      %get3A_824 = arith.constant 768 : index
      %get3A_825 = tpu.vector_load %arg13[%get3A_823, %get3A_824] {strides = array<i32>} : memref<32x1024xf32, #tpu.memory_space<vmem>>, vector<1x16xf32>,
      %get3A_826 = vector.shape_cast %get3A_825 : vector<1x16xf32> to vector<16xf32>
      %mul3A_827 = arith.mulf %get3A_826, %get3A_50 : vector<16xf32>
      %add3A_828 = arith.addf %mul3A_822, %mul3A_827 : vector<16xf32>
      %swap3A_829 = arith.index_cast %scan3A_42 : i32 to index
      %swap3A_830 = arith.constant 768 : index
      %swap3A_831 = tpu.vector_load %arg12[%swap3A_829, %swap3A_830] {strides = array<i32>} : memref<32x1024xf32, #tpu.memory_space<vmem>>, vector<1x16xf32>,
      %swap3A_832 = vector.shape_cast %swap3A_831 : vector<1x16xf32> to vector<16xf32>
      %swap3A_833 = vector.shape_cast %add3A_828 : vector<16xf32> to vector<1x16xf32>
      tpu.vector_store %arg12[%swap3A_829, %swap3A_830], %swap3A_833 {strides = array<i32>} : memref<32x1024xf32, #tpu.memory_space<vmem>>, vector<1x16xf32>,
      %get3A_834 = arith.index_cast %scan3A_42 : i32 to index
      %get3A_835 = arith.constant 784 : index
      %get3A_836 = tpu.vector_load %arg12[%get3A_834, %get3A_835] {strides = array<i32>} : memref<32x1024xf32, #tpu.memory_space<vmem>>, vector<1x16xf32>,
      %get3A_837 = vector.shape_cast %get3A_836 : vector<1x16xf32> to vector<16xf32>
      %mul3A_838 = arith.mulf %get3A_837, %get3A_46 : vector<16xf32>
      %get3A_839 = arith.index_cast %scan3A_42 : i32 to index
      %get3A_840 = arith.constant 784 : index
      %get3A_841 = tpu.vector_load %arg13[%get3A_839, %get3A_840] {strides = array<i32>} : memref<32x1024xf32, #tpu.memory_space<vmem>>, vector<1x16xf32>,
      %get3A_842 = vector.shape_cast %get3A_841 : vector<1x16xf32> to vector<16xf32>
      %mul3A_843 = arith.mulf %get3A_842, %get3A_50 : vector<16xf32>
      %add3A_844 = arith.addf %mul3A_838, %mul3A_843 : vector<16xf32>
      %swap3A_845 = arith.index_cast %scan3A_42 : i32 to index
      %swap3A_846 = arith.constant 784 : index
      %swap3A_847 = tpu.vector_load %arg12[%swap3A_845, %swap3A_846] {strides = array<i32>} : memref<32x1024xf32, #tpu.memory_space<vmem>>, vector<1x16xf32>,
      %swap3A_848 = vector.shape_cast %swap3A_847 : vector<1x16xf32> to vector<16xf32>
      %swap3A_849 = vector.shape_cast %add3A_844 : vector<16xf32> to vector<1x16xf32>
      tpu.vector_store %arg12[%swap3A_845, %swap3A_846], %swap3A_849 {strides = array<i32>} : memref<32x1024xf32, #tpu.memory_space<vmem>>, vector<1x16xf32>,
      %get3A_850 = arith.index_cast %scan3A_42 : i32 to index
      %get3A_851 = arith.constant 800 : index
      %get3A_852 = tpu.vector_load %arg12[%get3A_850, %get3A_851] {strides = array<i32>} : memref<32x1024xf32, #tpu.memory_space<vmem>>, vector<1x16xf32>,
      %get3A_853 = vector.shape_cast %get3A_852 : vector<1x16xf32> to vector<16xf32>
      %mul3A_854 = arith.mulf %get3A_853, %get3A_46 : vector<16xf32>
      %get3A_855 = arith.index_cast %scan3A_42 : i32 to index
      %get3A_856 = arith.constant 800 : index
      %get3A_857 = tpu.vector_load %arg13[%get3A_855, %get3A_856] {strides = array<i32>} : memref<32x1024xf32, #tpu.memory_space<vmem>>, vector<1x16xf32>,
      %get3A_858 = vector.shape_cast %get3A_857 : vector<1x16xf32> to vector<16xf32>
      %mul3A_859 = arith.mulf %get3A_858, %get3A_50 : vector<16xf32>
      %add3A_860 = arith.addf %mul3A_854, %mul3A_859 : vector<16xf32>
      %swap3A_861 = arith.index_cast %scan3A_42 : i32 to index
      %swap3A_862 = arith.constant 800 : index
      %swap3A_863 = tpu.vector_load %arg12[%swap3A_861, %swap3A_862] {strides = array<i32>} : memref<32x1024xf32, #tpu.memory_space<vmem>>, vector<1x16xf32>,
      %swap3A_864 = vector.shape_cast %swap3A_863 : vector<1x16xf32> to vector<16xf32>
      %swap3A_865 = vector.shape_cast %add3A_860 : vector<16xf32> to vector<1x16xf32>
      tpu.vector_store %arg12[%swap3A_861, %swap3A_862], %swap3A_865 {strides = array<i32>} : memref<32x1024xf32, #tpu.memory_space<vmem>>, vector<1x16xf32>,
      %get3A_866 = arith.index_cast %scan3A_42 : i32 to index
      %get3A_867 = arith.constant 816 : index
      %get3A_868 = tpu.vector_load %arg12[%get3A_866, %get3A_867] {strides = array<i32>} : memref<32x1024xf32, #tpu.memory_space<vmem>>, vector<1x16xf32>,
      %get3A_869 = vector.shape_cast %get3A_868 : vector<1x16xf32> to vector<16xf32>
      %mul3A_870 = arith.mulf %get3A_869, %get3A_46 : vector<16xf32>
      %get3A_871 = arith.index_cast %scan3A_42 : i32 to index
      %get3A_872 = arith.constant 816 : index
      %get3A_873 = tpu.vector_load %arg13[%get3A_871, %get3A_872] {strides = array<i32>} : memref<32x1024xf32, #tpu.memory_space<vmem>>, vector<1x16xf32>,
      %get3A_874 = vector.shape_cast %get3A_873 : vector<1x16xf32> to vector<16xf32>
      %mul3A_875 = arith.mulf %get3A_874, %get3A_50 : vector<16xf32>
      %add3A_876 = arith.addf %mul3A_870, %mul3A_875 : vector<16xf32>
      %swap3A_877 = arith.index_cast %scan3A_42 : i32 to index
      %swap3A_878 = arith.constant 816 : index
      %swap3A_879 = tpu.vector_load %arg12[%swap3A_877, %swap3A_878] {strides = array<i32>} : memref<32x1024xf32, #tpu.memory_space<vmem>>, vector<1x16xf32>,
      %swap3A_880 = vector.shape_cast %swap3A_879 : vector<1x16xf32> to vector<16xf32>
      %swap3A_881 = vector.shape_cast %add3A_876 : vector<16xf32> to vector<1x16xf32>
      tpu.vector_store %arg12[%swap3A_877, %swap3A_878], %swap3A_881 {strides = array<i32>} : memref<32x1024xf32, #tpu.memory_space<vmem>>, vector<1x16xf32>,
      %get3A_882 = arith.index_cast %scan3A_42 : i32 to index
      %get3A_883 = arith.constant 832 : index
      %get3A_884 = tpu.vector_load %arg12[%get3A_882, %get3A_883] {strides = array<i32>} : memref<32x1024xf32, #tpu.memory_space<vmem>>, vector<1x16xf32>,
      %get3A_885 = vector.shape_cast %get3A_884 : vector<1x16xf32> to vector<16xf32>
      %mul3A_886 = arith.mulf %get3A_885, %get3A_46 : vector<16xf32>
      %get3A_887 = arith.index_cast %scan3A_42 : i32 to index
      %get3A_888 = arith.constant 832 : index
      %get3A_889 = tpu.vector_load %arg13[%get3A_887, %get3A_888] {strides = array<i32>} : memref<32x1024xf32, #tpu.memory_space<vmem>>, vector<1x16xf32>,
      %get3A_890 = vector.shape_cast %get3A_889 : vector<1x16xf32> to vector<16xf32>
      %mul3A_891 = arith.mulf %get3A_890, %get3A_50 : vector<16xf32>
      %add3A_892 = arith.addf %mul3A_886, %mul3A_891 : vector<16xf32>
      %swap3A_893 = arith.index_cast %scan3A_42 : i32 to index
      %swap3A_894 = arith.constant 832 : index
      %swap3A_895 = tpu.vector_load %arg12[%swap3A_893, %swap3A_894] {strides = array<i32>} : memref<32x1024xf32, #tpu.memory_space<vmem>>, vector<1x16xf32>,
      %swap3A_896 = vector.shape_cast %swap3A_895 : vector<1x16xf32> to vector<16xf32>
      %swap3A_897 = vector.shape_cast %add3A_892 : vector<16xf32> to vector<1x16xf32>
      tpu.vector_store %arg12[%swap3A_893, %swap3A_894], %swap3A_897 {strides = array<i32>} : memref<32x1024xf32, #tpu.memory_space<vmem>>, vector<1x16xf32>,
      %get3A_898 = arith.index_cast %scan3A_42 : i32 to index
      %get3A_899 = arith.constant 848 : index
      %get3A_900 = tpu.vector_load %arg12[%get3A_898, %get3A_899] {strides = array<i32>} : memref<32x1024xf32, #tpu.memory_space<vmem>>, vector<1x16xf32>,
      %get3A_901 = vector.shape_cast %get3A_900 : vector<1x16xf32> to vector<16xf32>
      %mul3A_902 = arith.mulf %get3A_901, %get3A_46 : vector<16xf32>
      %get3A_903 = arith.index_cast %scan3A_42 : i32 to index
      %get3A_904 = arith.constant 848 : index
      %get3A_905 = tpu.vector_load %arg13[%get3A_903, %get3A_904] {strides = array<i32>} : memref<32x1024xf32, #tpu.memory_space<vmem>>, vector<1x16xf32>,
      %get3A_906 = vector.shape_cast %get3A_905 : vector<1x16xf32> to vector<16xf32>
      %mul3A_907 = arith.mulf %get3A_906, %get3A_50 : vector<16xf32>
      %add3A_908 = arith.addf %mul3A_902, %mul3A_907 : vector<16xf32>
      %swap3A_909 = arith.index_cast %scan3A_42 : i32 to index
      %swap3A_910 = arith.constant 848 : index
      %swap3A_911 = tpu.vector_load %arg12[%swap3A_909, %swap3A_910] {strides = array<i32>} : memref<32x1024xf32, #tpu.memory_space<vmem>>, vector<1x16xf32>,
      %swap3A_912 = vector.shape_cast %swap3A_911 : vector<1x16xf32> to vector<16xf32>
      %swap3A_913 = vector.shape_cast %add3A_908 : vector<16xf32> to vector<1x16xf32>
      tpu.vector_store %arg12[%swap3A_909, %swap3A_910], %swap3A_913 {strides = array<i32>} : memref<32x1024xf32, #tpu.memory_space<vmem>>, vector<1x16xf32>,
      %get3A_914 = arith.index_cast %scan3A_42 : i32 to index
      %get3A_915 = arith.constant 864 : index
      %get3A_916 = tpu.vector_load %arg12[%get3A_914, %get3A_915] {strides = array<i32>} : memref<32x1024xf32, #tpu.memory_space<vmem>>, vector<1x16xf32>,
      %get3A_917 = vector.shape_cast %get3A_916 : vector<1x16xf32> to vector<16xf32>
      %mul3A_918 = arith.mulf %get3A_917, %get3A_46 : vector<16xf32>
      %get3A_919 = arith.index_cast %scan3A_42 : i32 to index
      %get3A_920 = arith.constant 864 : index
      %get3A_921 = tpu.vector_load %arg13[%get3A_919, %get3A_920] {strides = array<i32>} : memref<32x1024xf32, #tpu.memory_space<vmem>>, vector<1x16xf32>,
      %get3A_922 = vector.shape_cast %get3A_921 : vector<1x16xf32> to vector<16xf32>
      %mul3A_923 = arith.mulf %get3A_922, %get3A_50 : vector<16xf32>
      %add3A_924 = arith.addf %mul3A_918, %mul3A_923 : vector<16xf32>
      %swap3A_925 = arith.index_cast %scan3A_42 : i32 to index
      %swap3A_926 = arith.constant 864 : index
      %swap3A_927 = tpu.vector_load %arg12[%swap3A_925, %swap3A_926] {strides = array<i32>} : memref<32x1024xf32, #tpu.memory_space<vmem>>, vector<1x16xf32>,
      %swap3A_928 = vector.shape_cast %swap3A_927 : vector<1x16xf32> to vector<16xf32>
      %swap3A_929 = vector.shape_cast %add3A_924 : vector<16xf32> to vector<1x16xf32>
      tpu.vector_store %arg12[%swap3A_925, %swap3A_926], %swap3A_929 {strides = array<i32>} : memref<32x1024xf32, #tpu.memory_space<vmem>>, vector<1x16xf32>,
      %get3A_930 = arith.index_cast %scan3A_42 : i32 to index
      %get3A_931 = arith.constant 880 : index
      %get3A_932 = tpu.vector_load %arg12[%get3A_930, %get3A_931] {strides = array<i32>} : memref<32x1024xf32, #tpu.memory_space<vmem>>, vector<1x16xf32>,
      %get3A_933 = vector.shape_cast %get3A_932 : vector<1x16xf32> to vector<16xf32>
      %mul3A_934 = arith.mulf %get3A_933, %get3A_46 : vector<16xf32>
      %get3A_935 = arith.index_cast %scan3A_42 : i32 to index
      %get3A_936 = arith.constant 880 : index
      %get3A_937 = tpu.vector_load %arg13[%get3A_935, %get3A_936] {strides = array<i32>} : memref<32x1024xf32, #tpu.memory_space<vmem>>, vector<1x16xf32>,
      %get3A_938 = vector.shape_cast %get3A_937 : vector<1x16xf32> to vector<16xf32>
      %mul3A_939 = arith.mulf %get3A_938, %get3A_50 : vector<16xf32>
      %add3A_940 = arith.addf %mul3A_934, %mul3A_939 : vector<16xf32>
      %swap3A_941 = arith.index_cast %scan3A_42 : i32 to index
      %swap3A_942 = arith.constant 880 : index
      %swap3A_943 = tpu.vector_load %arg12[%swap3A_941, %swap3A_942] {strides = array<i32>} : memref<32x1024xf32, #tpu.memory_space<vmem>>, vector<1x16xf32>,
      %swap3A_944 = vector.shape_cast %swap3A_943 : vector<1x16xf32> to vector<16xf32>
      %swap3A_945 = vector.shape_cast %add3A_940 : vector<16xf32> to vector<1x16xf32>
      tpu.vector_store %arg12[%swap3A_941, %swap3A_942], %swap3A_945 {strides = array<i32>} : memref<32x1024xf32, #tpu.memory_space<vmem>>, vector<1x16xf32>,
      %get3A_946 = arith.index_cast %scan3A_42 : i32 to index
      %get3A_947 = arith.constant 896 : index
      %get3A_948 = tpu.vector_load %arg12[%get3A_946, %get3A_947] {strides = array<i32>} : memref<32x1024xf32, #tpu.memory_space<vmem>>, vector<1x16xf32>,
      %get3A_949 = vector.shape_cast %get3A_948 : vector<1x16xf32> to vector<16xf32>
      %mul3A_950 = arith.mulf %get3A_949, %get3A_46 : vector<16xf32>
      %get3A_951 = arith.index_cast %scan3A_42 : i32 to index
      %get3A_952 = arith.constant 896 : index
      %get3A_953 = tpu.vector_load %arg13[%get3A_951, %get3A_952] {strides = array<i32>} : memref<32x1024xf32, #tpu.memory_space<vmem>>, vector<1x16xf32>,
      %get3A_954 = vector.shape_cast %get3A_953 : vector<1x16xf32> to vector<16xf32>
      %mul3A_955 = arith.mulf %get3A_954, %get3A_50 : vector<16xf32>
      %add3A_956 = arith.addf %mul3A_950, %mul3A_955 : vector<16xf32>
      %swap3A_957 = arith.index_cast %scan3A_42 : i32 to index
      %swap3A_958 = arith.constant 896 : index
      %swap3A_959 = tpu.vector_load %arg12[%swap3A_957, %swap3A_958] {strides = array<i32>} : memref<32x1024xf32, #tpu.memory_space<vmem>>, vector<1x16xf32>,
      %swap3A_960 = vector.shape_cast %swap3A_959 : vector<1x16xf32> to vector<16xf32>
      %swap3A_961 = vector.shape_cast %add3A_956 : vector<16xf32> to vector<1x16xf32>
      tpu.vector_store %arg12[%swap3A_957, %swap3A_958], %swap3A_961 {strides = array<i32>} : memref<32x1024xf32, #tpu.memory_space<vmem>>, vector<1x16xf32>,
      %get3A_962 = arith.index_cast %scan3A_42 : i32 to index
      %get3A_963 = arith.constant 912 : index
      %get3A_964 = tpu.vector_load %arg12[%get3A_962, %get3A_963] {strides = array<i32>} : memref<32x1024xf32, #tpu.memory_space<vmem>>, vector<1x16xf32>,
      %get3A_965 = vector.shape_cast %get3A_964 : vector<1x16xf32> to vector<16xf32>
      %mul3A_966 = arith.mulf %get3A_965, %get3A_46 : vector<16xf32>
      %get3A_967 = arith.index_cast %scan3A_42 : i32 to index
      %get3A_968 = arith.constant 912 : index
      %get3A_969 = tpu.vector_load %arg13[%get3A_967, %get3A_968] {strides = array<i32>} : memref<32x1024xf32, #tpu.memory_space<vmem>>, vector<1x16xf32>,
      %get3A_970 = vector.shape_cast %get3A_969 : vector<1x16xf32> to vector<16xf32>
      %mul3A_971 = arith.mulf %get3A_970, %get3A_50 : vector<16xf32>
      %add3A_972 = arith.addf %mul3A_966, %mul3A_971 : vector<16xf32>
      %swap3A_973 = arith.index_cast %scan3A_42 : i32 to index
      %swap3A_974 = arith.constant 912 : index
      %swap3A_975 = tpu.vector_load %arg12[%swap3A_973, %swap3A_974] {strides = array<i32>} : memref<32x1024xf32, #tpu.memory_space<vmem>>, vector<1x16xf32>,
      %swap3A_976 = vector.shape_cast %swap3A_975 : vector<1x16xf32> to vector<16xf32>
      %swap3A_977 = vector.shape_cast %add3A_972 : vector<16xf32> to vector<1x16xf32>
      tpu.vector_store %arg12[%swap3A_973, %swap3A_974], %swap3A_977 {strides = array<i32>} : memref<32x1024xf32, #tpu.memory_space<vmem>>, vector<1x16xf32>,
      %get3A_978 = arith.index_cast %scan3A_42 : i32 to index
      %get3A_979 = arith.constant 928 : index
      %get3A_980 = tpu.vector_load %arg12[%get3A_978, %get3A_979] {strides = array<i32>} : memref<32x1024xf32, #tpu.memory_space<vmem>>, vector<1x16xf32>,
      %get3A_981 = vector.shape_cast %get3A_980 : vector<1x16xf32> to vector<16xf32>
      %mul3A_982 = arith.mulf %get3A_981, %get3A_46 : vector<16xf32>
      %get3A_983 = arith.index_cast %scan3A_42 : i32 to index
      %get3A_984 = arith.constant 928 : index
      %get3A_985 = tpu.vector_load %arg13[%get3A_983, %get3A_984] {strides = array<i32>} : memref<32x1024xf32, #tpu.memory_space<vmem>>, vector<1x16xf32>,
      %get3A_986 = vector.shape_cast %get3A_985 : vector<1x16xf32> to vector<16xf32>
      %mul3A_987 = arith.mulf %get3A_986, %get3A_50 : vector<16xf32>
      %add3A_988 = arith.addf %mul3A_982, %mul3A_987 : vector<16xf32>
      %swap3A_989 = arith.index_cast %scan3A_42 : i32 to index
      %swap3A_990 = arith.constant 928 : index
      %swap3A_991 = tpu.vector_load %arg12[%swap3A_989, %swap3A_990] {strides = array<i32>} : memref<32x1024xf32, #tpu.memory_space<vmem>>, vector<1x16xf32>,
      %swap3A_992 = vector.shape_cast %swap3A_991 : vector<1x16xf32> to vector<16xf32>
      %swap3A_993 = vector.shape_cast %add3A_988 : vector<16xf32> to vector<1x16xf32>
      tpu.vector_store %arg12[%swap3A_989, %swap3A_990], %swap3A_993 {strides = array<i32>} : memref<32x1024xf32, #tpu.memory_space<vmem>>, vector<1x16xf32>,
      %get3A_994 = arith.index_cast %scan3A_42 : i32 to index
      %get3A_995 = arith.constant 944 : index
      %get3A_996 = tpu.vector_load %arg12[%get3A_994, %get3A_995] {strides = array<i32>} : memref<32x1024xf32, #tpu.memory_space<vmem>>, vector<1x16xf32>,
      %get3A_997 = vector.shape_cast %get3A_996 : vector<1x16xf32> to vector<16xf32>
      %mul3A_998 = arith.mulf %get3A_997, %get3A_46 : vector<16xf32>
      %get3A_999 = arith.index_cast %scan3A_42 : i32 to index
      %get3A_1000 = arith.constant 944 : index
      %get3A_1001 = tpu.vector_load %arg13[%get3A_999, %get3A_1000] {strides = array<i32>} : memref<32x1024xf32, #tpu.memory_space<vmem>>, vector<1x16xf32>,
      %get3A_1002 = vector.shape_cast %get3A_1001 : vector<1x16xf32> to vector<16xf32>
      %mul3A_1003 = arith.mulf %get3A_1002, %get3A_50 : vector<16xf32>
      %add3A_1004 = arith.addf %mul3A_998, %mul3A_1003 : vector<16xf32>
      %swap3A_1005 = arith.index_cast %scan3A_42 : i32 to index
      %swap3A_1006 = arith.constant 944 : index
      %swap3A_1007 = tpu.vector_load %arg12[%swap3A_1005, %swap3A_1006] {strides = array<i32>} : memref<32x1024xf32, #tpu.memory_space<vmem>>, vector<1x16xf32>,
      %swap3A_1008 = vector.shape_cast %swap3A_1007 : vector<1x16xf32> to vector<16xf32>
      %swap3A_1009 = vector.shape_cast %add3A_1004 : vector<16xf32> to vector<1x16xf32>
      tpu.vector_store %arg12[%swap3A_1005, %swap3A_1006], %swap3A_1009 {strides = array<i32>} : memref<32x1024xf32, #tpu.memory_space<vmem>>, vector<1x16xf32>,
      %get3A_1010 = arith.index_cast %scan3A_42 : i32 to index
      %get3A_1011 = arith.constant 960 : index
      %get3A_1012 = tpu.vector_load %arg12[%get3A_1010, %get3A_1011] {strides = array<i32>} : memref<32x1024xf32, #tpu.memory_space<vmem>>, vector<1x16xf32>,
      %get3A_1013 = vector.shape_cast %get3A_1012 : vector<1x16xf32> to vector<16xf32>
      %mul3A_1014 = arith.mulf %get3A_1013, %get3A_46 : vector<16xf32>
      %get3A_1015 = arith.index_cast %scan3A_42 : i32 to index
      %get3A_1016 = arith.constant 960 : index
      %get3A_1017 = tpu.vector_load %arg13[%get3A_1015, %get3A_1016] {strides = array<i32>} : memref<32x1024xf32, #tpu.memory_space<vmem>>, vector<1x16xf32>,
      %get3A_1018 = vector.shape_cast %get3A_1017 : vector<1x16xf32> to vector<16xf32>
      %mul3A_1019 = arith.mulf %get3A_1018, %get3A_50 : vector<16xf32>
      %add3A_1020 = arith.addf %mul3A_1014, %mul3A_1019 : vector<16xf32>
      %swap3A_1021 = arith.index_cast %scan3A_42 : i32 to index
      %swap3A_1022 = arith.constant 960 : index
      %swap3A_1023 = tpu.vector_load %arg12[%swap3A_1021, %swap3A_1022] {strides = array<i32>} : memref<32x1024xf32, #tpu.memory_space<vmem>>, vector<1x16xf32>,
      %swap3A_1024 = vector.shape_cast %swap3A_1023 : vector<1x16xf32> to vector<16xf32>
      %swap3A_1025 = vector.shape_cast %add3A_1020 : vector<16xf32> to vector<1x16xf32>
      tpu.vector_store %arg12[%swap3A_1021, %swap3A_1022], %swap3A_1025 {strides = array<i32>} : memref<32x1024xf32, #tpu.memory_space<vmem>>, vector<1x16xf32>,
      %get3A_1026 = arith.index_cast %scan3A_42 : i32 to index
      %get3A_1027 = arith.constant 976 : index
      %get3A_1028 = tpu.vector_load %arg12[%get3A_1026, %get3A_1027] {strides = array<i32>} : memref<32x1024xf32, #tpu.memory_space<vmem>>, vector<1x16xf32>,
      %get3A_1029 = vector.shape_cast %get3A_1028 : vector<1x16xf32> to vector<16xf32>
      %mul3A_1030 = arith.mulf %get3A_1029, %get3A_46 : vector<16xf32>
      %get3A_1031 = arith.index_cast %scan3A_42 : i32 to index
      %get3A_1032 = arith.constant 976 : index
      %get3A_1033 = tpu.vector_load %arg13[%get3A_1031, %get3A_1032] {strides = array<i32>} : memref<32x1024xf32, #tpu.memory_space<vmem>>, vector<1x16xf32>,
      %get3A_1034 = vector.shape_cast %get3A_1033 : vector<1x16xf32> to vector<16xf32>
      %mul3A_1035 = arith.mulf %get3A_1034, %get3A_50 : vector<16xf32>
      %add3A_1036 = arith.addf %mul3A_1030, %mul3A_1035 : vector<16xf32>
      %swap3A_1037 = arith.index_cast %scan3A_42 : i32 to index
      %swap3A_1038 = arith.constant 976 : index
      %swap3A_1039 = tpu.vector_load %arg12[%swap3A_1037, %swap3A_1038] {strides = array<i32>} : memref<32x1024xf32, #tpu.memory_space<vmem>>, vector<1x16xf32>,
      %swap3A_1040 = vector.shape_cast %swap3A_1039 : vector<1x16xf32> to vector<16xf32>
      %swap3A_1041 = vector.shape_cast %add3A_1036 : vector<16xf32> to vector<1x16xf32>
      tpu.vector_store %arg12[%swap3A_1037, %swap3A_1038], %swap3A_1041 {strides = array<i32>} : memref<32x1024xf32, #tpu.memory_space<vmem>>, vector<1x16xf32>,
      %get3A_1042 = arith.index_cast %scan3A_42 : i32 to index
      %get3A_1043 = arith.constant 992 : index
      %get3A_1044 = tpu.vector_load %arg12[%get3A_1042, %get3A_1043] {strides = array<i32>} : memref<32x1024xf32, #tpu.memory_space<vmem>>, vector<1x16xf32>,
      %get3A_1045 = vector.shape_cast %get3A_1044 : vector<1x16xf32> to vector<16xf32>
      %mul3A_1046 = arith.mulf %get3A_1045, %get3A_46 : vector<16xf32>
      %get3A_1047 = arith.index_cast %scan3A_42 : i32 to index
      %get3A_1048 = arith.constant 992 : index
      %get3A_1049 = tpu.vector_load %arg13[%get3A_1047, %get3A_1048] {strides = array<i32>} : memref<32x1024xf32, #tpu.memory_space<vmem>>, vector<1x16xf32>,
      %get3A_1050 = vector.shape_cast %get3A_1049 : vector<1x16xf32> to vector<16xf32>
      %mul3A_1051 = arith.mulf %get3A_1050, %get3A_50 : vector<16xf32>
      %add3A_1052 = arith.addf %mul3A_1046, %mul3A_1051 : vector<16xf32>
      %swap3A_1053 = arith.index_cast %scan3A_42 : i32 to index
      %swap3A_1054 = arith.constant 992 : index
      %swap3A_1055 = tpu.vector_load %arg12[%swap3A_1053, %swap3A_1054] {strides = array<i32>} : memref<32x1024xf32, #tpu.memory_space<vmem>>, vector<1x16xf32>,
      %swap3A_1056 = vector.shape_cast %swap3A_1055 : vector<1x16xf32> to vector<16xf32>
      %swap3A_1057 = vector.shape_cast %add3A_1052 : vector<16xf32> to vector<1x16xf32>
      tpu.vector_store %arg12[%swap3A_1053, %swap3A_1054], %swap3A_1057 {strides = array<i32>} : memref<32x1024xf32, #tpu.memory_space<vmem>>, vector<1x16xf32>,
      %get3A_1058 = arith.index_cast %scan3A_42 : i32 to index
      %get3A_1059 = arith.constant 1008 : index
      %get3A_1060 = tpu.vector_load %arg12[%get3A_1058, %get3A_1059] {strides = array<i32>} : memref<32x1024xf32, #tpu.memory_space<vmem>>, vector<1x16xf32>,
      %get3A_1061 = vector.shape_cast %get3A_1060 : vector<1x16xf32> to vector<16xf32>
      %mul3A_1062 = arith.mulf %get3A_1061, %get3A_46 : vector<16xf32>
      %get3A_1063 = arith.index_cast %scan3A_42 : i32 to index
      %get3A_1064 = arith.constant 1008 : index
      %get3A_1065 = tpu.vector_load %arg13[%get3A_1063, %get3A_1064] {strides = array<i32>} : memref<32x1024xf32, #tpu.memory_space<vmem>>, vector<1x16xf32>,
      %get3A_1066 = vector.shape_cast %get3A_1065 : vector<1x16xf32> to vector<16xf32>
      %mul3A_1067 = arith.mulf %get3A_1066, %get3A_50 : vector<16xf32>
      %add3A_1068 = arith.addf %mul3A_1062, %mul3A_1067 : vector<16xf32>
      %swap3A_1069 = arith.index_cast %scan3A_42 : i32 to index
      %swap3A_1070 = arith.constant 1008 : index
      %swap3A_1071 = tpu.vector_load %arg12[%swap3A_1069, %swap3A_1070] {strides = array<i32>} : memref<32x1024xf32, #tpu.memory_space<vmem>>, vector<1x16xf32>,
      %swap3A_1072 = vector.shape_cast %swap3A_1071 : vector<1x16xf32> to vector<16xf32>
      %swap3A_1073 = vector.shape_cast %add3A_1068 : vector<16xf32> to vector<1x16xf32>
      tpu.vector_store %arg12[%swap3A_1069, %swap3A_1070], %swap3A_1073 {strides = array<i32>} : memref<32x1024xf32, #tpu.memory_space<vmem>>, vector<1x16xf32>,
      %scan3A_1074 = arith.constant 0 : i32
      scf.yield %scan3A_1074 : i32
    }
    %scan3A_20 = arith.constant 32 : i32
    "tpu.region"() ({
      %run_scoped3A = tpu.sem_alloc : memref<!tpu.dma_semaphore, #tpu.memory_space<semaphore_mem>>
      %dma_start3A_42 = arith.constant 0 : i32
      %dma_start3A_43 = tpu.memref_slice %arg7[%add3A_4, %dma_start3A_42] : memref<2048x1024xf32, #tpu.memory_space<hbm>> -> memref<32x1024xf32, #tpu.memory_space<hbm>>
      %dma_start3A_44 = arith.constant 0 : i32
      %dma_start3A_45 = tpu.memref_slice %arg7[%add3A_4, %dma_start3A_44] : memref<2048x1024xf32, #tpu.memory_space<hbm>> -> memref<32x1024xf32, #tpu.memory_space<hbm>>
      tpu.enqueue_dma source(%arg12 : memref<32x1024xf32, #tpu.memory_space<vmem>>) target(%dma_start3A_45 : memref<32x1024xf32, #tpu.memory_space<hbm>>) target_semaphore(%run_scoped3A : memref<!tpu.dma_semaphore, #tpu.memory_space<semaphore_mem>>)
      %dma_wait3A_46 = arith.constant 0 : i32
      %dma_wait3A_47 = tpu.memref_slice %arg7[%add3A_4, %dma_wait3A_46] : memref<2048x1024xf32, #tpu.memory_space<hbm>> -> memref<32x1024xf32, #tpu.memory_space<hbm>>
      %dma_wait3A_48 = arith.constant 0 : i32
      %dma_wait3A_49 = tpu.memref_slice %arg7[%add3A_4, %dma_wait3A_48] : memref<2048x1024xf32, #tpu.memory_space<hbm>> -> memref<32x1024xf32, #tpu.memory_space<hbm>>
      tpu.wait_dma2 semaphore(%run_scoped3A : memref<!tpu.dma_semaphore, #tpu.memory_space<semaphore_mem>>) src(%arg12 : memref<32x1024xf32, #tpu.memory_space<vmem>>) dst(%dma_wait3A_49 : memref<32x1024xf32, #tpu.memory_space<hbm>>)
      tpu.yield
    }) : () -> ()
    %add3A_21 = arith.constant 32 : i32
    %add3A_22 = arith.addi %mul3A_2, %add3A_21 : i32
    "tpu.region"() ({
      %run_scoped3A = tpu.sem_alloc : memref<!tpu.dma_semaphore, #tpu.memory_space<semaphore_mem>>
      %dma_start3A_42 = tpu.memref_slice %arg3[%add3A_22] : memref<2048xi32, #tpu.memory_space<hbm>> -> memref<32xi32, #tpu.memory_space<hbm>>
      %dma_start3A_43 = tpu.memref_slice %arg3[%add3A_22] : memref<2048xi32, #tpu.memory_space<hbm>> -> memref<32xi32, #tpu.memory_space<hbm>>
      tpu.enqueue_dma source(%dma_start3A_43 : memref<32xi32, #tpu.memory_space<hbm>>) target(%arg8 : memref<32xi32, #tpu.memory_space<vmem>>) target_semaphore(%run_scoped3A : memref<!tpu.dma_semaphore, #tpu.memory_space<semaphore_mem>>)
      %dma_wait3A_44 = tpu.memref_slice %arg3[%add3A_22] : memref<2048xi32, #tpu.memory_space<hbm>> -> memref<32xi32, #tpu.memory_space<hbm>>
      %dma_wait3A_45 = tpu.memref_slice %arg3[%add3A_22] : memref<2048xi32, #tpu.memory_space<hbm>> -> memref<32xi32, #tpu.memory_space<hbm>>
      tpu.wait_dma2 semaphore(%run_scoped3A : memref<!tpu.dma_semaphore, #tpu.memory_space<semaphore_mem>>) src(%dma_wait3A_45 : memref<32xi32, #tpu.memory_space<hbm>>) dst(%arg8 : memref<32xi32, #tpu.memory_space<vmem>>)
      tpu.yield
    }) : () -> ()
    "tpu.region"() ({
      %run_scoped3A = tpu.sem_alloc : memref<!tpu.dma_semaphore, #tpu.memory_space<semaphore_mem>>
      %dma_start3A_42 = tpu.memref_slice %arg4[%add3A_22] : memref<2048xi32, #tpu.memory_space<hbm>> -> memref<32xi32, #tpu.memory_space<hbm>>
      %dma_start3A_43 = tpu.memref_slice %arg4[%add3A_22] : memref<2048xi32, #tpu.memory_space<hbm>> -> memref<32xi32, #tpu.memory_space<hbm>>
      tpu.enqueue_dma source(%dma_start3A_43 : memref<32xi32, #tpu.memory_space<hbm>>) target(%arg9 : memref<32xi32, #tpu.memory_space<vmem>>) target_semaphore(%run_scoped3A : memref<!tpu.dma_semaphore, #tpu.memory_space<semaphore_mem>>)
      %dma_wait3A_44 = tpu.memref_slice %arg4[%add3A_22] : memref<2048xi32, #tpu.memory_space<hbm>> -> memref<32xi32, #tpu.memory_space<hbm>>
      %dma_wait3A_45 = tpu.memref_slice %arg4[%add3A_22] : memref<2048xi32, #tpu.memory_space<hbm>> -> memref<32xi32, #tpu.memory_space<hbm>>
      tpu.wait_dma2 semaphore(%run_scoped3A : memref<!tpu.dma_semaphore, #tpu.memory_space<semaphore_mem>>) src(%dma_wait3A_45 : memref<32xi32, #tpu.memory_space<hbm>>) dst(%arg9 : memref<32xi32, #tpu.memory_space<vmem>>)
      tpu.yield
    }) : () -> ()
    "tpu.region"() ({
      %run_scoped3A = tpu.sem_alloc : memref<!tpu.dma_semaphore, #tpu.memory_space<semaphore_mem>>
      %dma_start3A_42 = arith.constant 0 : i32
      %dma_start3A_43 = tpu.memref_slice %arg5[%add3A_22, %dma_start3A_42] : memref<2048x16xf32, #tpu.memory_space<hbm>> -> memref<32x16xf32, #tpu.memory_space<hbm>>
      %dma_start3A_44 = arith.constant 0 : i32
      %dma_start3A_45 = tpu.memref_slice %arg5[%add3A_22, %dma_start3A_44] : memref<2048x16xf32, #tpu.memory_space<hbm>> -> memref<32x16xf32, #tpu.memory_space<hbm>>
      tpu.enqueue_dma source(%dma_start3A_45 : memref<32x16xf32, #tpu.memory_space<hbm>>) target(%arg10 : memref<32x16xf32, #tpu.memory_space<vmem>>) target_semaphore(%run_scoped3A : memref<!tpu.dma_semaphore, #tpu.memory_space<semaphore_mem>>)
      %dma_wait3A_46 = arith.constant 0 : i32
      %dma_wait3A_47 = tpu.memref_slice %arg5[%add3A_22, %dma_wait3A_46] : memref<2048x16xf32, #tpu.memory_space<hbm>> -> memref<32x16xf32, #tpu.memory_space<hbm>>
      %dma_wait3A_48 = arith.constant 0 : i32
      %dma_wait3A_49 = tpu.memref_slice %arg5[%add3A_22, %dma_wait3A_48] : memref<2048x16xf32, #tpu.memory_space<hbm>> -> memref<32x16xf32, #tpu.memory_space<hbm>>
      tpu.wait_dma2 semaphore(%run_scoped3A : memref<!tpu.dma_semaphore, #tpu.memory_space<semaphore_mem>>) src(%dma_wait3A_49 : memref<32x16xf32, #tpu.memory_space<hbm>>) dst(%arg10 : memref<32x16xf32, #tpu.memory_space<vmem>>)
      tpu.yield
    }) : () -> ()
    "tpu.region"() ({
      %run_scoped3A = tpu.sem_alloc : memref<!tpu.dma_semaphore, #tpu.memory_space<semaphore_mem>>
      %dma_start3A_42 = arith.constant 0 : i32
      %dma_start3A_43 = tpu.memref_slice %arg6[%add3A_22, %dma_start3A_42] : memref<2048x16xf32, #tpu.memory_space<hbm>> -> memref<32x16xf32, #tpu.memory_space<hbm>>
      %dma_start3A_44 = arith.constant 0 : i32
      %dma_start3A_45 = tpu.memref_slice %arg6[%add3A_22, %dma_start3A_44] : memref<2048x16xf32, #tpu.memory_space<hbm>> -> memref<32x16xf32, #tpu.memory_space<hbm>>
      tpu.enqueue_dma source(%dma_start3A_45 : memref<32x16xf32, #tpu.memory_space<hbm>>) target(%arg11 : memref<32x16xf32, #tpu.memory_space<vmem>>) target_semaphore(%run_scoped3A : memref<!tpu.dma_semaphore, #tpu.memory_space<semaphore_mem>>)
      %dma_wait3A_46 = arith.constant 0 : i32
      %dma_wait3A_47 = tpu.memref_slice %arg6[%add3A_22, %dma_wait3A_46] : memref<2048x16xf32, #tpu.memory_space<hbm>> -> memref<32x16xf32, #tpu.memory_space<hbm>>
      %dma_wait3A_48 = arith.constant 0 : i32
      %dma_wait3A_49 = tpu.memref_slice %arg6[%add3A_22, %dma_wait3A_48] : memref<2048x16xf32, #tpu.memory_space<hbm>> -> memref<32x16xf32, #tpu.memory_space<hbm>>
      tpu.wait_dma2 semaphore(%run_scoped3A : memref<!tpu.dma_semaphore, #tpu.memory_space<semaphore_mem>>) src(%dma_wait3A_49 : memref<32x16xf32, #tpu.memory_space<hbm>>) dst(%arg11 : memref<32x16xf32, #tpu.memory_space<vmem>>)
      tpu.yield
    }) : () -> ()
    %dma_start3A_23 = arith.constant 0 : i32
    %dma_start3A_24 = arith.constant 0 : i32
    %dma_start3A_25 = tpu.memref_slice %arg2[%dma_start3A_23, %dma_start3A_24] : memref<6144x1024xf32, #tpu.memory_space<hbm>> -> memref<6144x1024xf32, #tpu.memory_space<hbm>>
    tpu.enqueue_indirect_dma source(%dma_start3A_25 : memref<6144x1024xf32, #tpu.memory_space<hbm>>) target(%arg12 : memref<32x1024xf32, #tpu.memory_space<vmem>>) offsets(%arg8 : memref<32xi32, #tpu.memory_space<vmem>>) semaphore(%arg14 : memref<!tpu.dma_semaphore, #tpu.memory_space<semaphore_mem>>)
    %dma_start3A_26 = arith.constant 0 : i32
    %dma_start3A_27 = arith.constant 0 : i32
    %dma_start3A_28 = tpu.memref_slice %arg2[%dma_start3A_26, %dma_start3A_27] : memref<6144x1024xf32, #tpu.memory_space<hbm>> -> memref<6144x1024xf32, #tpu.memory_space<hbm>>
    tpu.enqueue_indirect_dma source(%dma_start3A_28 : memref<6144x1024xf32, #tpu.memory_space<hbm>>) target(%arg13 : memref<32x1024xf32, #tpu.memory_space<vmem>>) offsets(%arg9 : memref<32xi32, #tpu.memory_space<vmem>>) semaphore(%arg14 : memref<!tpu.dma_semaphore, #tpu.memory_space<semaphore_mem>>)
    %dma_wait3A_29 = arith.constant 0 : i32
    %dma_wait3A_30 = arith.constant 0 : i32
    %dma_wait3A_31 = tpu.memref_slice %arg2[%dma_wait3A_29, %dma_wait3A_30] : memref<6144x1024xf32, #tpu.memory_space<hbm>> -> memref<6144x1024xf32, #tpu.memory_space<hbm>>
    tpu.wait_indirect_dma semaphore(%arg14 : memref<!tpu.dma_semaphore, #tpu.memory_space<semaphore_mem>>) src(%dma_wait3A_31 : memref<6144x1024xf32, #tpu.memory_space<hbm>>) dst(%arg12 : memref<32x1024xf32, #tpu.memory_space<vmem>>)
    %dma_wait3A_32 = arith.constant 0 : i32
    %dma_wait3A_33 = arith.constant 0 : i32
    %dma_wait3A_34 = tpu.memref_slice %arg2[%dma_wait3A_32, %dma_wait3A_33] : memref<6144x1024xf32, #tpu.memory_space<hbm>> -> memref<6144x1024xf32, #tpu.memory_space<hbm>>
    tpu.wait_indirect_dma semaphore(%arg14 : memref<!tpu.dma_semaphore, #tpu.memory_space<semaphore_mem>>) src(%dma_wait3A_34 : memref<6144x1024xf32, #tpu.memory_space<hbm>>) dst(%arg13 : memref<32x1024xf32, #tpu.memory_space<vmem>>)
    %scan3A_35 = arith.constant 0 : i32
    %scan3A_36 = arith.constant 0 : i32
    %scan3A_37 = arith.constant 32 : i32
    %scan3A_38 = arith.addi %scan3A_36, %scan3A_37 : i32
    %scan3A_39 = arith.constant 1 : i32
    %scan3A_40 = scf.for %scan3A_42 = %scan3A_36 to %scan3A_38 step %scan3A_39 iter_args(%scan3A_43 = %scan3A_35) -> (i32)  : i32 {
      %get3A = arith.index_cast %scan3A_42 : i32 to index
      %get3A_44 = arith.constant 0 : index
      %get3A_45 = tpu.vector_load %arg10[%get3A, %get3A_44] {strides = array<i32>} : memref<32x16xf32, #tpu.memory_space<vmem>>, vector<1x16xf32>,
      %get3A_46 = vector.shape_cast %get3A_45 : vector<1x16xf32> to vector<16xf32>
      %get3A_47 = arith.index_cast %scan3A_42 : i32 to index
      %get3A_48 = arith.constant 0 : index
      %get3A_49 = tpu.vector_load %arg11[%get3A_47, %get3A_48] {strides = array<i32>} : memref<32x16xf32, #tpu.memory_space<vmem>>, vector<1x16xf32>,
      %get3A_50 = vector.shape_cast %get3A_49 : vector<1x16xf32> to vector<16xf32>
      %get3A_51 = arith.index_cast %scan3A_42 : i32 to index
      %get3A_52 = arith.constant 0 : index
      %get3A_53 = tpu.vector_load %arg12[%get3A_51, %get3A_52] {strides = array<i32>} : memref<32x1024xf32, #tpu.memory_space<vmem>>, vector<1x16xf32>,
      %get3A_54 = vector.shape_cast %get3A_53 : vector<1x16xf32> to vector<16xf32>
      %mul3A_55 = arith.mulf %get3A_54, %get3A_46 : vector<16xf32>
      %get3A_56 = arith.index_cast %scan3A_42 : i32 to index
      %get3A_57 = arith.constant 0 : index
      %get3A_58 = tpu.vector_load %arg13[%get3A_56, %get3A_57] {strides = array<i32>} : memref<32x1024xf32, #tpu.memory_space<vmem>>, vector<1x16xf32>,
      %get3A_59 = vector.shape_cast %get3A_58 : vector<1x16xf32> to vector<16xf32>
      %mul3A_60 = arith.mulf %get3A_59, %get3A_50 : vector<16xf32>
      %add3A_61 = arith.addf %mul3A_55, %mul3A_60 : vector<16xf32>
      %swap3A = arith.index_cast %scan3A_42 : i32 to index
      %swap3A_62 = arith.constant 0 : index
      %swap3A_63 = tpu.vector_load %arg12[%swap3A, %swap3A_62] {strides = array<i32>} : memref<32x1024xf32, #tpu.memory_space<vmem>>, vector<1x16xf32>,
      %swap3A_64 = vector.shape_cast %swap3A_63 : vector<1x16xf32> to vector<16xf32>
      %swap3A_65 = vector.shape_cast %add3A_61 : vector<16xf32> to vector<1x16xf32>
      tpu.vector_store %arg12[%swap3A, %swap3A_62], %swap3A_65 {strides = array<i32>} : memref<32x1024xf32, #tpu.memory_space<vmem>>, vector<1x16xf32>,
      %get3A_66 = arith.index_cast %scan3A_42 : i32 to index
      %get3A_67 = arith.constant 16 : index
      %get3A_68 = tpu.vector_load %arg12[%get3A_66, %get3A_67] {strides = array<i32>} : memref<32x1024xf32, #tpu.memory_space<vmem>>, vector<1x16xf32>,
      %get3A_69 = vector.shape_cast %get3A_68 : vector<1x16xf32> to vector<16xf32>
      %mul3A_70 = arith.mulf %get3A_69, %get3A_46 : vector<16xf32>
      %get3A_71 = arith.index_cast %scan3A_42 : i32 to index
      %get3A_72 = arith.constant 16 : index
      %get3A_73 = tpu.vector_load %arg13[%get3A_71, %get3A_72] {strides = array<i32>} : memref<32x1024xf32, #tpu.memory_space<vmem>>, vector<1x16xf32>,
      %get3A_74 = vector.shape_cast %get3A_73 : vector<1x16xf32> to vector<16xf32>
      %mul3A_75 = arith.mulf %get3A_74, %get3A_50 : vector<16xf32>
      %add3A_76 = arith.addf %mul3A_70, %mul3A_75 : vector<16xf32>
      %swap3A_77 = arith.index_cast %scan3A_42 : i32 to index
      %swap3A_78 = arith.constant 16 : index
      %swap3A_79 = tpu.vector_load %arg12[%swap3A_77, %swap3A_78] {strides = array<i32>} : memref<32x1024xf32, #tpu.memory_space<vmem>>, vector<1x16xf32>,
      %swap3A_80 = vector.shape_cast %swap3A_79 : vector<1x16xf32> to vector<16xf32>
      %swap3A_81 = vector.shape_cast %add3A_76 : vector<16xf32> to vector<1x16xf32>
      tpu.vector_store %arg12[%swap3A_77, %swap3A_78], %swap3A_81 {strides = array<i32>} : memref<32x1024xf32, #tpu.memory_space<vmem>>, vector<1x16xf32>,
      %get3A_82 = arith.index_cast %scan3A_42 : i32 to index
      %get3A_83 = arith.constant 32 : index
      %get3A_84 = tpu.vector_load %arg12[%get3A_82, %get3A_83] {strides = array<i32>} : memref<32x1024xf32, #tpu.memory_space<vmem>>, vector<1x16xf32>,
      %get3A_85 = vector.shape_cast %get3A_84 : vector<1x16xf32> to vector<16xf32>
      %mul3A_86 = arith.mulf %get3A_85, %get3A_46 : vector<16xf32>
      %get3A_87 = arith.index_cast %scan3A_42 : i32 to index
      %get3A_88 = arith.constant 32 : index
      %get3A_89 = tpu.vector_load %arg13[%get3A_87, %get3A_88] {strides = array<i32>} : memref<32x1024xf32, #tpu.memory_space<vmem>>, vector<1x16xf32>,
      %get3A_90 = vector.shape_cast %get3A_89 : vector<1x16xf32> to vector<16xf32>
      %mul3A_91 = arith.mulf %get3A_90, %get3A_50 : vector<16xf32>
      %add3A_92 = arith.addf %mul3A_86, %mul3A_91 : vector<16xf32>
      %swap3A_93 = arith.index_cast %scan3A_42 : i32 to index
      %swap3A_94 = arith.constant 32 : index
      %swap3A_95 = tpu.vector_load %arg12[%swap3A_93, %swap3A_94] {strides = array<i32>} : memref<32x1024xf32, #tpu.memory_space<vmem>>, vector<1x16xf32>,
      %swap3A_96 = vector.shape_cast %swap3A_95 : vector<1x16xf32> to vector<16xf32>
      %swap3A_97 = vector.shape_cast %add3A_92 : vector<16xf32> to vector<1x16xf32>
      tpu.vector_store %arg12[%swap3A_93, %swap3A_94], %swap3A_97 {strides = array<i32>} : memref<32x1024xf32, #tpu.memory_space<vmem>>, vector<1x16xf32>,
      %get3A_98 = arith.index_cast %scan3A_42 : i32 to index
      %get3A_99 = arith.constant 48 : index
      %get3A_100 = tpu.vector_load %arg12[%get3A_98, %get3A_99] {strides = array<i32>} : memref<32x1024xf32, #tpu.memory_space<vmem>>, vector<1x16xf32>,
      %get3A_101 = vector.shape_cast %get3A_100 : vector<1x16xf32> to vector<16xf32>
      %mul3A_102 = arith.mulf %get3A_101, %get3A_46 : vector<16xf32>
      %get3A_103 = arith.index_cast %scan3A_42 : i32 to index
      %get3A_104 = arith.constant 48 : index
      %get3A_105 = tpu.vector_load %arg13[%get3A_103, %get3A_104] {strides = array<i32>} : memref<32x1024xf32, #tpu.memory_space<vmem>>, vector<1x16xf32>,
      %get3A_106 = vector.shape_cast %get3A_105 : vector<1x16xf32> to vector<16xf32>
      %mul3A_107 = arith.mulf %get3A_106, %get3A_50 : vector<16xf32>
      %add3A_108 = arith.addf %mul3A_102, %mul3A_107 : vector<16xf32>
      %swap3A_109 = arith.index_cast %scan3A_42 : i32 to index
      %swap3A_110 = arith.constant 48 : index
      %swap3A_111 = tpu.vector_load %arg12[%swap3A_109, %swap3A_110] {strides = array<i32>} : memref<32x1024xf32, #tpu.memory_space<vmem>>, vector<1x16xf32>,
      %swap3A_112 = vector.shape_cast %swap3A_111 : vector<1x16xf32> to vector<16xf32>
      %swap3A_113 = vector.shape_cast %add3A_108 : vector<16xf32> to vector<1x16xf32>
      tpu.vector_store %arg12[%swap3A_109, %swap3A_110], %swap3A_113 {strides = array<i32>} : memref<32x1024xf32, #tpu.memory_space<vmem>>, vector<1x16xf32>,
      %get3A_114 = arith.index_cast %scan3A_42 : i32 to index
      %get3A_115 = arith.constant 64 : index
      %get3A_116 = tpu.vector_load %arg12[%get3A_114, %get3A_115] {strides = array<i32>} : memref<32x1024xf32, #tpu.memory_space<vmem>>, vector<1x16xf32>,
      %get3A_117 = vector.shape_cast %get3A_116 : vector<1x16xf32> to vector<16xf32>
      %mul3A_118 = arith.mulf %get3A_117, %get3A_46 : vector<16xf32>
      %get3A_119 = arith.index_cast %scan3A_42 : i32 to index
      %get3A_120 = arith.constant 64 : index
      %get3A_121 = tpu.vector_load %arg13[%get3A_119, %get3A_120] {strides = array<i32>} : memref<32x1024xf32, #tpu.memory_space<vmem>>, vector<1x16xf32>,
      %get3A_122 = vector.shape_cast %get3A_121 : vector<1x16xf32> to vector<16xf32>
      %mul3A_123 = arith.mulf %get3A_122, %get3A_50 : vector<16xf32>
      %add3A_124 = arith.addf %mul3A_118, %mul3A_123 : vector<16xf32>
      %swap3A_125 = arith.index_cast %scan3A_42 : i32 to index
      %swap3A_126 = arith.constant 64 : index
      %swap3A_127 = tpu.vector_load %arg12[%swap3A_125, %swap3A_126] {strides = array<i32>} : memref<32x1024xf32, #tpu.memory_space<vmem>>, vector<1x16xf32>,
      %swap3A_128 = vector.shape_cast %swap3A_127 : vector<1x16xf32> to vector<16xf32>
      %swap3A_129 = vector.shape_cast %add3A_124 : vector<16xf32> to vector<1x16xf32>
      tpu.vector_store %arg12[%swap3A_125, %swap3A_126], %swap3A_129 {strides = array<i32>} : memref<32x1024xf32, #tpu.memory_space<vmem>>, vector<1x16xf32>,
      %get3A_130 = arith.index_cast %scan3A_42 : i32 to index
      %get3A_131 = arith.constant 80 : index
      %get3A_132 = tpu.vector_load %arg12[%get3A_130, %get3A_131] {strides = array<i32>} : memref<32x1024xf32, #tpu.memory_space<vmem>>, vector<1x16xf32>,
      %get3A_133 = vector.shape_cast %get3A_132 : vector<1x16xf32> to vector<16xf32>
      %mul3A_134 = arith.mulf %get3A_133, %get3A_46 : vector<16xf32>
      %get3A_135 = arith.index_cast %scan3A_42 : i32 to index
      %get3A_136 = arith.constant 80 : index
      %get3A_137 = tpu.vector_load %arg13[%get3A_135, %get3A_136] {strides = array<i32>} : memref<32x1024xf32, #tpu.memory_space<vmem>>, vector<1x16xf32>,
      %get3A_138 = vector.shape_cast %get3A_137 : vector<1x16xf32> to vector<16xf32>
      %mul3A_139 = arith.mulf %get3A_138, %get3A_50 : vector<16xf32>
      %add3A_140 = arith.addf %mul3A_134, %mul3A_139 : vector<16xf32>
      %swap3A_141 = arith.index_cast %scan3A_42 : i32 to index
      %swap3A_142 = arith.constant 80 : index
      %swap3A_143 = tpu.vector_load %arg12[%swap3A_141, %swap3A_142] {strides = array<i32>} : memref<32x1024xf32, #tpu.memory_space<vmem>>, vector<1x16xf32>,
      %swap3A_144 = vector.shape_cast %swap3A_143 : vector<1x16xf32> to vector<16xf32>
      %swap3A_145 = vector.shape_cast %add3A_140 : vector<16xf32> to vector<1x16xf32>
      tpu.vector_store %arg12[%swap3A_141, %swap3A_142], %swap3A_145 {strides = array<i32>} : memref<32x1024xf32, #tpu.memory_space<vmem>>, vector<1x16xf32>,
      %get3A_146 = arith.index_cast %scan3A_42 : i32 to index
      %get3A_147 = arith.constant 96 : index
      %get3A_148 = tpu.vector_load %arg12[%get3A_146, %get3A_147] {strides = array<i32>} : memref<32x1024xf32, #tpu.memory_space<vmem>>, vector<1x16xf32>,
      %get3A_149 = vector.shape_cast %get3A_148 : vector<1x16xf32> to vector<16xf32>
      %mul3A_150 = arith.mulf %get3A_149, %get3A_46 : vector<16xf32>
      %get3A_151 = arith.index_cast %scan3A_42 : i32 to index
      %get3A_152 = arith.constant 96 : index
      %get3A_153 = tpu.vector_load %arg13[%get3A_151, %get3A_152] {strides = array<i32>} : memref<32x1024xf32, #tpu.memory_space<vmem>>, vector<1x16xf32>,
      %get3A_154 = vector.shape_cast %get3A_153 : vector<1x16xf32> to vector<16xf32>
      %mul3A_155 = arith.mulf %get3A_154, %get3A_50 : vector<16xf32>
      %add3A_156 = arith.addf %mul3A_150, %mul3A_155 : vector<16xf32>
      %swap3A_157 = arith.index_cast %scan3A_42 : i32 to index
      %swap3A_158 = arith.constant 96 : index
      %swap3A_159 = tpu.vector_load %arg12[%swap3A_157, %swap3A_158] {strides = array<i32>} : memref<32x1024xf32, #tpu.memory_space<vmem>>, vector<1x16xf32>,
      %swap3A_160 = vector.shape_cast %swap3A_159 : vector<1x16xf32> to vector<16xf32>
      %swap3A_161 = vector.shape_cast %add3A_156 : vector<16xf32> to vector<1x16xf32>
      tpu.vector_store %arg12[%swap3A_157, %swap3A_158], %swap3A_161 {strides = array<i32>} : memref<32x1024xf32, #tpu.memory_space<vmem>>, vector<1x16xf32>,
      %get3A_162 = arith.index_cast %scan3A_42 : i32 to index
      %get3A_163 = arith.constant 112 : index
      %get3A_164 = tpu.vector_load %arg12[%get3A_162, %get3A_163] {strides = array<i32>} : memref<32x1024xf32, #tpu.memory_space<vmem>>, vector<1x16xf32>,
      %get3A_165 = vector.shape_cast %get3A_164 : vector<1x16xf32> to vector<16xf32>
      %mul3A_166 = arith.mulf %get3A_165, %get3A_46 : vector<16xf32>
      %get3A_167 = arith.index_cast %scan3A_42 : i32 to index
      %get3A_168 = arith.constant 112 : index
      %get3A_169 = tpu.vector_load %arg13[%get3A_167, %get3A_168] {strides = array<i32>} : memref<32x1024xf32, #tpu.memory_space<vmem>>, vector<1x16xf32>,
      %get3A_170 = vector.shape_cast %get3A_169 : vector<1x16xf32> to vector<16xf32>
      %mul3A_171 = arith.mulf %get3A_170, %get3A_50 : vector<16xf32>
      %add3A_172 = arith.addf %mul3A_166, %mul3A_171 : vector<16xf32>
      %swap3A_173 = arith.index_cast %scan3A_42 : i32 to index
      %swap3A_174 = arith.constant 112 : index
      %swap3A_175 = tpu.vector_load %arg12[%swap3A_173, %swap3A_174] {strides = array<i32>} : memref<32x1024xf32, #tpu.memory_space<vmem>>, vector<1x16xf32>,
      %swap3A_176 = vector.shape_cast %swap3A_175 : vector<1x16xf32> to vector<16xf32>
      %swap3A_177 = vector.shape_cast %add3A_172 : vector<16xf32> to vector<1x16xf32>
      tpu.vector_store %arg12[%swap3A_173, %swap3A_174], %swap3A_177 {strides = array<i32>} : memref<32x1024xf32, #tpu.memory_space<vmem>>, vector<1x16xf32>,
      %get3A_178 = arith.index_cast %scan3A_42 : i32 to index
      %get3A_179 = arith.constant 128 : index
      %get3A_180 = tpu.vector_load %arg12[%get3A_178, %get3A_179] {strides = array<i32>} : memref<32x1024xf32, #tpu.memory_space<vmem>>, vector<1x16xf32>,
      %get3A_181 = vector.shape_cast %get3A_180 : vector<1x16xf32> to vector<16xf32>
      %mul3A_182 = arith.mulf %get3A_181, %get3A_46 : vector<16xf32>
      %get3A_183 = arith.index_cast %scan3A_42 : i32 to index
      %get3A_184 = arith.constant 128 : index
      %get3A_185 = tpu.vector_load %arg13[%get3A_183, %get3A_184] {strides = array<i32>} : memref<32x1024xf32, #tpu.memory_space<vmem>>, vector<1x16xf32>,
      %get3A_186 = vector.shape_cast %get3A_185 : vector<1x16xf32> to vector<16xf32>
      %mul3A_187 = arith.mulf %get3A_186, %get3A_50 : vector<16xf32>
      %add3A_188 = arith.addf %mul3A_182, %mul3A_187 : vector<16xf32>
      %swap3A_189 = arith.index_cast %scan3A_42 : i32 to index
      %swap3A_190 = arith.constant 128 : index
      %swap3A_191 = tpu.vector_load %arg12[%swap3A_189, %swap3A_190] {strides = array<i32>} : memref<32x1024xf32, #tpu.memory_space<vmem>>, vector<1x16xf32>,
      %swap3A_192 = vector.shape_cast %swap3A_191 : vector<1x16xf32> to vector<16xf32>
      %swap3A_193 = vector.shape_cast %add3A_188 : vector<16xf32> to vector<1x16xf32>
      tpu.vector_store %arg12[%swap3A_189, %swap3A_190], %swap3A_193 {strides = array<i32>} : memref<32x1024xf32, #tpu.memory_space<vmem>>, vector<1x16xf32>,
      %get3A_194 = arith.index_cast %scan3A_42 : i32 to index
      %get3A_195 = arith.constant 144 : index
      %get3A_196 = tpu.vector_load %arg12[%get3A_194, %get3A_195] {strides = array<i32>} : memref<32x1024xf32, #tpu.memory_space<vmem>>, vector<1x16xf32>,
      %get3A_197 = vector.shape_cast %get3A_196 : vector<1x16xf32> to vector<16xf32>
      %mul3A_198 = arith.mulf %get3A_197, %get3A_46 : vector<16xf32>
      %get3A_199 = arith.index_cast %scan3A_42 : i32 to index
      %get3A_200 = arith.constant 144 : index
      %get3A_201 = tpu.vector_load %arg13[%get3A_199, %get3A_200] {strides = array<i32>} : memref<32x1024xf32, #tpu.memory_space<vmem>>, vector<1x16xf32>,
      %get3A_202 = vector.shape_cast %get3A_201 : vector<1x16xf32> to vector<16xf32>
      %mul3A_203 = arith.mulf %get3A_202, %get3A_50 : vector<16xf32>
      %add3A_204 = arith.addf %mul3A_198, %mul3A_203 : vector<16xf32>
      %swap3A_205 = arith.index_cast %scan3A_42 : i32 to index
      %swap3A_206 = arith.constant 144 : index
      %swap3A_207 = tpu.vector_load %arg12[%swap3A_205, %swap3A_206] {strides = array<i32>} : memref<32x1024xf32, #tpu.memory_space<vmem>>, vector<1x16xf32>,
      %swap3A_208 = vector.shape_cast %swap3A_207 : vector<1x16xf32> to vector<16xf32>
      %swap3A_209 = vector.shape_cast %add3A_204 : vector<16xf32> to vector<1x16xf32>
      tpu.vector_store %arg12[%swap3A_205, %swap3A_206], %swap3A_209 {strides = array<i32>} : memref<32x1024xf32, #tpu.memory_space<vmem>>, vector<1x16xf32>,
      %get3A_210 = arith.index_cast %scan3A_42 : i32 to index
      %get3A_211 = arith.constant 160 : index
      %get3A_212 = tpu.vector_load %arg12[%get3A_210, %get3A_211] {strides = array<i32>} : memref<32x1024xf32, #tpu.memory_space<vmem>>, vector<1x16xf32>,
      %get3A_213 = vector.shape_cast %get3A_212 : vector<1x16xf32> to vector<16xf32>
      %mul3A_214 = arith.mulf %get3A_213, %get3A_46 : vector<16xf32>
      %get3A_215 = arith.index_cast %scan3A_42 : i32 to index
      %get3A_216 = arith.constant 160 : index
      %get3A_217 = tpu.vector_load %arg13[%get3A_215, %get3A_216] {strides = array<i32>} : memref<32x1024xf32, #tpu.memory_space<vmem>>, vector<1x16xf32>,
      %get3A_218 = vector.shape_cast %get3A_217 : vector<1x16xf32> to vector<16xf32>
      %mul3A_219 = arith.mulf %get3A_218, %get3A_50 : vector<16xf32>
      %add3A_220 = arith.addf %mul3A_214, %mul3A_219 : vector<16xf32>
      %swap3A_221 = arith.index_cast %scan3A_42 : i32 to index
      %swap3A_222 = arith.constant 160 : index
      %swap3A_223 = tpu.vector_load %arg12[%swap3A_221, %swap3A_222] {strides = array<i32>} : memref<32x1024xf32, #tpu.memory_space<vmem>>, vector<1x16xf32>,
      %swap3A_224 = vector.shape_cast %swap3A_223 : vector<1x16xf32> to vector<16xf32>
      %swap3A_225 = vector.shape_cast %add3A_220 : vector<16xf32> to vector<1x16xf32>
      tpu.vector_store %arg12[%swap3A_221, %swap3A_222], %swap3A_225 {strides = array<i32>} : memref<32x1024xf32, #tpu.memory_space<vmem>>, vector<1x16xf32>,
      %get3A_226 = arith.index_cast %scan3A_42 : i32 to index
      %get3A_227 = arith.constant 176 : index
      %get3A_228 = tpu.vector_load %arg12[%get3A_226, %get3A_227] {strides = array<i32>} : memref<32x1024xf32, #tpu.memory_space<vmem>>, vector<1x16xf32>,
      %get3A_229 = vector.shape_cast %get3A_228 : vector<1x16xf32> to vector<16xf32>
      %mul3A_230 = arith.mulf %get3A_229, %get3A_46 : vector<16xf32>
      %get3A_231 = arith.index_cast %scan3A_42 : i32 to index
      %get3A_232 = arith.constant 176 : index
      %get3A_233 = tpu.vector_load %arg13[%get3A_231, %get3A_232] {strides = array<i32>} : memref<32x1024xf32, #tpu.memory_space<vmem>>, vector<1x16xf32>,
      %get3A_234 = vector.shape_cast %get3A_233 : vector<1x16xf32> to vector<16xf32>
      %mul3A_235 = arith.mulf %get3A_234, %get3A_50 : vector<16xf32>
      %add3A_236 = arith.addf %mul3A_230, %mul3A_235 : vector<16xf32>
      %swap3A_237 = arith.index_cast %scan3A_42 : i32 to index
      %swap3A_238 = arith.constant 176 : index
      %swap3A_239 = tpu.vector_load %arg12[%swap3A_237, %swap3A_238] {strides = array<i32>} : memref<32x1024xf32, #tpu.memory_space<vmem>>, vector<1x16xf32>,
      %swap3A_240 = vector.shape_cast %swap3A_239 : vector<1x16xf32> to vector<16xf32>
      %swap3A_241 = vector.shape_cast %add3A_236 : vector<16xf32> to vector<1x16xf32>
      tpu.vector_store %arg12[%swap3A_237, %swap3A_238], %swap3A_241 {strides = array<i32>} : memref<32x1024xf32, #tpu.memory_space<vmem>>, vector<1x16xf32>,
      %get3A_242 = arith.index_cast %scan3A_42 : i32 to index
      %get3A_243 = arith.constant 192 : index
      %get3A_244 = tpu.vector_load %arg12[%get3A_242, %get3A_243] {strides = array<i32>} : memref<32x1024xf32, #tpu.memory_space<vmem>>, vector<1x16xf32>,
      %get3A_245 = vector.shape_cast %get3A_244 : vector<1x16xf32> to vector<16xf32>
      %mul3A_246 = arith.mulf %get3A_245, %get3A_46 : vector<16xf32>
      %get3A_247 = arith.index_cast %scan3A_42 : i32 to index
      %get3A_248 = arith.constant 192 : index
      %get3A_249 = tpu.vector_load %arg13[%get3A_247, %get3A_248] {strides = array<i32>} : memref<32x1024xf32, #tpu.memory_space<vmem>>, vector<1x16xf32>,
      %get3A_250 = vector.shape_cast %get3A_249 : vector<1x16xf32> to vector<16xf32>
      %mul3A_251 = arith.mulf %get3A_250, %get3A_50 : vector<16xf32>
      %add3A_252 = arith.addf %mul3A_246, %mul3A_251 : vector<16xf32>
      %swap3A_253 = arith.index_cast %scan3A_42 : i32 to index
      %swap3A_254 = arith.constant 192 : index
      %swap3A_255 = tpu.vector_load %arg12[%swap3A_253, %swap3A_254] {strides = array<i32>} : memref<32x1024xf32, #tpu.memory_space<vmem>>, vector<1x16xf32>,
      %swap3A_256 = vector.shape_cast %swap3A_255 : vector<1x16xf32> to vector<16xf32>
      %swap3A_257 = vector.shape_cast %add3A_252 : vector<16xf32> to vector<1x16xf32>
      tpu.vector_store %arg12[%swap3A_253, %swap3A_254], %swap3A_257 {strides = array<i32>} : memref<32x1024xf32, #tpu.memory_space<vmem>>, vector<1x16xf32>,
      %get3A_258 = arith.index_cast %scan3A_42 : i32 to index
      %get3A_259 = arith.constant 208 : index
      %get3A_260 = tpu.vector_load %arg12[%get3A_258, %get3A_259] {strides = array<i32>} : memref<32x1024xf32, #tpu.memory_space<vmem>>, vector<1x16xf32>,
      %get3A_261 = vector.shape_cast %get3A_260 : vector<1x16xf32> to vector<16xf32>
      %mul3A_262 = arith.mulf %get3A_261, %get3A_46 : vector<16xf32>
      %get3A_263 = arith.index_cast %scan3A_42 : i32 to index
      %get3A_264 = arith.constant 208 : index
      %get3A_265 = tpu.vector_load %arg13[%get3A_263, %get3A_264] {strides = array<i32>} : memref<32x1024xf32, #tpu.memory_space<vmem>>, vector<1x16xf32>,
      %get3A_266 = vector.shape_cast %get3A_265 : vector<1x16xf32> to vector<16xf32>
      %mul3A_267 = arith.mulf %get3A_266, %get3A_50 : vector<16xf32>
      %add3A_268 = arith.addf %mul3A_262, %mul3A_267 : vector<16xf32>
      %swap3A_269 = arith.index_cast %scan3A_42 : i32 to index
      %swap3A_270 = arith.constant 208 : index
      %swap3A_271 = tpu.vector_load %arg12[%swap3A_269, %swap3A_270] {strides = array<i32>} : memref<32x1024xf32, #tpu.memory_space<vmem>>, vector<1x16xf32>,
      %swap3A_272 = vector.shape_cast %swap3A_271 : vector<1x16xf32> to vector<16xf32>
      %swap3A_273 = vector.shape_cast %add3A_268 : vector<16xf32> to vector<1x16xf32>
      tpu.vector_store %arg12[%swap3A_269, %swap3A_270], %swap3A_273 {strides = array<i32>} : memref<32x1024xf32, #tpu.memory_space<vmem>>, vector<1x16xf32>,
      %get3A_274 = arith.index_cast %scan3A_42 : i32 to index
      %get3A_275 = arith.constant 224 : index
      %get3A_276 = tpu.vector_load %arg12[%get3A_274, %get3A_275] {strides = array<i32>} : memref<32x1024xf32, #tpu.memory_space<vmem>>, vector<1x16xf32>,
      %get3A_277 = vector.shape_cast %get3A_276 : vector<1x16xf32> to vector<16xf32>
      %mul3A_278 = arith.mulf %get3A_277, %get3A_46 : vector<16xf32>
      %get3A_279 = arith.index_cast %scan3A_42 : i32 to index
      %get3A_280 = arith.constant 224 : index
      %get3A_281 = tpu.vector_load %arg13[%get3A_279, %get3A_280] {strides = array<i32>} : memref<32x1024xf32, #tpu.memory_space<vmem>>, vector<1x16xf32>,
      %get3A_282 = vector.shape_cast %get3A_281 : vector<1x16xf32> to vector<16xf32>
      %mul3A_283 = arith.mulf %get3A_282, %get3A_50 : vector<16xf32>
      %add3A_284 = arith.addf %mul3A_278, %mul3A_283 : vector<16xf32>
      %swap3A_285 = arith.index_cast %scan3A_42 : i32 to index
      %swap3A_286 = arith.constant 224 : index
      %swap3A_287 = tpu.vector_load %arg12[%swap3A_285, %swap3A_286] {strides = array<i32>} : memref<32x1024xf32, #tpu.memory_space<vmem>>, vector<1x16xf32>,
      %swap3A_288 = vector.shape_cast %swap3A_287 : vector<1x16xf32> to vector<16xf32>
      %swap3A_289 = vector.shape_cast %add3A_284 : vector<16xf32> to vector<1x16xf32>
      tpu.vector_store %arg12[%swap3A_285, %swap3A_286], %swap3A_289 {strides = array<i32>} : memref<32x1024xf32, #tpu.memory_space<vmem>>, vector<1x16xf32>,
      %get3A_290 = arith.index_cast %scan3A_42 : i32 to index
      %get3A_291 = arith.constant 240 : index
      %get3A_292 = tpu.vector_load %arg12[%get3A_290, %get3A_291] {strides = array<i32>} : memref<32x1024xf32, #tpu.memory_space<vmem>>, vector<1x16xf32>,
      %get3A_293 = vector.shape_cast %get3A_292 : vector<1x16xf32> to vector<16xf32>
      %mul3A_294 = arith.mulf %get3A_293, %get3A_46 : vector<16xf32>
      %get3A_295 = arith.index_cast %scan3A_42 : i32 to index
      %get3A_296 = arith.constant 240 : index
      %get3A_297 = tpu.vector_load %arg13[%get3A_295, %get3A_296] {strides = array<i32>} : memref<32x1024xf32, #tpu.memory_space<vmem>>, vector<1x16xf32>,
      %get3A_298 = vector.shape_cast %get3A_297 : vector<1x16xf32> to vector<16xf32>
      %mul3A_299 = arith.mulf %get3A_298, %get3A_50 : vector<16xf32>
      %add3A_300 = arith.addf %mul3A_294, %mul3A_299 : vector<16xf32>
      %swap3A_301 = arith.index_cast %scan3A_42 : i32 to index
      %swap3A_302 = arith.constant 240 : index
      %swap3A_303 = tpu.vector_load %arg12[%swap3A_301, %swap3A_302] {strides = array<i32>} : memref<32x1024xf32, #tpu.memory_space<vmem>>, vector<1x16xf32>,
      %swap3A_304 = vector.shape_cast %swap3A_303 : vector<1x16xf32> to vector<16xf32>
      %swap3A_305 = vector.shape_cast %add3A_300 : vector<16xf32> to vector<1x16xf32>
      tpu.vector_store %arg12[%swap3A_301, %swap3A_302], %swap3A_305 {strides = array<i32>} : memref<32x1024xf32, #tpu.memory_space<vmem>>, vector<1x16xf32>,
      %get3A_306 = arith.index_cast %scan3A_42 : i32 to index
      %get3A_307 = arith.constant 256 : index
      %get3A_308 = tpu.vector_load %arg12[%get3A_306, %get3A_307] {strides = array<i32>} : memref<32x1024xf32, #tpu.memory_space<vmem>>, vector<1x16xf32>,
      %get3A_309 = vector.shape_cast %get3A_308 : vector<1x16xf32> to vector<16xf32>
      %mul3A_310 = arith.mulf %get3A_309, %get3A_46 : vector<16xf32>
      %get3A_311 = arith.index_cast %scan3A_42 : i32 to index
      %get3A_312 = arith.constant 256 : index
      %get3A_313 = tpu.vector_load %arg13[%get3A_311, %get3A_312] {strides = array<i32>} : memref<32x1024xf32, #tpu.memory_space<vmem>>, vector<1x16xf32>,
      %get3A_314 = vector.shape_cast %get3A_313 : vector<1x16xf32> to vector<16xf32>
      %mul3A_315 = arith.mulf %get3A_314, %get3A_50 : vector<16xf32>
      %add3A_316 = arith.addf %mul3A_310, %mul3A_315 : vector<16xf32>
      %swap3A_317 = arith.index_cast %scan3A_42 : i32 to index
      %swap3A_318 = arith.constant 256 : index
      %swap3A_319 = tpu.vector_load %arg12[%swap3A_317, %swap3A_318] {strides = array<i32>} : memref<32x1024xf32, #tpu.memory_space<vmem>>, vector<1x16xf32>,
      %swap3A_320 = vector.shape_cast %swap3A_319 : vector<1x16xf32> to vector<16xf32>
      %swap3A_321 = vector.shape_cast %add3A_316 : vector<16xf32> to vector<1x16xf32>
      tpu.vector_store %arg12[%swap3A_317, %swap3A_318], %swap3A_321 {strides = array<i32>} : memref<32x1024xf32, #tpu.memory_space<vmem>>, vector<1x16xf32>,
      %get3A_322 = arith.index_cast %scan3A_42 : i32 to index
      %get3A_323 = arith.constant 272 : index
      %get3A_324 = tpu.vector_load %arg12[%get3A_322, %get3A_323] {strides = array<i32>} : memref<32x1024xf32, #tpu.memory_space<vmem>>, vector<1x16xf32>,
      %get3A_325 = vector.shape_cast %get3A_324 : vector<1x16xf32> to vector<16xf32>
      %mul3A_326 = arith.mulf %get3A_325, %get3A_46 : vector<16xf32>
      %get3A_327 = arith.index_cast %scan3A_42 : i32 to index
      %get3A_328 = arith.constant 272 : index
      %get3A_329 = tpu.vector_load %arg13[%get3A_327, %get3A_328] {strides = array<i32>} : memref<32x1024xf32, #tpu.memory_space<vmem>>, vector<1x16xf32>,
      %get3A_330 = vector.shape_cast %get3A_329 : vector<1x16xf32> to vector<16xf32>
      %mul3A_331 = arith.mulf %get3A_330, %get3A_50 : vector<16xf32>
      %add3A_332 = arith.addf %mul3A_326, %mul3A_331 : vector<16xf32>
      %swap3A_333 = arith.index_cast %scan3A_42 : i32 to index
      %swap3A_334 = arith.constant 272 : index
      %swap3A_335 = tpu.vector_load %arg12[%swap3A_333, %swap3A_334] {strides = array<i32>} : memref<32x1024xf32, #tpu.memory_space<vmem>>, vector<1x16xf32>,
      %swap3A_336 = vector.shape_cast %swap3A_335 : vector<1x16xf32> to vector<16xf32>
      %swap3A_337 = vector.shape_cast %add3A_332 : vector<16xf32> to vector<1x16xf32>
      tpu.vector_store %arg12[%swap3A_333, %swap3A_334], %swap3A_337 {strides = array<i32>} : memref<32x1024xf32, #tpu.memory_space<vmem>>, vector<1x16xf32>,
      %get3A_338 = arith.index_cast %scan3A_42 : i32 to index
      %get3A_339 = arith.constant 288 : index
      %get3A_340 = tpu.vector_load %arg12[%get3A_338, %get3A_339] {strides = array<i32>} : memref<32x1024xf32, #tpu.memory_space<vmem>>, vector<1x16xf32>,
      %get3A_341 = vector.shape_cast %get3A_340 : vector<1x16xf32> to vector<16xf32>
      %mul3A_342 = arith.mulf %get3A_341, %get3A_46 : vector<16xf32>
      %get3A_343 = arith.index_cast %scan3A_42 : i32 to index
      %get3A_344 = arith.constant 288 : index
      %get3A_345 = tpu.vector_load %arg13[%get3A_343, %get3A_344] {strides = array<i32>} : memref<32x1024xf32, #tpu.memory_space<vmem>>, vector<1x16xf32>,
      %get3A_346 = vector.shape_cast %get3A_345 : vector<1x16xf32> to vector<16xf32>
      %mul3A_347 = arith.mulf %get3A_346, %get3A_50 : vector<16xf32>
      %add3A_348 = arith.addf %mul3A_342, %mul3A_347 : vector<16xf32>
      %swap3A_349 = arith.index_cast %scan3A_42 : i32 to index
      %swap3A_350 = arith.constant 288 : index
      %swap3A_351 = tpu.vector_load %arg12[%swap3A_349, %swap3A_350] {strides = array<i32>} : memref<32x1024xf32, #tpu.memory_space<vmem>>, vector<1x16xf32>,
      %swap3A_352 = vector.shape_cast %swap3A_351 : vector<1x16xf32> to vector<16xf32>
      %swap3A_353 = vector.shape_cast %add3A_348 : vector<16xf32> to vector<1x16xf32>
      tpu.vector_store %arg12[%swap3A_349, %swap3A_350], %swap3A_353 {strides = array<i32>} : memref<32x1024xf32, #tpu.memory_space<vmem>>, vector<1x16xf32>,
      %get3A_354 = arith.index_cast %scan3A_42 : i32 to index
      %get3A_355 = arith.constant 304 : index
      %get3A_356 = tpu.vector_load %arg12[%get3A_354, %get3A_355] {strides = array<i32>} : memref<32x1024xf32, #tpu.memory_space<vmem>>, vector<1x16xf32>,
      %get3A_357 = vector.shape_cast %get3A_356 : vector<1x16xf32> to vector<16xf32>
      %mul3A_358 = arith.mulf %get3A_357, %get3A_46 : vector<16xf32>
      %get3A_359 = arith.index_cast %scan3A_42 : i32 to index
      %get3A_360 = arith.constant 304 : index
      %get3A_361 = tpu.vector_load %arg13[%get3A_359, %get3A_360] {strides = array<i32>} : memref<32x1024xf32, #tpu.memory_space<vmem>>, vector<1x16xf32>,
      %get3A_362 = vector.shape_cast %get3A_361 : vector<1x16xf32> to vector<16xf32>
      %mul3A_363 = arith.mulf %get3A_362, %get3A_50 : vector<16xf32>
      %add3A_364 = arith.addf %mul3A_358, %mul3A_363 : vector<16xf32>
      %swap3A_365 = arith.index_cast %scan3A_42 : i32 to index
      %swap3A_366 = arith.constant 304 : index
      %swap3A_367 = tpu.vector_load %arg12[%swap3A_365, %swap3A_366] {strides = array<i32>} : memref<32x1024xf32, #tpu.memory_space<vmem>>, vector<1x16xf32>,
      %swap3A_368 = vector.shape_cast %swap3A_367 : vector<1x16xf32> to vector<16xf32>
      %swap3A_369 = vector.shape_cast %add3A_364 : vector<16xf32> to vector<1x16xf32>
      tpu.vector_store %arg12[%swap3A_365, %swap3A_366], %swap3A_369 {strides = array<i32>} : memref<32x1024xf32, #tpu.memory_space<vmem>>, vector<1x16xf32>,
      %get3A_370 = arith.index_cast %scan3A_42 : i32 to index
      %get3A_371 = arith.constant 320 : index
      %get3A_372 = tpu.vector_load %arg12[%get3A_370, %get3A_371] {strides = array<i32>} : memref<32x1024xf32, #tpu.memory_space<vmem>>, vector<1x16xf32>,
      %get3A_373 = vector.shape_cast %get3A_372 : vector<1x16xf32> to vector<16xf32>
      %mul3A_374 = arith.mulf %get3A_373, %get3A_46 : vector<16xf32>
      %get3A_375 = arith.index_cast %scan3A_42 : i32 to index
      %get3A_376 = arith.constant 320 : index
      %get3A_377 = tpu.vector_load %arg13[%get3A_375, %get3A_376] {strides = array<i32>} : memref<32x1024xf32, #tpu.memory_space<vmem>>, vector<1x16xf32>,
      %get3A_378 = vector.shape_cast %get3A_377 : vector<1x16xf32> to vector<16xf32>
      %mul3A_379 = arith.mulf %get3A_378, %get3A_50 : vector<16xf32>
      %add3A_380 = arith.addf %mul3A_374, %mul3A_379 : vector<16xf32>
      %swap3A_381 = arith.index_cast %scan3A_42 : i32 to index
      %swap3A_382 = arith.constant 320 : index
      %swap3A_383 = tpu.vector_load %arg12[%swap3A_381, %swap3A_382] {strides = array<i32>} : memref<32x1024xf32, #tpu.memory_space<vmem>>, vector<1x16xf32>,
      %swap3A_384 = vector.shape_cast %swap3A_383 : vector<1x16xf32> to vector<16xf32>
      %swap3A_385 = vector.shape_cast %add3A_380 : vector<16xf32> to vector<1x16xf32>
      tpu.vector_store %arg12[%swap3A_381, %swap3A_382], %swap3A_385 {strides = array<i32>} : memref<32x1024xf32, #tpu.memory_space<vmem>>, vector<1x16xf32>,
      %get3A_386 = arith.index_cast %scan3A_42 : i32 to index
      %get3A_387 = arith.constant 336 : index
      %get3A_388 = tpu.vector_load %arg12[%get3A_386, %get3A_387] {strides = array<i32>} : memref<32x1024xf32, #tpu.memory_space<vmem>>, vector<1x16xf32>,
      %get3A_389 = vector.shape_cast %get3A_388 : vector<1x16xf32> to vector<16xf32>
      %mul3A_390 = arith.mulf %get3A_389, %get3A_46 : vector<16xf32>
      %get3A_391 = arith.index_cast %scan3A_42 : i32 to index
      %get3A_392 = arith.constant 336 : index
      %get3A_393 = tpu.vector_load %arg13[%get3A_391, %get3A_392] {strides = array<i32>} : memref<32x1024xf32, #tpu.memory_space<vmem>>, vector<1x16xf32>,
      %get3A_394 = vector.shape_cast %get3A_393 : vector<1x16xf32> to vector<16xf32>
      %mul3A_395 = arith.mulf %get3A_394, %get3A_50 : vector<16xf32>
      %add3A_396 = arith.addf %mul3A_390, %mul3A_395 : vector<16xf32>
      %swap3A_397 = arith.index_cast %scan3A_42 : i32 to index
      %swap3A_398 = arith.constant 336 : index
      %swap3A_399 = tpu.vector_load %arg12[%swap3A_397, %swap3A_398] {strides = array<i32>} : memref<32x1024xf32, #tpu.memory_space<vmem>>, vector<1x16xf32>,
      %swap3A_400 = vector.shape_cast %swap3A_399 : vector<1x16xf32> to vector<16xf32>
      %swap3A_401 = vector.shape_cast %add3A_396 : vector<16xf32> to vector<1x16xf32>
      tpu.vector_store %arg12[%swap3A_397, %swap3A_398], %swap3A_401 {strides = array<i32>} : memref<32x1024xf32, #tpu.memory_space<vmem>>, vector<1x16xf32>,
      %get3A_402 = arith.index_cast %scan3A_42 : i32 to index
      %get3A_403 = arith.constant 352 : index
      %get3A_404 = tpu.vector_load %arg12[%get3A_402, %get3A_403] {strides = array<i32>} : memref<32x1024xf32, #tpu.memory_space<vmem>>, vector<1x16xf32>,
      %get3A_405 = vector.shape_cast %get3A_404 : vector<1x16xf32> to vector<16xf32>
      %mul3A_406 = arith.mulf %get3A_405, %get3A_46 : vector<16xf32>
      %get3A_407 = arith.index_cast %scan3A_42 : i32 to index
      %get3A_408 = arith.constant 352 : index
      %get3A_409 = tpu.vector_load %arg13[%get3A_407, %get3A_408] {strides = array<i32>} : memref<32x1024xf32, #tpu.memory_space<vmem>>, vector<1x16xf32>,
      %get3A_410 = vector.shape_cast %get3A_409 : vector<1x16xf32> to vector<16xf32>
      %mul3A_411 = arith.mulf %get3A_410, %get3A_50 : vector<16xf32>
      %add3A_412 = arith.addf %mul3A_406, %mul3A_411 : vector<16xf32>
      %swap3A_413 = arith.index_cast %scan3A_42 : i32 to index
      %swap3A_414 = arith.constant 352 : index
      %swap3A_415 = tpu.vector_load %arg12[%swap3A_413, %swap3A_414] {strides = array<i32>} : memref<32x1024xf32, #tpu.memory_space<vmem>>, vector<1x16xf32>,
      %swap3A_416 = vector.shape_cast %swap3A_415 : vector<1x16xf32> to vector<16xf32>
      %swap3A_417 = vector.shape_cast %add3A_412 : vector<16xf32> to vector<1x16xf32>
      tpu.vector_store %arg12[%swap3A_413, %swap3A_414], %swap3A_417 {strides = array<i32>} : memref<32x1024xf32, #tpu.memory_space<vmem>>, vector<1x16xf32>,
      %get3A_418 = arith.index_cast %scan3A_42 : i32 to index
      %get3A_419 = arith.constant 368 : index
      %get3A_420 = tpu.vector_load %arg12[%get3A_418, %get3A_419] {strides = array<i32>} : memref<32x1024xf32, #tpu.memory_space<vmem>>, vector<1x16xf32>,
      %get3A_421 = vector.shape_cast %get3A_420 : vector<1x16xf32> to vector<16xf32>
      %mul3A_422 = arith.mulf %get3A_421, %get3A_46 : vector<16xf32>
      %get3A_423 = arith.index_cast %scan3A_42 : i32 to index
      %get3A_424 = arith.constant 368 : index
      %get3A_425 = tpu.vector_load %arg13[%get3A_423, %get3A_424] {strides = array<i32>} : memref<32x1024xf32, #tpu.memory_space<vmem>>, vector<1x16xf32>,
      %get3A_426 = vector.shape_cast %get3A_425 : vector<1x16xf32> to vector<16xf32>
      %mul3A_427 = arith.mulf %get3A_426, %get3A_50 : vector<16xf32>
      %add3A_428 = arith.addf %mul3A_422, %mul3A_427 : vector<16xf32>
      %swap3A_429 = arith.index_cast %scan3A_42 : i32 to index
      %swap3A_430 = arith.constant 368 : index
      %swap3A_431 = tpu.vector_load %arg12[%swap3A_429, %swap3A_430] {strides = array<i32>} : memref<32x1024xf32, #tpu.memory_space<vmem>>, vector<1x16xf32>,
      %swap3A_432 = vector.shape_cast %swap3A_431 : vector<1x16xf32> to vector<16xf32>
      %swap3A_433 = vector.shape_cast %add3A_428 : vector<16xf32> to vector<1x16xf32>
      tpu.vector_store %arg12[%swap3A_429, %swap3A_430], %swap3A_433 {strides = array<i32>} : memref<32x1024xf32, #tpu.memory_space<vmem>>, vector<1x16xf32>,
      %get3A_434 = arith.index_cast %scan3A_42 : i32 to index
      %get3A_435 = arith.constant 384 : index
      %get3A_436 = tpu.vector_load %arg12[%get3A_434, %get3A_435] {strides = array<i32>} : memref<32x1024xf32, #tpu.memory_space<vmem>>, vector<1x16xf32>,
      %get3A_437 = vector.shape_cast %get3A_436 : vector<1x16xf32> to vector<16xf32>
      %mul3A_438 = arith.mulf %get3A_437, %get3A_46 : vector<16xf32>
      %get3A_439 = arith.index_cast %scan3A_42 : i32 to index
      %get3A_440 = arith.constant 384 : index
      %get3A_441 = tpu.vector_load %arg13[%get3A_439, %get3A_440] {strides = array<i32>} : memref<32x1024xf32, #tpu.memory_space<vmem>>, vector<1x16xf32>,
      %get3A_442 = vector.shape_cast %get3A_441 : vector<1x16xf32> to vector<16xf32>
      %mul3A_443 = arith.mulf %get3A_442, %get3A_50 : vector<16xf32>
      %add3A_444 = arith.addf %mul3A_438, %mul3A_443 : vector<16xf32>
      %swap3A_445 = arith.index_cast %scan3A_42 : i32 to index
      %swap3A_446 = arith.constant 384 : index
      %swap3A_447 = tpu.vector_load %arg12[%swap3A_445, %swap3A_446] {strides = array<i32>} : memref<32x1024xf32, #tpu.memory_space<vmem>>, vector<1x16xf32>,
      %swap3A_448 = vector.shape_cast %swap3A_447 : vector<1x16xf32> to vector<16xf32>
      %swap3A_449 = vector.shape_cast %add3A_444 : vector<16xf32> to vector<1x16xf32>
      tpu.vector_store %arg12[%swap3A_445, %swap3A_446], %swap3A_449 {strides = array<i32>} : memref<32x1024xf32, #tpu.memory_space<vmem>>, vector<1x16xf32>,
      %get3A_450 = arith.index_cast %scan3A_42 : i32 to index
      %get3A_451 = arith.constant 400 : index
      %get3A_452 = tpu.vector_load %arg12[%get3A_450, %get3A_451] {strides = array<i32>} : memref<32x1024xf32, #tpu.memory_space<vmem>>, vector<1x16xf32>,
      %get3A_453 = vector.shape_cast %get3A_452 : vector<1x16xf32> to vector<16xf32>
      %mul3A_454 = arith.mulf %get3A_453, %get3A_46 : vector<16xf32>
      %get3A_455 = arith.index_cast %scan3A_42 : i32 to index
      %get3A_456 = arith.constant 400 : index
      %get3A_457 = tpu.vector_load %arg13[%get3A_455, %get3A_456] {strides = array<i32>} : memref<32x1024xf32, #tpu.memory_space<vmem>>, vector<1x16xf32>,
      %get3A_458 = vector.shape_cast %get3A_457 : vector<1x16xf32> to vector<16xf32>
      %mul3A_459 = arith.mulf %get3A_458, %get3A_50 : vector<16xf32>
      %add3A_460 = arith.addf %mul3A_454, %mul3A_459 : vector<16xf32>
      %swap3A_461 = arith.index_cast %scan3A_42 : i32 to index
      %swap3A_462 = arith.constant 400 : index
      %swap3A_463 = tpu.vector_load %arg12[%swap3A_461, %swap3A_462] {strides = array<i32>} : memref<32x1024xf32, #tpu.memory_space<vmem>>, vector<1x16xf32>,
      %swap3A_464 = vector.shape_cast %swap3A_463 : vector<1x16xf32> to vector<16xf32>
      %swap3A_465 = vector.shape_cast %add3A_460 : vector<16xf32> to vector<1x16xf32>
      tpu.vector_store %arg12[%swap3A_461, %swap3A_462], %swap3A_465 {strides = array<i32>} : memref<32x1024xf32, #tpu.memory_space<vmem>>, vector<1x16xf32>,
      %get3A_466 = arith.index_cast %scan3A_42 : i32 to index
      %get3A_467 = arith.constant 416 : index
      %get3A_468 = tpu.vector_load %arg12[%get3A_466, %get3A_467] {strides = array<i32>} : memref<32x1024xf32, #tpu.memory_space<vmem>>, vector<1x16xf32>,
      %get3A_469 = vector.shape_cast %get3A_468 : vector<1x16xf32> to vector<16xf32>
      %mul3A_470 = arith.mulf %get3A_469, %get3A_46 : vector<16xf32>
      %get3A_471 = arith.index_cast %scan3A_42 : i32 to index
      %get3A_472 = arith.constant 416 : index
      %get3A_473 = tpu.vector_load %arg13[%get3A_471, %get3A_472] {strides = array<i32>} : memref<32x1024xf32, #tpu.memory_space<vmem>>, vector<1x16xf32>,
      %get3A_474 = vector.shape_cast %get3A_473 : vector<1x16xf32> to vector<16xf32>
      %mul3A_475 = arith.mulf %get3A_474, %get3A_50 : vector<16xf32>
      %add3A_476 = arith.addf %mul3A_470, %mul3A_475 : vector<16xf32>
      %swap3A_477 = arith.index_cast %scan3A_42 : i32 to index
      %swap3A_478 = arith.constant 416 : index
      %swap3A_479 = tpu.vector_load %arg12[%swap3A_477, %swap3A_478] {strides = array<i32>} : memref<32x1024xf32, #tpu.memory_space<vmem>>, vector<1x16xf32>,
      %swap3A_480 = vector.shape_cast %swap3A_479 : vector<1x16xf32> to vector<16xf32>
      %swap3A_481 = vector.shape_cast %add3A_476 : vector<16xf32> to vector<1x16xf32>
      tpu.vector_store %arg12[%swap3A_477, %swap3A_478], %swap3A_481 {strides = array<i32>} : memref<32x1024xf32, #tpu.memory_space<vmem>>, vector<1x16xf32>,
      %get3A_482 = arith.index_cast %scan3A_42 : i32 to index
      %get3A_483 = arith.constant 432 : index
      %get3A_484 = tpu.vector_load %arg12[%get3A_482, %get3A_483] {strides = array<i32>} : memref<32x1024xf32, #tpu.memory_space<vmem>>, vector<1x16xf32>,
      %get3A_485 = vector.shape_cast %get3A_484 : vector<1x16xf32> to vector<16xf32>
      %mul3A_486 = arith.mulf %get3A_485, %get3A_46 : vector<16xf32>
      %get3A_487 = arith.index_cast %scan3A_42 : i32 to index
      %get3A_488 = arith.constant 432 : index
      %get3A_489 = tpu.vector_load %arg13[%get3A_487, %get3A_488] {strides = array<i32>} : memref<32x1024xf32, #tpu.memory_space<vmem>>, vector<1x16xf32>,
      %get3A_490 = vector.shape_cast %get3A_489 : vector<1x16xf32> to vector<16xf32>
      %mul3A_491 = arith.mulf %get3A_490, %get3A_50 : vector<16xf32>
      %add3A_492 = arith.addf %mul3A_486, %mul3A_491 : vector<16xf32>
      %swap3A_493 = arith.index_cast %scan3A_42 : i32 to index
      %swap3A_494 = arith.constant 432 : index
      %swap3A_495 = tpu.vector_load %arg12[%swap3A_493, %swap3A_494] {strides = array<i32>} : memref<32x1024xf32, #tpu.memory_space<vmem>>, vector<1x16xf32>,
      %swap3A_496 = vector.shape_cast %swap3A_495 : vector<1x16xf32> to vector<16xf32>
      %swap3A_497 = vector.shape_cast %add3A_492 : vector<16xf32> to vector<1x16xf32>
      tpu.vector_store %arg12[%swap3A_493, %swap3A_494], %swap3A_497 {strides = array<i32>} : memref<32x1024xf32, #tpu.memory_space<vmem>>, vector<1x16xf32>,
      %get3A_498 = arith.index_cast %scan3A_42 : i32 to index
      %get3A_499 = arith.constant 448 : index
      %get3A_500 = tpu.vector_load %arg12[%get3A_498, %get3A_499] {strides = array<i32>} : memref<32x1024xf32, #tpu.memory_space<vmem>>, vector<1x16xf32>,
      %get3A_501 = vector.shape_cast %get3A_500 : vector<1x16xf32> to vector<16xf32>
      %mul3A_502 = arith.mulf %get3A_501, %get3A_46 : vector<16xf32>
      %get3A_503 = arith.index_cast %scan3A_42 : i32 to index
      %get3A_504 = arith.constant 448 : index
      %get3A_505 = tpu.vector_load %arg13[%get3A_503, %get3A_504] {strides = array<i32>} : memref<32x1024xf32, #tpu.memory_space<vmem>>, vector<1x16xf32>,
      %get3A_506 = vector.shape_cast %get3A_505 : vector<1x16xf32> to vector<16xf32>
      %mul3A_507 = arith.mulf %get3A_506, %get3A_50 : vector<16xf32>
      %add3A_508 = arith.addf %mul3A_502, %mul3A_507 : vector<16xf32>
      %swap3A_509 = arith.index_cast %scan3A_42 : i32 to index
      %swap3A_510 = arith.constant 448 : index
      %swap3A_511 = tpu.vector_load %arg12[%swap3A_509, %swap3A_510] {strides = array<i32>} : memref<32x1024xf32, #tpu.memory_space<vmem>>, vector<1x16xf32>,
      %swap3A_512 = vector.shape_cast %swap3A_511 : vector<1x16xf32> to vector<16xf32>
      %swap3A_513 = vector.shape_cast %add3A_508 : vector<16xf32> to vector<1x16xf32>
      tpu.vector_store %arg12[%swap3A_509, %swap3A_510], %swap3A_513 {strides = array<i32>} : memref<32x1024xf32, #tpu.memory_space<vmem>>, vector<1x16xf32>,
      %get3A_514 = arith.index_cast %scan3A_42 : i32 to index
      %get3A_515 = arith.constant 464 : index
      %get3A_516 = tpu.vector_load %arg12[%get3A_514, %get3A_515] {strides = array<i32>} : memref<32x1024xf32, #tpu.memory_space<vmem>>, vector<1x16xf32>,
      %get3A_517 = vector.shape_cast %get3A_516 : vector<1x16xf32> to vector<16xf32>
      %mul3A_518 = arith.mulf %get3A_517, %get3A_46 : vector<16xf32>
      %get3A_519 = arith.index_cast %scan3A_42 : i32 to index
      %get3A_520 = arith.constant 464 : index
      %get3A_521 = tpu.vector_load %arg13[%get3A_519, %get3A_520] {strides = array<i32>} : memref<32x1024xf32, #tpu.memory_space<vmem>>, vector<1x16xf32>,
      %get3A_522 = vector.shape_cast %get3A_521 : vector<1x16xf32> to vector<16xf32>
      %mul3A_523 = arith.mulf %get3A_522, %get3A_50 : vector<16xf32>
      %add3A_524 = arith.addf %mul3A_518, %mul3A_523 : vector<16xf32>
      %swap3A_525 = arith.index_cast %scan3A_42 : i32 to index
      %swap3A_526 = arith.constant 464 : index
      %swap3A_527 = tpu.vector_load %arg12[%swap3A_525, %swap3A_526] {strides = array<i32>} : memref<32x1024xf32, #tpu.memory_space<vmem>>, vector<1x16xf32>,
      %swap3A_528 = vector.shape_cast %swap3A_527 : vector<1x16xf32> to vector<16xf32>
      %swap3A_529 = vector.shape_cast %add3A_524 : vector<16xf32> to vector<1x16xf32>
      tpu.vector_store %arg12[%swap3A_525, %swap3A_526], %swap3A_529 {strides = array<i32>} : memref<32x1024xf32, #tpu.memory_space<vmem>>, vector<1x16xf32>,
      %get3A_530 = arith.index_cast %scan3A_42 : i32 to index
      %get3A_531 = arith.constant 480 : index
      %get3A_532 = tpu.vector_load %arg12[%get3A_530, %get3A_531] {strides = array<i32>} : memref<32x1024xf32, #tpu.memory_space<vmem>>, vector<1x16xf32>,
      %get3A_533 = vector.shape_cast %get3A_532 : vector<1x16xf32> to vector<16xf32>
      %mul3A_534 = arith.mulf %get3A_533, %get3A_46 : vector<16xf32>
      %get3A_535 = arith.index_cast %scan3A_42 : i32 to index
      %get3A_536 = arith.constant 480 : index
      %get3A_537 = tpu.vector_load %arg13[%get3A_535, %get3A_536] {strides = array<i32>} : memref<32x1024xf32, #tpu.memory_space<vmem>>, vector<1x16xf32>,
      %get3A_538 = vector.shape_cast %get3A_537 : vector<1x16xf32> to vector<16xf32>
      %mul3A_539 = arith.mulf %get3A_538, %get3A_50 : vector<16xf32>
      %add3A_540 = arith.addf %mul3A_534, %mul3A_539 : vector<16xf32>
      %swap3A_541 = arith.index_cast %scan3A_42 : i32 to index
      %swap3A_542 = arith.constant 480 : index
      %swap3A_543 = tpu.vector_load %arg12[%swap3A_541, %swap3A_542] {strides = array<i32>} : memref<32x1024xf32, #tpu.memory_space<vmem>>, vector<1x16xf32>,
      %swap3A_544 = vector.shape_cast %swap3A_543 : vector<1x16xf32> to vector<16xf32>
      %swap3A_545 = vector.shape_cast %add3A_540 : vector<16xf32> to vector<1x16xf32>
      tpu.vector_store %arg12[%swap3A_541, %swap3A_542], %swap3A_545 {strides = array<i32>} : memref<32x1024xf32, #tpu.memory_space<vmem>>, vector<1x16xf32>,
      %get3A_546 = arith.index_cast %scan3A_42 : i32 to index
      %get3A_547 = arith.constant 496 : index
      %get3A_548 = tpu.vector_load %arg12[%get3A_546, %get3A_547] {strides = array<i32>} : memref<32x1024xf32, #tpu.memory_space<vmem>>, vector<1x16xf32>,
      %get3A_549 = vector.shape_cast %get3A_548 : vector<1x16xf32> to vector<16xf32>
      %mul3A_550 = arith.mulf %get3A_549, %get3A_46 : vector<16xf32>
      %get3A_551 = arith.index_cast %scan3A_42 : i32 to index
      %get3A_552 = arith.constant 496 : index
      %get3A_553 = tpu.vector_load %arg13[%get3A_551, %get3A_552] {strides = array<i32>} : memref<32x1024xf32, #tpu.memory_space<vmem>>, vector<1x16xf32>,
      %get3A_554 = vector.shape_cast %get3A_553 : vector<1x16xf32> to vector<16xf32>
      %mul3A_555 = arith.mulf %get3A_554, %get3A_50 : vector<16xf32>
      %add3A_556 = arith.addf %mul3A_550, %mul3A_555 : vector<16xf32>
      %swap3A_557 = arith.index_cast %scan3A_42 : i32 to index
      %swap3A_558 = arith.constant 496 : index
      %swap3A_559 = tpu.vector_load %arg12[%swap3A_557, %swap3A_558] {strides = array<i32>} : memref<32x1024xf32, #tpu.memory_space<vmem>>, vector<1x16xf32>,
      %swap3A_560 = vector.shape_cast %swap3A_559 : vector<1x16xf32> to vector<16xf32>
      %swap3A_561 = vector.shape_cast %add3A_556 : vector<16xf32> to vector<1x16xf32>
      tpu.vector_store %arg12[%swap3A_557, %swap3A_558], %swap3A_561 {strides = array<i32>} : memref<32x1024xf32, #tpu.memory_space<vmem>>, vector<1x16xf32>,
      %get3A_562 = arith.index_cast %scan3A_42 : i32 to index
      %get3A_563 = arith.constant 512 : index
      %get3A_564 = tpu.vector_load %arg12[%get3A_562, %get3A_563] {strides = array<i32>} : memref<32x1024xf32, #tpu.memory_space<vmem>>, vector<1x16xf32>,
      %get3A_565 = vector.shape_cast %get3A_564 : vector<1x16xf32> to vector<16xf32>
      %mul3A_566 = arith.mulf %get3A_565, %get3A_46 : vector<16xf32>
      %get3A_567 = arith.index_cast %scan3A_42 : i32 to index
      %get3A_568 = arith.constant 512 : index
      %get3A_569 = tpu.vector_load %arg13[%get3A_567, %get3A_568] {strides = array<i32>} : memref<32x1024xf32, #tpu.memory_space<vmem>>, vector<1x16xf32>,
      %get3A_570 = vector.shape_cast %get3A_569 : vector<1x16xf32> to vector<16xf32>
      %mul3A_571 = arith.mulf %get3A_570, %get3A_50 : vector<16xf32>
      %add3A_572 = arith.addf %mul3A_566, %mul3A_571 : vector<16xf32>
      %swap3A_573 = arith.index_cast %scan3A_42 : i32 to index
      %swap3A_574 = arith.constant 512 : index
      %swap3A_575 = tpu.vector_load %arg12[%swap3A_573, %swap3A_574] {strides = array<i32>} : memref<32x1024xf32, #tpu.memory_space<vmem>>, vector<1x16xf32>,
      %swap3A_576 = vector.shape_cast %swap3A_575 : vector<1x16xf32> to vector<16xf32>
      %swap3A_577 = vector.shape_cast %add3A_572 : vector<16xf32> to vector<1x16xf32>
      tpu.vector_store %arg12[%swap3A_573, %swap3A_574], %swap3A_577 {strides = array<i32>} : memref<32x1024xf32, #tpu.memory_space<vmem>>, vector<1x16xf32>,
      %get3A_578 = arith.index_cast %scan3A_42 : i32 to index
      %get3A_579 = arith.constant 528 : index
      %get3A_580 = tpu.vector_load %arg12[%get3A_578, %get3A_579] {strides = array<i32>} : memref<32x1024xf32, #tpu.memory_space<vmem>>, vector<1x16xf32>,
      %get3A_581 = vector.shape_cast %get3A_580 : vector<1x16xf32> to vector<16xf32>
      %mul3A_582 = arith.mulf %get3A_581, %get3A_46 : vector<16xf32>
      %get3A_583 = arith.index_cast %scan3A_42 : i32 to index
      %get3A_584 = arith.constant 528 : index
      %get3A_585 = tpu.vector_load %arg13[%get3A_583, %get3A_584] {strides = array<i32>} : memref<32x1024xf32, #tpu.memory_space<vmem>>, vector<1x16xf32>,
      %get3A_586 = vector.shape_cast %get3A_585 : vector<1x16xf32> to vector<16xf32>
      %mul3A_587 = arith.mulf %get3A_586, %get3A_50 : vector<16xf32>
      %add3A_588 = arith.addf %mul3A_582, %mul3A_587 : vector<16xf32>
      %swap3A_589 = arith.index_cast %scan3A_42 : i32 to index
      %swap3A_590 = arith.constant 528 : index
      %swap3A_591 = tpu.vector_load %arg12[%swap3A_589, %swap3A_590] {strides = array<i32>} : memref<32x1024xf32, #tpu.memory_space<vmem>>, vector<1x16xf32>,
      %swap3A_592 = vector.shape_cast %swap3A_591 : vector<1x16xf32> to vector<16xf32>
      %swap3A_593 = vector.shape_cast %add3A_588 : vector<16xf32> to vector<1x16xf32>
      tpu.vector_store %arg12[%swap3A_589, %swap3A_590], %swap3A_593 {strides = array<i32>} : memref<32x1024xf32, #tpu.memory_space<vmem>>, vector<1x16xf32>,
      %get3A_594 = arith.index_cast %scan3A_42 : i32 to index
      %get3A_595 = arith.constant 544 : index
      %get3A_596 = tpu.vector_load %arg12[%get3A_594, %get3A_595] {strides = array<i32>} : memref<32x1024xf32, #tpu.memory_space<vmem>>, vector<1x16xf32>,
      %get3A_597 = vector.shape_cast %get3A_596 : vector<1x16xf32> to vector<16xf32>
      %mul3A_598 = arith.mulf %get3A_597, %get3A_46 : vector<16xf32>
      %get3A_599 = arith.index_cast %scan3A_42 : i32 to index
      %get3A_600 = arith.constant 544 : index
      %get3A_601 = tpu.vector_load %arg13[%get3A_599, %get3A_600] {strides = array<i32>} : memref<32x1024xf32, #tpu.memory_space<vmem>>, vector<1x16xf32>,
      %get3A_602 = vector.shape_cast %get3A_601 : vector<1x16xf32> to vector<16xf32>
      %mul3A_603 = arith.mulf %get3A_602, %get3A_50 : vector<16xf32>
      %add3A_604 = arith.addf %mul3A_598, %mul3A_603 : vector<16xf32>
      %swap3A_605 = arith.index_cast %scan3A_42 : i32 to index
      %swap3A_606 = arith.constant 544 : index
      %swap3A_607 = tpu.vector_load %arg12[%swap3A_605, %swap3A_606] {strides = array<i32>} : memref<32x1024xf32, #tpu.memory_space<vmem>>, vector<1x16xf32>,
      %swap3A_608 = vector.shape_cast %swap3A_607 : vector<1x16xf32> to vector<16xf32>
      %swap3A_609 = vector.shape_cast %add3A_604 : vector<16xf32> to vector<1x16xf32>
      tpu.vector_store %arg12[%swap3A_605, %swap3A_606], %swap3A_609 {strides = array<i32>} : memref<32x1024xf32, #tpu.memory_space<vmem>>, vector<1x16xf32>,
      %get3A_610 = arith.index_cast %scan3A_42 : i32 to index
      %get3A_611 = arith.constant 560 : index
      %get3A_612 = tpu.vector_load %arg12[%get3A_610, %get3A_611] {strides = array<i32>} : memref<32x1024xf32, #tpu.memory_space<vmem>>, vector<1x16xf32>,
      %get3A_613 = vector.shape_cast %get3A_612 : vector<1x16xf32> to vector<16xf32>
      %mul3A_614 = arith.mulf %get3A_613, %get3A_46 : vector<16xf32>
      %get3A_615 = arith.index_cast %scan3A_42 : i32 to index
      %get3A_616 = arith.constant 560 : index
      %get3A_617 = tpu.vector_load %arg13[%get3A_615, %get3A_616] {strides = array<i32>} : memref<32x1024xf32, #tpu.memory_space<vmem>>, vector<1x16xf32>,
      %get3A_618 = vector.shape_cast %get3A_617 : vector<1x16xf32> to vector<16xf32>
      %mul3A_619 = arith.mulf %get3A_618, %get3A_50 : vector<16xf32>
      %add3A_620 = arith.addf %mul3A_614, %mul3A_619 : vector<16xf32>
      %swap3A_621 = arith.index_cast %scan3A_42 : i32 to index
      %swap3A_622 = arith.constant 560 : index
      %swap3A_623 = tpu.vector_load %arg12[%swap3A_621, %swap3A_622] {strides = array<i32>} : memref<32x1024xf32, #tpu.memory_space<vmem>>, vector<1x16xf32>,
      %swap3A_624 = vector.shape_cast %swap3A_623 : vector<1x16xf32> to vector<16xf32>
      %swap3A_625 = vector.shape_cast %add3A_620 : vector<16xf32> to vector<1x16xf32>
      tpu.vector_store %arg12[%swap3A_621, %swap3A_622], %swap3A_625 {strides = array<i32>} : memref<32x1024xf32, #tpu.memory_space<vmem>>, vector<1x16xf32>,
      %get3A_626 = arith.index_cast %scan3A_42 : i32 to index
      %get3A_627 = arith.constant 576 : index
      %get3A_628 = tpu.vector_load %arg12[%get3A_626, %get3A_627] {strides = array<i32>} : memref<32x1024xf32, #tpu.memory_space<vmem>>, vector<1x16xf32>,
      %get3A_629 = vector.shape_cast %get3A_628 : vector<1x16xf32> to vector<16xf32>
      %mul3A_630 = arith.mulf %get3A_629, %get3A_46 : vector<16xf32>
      %get3A_631 = arith.index_cast %scan3A_42 : i32 to index
      %get3A_632 = arith.constant 576 : index
      %get3A_633 = tpu.vector_load %arg13[%get3A_631, %get3A_632] {strides = array<i32>} : memref<32x1024xf32, #tpu.memory_space<vmem>>, vector<1x16xf32>,
      %get3A_634 = vector.shape_cast %get3A_633 : vector<1x16xf32> to vector<16xf32>
      %mul3A_635 = arith.mulf %get3A_634, %get3A_50 : vector<16xf32>
      %add3A_636 = arith.addf %mul3A_630, %mul3A_635 : vector<16xf32>
      %swap3A_637 = arith.index_cast %scan3A_42 : i32 to index
      %swap3A_638 = arith.constant 576 : index
      %swap3A_639 = tpu.vector_load %arg12[%swap3A_637, %swap3A_638] {strides = array<i32>} : memref<32x1024xf32, #tpu.memory_space<vmem>>, vector<1x16xf32>,
      %swap3A_640 = vector.shape_cast %swap3A_639 : vector<1x16xf32> to vector<16xf32>
      %swap3A_641 = vector.shape_cast %add3A_636 : vector<16xf32> to vector<1x16xf32>
      tpu.vector_store %arg12[%swap3A_637, %swap3A_638], %swap3A_641 {strides = array<i32>} : memref<32x1024xf32, #tpu.memory_space<vmem>>, vector<1x16xf32>,
      %get3A_642 = arith.index_cast %scan3A_42 : i32 to index
      %get3A_643 = arith.constant 592 : index
      %get3A_644 = tpu.vector_load %arg12[%get3A_642, %get3A_643] {strides = array<i32>} : memref<32x1024xf32, #tpu.memory_space<vmem>>, vector<1x16xf32>,
      %get3A_645 = vector.shape_cast %get3A_644 : vector<1x16xf32> to vector<16xf32>
      %mul3A_646 = arith.mulf %get3A_645, %get3A_46 : vector<16xf32>
      %get3A_647 = arith.index_cast %scan3A_42 : i32 to index
      %get3A_648 = arith.constant 592 : index
      %get3A_649 = tpu.vector_load %arg13[%get3A_647, %get3A_648] {strides = array<i32>} : memref<32x1024xf32, #tpu.memory_space<vmem>>, vector<1x16xf32>,
      %get3A_650 = vector.shape_cast %get3A_649 : vector<1x16xf32> to vector<16xf32>
      %mul3A_651 = arith.mulf %get3A_650, %get3A_50 : vector<16xf32>
      %add3A_652 = arith.addf %mul3A_646, %mul3A_651 : vector<16xf32>
      %swap3A_653 = arith.index_cast %scan3A_42 : i32 to index
      %swap3A_654 = arith.constant 592 : index
      %swap3A_655 = tpu.vector_load %arg12[%swap3A_653, %swap3A_654] {strides = array<i32>} : memref<32x1024xf32, #tpu.memory_space<vmem>>, vector<1x16xf32>,
      %swap3A_656 = vector.shape_cast %swap3A_655 : vector<1x16xf32> to vector<16xf32>
      %swap3A_657 = vector.shape_cast %add3A_652 : vector<16xf32> to vector<1x16xf32>
      tpu.vector_store %arg12[%swap3A_653, %swap3A_654], %swap3A_657 {strides = array<i32>} : memref<32x1024xf32, #tpu.memory_space<vmem>>, vector<1x16xf32>,
      %get3A_658 = arith.index_cast %scan3A_42 : i32 to index
      %get3A_659 = arith.constant 608 : index
      %get3A_660 = tpu.vector_load %arg12[%get3A_658, %get3A_659] {strides = array<i32>} : memref<32x1024xf32, #tpu.memory_space<vmem>>, vector<1x16xf32>,
      %get3A_661 = vector.shape_cast %get3A_660 : vector<1x16xf32> to vector<16xf32>
      %mul3A_662 = arith.mulf %get3A_661, %get3A_46 : vector<16xf32>
      %get3A_663 = arith.index_cast %scan3A_42 : i32 to index
      %get3A_664 = arith.constant 608 : index
      %get3A_665 = tpu.vector_load %arg13[%get3A_663, %get3A_664] {strides = array<i32>} : memref<32x1024xf32, #tpu.memory_space<vmem>>, vector<1x16xf32>,
      %get3A_666 = vector.shape_cast %get3A_665 : vector<1x16xf32> to vector<16xf32>
      %mul3A_667 = arith.mulf %get3A_666, %get3A_50 : vector<16xf32>
      %add3A_668 = arith.addf %mul3A_662, %mul3A_667 : vector<16xf32>
      %swap3A_669 = arith.index_cast %scan3A_42 : i32 to index
      %swap3A_670 = arith.constant 608 : index
      %swap3A_671 = tpu.vector_load %arg12[%swap3A_669, %swap3A_670] {strides = array<i32>} : memref<32x1024xf32, #tpu.memory_space<vmem>>, vector<1x16xf32>,
      %swap3A_672 = vector.shape_cast %swap3A_671 : vector<1x16xf32> to vector<16xf32>
      %swap3A_673 = vector.shape_cast %add3A_668 : vector<16xf32> to vector<1x16xf32>
      tpu.vector_store %arg12[%swap3A_669, %swap3A_670], %swap3A_673 {strides = array<i32>} : memref<32x1024xf32, #tpu.memory_space<vmem>>, vector<1x16xf32>,
      %get3A_674 = arith.index_cast %scan3A_42 : i32 to index
      %get3A_675 = arith.constant 624 : index
      %get3A_676 = tpu.vector_load %arg12[%get3A_674, %get3A_675] {strides = array<i32>} : memref<32x1024xf32, #tpu.memory_space<vmem>>, vector<1x16xf32>,
      %get3A_677 = vector.shape_cast %get3A_676 : vector<1x16xf32> to vector<16xf32>
      %mul3A_678 = arith.mulf %get3A_677, %get3A_46 : vector<16xf32>
      %get3A_679 = arith.index_cast %scan3A_42 : i32 to index
      %get3A_680 = arith.constant 624 : index
      %get3A_681 = tpu.vector_load %arg13[%get3A_679, %get3A_680] {strides = array<i32>} : memref<32x1024xf32, #tpu.memory_space<vmem>>, vector<1x16xf32>,
      %get3A_682 = vector.shape_cast %get3A_681 : vector<1x16xf32> to vector<16xf32>
      %mul3A_683 = arith.mulf %get3A_682, %get3A_50 : vector<16xf32>
      %add3A_684 = arith.addf %mul3A_678, %mul3A_683 : vector<16xf32>
      %swap3A_685 = arith.index_cast %scan3A_42 : i32 to index
      %swap3A_686 = arith.constant 624 : index
      %swap3A_687 = tpu.vector_load %arg12[%swap3A_685, %swap3A_686] {strides = array<i32>} : memref<32x1024xf32, #tpu.memory_space<vmem>>, vector<1x16xf32>,
      %swap3A_688 = vector.shape_cast %swap3A_687 : vector<1x16xf32> to vector<16xf32>
      %swap3A_689 = vector.shape_cast %add3A_684 : vector<16xf32> to vector<1x16xf32>
      tpu.vector_store %arg12[%swap3A_685, %swap3A_686], %swap3A_689 {strides = array<i32>} : memref<32x1024xf32, #tpu.memory_space<vmem>>, vector<1x16xf32>,
      %get3A_690 = arith.index_cast %scan3A_42 : i32 to index
      %get3A_691 = arith.constant 640 : index
      %get3A_692 = tpu.vector_load %arg12[%get3A_690, %get3A_691] {strides = array<i32>} : memref<32x1024xf32, #tpu.memory_space<vmem>>, vector<1x16xf32>,
      %get3A_693 = vector.shape_cast %get3A_692 : vector<1x16xf32> to vector<16xf32>
      %mul3A_694 = arith.mulf %get3A_693, %get3A_46 : vector<16xf32>
      %get3A_695 = arith.index_cast %scan3A_42 : i32 to index
      %get3A_696 = arith.constant 640 : index
      %get3A_697 = tpu.vector_load %arg13[%get3A_695, %get3A_696] {strides = array<i32>} : memref<32x1024xf32, #tpu.memory_space<vmem>>, vector<1x16xf32>,
      %get3A_698 = vector.shape_cast %get3A_697 : vector<1x16xf32> to vector<16xf32>
      %mul3A_699 = arith.mulf %get3A_698, %get3A_50 : vector<16xf32>
      %add3A_700 = arith.addf %mul3A_694, %mul3A_699 : vector<16xf32>
      %swap3A_701 = arith.index_cast %scan3A_42 : i32 to index
      %swap3A_702 = arith.constant 640 : index
      %swap3A_703 = tpu.vector_load %arg12[%swap3A_701, %swap3A_702] {strides = array<i32>} : memref<32x1024xf32, #tpu.memory_space<vmem>>, vector<1x16xf32>,
      %swap3A_704 = vector.shape_cast %swap3A_703 : vector<1x16xf32> to vector<16xf32>
      %swap3A_705 = vector.shape_cast %add3A_700 : vector<16xf32> to vector<1x16xf32>
      tpu.vector_store %arg12[%swap3A_701, %swap3A_702], %swap3A_705 {strides = array<i32>} : memref<32x1024xf32, #tpu.memory_space<vmem>>, vector<1x16xf32>,
      %get3A_706 = arith.index_cast %scan3A_42 : i32 to index
      %get3A_707 = arith.constant 656 : index
      %get3A_708 = tpu.vector_load %arg12[%get3A_706, %get3A_707] {strides = array<i32>} : memref<32x1024xf32, #tpu.memory_space<vmem>>, vector<1x16xf32>,
      %get3A_709 = vector.shape_cast %get3A_708 : vector<1x16xf32> to vector<16xf32>
      %mul3A_710 = arith.mulf %get3A_709, %get3A_46 : vector<16xf32>
      %get3A_711 = arith.index_cast %scan3A_42 : i32 to index
      %get3A_712 = arith.constant 656 : index
      %get3A_713 = tpu.vector_load %arg13[%get3A_711, %get3A_712] {strides = array<i32>} : memref<32x1024xf32, #tpu.memory_space<vmem>>, vector<1x16xf32>,
      %get3A_714 = vector.shape_cast %get3A_713 : vector<1x16xf32> to vector<16xf32>
      %mul3A_715 = arith.mulf %get3A_714, %get3A_50 : vector<16xf32>
      %add3A_716 = arith.addf %mul3A_710, %mul3A_715 : vector<16xf32>
      %swap3A_717 = arith.index_cast %scan3A_42 : i32 to index
      %swap3A_718 = arith.constant 656 : index
      %swap3A_719 = tpu.vector_load %arg12[%swap3A_717, %swap3A_718] {strides = array<i32>} : memref<32x1024xf32, #tpu.memory_space<vmem>>, vector<1x16xf32>,
      %swap3A_720 = vector.shape_cast %swap3A_719 : vector<1x16xf32> to vector<16xf32>
      %swap3A_721 = vector.shape_cast %add3A_716 : vector<16xf32> to vector<1x16xf32>
      tpu.vector_store %arg12[%swap3A_717, %swap3A_718], %swap3A_721 {strides = array<i32>} : memref<32x1024xf32, #tpu.memory_space<vmem>>, vector<1x16xf32>,
      %get3A_722 = arith.index_cast %scan3A_42 : i32 to index
      %get3A_723 = arith.constant 672 : index
      %get3A_724 = tpu.vector_load %arg12[%get3A_722, %get3A_723] {strides = array<i32>} : memref<32x1024xf32, #tpu.memory_space<vmem>>, vector<1x16xf32>,
      %get3A_725 = vector.shape_cast %get3A_724 : vector<1x16xf32> to vector<16xf32>
      %mul3A_726 = arith.mulf %get3A_725, %get3A_46 : vector<16xf32>
      %get3A_727 = arith.index_cast %scan3A_42 : i32 to index
      %get3A_728 = arith.constant 672 : index
      %get3A_729 = tpu.vector_load %arg13[%get3A_727, %get3A_728] {strides = array<i32>} : memref<32x1024xf32, #tpu.memory_space<vmem>>, vector<1x16xf32>,
      %get3A_730 = vector.shape_cast %get3A_729 : vector<1x16xf32> to vector<16xf32>
      %mul3A_731 = arith.mulf %get3A_730, %get3A_50 : vector<16xf32>
      %add3A_732 = arith.addf %mul3A_726, %mul3A_731 : vector<16xf32>
      %swap3A_733 = arith.index_cast %scan3A_42 : i32 to index
      %swap3A_734 = arith.constant 672 : index
      %swap3A_735 = tpu.vector_load %arg12[%swap3A_733, %swap3A_734] {strides = array<i32>} : memref<32x1024xf32, #tpu.memory_space<vmem>>, vector<1x16xf32>,
      %swap3A_736 = vector.shape_cast %swap3A_735 : vector<1x16xf32> to vector<16xf32>
      %swap3A_737 = vector.shape_cast %add3A_732 : vector<16xf32> to vector<1x16xf32>
      tpu.vector_store %arg12[%swap3A_733, %swap3A_734], %swap3A_737 {strides = array<i32>} : memref<32x1024xf32, #tpu.memory_space<vmem>>, vector<1x16xf32>,
      %get3A_738 = arith.index_cast %scan3A_42 : i32 to index
      %get3A_739 = arith.constant 688 : index
      %get3A_740 = tpu.vector_load %arg12[%get3A_738, %get3A_739] {strides = array<i32>} : memref<32x1024xf32, #tpu.memory_space<vmem>>, vector<1x16xf32>,
      %get3A_741 = vector.shape_cast %get3A_740 : vector<1x16xf32> to vector<16xf32>
      %mul3A_742 = arith.mulf %get3A_741, %get3A_46 : vector<16xf32>
      %get3A_743 = arith.index_cast %scan3A_42 : i32 to index
      %get3A_744 = arith.constant 688 : index
      %get3A_745 = tpu.vector_load %arg13[%get3A_743, %get3A_744] {strides = array<i32>} : memref<32x1024xf32, #tpu.memory_space<vmem>>, vector<1x16xf32>,
      %get3A_746 = vector.shape_cast %get3A_745 : vector<1x16xf32> to vector<16xf32>
      %mul3A_747 = arith.mulf %get3A_746, %get3A_50 : vector<16xf32>
      %add3A_748 = arith.addf %mul3A_742, %mul3A_747 : vector<16xf32>
      %swap3A_749 = arith.index_cast %scan3A_42 : i32 to index
      %swap3A_750 = arith.constant 688 : index
      %swap3A_751 = tpu.vector_load %arg12[%swap3A_749, %swap3A_750] {strides = array<i32>} : memref<32x1024xf32, #tpu.memory_space<vmem>>, vector<1x16xf32>,
      %swap3A_752 = vector.shape_cast %swap3A_751 : vector<1x16xf32> to vector<16xf32>
      %swap3A_753 = vector.shape_cast %add3A_748 : vector<16xf32> to vector<1x16xf32>
      tpu.vector_store %arg12[%swap3A_749, %swap3A_750], %swap3A_753 {strides = array<i32>} : memref<32x1024xf32, #tpu.memory_space<vmem>>, vector<1x16xf32>,
      %get3A_754 = arith.index_cast %scan3A_42 : i32 to index
      %get3A_755 = arith.constant 704 : index
      %get3A_756 = tpu.vector_load %arg12[%get3A_754, %get3A_755] {strides = array<i32>} : memref<32x1024xf32, #tpu.memory_space<vmem>>, vector<1x16xf32>,
      %get3A_757 = vector.shape_cast %get3A_756 : vector<1x16xf32> to vector<16xf32>
      %mul3A_758 = arith.mulf %get3A_757, %get3A_46 : vector<16xf32>
      %get3A_759 = arith.index_cast %scan3A_42 : i32 to index
      %get3A_760 = arith.constant 704 : index
      %get3A_761 = tpu.vector_load %arg13[%get3A_759, %get3A_760] {strides = array<i32>} : memref<32x1024xf32, #tpu.memory_space<vmem>>, vector<1x16xf32>,
      %get3A_762 = vector.shape_cast %get3A_761 : vector<1x16xf32> to vector<16xf32>
      %mul3A_763 = arith.mulf %get3A_762, %get3A_50 : vector<16xf32>
      %add3A_764 = arith.addf %mul3A_758, %mul3A_763 : vector<16xf32>
      %swap3A_765 = arith.index_cast %scan3A_42 : i32 to index
      %swap3A_766 = arith.constant 704 : index
      %swap3A_767 = tpu.vector_load %arg12[%swap3A_765, %swap3A_766] {strides = array<i32>} : memref<32x1024xf32, #tpu.memory_space<vmem>>, vector<1x16xf32>,
      %swap3A_768 = vector.shape_cast %swap3A_767 : vector<1x16xf32> to vector<16xf32>
      %swap3A_769 = vector.shape_cast %add3A_764 : vector<16xf32> to vector<1x16xf32>
      tpu.vector_store %arg12[%swap3A_765, %swap3A_766], %swap3A_769 {strides = array<i32>} : memref<32x1024xf32, #tpu.memory_space<vmem>>, vector<1x16xf32>,
      %get3A_770 = arith.index_cast %scan3A_42 : i32 to index
      %get3A_771 = arith.constant 720 : index
      %get3A_772 = tpu.vector_load %arg12[%get3A_770, %get3A_771] {strides = array<i32>} : memref<32x1024xf32, #tpu.memory_space<vmem>>, vector<1x16xf32>,
      %get3A_773 = vector.shape_cast %get3A_772 : vector<1x16xf32> to vector<16xf32>
      %mul3A_774 = arith.mulf %get3A_773, %get3A_46 : vector<16xf32>
      %get3A_775 = arith.index_cast %scan3A_42 : i32 to index
      %get3A_776 = arith.constant 720 : index
      %get3A_777 = tpu.vector_load %arg13[%get3A_775, %get3A_776] {strides = array<i32>} : memref<32x1024xf32, #tpu.memory_space<vmem>>, vector<1x16xf32>,
      %get3A_778 = vector.shape_cast %get3A_777 : vector<1x16xf32> to vector<16xf32>
      %mul3A_779 = arith.mulf %get3A_778, %get3A_50 : vector<16xf32>
      %add3A_780 = arith.addf %mul3A_774, %mul3A_779 : vector<16xf32>
      %swap3A_781 = arith.index_cast %scan3A_42 : i32 to index
      %swap3A_782 = arith.constant 720 : index
      %swap3A_783 = tpu.vector_load %arg12[%swap3A_781, %swap3A_782] {strides = array<i32>} : memref<32x1024xf32, #tpu.memory_space<vmem>>, vector<1x16xf32>,
      %swap3A_784 = vector.shape_cast %swap3A_783 : vector<1x16xf32> to vector<16xf32>
      %swap3A_785 = vector.shape_cast %add3A_780 : vector<16xf32> to vector<1x16xf32>
      tpu.vector_store %arg12[%swap3A_781, %swap3A_782], %swap3A_785 {strides = array<i32>} : memref<32x1024xf32, #tpu.memory_space<vmem>>, vector<1x16xf32>,
      %get3A_786 = arith.index_cast %scan3A_42 : i32 to index
      %get3A_787 = arith.constant 736 : index
      %get3A_788 = tpu.vector_load %arg12[%get3A_786, %get3A_787] {strides = array<i32>} : memref<32x1024xf32, #tpu.memory_space<vmem>>, vector<1x16xf32>,
      %get3A_789 = vector.shape_cast %get3A_788 : vector<1x16xf32> to vector<16xf32>
      %mul3A_790 = arith.mulf %get3A_789, %get3A_46 : vector<16xf32>
      %get3A_791 = arith.index_cast %scan3A_42 : i32 to index
      %get3A_792 = arith.constant 736 : index
      %get3A_793 = tpu.vector_load %arg13[%get3A_791, %get3A_792] {strides = array<i32>} : memref<32x1024xf32, #tpu.memory_space<vmem>>, vector<1x16xf32>,
      %get3A_794 = vector.shape_cast %get3A_793 : vector<1x16xf32> to vector<16xf32>
      %mul3A_795 = arith.mulf %get3A_794, %get3A_50 : vector<16xf32>
      %add3A_796 = arith.addf %mul3A_790, %mul3A_795 : vector<16xf32>
      %swap3A_797 = arith.index_cast %scan3A_42 : i32 to index
      %swap3A_798 = arith.constant 736 : index
      %swap3A_799 = tpu.vector_load %arg12[%swap3A_797, %swap3A_798] {strides = array<i32>} : memref<32x1024xf32, #tpu.memory_space<vmem>>, vector<1x16xf32>,
      %swap3A_800 = vector.shape_cast %swap3A_799 : vector<1x16xf32> to vector<16xf32>
      %swap3A_801 = vector.shape_cast %add3A_796 : vector<16xf32> to vector<1x16xf32>
      tpu.vector_store %arg12[%swap3A_797, %swap3A_798], %swap3A_801 {strides = array<i32>} : memref<32x1024xf32, #tpu.memory_space<vmem>>, vector<1x16xf32>,
      %get3A_802 = arith.index_cast %scan3A_42 : i32 to index
      %get3A_803 = arith.constant 752 : index
      %get3A_804 = tpu.vector_load %arg12[%get3A_802, %get3A_803] {strides = array<i32>} : memref<32x1024xf32, #tpu.memory_space<vmem>>, vector<1x16xf32>,
      %get3A_805 = vector.shape_cast %get3A_804 : vector<1x16xf32> to vector<16xf32>
      %mul3A_806 = arith.mulf %get3A_805, %get3A_46 : vector<16xf32>
      %get3A_807 = arith.index_cast %scan3A_42 : i32 to index
      %get3A_808 = arith.constant 752 : index
      %get3A_809 = tpu.vector_load %arg13[%get3A_807, %get3A_808] {strides = array<i32>} : memref<32x1024xf32, #tpu.memory_space<vmem>>, vector<1x16xf32>,
      %get3A_810 = vector.shape_cast %get3A_809 : vector<1x16xf32> to vector<16xf32>
      %mul3A_811 = arith.mulf %get3A_810, %get3A_50 : vector<16xf32>
      %add3A_812 = arith.addf %mul3A_806, %mul3A_811 : vector<16xf32>
      %swap3A_813 = arith.index_cast %scan3A_42 : i32 to index
      %swap3A_814 = arith.constant 752 : index
      %swap3A_815 = tpu.vector_load %arg12[%swap3A_813, %swap3A_814] {strides = array<i32>} : memref<32x1024xf32, #tpu.memory_space<vmem>>, vector<1x16xf32>,
      %swap3A_816 = vector.shape_cast %swap3A_815 : vector<1x16xf32> to vector<16xf32>
      %swap3A_817 = vector.shape_cast %add3A_812 : vector<16xf32> to vector<1x16xf32>
      tpu.vector_store %arg12[%swap3A_813, %swap3A_814], %swap3A_817 {strides = array<i32>} : memref<32x1024xf32, #tpu.memory_space<vmem>>, vector<1x16xf32>,
      %get3A_818 = arith.index_cast %scan3A_42 : i32 to index
      %get3A_819 = arith.constant 768 : index
      %get3A_820 = tpu.vector_load %arg12[%get3A_818, %get3A_819] {strides = array<i32>} : memref<32x1024xf32, #tpu.memory_space<vmem>>, vector<1x16xf32>,
      %get3A_821 = vector.shape_cast %get3A_820 : vector<1x16xf32> to vector<16xf32>
      %mul3A_822 = arith.mulf %get3A_821, %get3A_46 : vector<16xf32>
      %get3A_823 = arith.index_cast %scan3A_42 : i32 to index
      %get3A_824 = arith.constant 768 : index
      %get3A_825 = tpu.vector_load %arg13[%get3A_823, %get3A_824] {strides = array<i32>} : memref<32x1024xf32, #tpu.memory_space<vmem>>, vector<1x16xf32>,
      %get3A_826 = vector.shape_cast %get3A_825 : vector<1x16xf32> to vector<16xf32>
      %mul3A_827 = arith.mulf %get3A_826, %get3A_50 : vector<16xf32>
      %add3A_828 = arith.addf %mul3A_822, %mul3A_827 : vector<16xf32>
      %swap3A_829 = arith.index_cast %scan3A_42 : i32 to index
      %swap3A_830 = arith.constant 768 : index
      %swap3A_831 = tpu.vector_load %arg12[%swap3A_829, %swap3A_830] {strides = array<i32>} : memref<32x1024xf32, #tpu.memory_space<vmem>>, vector<1x16xf32>,
      %swap3A_832 = vector.shape_cast %swap3A_831 : vector<1x16xf32> to vector<16xf32>
      %swap3A_833 = vector.shape_cast %add3A_828 : vector<16xf32> to vector<1x16xf32>
      tpu.vector_store %arg12[%swap3A_829, %swap3A_830], %swap3A_833 {strides = array<i32>} : memref<32x1024xf32, #tpu.memory_space<vmem>>, vector<1x16xf32>,
      %get3A_834 = arith.index_cast %scan3A_42 : i32 to index
      %get3A_835 = arith.constant 784 : index
      %get3A_836 = tpu.vector_load %arg12[%get3A_834, %get3A_835] {strides = array<i32>} : memref<32x1024xf32, #tpu.memory_space<vmem>>, vector<1x16xf32>,
      %get3A_837 = vector.shape_cast %get3A_836 : vector<1x16xf32> to vector<16xf32>
      %mul3A_838 = arith.mulf %get3A_837, %get3A_46 : vector<16xf32>
      %get3A_839 = arith.index_cast %scan3A_42 : i32 to index
      %get3A_840 = arith.constant 784 : index
      %get3A_841 = tpu.vector_load %arg13[%get3A_839, %get3A_840] {strides = array<i32>} : memref<32x1024xf32, #tpu.memory_space<vmem>>, vector<1x16xf32>,
      %get3A_842 = vector.shape_cast %get3A_841 : vector<1x16xf32> to vector<16xf32>
      %mul3A_843 = arith.mulf %get3A_842, %get3A_50 : vector<16xf32>
      %add3A_844 = arith.addf %mul3A_838, %mul3A_843 : vector<16xf32>
      %swap3A_845 = arith.index_cast %scan3A_42 : i32 to index
      %swap3A_846 = arith.constant 784 : index
      %swap3A_847 = tpu.vector_load %arg12[%swap3A_845, %swap3A_846] {strides = array<i32>} : memref<32x1024xf32, #tpu.memory_space<vmem>>, vector<1x16xf32>,
      %swap3A_848 = vector.shape_cast %swap3A_847 : vector<1x16xf32> to vector<16xf32>
      %swap3A_849 = vector.shape_cast %add3A_844 : vector<16xf32> to vector<1x16xf32>
      tpu.vector_store %arg12[%swap3A_845, %swap3A_846], %swap3A_849 {strides = array<i32>} : memref<32x1024xf32, #tpu.memory_space<vmem>>, vector<1x16xf32>,
      %get3A_850 = arith.index_cast %scan3A_42 : i32 to index
      %get3A_851 = arith.constant 800 : index
      %get3A_852 = tpu.vector_load %arg12[%get3A_850, %get3A_851] {strides = array<i32>} : memref<32x1024xf32, #tpu.memory_space<vmem>>, vector<1x16xf32>,
      %get3A_853 = vector.shape_cast %get3A_852 : vector<1x16xf32> to vector<16xf32>
      %mul3A_854 = arith.mulf %get3A_853, %get3A_46 : vector<16xf32>
      %get3A_855 = arith.index_cast %scan3A_42 : i32 to index
      %get3A_856 = arith.constant 800 : index
      %get3A_857 = tpu.vector_load %arg13[%get3A_855, %get3A_856] {strides = array<i32>} : memref<32x1024xf32, #tpu.memory_space<vmem>>, vector<1x16xf32>,
      %get3A_858 = vector.shape_cast %get3A_857 : vector<1x16xf32> to vector<16xf32>
      %mul3A_859 = arith.mulf %get3A_858, %get3A_50 : vector<16xf32>
      %add3A_860 = arith.addf %mul3A_854, %mul3A_859 : vector<16xf32>
      %swap3A_861 = arith.index_cast %scan3A_42 : i32 to index
      %swap3A_862 = arith.constant 800 : index
      %swap3A_863 = tpu.vector_load %arg12[%swap3A_861, %swap3A_862] {strides = array<i32>} : memref<32x1024xf32, #tpu.memory_space<vmem>>, vector<1x16xf32>,
      %swap3A_864 = vector.shape_cast %swap3A_863 : vector<1x16xf32> to vector<16xf32>
      %swap3A_865 = vector.shape_cast %add3A_860 : vector<16xf32> to vector<1x16xf32>
      tpu.vector_store %arg12[%swap3A_861, %swap3A_862], %swap3A_865 {strides = array<i32>} : memref<32x1024xf32, #tpu.memory_space<vmem>>, vector<1x16xf32>,
      %get3A_866 = arith.index_cast %scan3A_42 : i32 to index
      %get3A_867 = arith.constant 816 : index
      %get3A_868 = tpu.vector_load %arg12[%get3A_866, %get3A_867] {strides = array<i32>} : memref<32x1024xf32, #tpu.memory_space<vmem>>, vector<1x16xf32>,
      %get3A_869 = vector.shape_cast %get3A_868 : vector<1x16xf32> to vector<16xf32>
      %mul3A_870 = arith.mulf %get3A_869, %get3A_46 : vector<16xf32>
      %get3A_871 = arith.index_cast %scan3A_42 : i32 to index
      %get3A_872 = arith.constant 816 : index
      %get3A_873 = tpu.vector_load %arg13[%get3A_871, %get3A_872] {strides = array<i32>} : memref<32x1024xf32, #tpu.memory_space<vmem>>, vector<1x16xf32>,
      %get3A_874 = vector.shape_cast %get3A_873 : vector<1x16xf32> to vector<16xf32>
      %mul3A_875 = arith.mulf %get3A_874, %get3A_50 : vector<16xf32>
      %add3A_876 = arith.addf %mul3A_870, %mul3A_875 : vector<16xf32>
      %swap3A_877 = arith.index_cast %scan3A_42 : i32 to index
      %swap3A_878 = arith.constant 816 : index
      %swap3A_879 = tpu.vector_load %arg12[%swap3A_877, %swap3A_878] {strides = array<i32>} : memref<32x1024xf32, #tpu.memory_space<vmem>>, vector<1x16xf32>,
      %swap3A_880 = vector.shape_cast %swap3A_879 : vector<1x16xf32> to vector<16xf32>
      %swap3A_881 = vector.shape_cast %add3A_876 : vector<16xf32> to vector<1x16xf32>
      tpu.vector_store %arg12[%swap3A_877, %swap3A_878], %swap3A_881 {strides = array<i32>} : memref<32x1024xf32, #tpu.memory_space<vmem>>, vector<1x16xf32>,
      %get3A_882 = arith.index_cast %scan3A_42 : i32 to index
      %get3A_883 = arith.constant 832 : index
      %get3A_884 = tpu.vector_load %arg12[%get3A_882, %get3A_883] {strides = array<i32>} : memref<32x1024xf32, #tpu.memory_space<vmem>>, vector<1x16xf32>,
      %get3A_885 = vector.shape_cast %get3A_884 : vector<1x16xf32> to vector<16xf32>
      %mul3A_886 = arith.mulf %get3A_885, %get3A_46 : vector<16xf32>
      %get3A_887 = arith.index_cast %scan3A_42 : i32 to index
      %get3A_888 = arith.constant 832 : index
      %get3A_889 = tpu.vector_load %arg13[%get3A_887, %get3A_888] {strides = array<i32>} : memref<32x1024xf32, #tpu.memory_space<vmem>>, vector<1x16xf32>,
      %get3A_890 = vector.shape_cast %get3A_889 : vector<1x16xf32> to vector<16xf32>
      %mul3A_891 = arith.mulf %get3A_890, %get3A_50 : vector<16xf32>
      %add3A_892 = arith.addf %mul3A_886, %mul3A_891 : vector<16xf32>
      %swap3A_893 = arith.index_cast %scan3A_42 : i32 to index
      %swap3A_894 = arith.constant 832 : index
      %swap3A_895 = tpu.vector_load %arg12[%swap3A_893, %swap3A_894] {strides = array<i32>} : memref<32x1024xf32, #tpu.memory_space<vmem>>, vector<1x16xf32>,
      %swap3A_896 = vector.shape_cast %swap3A_895 : vector<1x16xf32> to vector<16xf32>
      %swap3A_897 = vector.shape_cast %add3A_892 : vector<16xf32> to vector<1x16xf32>
      tpu.vector_store %arg12[%swap3A_893, %swap3A_894], %swap3A_897 {strides = array<i32>} : memref<32x1024xf32, #tpu.memory_space<vmem>>, vector<1x16xf32>,
      %get3A_898 = arith.index_cast %scan3A_42 : i32 to index
      %get3A_899 = arith.constant 848 : index
      %get3A_900 = tpu.vector_load %arg12[%get3A_898, %get3A_899] {strides = array<i32>} : memref<32x1024xf32, #tpu.memory_space<vmem>>, vector<1x16xf32>,
      %get3A_901 = vector.shape_cast %get3A_900 : vector<1x16xf32> to vector<16xf32>
      %mul3A_902 = arith.mulf %get3A_901, %get3A_46 : vector<16xf32>
      %get3A_903 = arith.index_cast %scan3A_42 : i32 to index
      %get3A_904 = arith.constant 848 : index
      %get3A_905 = tpu.vector_load %arg13[%get3A_903, %get3A_904] {strides = array<i32>} : memref<32x1024xf32, #tpu.memory_space<vmem>>, vector<1x16xf32>,
      %get3A_906 = vector.shape_cast %get3A_905 : vector<1x16xf32> to vector<16xf32>
      %mul3A_907 = arith.mulf %get3A_906, %get3A_50 : vector<16xf32>
      %add3A_908 = arith.addf %mul3A_902, %mul3A_907 : vector<16xf32>
      %swap3A_909 = arith.index_cast %scan3A_42 : i32 to index
      %swap3A_910 = arith.constant 848 : index
      %swap3A_911 = tpu.vector_load %arg12[%swap3A_909, %swap3A_910] {strides = array<i32>} : memref<32x1024xf32, #tpu.memory_space<vmem>>, vector<1x16xf32>,
      %swap3A_912 = vector.shape_cast %swap3A_911 : vector<1x16xf32> to vector<16xf32>
      %swap3A_913 = vector.shape_cast %add3A_908 : vector<16xf32> to vector<1x16xf32>
      tpu.vector_store %arg12[%swap3A_909, %swap3A_910], %swap3A_913 {strides = array<i32>} : memref<32x1024xf32, #tpu.memory_space<vmem>>, vector<1x16xf32>,
      %get3A_914 = arith.index_cast %scan3A_42 : i32 to index
      %get3A_915 = arith.constant 864 : index
      %get3A_916 = tpu.vector_load %arg12[%get3A_914, %get3A_915] {strides = array<i32>} : memref<32x1024xf32, #tpu.memory_space<vmem>>, vector<1x16xf32>,
      %get3A_917 = vector.shape_cast %get3A_916 : vector<1x16xf32> to vector<16xf32>
      %mul3A_918 = arith.mulf %get3A_917, %get3A_46 : vector<16xf32>
      %get3A_919 = arith.index_cast %scan3A_42 : i32 to index
      %get3A_920 = arith.constant 864 : index
      %get3A_921 = tpu.vector_load %arg13[%get3A_919, %get3A_920] {strides = array<i32>} : memref<32x1024xf32, #tpu.memory_space<vmem>>, vector<1x16xf32>,
      %get3A_922 = vector.shape_cast %get3A_921 : vector<1x16xf32> to vector<16xf32>
      %mul3A_923 = arith.mulf %get3A_922, %get3A_50 : vector<16xf32>
      %add3A_924 = arith.addf %mul3A_918, %mul3A_923 : vector<16xf32>
      %swap3A_925 = arith.index_cast %scan3A_42 : i32 to index
      %swap3A_926 = arith.constant 864 : index
      %swap3A_927 = tpu.vector_load %arg12[%swap3A_925, %swap3A_926] {strides = array<i32>} : memref<32x1024xf32, #tpu.memory_space<vmem>>, vector<1x16xf32>,
      %swap3A_928 = vector.shape_cast %swap3A_927 : vector<1x16xf32> to vector<16xf32>
      %swap3A_929 = vector.shape_cast %add3A_924 : vector<16xf32> to vector<1x16xf32>
      tpu.vector_store %arg12[%swap3A_925, %swap3A_926], %swap3A_929 {strides = array<i32>} : memref<32x1024xf32, #tpu.memory_space<vmem>>, vector<1x16xf32>,
      %get3A_930 = arith.index_cast %scan3A_42 : i32 to index
      %get3A_931 = arith.constant 880 : index
      %get3A_932 = tpu.vector_load %arg12[%get3A_930, %get3A_931] {strides = array<i32>} : memref<32x1024xf32, #tpu.memory_space<vmem>>, vector<1x16xf32>,
      %get3A_933 = vector.shape_cast %get3A_932 : vector<1x16xf32> to vector<16xf32>
      %mul3A_934 = arith.mulf %get3A_933, %get3A_46 : vector<16xf32>
      %get3A_935 = arith.index_cast %scan3A_42 : i32 to index
      %get3A_936 = arith.constant 880 : index
      %get3A_937 = tpu.vector_load %arg13[%get3A_935, %get3A_936] {strides = array<i32>} : memref<32x1024xf32, #tpu.memory_space<vmem>>, vector<1x16xf32>,
      %get3A_938 = vector.shape_cast %get3A_937 : vector<1x16xf32> to vector<16xf32>
      %mul3A_939 = arith.mulf %get3A_938, %get3A_50 : vector<16xf32>
      %add3A_940 = arith.addf %mul3A_934, %mul3A_939 : vector<16xf32>
      %swap3A_941 = arith.index_cast %scan3A_42 : i32 to index
      %swap3A_942 = arith.constant 880 : index
      %swap3A_943 = tpu.vector_load %arg12[%swap3A_941, %swap3A_942] {strides = array<i32>} : memref<32x1024xf32, #tpu.memory_space<vmem>>, vector<1x16xf32>,
      %swap3A_944 = vector.shape_cast %swap3A_943 : vector<1x16xf32> to vector<16xf32>
      %swap3A_945 = vector.shape_cast %add3A_940 : vector<16xf32> to vector<1x16xf32>
      tpu.vector_store %arg12[%swap3A_941, %swap3A_942], %swap3A_945 {strides = array<i32>} : memref<32x1024xf32, #tpu.memory_space<vmem>>, vector<1x16xf32>,
      %get3A_946 = arith.index_cast %scan3A_42 : i32 to index
      %get3A_947 = arith.constant 896 : index
      %get3A_948 = tpu.vector_load %arg12[%get3A_946, %get3A_947] {strides = array<i32>} : memref<32x1024xf32, #tpu.memory_space<vmem>>, vector<1x16xf32>,
      %get3A_949 = vector.shape_cast %get3A_948 : vector<1x16xf32> to vector<16xf32>
      %mul3A_950 = arith.mulf %get3A_949, %get3A_46 : vector<16xf32>
      %get3A_951 = arith.index_cast %scan3A_42 : i32 to index
      %get3A_952 = arith.constant 896 : index
      %get3A_953 = tpu.vector_load %arg13[%get3A_951, %get3A_952] {strides = array<i32>} : memref<32x1024xf32, #tpu.memory_space<vmem>>, vector<1x16xf32>,
      %get3A_954 = vector.shape_cast %get3A_953 : vector<1x16xf32> to vector<16xf32>
      %mul3A_955 = arith.mulf %get3A_954, %get3A_50 : vector<16xf32>
      %add3A_956 = arith.addf %mul3A_950, %mul3A_955 : vector<16xf32>
      %swap3A_957 = arith.index_cast %scan3A_42 : i32 to index
      %swap3A_958 = arith.constant 896 : index
      %swap3A_959 = tpu.vector_load %arg12[%swap3A_957, %swap3A_958] {strides = array<i32>} : memref<32x1024xf32, #tpu.memory_space<vmem>>, vector<1x16xf32>,
      %swap3A_960 = vector.shape_cast %swap3A_959 : vector<1x16xf32> to vector<16xf32>
      %swap3A_961 = vector.shape_cast %add3A_956 : vector<16xf32> to vector<1x16xf32>
      tpu.vector_store %arg12[%swap3A_957, %swap3A_958], %swap3A_961 {strides = array<i32>} : memref<32x1024xf32, #tpu.memory_space<vmem>>, vector<1x16xf32>,
      %get3A_962 = arith.index_cast %scan3A_42 : i32 to index
      %get3A_963 = arith.constant 912 : index
      %get3A_964 = tpu.vector_load %arg12[%get3A_962, %get3A_963] {strides = array<i32>} : memref<32x1024xf32, #tpu.memory_space<vmem>>, vector<1x16xf32>,
      %get3A_965 = vector.shape_cast %get3A_964 : vector<1x16xf32> to vector<16xf32>
      %mul3A_966 = arith.mulf %get3A_965, %get3A_46 : vector<16xf32>
      %get3A_967 = arith.index_cast %scan3A_42 : i32 to index
      %get3A_968 = arith.constant 912 : index
      %get3A_969 = tpu.vector_load %arg13[%get3A_967, %get3A_968] {strides = array<i32>} : memref<32x1024xf32, #tpu.memory_space<vmem>>, vector<1x16xf32>,
      %get3A_970 = vector.shape_cast %get3A_969 : vector<1x16xf32> to vector<16xf32>
      %mul3A_971 = arith.mulf %get3A_970, %get3A_50 : vector<16xf32>
      %add3A_972 = arith.addf %mul3A_966, %mul3A_971 : vector<16xf32>
      %swap3A_973 = arith.index_cast %scan3A_42 : i32 to index
      %swap3A_974 = arith.constant 912 : index
      %swap3A_975 = tpu.vector_load %arg12[%swap3A_973, %swap3A_974] {strides = array<i32>} : memref<32x1024xf32, #tpu.memory_space<vmem>>, vector<1x16xf32>,
      %swap3A_976 = vector.shape_cast %swap3A_975 : vector<1x16xf32> to vector<16xf32>
      %swap3A_977 = vector.shape_cast %add3A_972 : vector<16xf32> to vector<1x16xf32>
      tpu.vector_store %arg12[%swap3A_973, %swap3A_974], %swap3A_977 {strides = array<i32>} : memref<32x1024xf32, #tpu.memory_space<vmem>>, vector<1x16xf32>,
      %get3A_978 = arith.index_cast %scan3A_42 : i32 to index
      %get3A_979 = arith.constant 928 : index
      %get3A_980 = tpu.vector_load %arg12[%get3A_978, %get3A_979] {strides = array<i32>} : memref<32x1024xf32, #tpu.memory_space<vmem>>, vector<1x16xf32>,
      %get3A_981 = vector.shape_cast %get3A_980 : vector<1x16xf32> to vector<16xf32>
      %mul3A_982 = arith.mulf %get3A_981, %get3A_46 : vector<16xf32>
      %get3A_983 = arith.index_cast %scan3A_42 : i32 to index
      %get3A_984 = arith.constant 928 : index
      %get3A_985 = tpu.vector_load %arg13[%get3A_983, %get3A_984] {strides = array<i32>} : memref<32x1024xf32, #tpu.memory_space<vmem>>, vector<1x16xf32>,
      %get3A_986 = vector.shape_cast %get3A_985 : vector<1x16xf32> to vector<16xf32>
      %mul3A_987 = arith.mulf %get3A_986, %get3A_50 : vector<16xf32>
      %add3A_988 = arith.addf %mul3A_982, %mul3A_987 : vector<16xf32>
      %swap3A_989 = arith.index_cast %scan3A_42 : i32 to index
      %swap3A_990 = arith.constant 928 : index
      %swap3A_991 = tpu.vector_load %arg12[%swap3A_989, %swap3A_990] {strides = array<i32>} : memref<32x1024xf32, #tpu.memory_space<vmem>>, vector<1x16xf32>,
      %swap3A_992 = vector.shape_cast %swap3A_991 : vector<1x16xf32> to vector<16xf32>
      %swap3A_993 = vector.shape_cast %add3A_988 : vector<16xf32> to vector<1x16xf32>
      tpu.vector_store %arg12[%swap3A_989, %swap3A_990], %swap3A_993 {strides = array<i32>} : memref<32x1024xf32, #tpu.memory_space<vmem>>, vector<1x16xf32>,
      %get3A_994 = arith.index_cast %scan3A_42 : i32 to index
      %get3A_995 = arith.constant 944 : index
      %get3A_996 = tpu.vector_load %arg12[%get3A_994, %get3A_995] {strides = array<i32>} : memref<32x1024xf32, #tpu.memory_space<vmem>>, vector<1x16xf32>,
      %get3A_997 = vector.shape_cast %get3A_996 : vector<1x16xf32> to vector<16xf32>
      %mul3A_998 = arith.mulf %get3A_997, %get3A_46 : vector<16xf32>
      %get3A_999 = arith.index_cast %scan3A_42 : i32 to index
      %get3A_1000 = arith.constant 944 : index
      %get3A_1001 = tpu.vector_load %arg13[%get3A_999, %get3A_1000] {strides = array<i32>} : memref<32x1024xf32, #tpu.memory_space<vmem>>, vector<1x16xf32>,
      %get3A_1002 = vector.shape_cast %get3A_1001 : vector<1x16xf32> to vector<16xf32>
      %mul3A_1003 = arith.mulf %get3A_1002, %get3A_50 : vector<16xf32>
      %add3A_1004 = arith.addf %mul3A_998, %mul3A_1003 : vector<16xf32>
      %swap3A_1005 = arith.index_cast %scan3A_42 : i32 to index
      %swap3A_1006 = arith.constant 944 : index
      %swap3A_1007 = tpu.vector_load %arg12[%swap3A_1005, %swap3A_1006] {strides = array<i32>} : memref<32x1024xf32, #tpu.memory_space<vmem>>, vector<1x16xf32>,
      %swap3A_1008 = vector.shape_cast %swap3A_1007 : vector<1x16xf32> to vector<16xf32>
      %swap3A_1009 = vector.shape_cast %add3A_1004 : vector<16xf32> to vector<1x16xf32>
      tpu.vector_store %arg12[%swap3A_1005, %swap3A_1006], %swap3A_1009 {strides = array<i32>} : memref<32x1024xf32, #tpu.memory_space<vmem>>, vector<1x16xf32>,
      %get3A_1010 = arith.index_cast %scan3A_42 : i32 to index
      %get3A_1011 = arith.constant 960 : index
      %get3A_1012 = tpu.vector_load %arg12[%get3A_1010, %get3A_1011] {strides = array<i32>} : memref<32x1024xf32, #tpu.memory_space<vmem>>, vector<1x16xf32>,
      %get3A_1013 = vector.shape_cast %get3A_1012 : vector<1x16xf32> to vector<16xf32>
      %mul3A_1014 = arith.mulf %get3A_1013, %get3A_46 : vector<16xf32>
      %get3A_1015 = arith.index_cast %scan3A_42 : i32 to index
      %get3A_1016 = arith.constant 960 : index
      %get3A_1017 = tpu.vector_load %arg13[%get3A_1015, %get3A_1016] {strides = array<i32>} : memref<32x1024xf32, #tpu.memory_space<vmem>>, vector<1x16xf32>,
      %get3A_1018 = vector.shape_cast %get3A_1017 : vector<1x16xf32> to vector<16xf32>
      %mul3A_1019 = arith.mulf %get3A_1018, %get3A_50 : vector<16xf32>
      %add3A_1020 = arith.addf %mul3A_1014, %mul3A_1019 : vector<16xf32>
      %swap3A_1021 = arith.index_cast %scan3A_42 : i32 to index
      %swap3A_1022 = arith.constant 960 : index
      %swap3A_1023 = tpu.vector_load %arg12[%swap3A_1021, %swap3A_1022] {strides = array<i32>} : memref<32x1024xf32, #tpu.memory_space<vmem>>, vector<1x16xf32>,
      %swap3A_1024 = vector.shape_cast %swap3A_1023 : vector<1x16xf32> to vector<16xf32>
      %swap3A_1025 = vector.shape_cast %add3A_1020 : vector<16xf32> to vector<1x16xf32>
      tpu.vector_store %arg12[%swap3A_1021, %swap3A_1022], %swap3A_1025 {strides = array<i32>} : memref<32x1024xf32, #tpu.memory_space<vmem>>, vector<1x16xf32>,
      %get3A_1026 = arith.index_cast %scan3A_42 : i32 to index
      %get3A_1027 = arith.constant 976 : index
      %get3A_1028 = tpu.vector_load %arg12[%get3A_1026, %get3A_1027] {strides = array<i32>} : memref<32x1024xf32, #tpu.memory_space<vmem>>, vector<1x16xf32>,
      %get3A_1029 = vector.shape_cast %get3A_1028 : vector<1x16xf32> to vector<16xf32>
      %mul3A_1030 = arith.mulf %get3A_1029, %get3A_46 : vector<16xf32>
      %get3A_1031 = arith.index_cast %scan3A_42 : i32 to index
      %get3A_1032 = arith.constant 976 : index
      %get3A_1033 = tpu.vector_load %arg13[%get3A_1031, %get3A_1032] {strides = array<i32>} : memref<32x1024xf32, #tpu.memory_space<vmem>>, vector<1x16xf32>,
      %get3A_1034 = vector.shape_cast %get3A_1033 : vector<1x16xf32> to vector<16xf32>
      %mul3A_1035 = arith.mulf %get3A_1034, %get3A_50 : vector<16xf32>
      %add3A_1036 = arith.addf %mul3A_1030, %mul3A_1035 : vector<16xf32>
      %swap3A_1037 = arith.index_cast %scan3A_42 : i32 to index
      %swap3A_1038 = arith.constant 976 : index
      %swap3A_1039 = tpu.vector_load %arg12[%swap3A_1037, %swap3A_1038] {strides = array<i32>} : memref<32x1024xf32, #tpu.memory_space<vmem>>, vector<1x16xf32>,
      %swap3A_1040 = vector.shape_cast %swap3A_1039 : vector<1x16xf32> to vector<16xf32>
      %swap3A_1041 = vector.shape_cast %add3A_1036 : vector<16xf32> to vector<1x16xf32>
      tpu.vector_store %arg12[%swap3A_1037, %swap3A_1038], %swap3A_1041 {strides = array<i32>} : memref<32x1024xf32, #tpu.memory_space<vmem>>, vector<1x16xf32>,
      %get3A_1042 = arith.index_cast %scan3A_42 : i32 to index
      %get3A_1043 = arith.constant 992 : index
      %get3A_1044 = tpu.vector_load %arg12[%get3A_1042, %get3A_1043] {strides = array<i32>} : memref<32x1024xf32, #tpu.memory_space<vmem>>, vector<1x16xf32>,
      %get3A_1045 = vector.shape_cast %get3A_1044 : vector<1x16xf32> to vector<16xf32>
      %mul3A_1046 = arith.mulf %get3A_1045, %get3A_46 : vector<16xf32>
      %get3A_1047 = arith.index_cast %scan3A_42 : i32 to index
      %get3A_1048 = arith.constant 992 : index
      %get3A_1049 = tpu.vector_load %arg13[%get3A_1047, %get3A_1048] {strides = array<i32>} : memref<32x1024xf32, #tpu.memory_space<vmem>>, vector<1x16xf32>,
      %get3A_1050 = vector.shape_cast %get3A_1049 : vector<1x16xf32> to vector<16xf32>
      %mul3A_1051 = arith.mulf %get3A_1050, %get3A_50 : vector<16xf32>
      %add3A_1052 = arith.addf %mul3A_1046, %mul3A_1051 : vector<16xf32>
      %swap3A_1053 = arith.index_cast %scan3A_42 : i32 to index
      %swap3A_1054 = arith.constant 992 : index
      %swap3A_1055 = tpu.vector_load %arg12[%swap3A_1053, %swap3A_1054] {strides = array<i32>} : memref<32x1024xf32, #tpu.memory_space<vmem>>, vector<1x16xf32>,
      %swap3A_1056 = vector.shape_cast %swap3A_1055 : vector<1x16xf32> to vector<16xf32>
      %swap3A_1057 = vector.shape_cast %add3A_1052 : vector<16xf32> to vector<1x16xf32>
      tpu.vector_store %arg12[%swap3A_1053, %swap3A_1054], %swap3A_1057 {strides = array<i32>} : memref<32x1024xf32, #tpu.memory_space<vmem>>, vector<1x16xf32>,
      %get3A_1058 = arith.index_cast %scan3A_42 : i32 to index
      %get3A_1059 = arith.constant 1008 : index
      %get3A_1060 = tpu.vector_load %arg12[%get3A_1058, %get3A_1059] {strides = array<i32>} : memref<32x1024xf32, #tpu.memory_space<vmem>>, vector<1x16xf32>,
      %get3A_1061 = vector.shape_cast %get3A_1060 : vector<1x16xf32> to vector<16xf32>
      %mul3A_1062 = arith.mulf %get3A_1061, %get3A_46 : vector<16xf32>
      %get3A_1063 = arith.index_cast %scan3A_42 : i32 to index
      %get3A_1064 = arith.constant 1008 : index
      %get3A_1065 = tpu.vector_load %arg13[%get3A_1063, %get3A_1064] {strides = array<i32>} : memref<32x1024xf32, #tpu.memory_space<vmem>>, vector<1x16xf32>,
      %get3A_1066 = vector.shape_cast %get3A_1065 : vector<1x16xf32> to vector<16xf32>
      %mul3A_1067 = arith.mulf %get3A_1066, %get3A_50 : vector<16xf32>
      %add3A_1068 = arith.addf %mul3A_1062, %mul3A_1067 : vector<16xf32>
      %swap3A_1069 = arith.index_cast %scan3A_42 : i32 to index
      %swap3A_1070 = arith.constant 1008 : index
      %swap3A_1071 = tpu.vector_load %arg12[%swap3A_1069, %swap3A_1070] {strides = array<i32>} : memref<32x1024xf32, #tpu.memory_space<vmem>>, vector<1x16xf32>,
      %swap3A_1072 = vector.shape_cast %swap3A_1071 : vector<1x16xf32> to vector<16xf32>
      %swap3A_1073 = vector.shape_cast %add3A_1068 : vector<16xf32> to vector<1x16xf32>
      tpu.vector_store %arg12[%swap3A_1069, %swap3A_1070], %swap3A_1073 {strides = array<i32>} : memref<32x1024xf32, #tpu.memory_space<vmem>>, vector<1x16xf32>,
      %scan3A_1074 = arith.constant 0 : i32
      scf.yield %scan3A_1074 : i32
    }
    %scan3A_41 = arith.constant 32 : i32
    "tpu.region"() ({
      %run_scoped3A = tpu.sem_alloc : memref<!tpu.dma_semaphore, #tpu.memory_space<semaphore_mem>>
      %dma_start3A_42 = arith.constant 0 : i32
      %dma_start3A_43 = tpu.memref_slice %arg7[%add3A_22, %dma_start3A_42] : memref<2048x1024xf32, #tpu.memory_space<hbm>> -> memref<32x1024xf32, #tpu.memory_space<hbm>>
      %dma_start3A_44 = arith.constant 0 : i32
      %dma_start3A_45 = tpu.memref_slice %arg7[%add3A_22, %dma_start3A_44] : memref<2048x1024xf32, #tpu.memory_space<hbm>> -> memref<32x1024xf32, #tpu.memory_space<hbm>>
      tpu.enqueue_dma source(%arg12 : memref<32x1024xf32, #tpu.memory_space<vmem>>) target(%dma_start3A_45 : memref<32x1024xf32, #tpu.memory_space<hbm>>) target_semaphore(%run_scoped3A : memref<!tpu.dma_semaphore, #tpu.memory_space<semaphore_mem>>)
      %dma_wait3A_46 = arith.constant 0 : i32
      %dma_wait3A_47 = tpu.memref_slice %arg7[%add3A_22, %dma_wait3A_46] : memref<2048x1024xf32, #tpu.memory_space<hbm>> -> memref<32x1024xf32, #tpu.memory_space<hbm>>
      %dma_wait3A_48 = arith.constant 0 : i32
      %dma_wait3A_49 = tpu.memref_slice %arg7[%add3A_22, %dma_wait3A_48] : memref<2048x1024xf32, #tpu.memory_space<hbm>> -> memref<32x1024xf32, #tpu.memory_space<hbm>>
      tpu.wait_dma2 semaphore(%run_scoped3A : memref<!tpu.dma_semaphore, #tpu.memory_space<semaphore_mem>>) src(%arg12 : memref<32x1024xf32, #tpu.memory_space<vmem>>) dst(%dma_wait3A_49 : memref<32x1024xf32, #tpu.memory_space<hbm>>)
      tpu.yield
    }) : () -> ()
    return
  }
}

#map = affine_map<(d0, d1) -> (0, 0)>
#map1 = affine_map<(d0, d1) -> (0)>
module attributes {stable_mosaic.version = 14 : i64} {
  func.func @_dispatch_sc_kernel(%arg0: i32, %arg1: i32, %arg2: memref<2048x1024xf32, #tpu.memory_space<hbm>>, %arg3: memref<4096xi32, #tpu.memory_space<hbm>>, %arg4: memref<4096xi32, #tpu.memory_space<hbm>>, %arg5: memref<6144x1024xf32, #tpu.memory_space<hbm>>, %arg6: memref<64xi32, #tpu.memory_space<vmem>>, %arg7: memref<64xi32, #tpu.memory_space<vmem>>, %arg8: memref<64x1024xf32, #tpu.memory_space<vmem>>, %arg9: memref<!tpu.dma_semaphore, #tpu.memory_space<semaphore_mem>>) attributes {dimension_semantics = [#tpu.dimension_semantics<core_parallel>, #tpu.dimension_semantics<subcore_parallel>], iteration_bounds = array<i64: 2, 16>, scalar_prefetch = 0 : i64, scratch_operands = 4 : i64, tpu.core_type = #tpu.core_type<sc_vector_subcore>, window_params = [{transform_indices = #map}, {transform_indices = #map1}, {transform_indices = #map1}, {transform_indices = #map}]} {
    %mul3A = arith.constant 2 : i32
    %mul3A_0 = arith.muli %arg1, %mul3A : i32
    %add3A = arith.addi %mul3A_0, %arg0 : i32
    %mul3A_1 = arith.constant 128 : i32
    %mul3A_2 = arith.muli %add3A, %mul3A_1 : i32
    %add3A_3 = arith.constant 0 : i32
    %add3A_4 = arith.addi %mul3A_2, %add3A_3 : i32
    "tpu.region"() ({
      %run_scoped3A = tpu.sem_alloc : memref<!tpu.dma_semaphore, #tpu.memory_space<semaphore_mem>>
      %dma_start3A_29 = tpu.memref_slice %arg3[%add3A_4] : memref<4096xi32, #tpu.memory_space<hbm>> -> memref<64xi32, #tpu.memory_space<hbm>>
      %dma_start3A_30 = tpu.memref_slice %arg3[%add3A_4] : memref<4096xi32, #tpu.memory_space<hbm>> -> memref<64xi32, #tpu.memory_space<hbm>>
      tpu.enqueue_dma source(%dma_start3A_30 : memref<64xi32, #tpu.memory_space<hbm>>) target(%arg6 : memref<64xi32, #tpu.memory_space<vmem>>) target_semaphore(%run_scoped3A : memref<!tpu.dma_semaphore, #tpu.memory_space<semaphore_mem>>)
      %dma_wait3A_31 = tpu.memref_slice %arg3[%add3A_4] : memref<4096xi32, #tpu.memory_space<hbm>> -> memref<64xi32, #tpu.memory_space<hbm>>
      %dma_wait3A_32 = tpu.memref_slice %arg3[%add3A_4] : memref<4096xi32, #tpu.memory_space<hbm>> -> memref<64xi32, #tpu.memory_space<hbm>>
      tpu.wait_dma2 semaphore(%run_scoped3A : memref<!tpu.dma_semaphore, #tpu.memory_space<semaphore_mem>>) src(%dma_wait3A_32 : memref<64xi32, #tpu.memory_space<hbm>>) dst(%arg6 : memref<64xi32, #tpu.memory_space<vmem>>)
      tpu.yield
    }) : () -> ()
    "tpu.region"() ({
      %run_scoped3A = tpu.sem_alloc : memref<!tpu.dma_semaphore, #tpu.memory_space<semaphore_mem>>
      %dma_start3A_29 = tpu.memref_slice %arg4[%add3A_4] : memref<4096xi32, #tpu.memory_space<hbm>> -> memref<64xi32, #tpu.memory_space<hbm>>
      %dma_start3A_30 = tpu.memref_slice %arg4[%add3A_4] : memref<4096xi32, #tpu.memory_space<hbm>> -> memref<64xi32, #tpu.memory_space<hbm>>
      tpu.enqueue_dma source(%dma_start3A_30 : memref<64xi32, #tpu.memory_space<hbm>>) target(%arg7 : memref<64xi32, #tpu.memory_space<vmem>>) target_semaphore(%run_scoped3A : memref<!tpu.dma_semaphore, #tpu.memory_space<semaphore_mem>>)
      %dma_wait3A_31 = tpu.memref_slice %arg4[%add3A_4] : memref<4096xi32, #tpu.memory_space<hbm>> -> memref<64xi32, #tpu.memory_space<hbm>>
      %dma_wait3A_32 = tpu.memref_slice %arg4[%add3A_4] : memref<4096xi32, #tpu.memory_space<hbm>> -> memref<64xi32, #tpu.memory_space<hbm>>
      tpu.wait_dma2 semaphore(%run_scoped3A : memref<!tpu.dma_semaphore, #tpu.memory_space<semaphore_mem>>) src(%dma_wait3A_32 : memref<64xi32, #tpu.memory_space<hbm>>) dst(%arg7 : memref<64xi32, #tpu.memory_space<vmem>>)
      tpu.yield
    }) : () -> ()
    %dma_start3A = arith.constant 0 : i32
    %dma_start3A_5 = arith.constant 0 : i32
    %dma_start3A_6 = tpu.memref_slice %arg2[%dma_start3A, %dma_start3A_5] : memref<2048x1024xf32, #tpu.memory_space<hbm>> -> memref<2048x1024xf32, #tpu.memory_space<hbm>>
    tpu.enqueue_indirect_dma source(%dma_start3A_6 : memref<2048x1024xf32, #tpu.memory_space<hbm>>) target(%arg8 : memref<64x1024xf32, #tpu.memory_space<vmem>>) offsets(%arg6 : memref<64xi32, #tpu.memory_space<vmem>>) semaphore(%arg9 : memref<!tpu.dma_semaphore, #tpu.memory_space<semaphore_mem>>)
    %dma_wait3A = arith.constant 0 : i32
    %dma_wait3A_7 = arith.constant 0 : i32
    %dma_wait3A_8 = tpu.memref_slice %arg2[%dma_wait3A, %dma_wait3A_7] : memref<2048x1024xf32, #tpu.memory_space<hbm>> -> memref<2048x1024xf32, #tpu.memory_space<hbm>>
    tpu.wait_indirect_dma semaphore(%arg9 : memref<!tpu.dma_semaphore, #tpu.memory_space<semaphore_mem>>) src(%dma_wait3A_8 : memref<2048x1024xf32, #tpu.memory_space<hbm>>) dst(%arg8 : memref<64x1024xf32, #tpu.memory_space<vmem>>)
    %dma_start3A_9 = arith.constant 0 : i32
    %dma_start3A_10 = arith.constant 0 : i32
    %dma_start3A_11 = tpu.memref_slice %arg5[%dma_start3A_9, %dma_start3A_10] : memref<6144x1024xf32, #tpu.memory_space<hbm>> -> memref<6144x1024xf32, #tpu.memory_space<hbm>>
    tpu.enqueue_indirect_dma source(%arg8 : memref<64x1024xf32, #tpu.memory_space<vmem>>) target(%dma_start3A_11 : memref<6144x1024xf32, #tpu.memory_space<hbm>>) offsets(%arg7 : memref<64xi32, #tpu.memory_space<vmem>>) semaphore(%arg9 : memref<!tpu.dma_semaphore, #tpu.memory_space<semaphore_mem>>)
    %dma_wait3A_12 = arith.constant 0 : i32
    %dma_wait3A_13 = arith.constant 0 : i32
    %dma_wait3A_14 = tpu.memref_slice %arg5[%dma_wait3A_12, %dma_wait3A_13] : memref<6144x1024xf32, #tpu.memory_space<hbm>> -> memref<6144x1024xf32, #tpu.memory_space<hbm>>
    tpu.wait_indirect_dma semaphore(%arg9 : memref<!tpu.dma_semaphore, #tpu.memory_space<semaphore_mem>>) src(%arg8 : memref<64x1024xf32, #tpu.memory_space<vmem>>) dst(%dma_wait3A_14 : memref<6144x1024xf32, #tpu.memory_space<hbm>>)
    %add3A_15 = arith.constant 64 : i32
    %add3A_16 = arith.addi %mul3A_2, %add3A_15 : i32
    "tpu.region"() ({
      %run_scoped3A = tpu.sem_alloc : memref<!tpu.dma_semaphore, #tpu.memory_space<semaphore_mem>>
      %dma_start3A_29 = tpu.memref_slice %arg3[%add3A_16] : memref<4096xi32, #tpu.memory_space<hbm>> -> memref<64xi32, #tpu.memory_space<hbm>>
      %dma_start3A_30 = tpu.memref_slice %arg3[%add3A_16] : memref<4096xi32, #tpu.memory_space<hbm>> -> memref<64xi32, #tpu.memory_space<hbm>>
      tpu.enqueue_dma source(%dma_start3A_30 : memref<64xi32, #tpu.memory_space<hbm>>) target(%arg6 : memref<64xi32, #tpu.memory_space<vmem>>) target_semaphore(%run_scoped3A : memref<!tpu.dma_semaphore, #tpu.memory_space<semaphore_mem>>)
      %dma_wait3A_31 = tpu.memref_slice %arg3[%add3A_16] : memref<4096xi32, #tpu.memory_space<hbm>> -> memref<64xi32, #tpu.memory_space<hbm>>
      %dma_wait3A_32 = tpu.memref_slice %arg3[%add3A_16] : memref<4096xi32, #tpu.memory_space<hbm>> -> memref<64xi32, #tpu.memory_space<hbm>>
      tpu.wait_dma2 semaphore(%run_scoped3A : memref<!tpu.dma_semaphore, #tpu.memory_space<semaphore_mem>>) src(%dma_wait3A_32 : memref<64xi32, #tpu.memory_space<hbm>>) dst(%arg6 : memref<64xi32, #tpu.memory_space<vmem>>)
      tpu.yield
    }) : () -> ()
    "tpu.region"() ({
      %run_scoped3A = tpu.sem_alloc : memref<!tpu.dma_semaphore, #tpu.memory_space<semaphore_mem>>
      %dma_start3A_29 = tpu.memref_slice %arg4[%add3A_16] : memref<4096xi32, #tpu.memory_space<hbm>> -> memref<64xi32, #tpu.memory_space<hbm>>
      %dma_start3A_30 = tpu.memref_slice %arg4[%add3A_16] : memref<4096xi32, #tpu.memory_space<hbm>> -> memref<64xi32, #tpu.memory_space<hbm>>
      tpu.enqueue_dma source(%dma_start3A_30 : memref<64xi32, #tpu.memory_space<hbm>>) target(%arg7 : memref<64xi32, #tpu.memory_space<vmem>>) target_semaphore(%run_scoped3A : memref<!tpu.dma_semaphore, #tpu.memory_space<semaphore_mem>>)
      %dma_wait3A_31 = tpu.memref_slice %arg4[%add3A_16] : memref<4096xi32, #tpu.memory_space<hbm>> -> memref<64xi32, #tpu.memory_space<hbm>>
      %dma_wait3A_32 = tpu.memref_slice %arg4[%add3A_16] : memref<4096xi32, #tpu.memory_space<hbm>> -> memref<64xi32, #tpu.memory_space<hbm>>
      tpu.wait_dma2 semaphore(%run_scoped3A : memref<!tpu.dma_semaphore, #tpu.memory_space<semaphore_mem>>) src(%dma_wait3A_32 : memref<64xi32, #tpu.memory_space<hbm>>) dst(%arg7 : memref<64xi32, #tpu.memory_space<vmem>>)
      tpu.yield
    }) : () -> ()
    %dma_start3A_17 = arith.constant 0 : i32
    %dma_start3A_18 = arith.constant 0 : i32
    %dma_start3A_19 = tpu.memref_slice %arg2[%dma_start3A_17, %dma_start3A_18] : memref<2048x1024xf32, #tpu.memory_space<hbm>> -> memref<2048x1024xf32, #tpu.memory_space<hbm>>
    tpu.enqueue_indirect_dma source(%dma_start3A_19 : memref<2048x1024xf32, #tpu.memory_space<hbm>>) target(%arg8 : memref<64x1024xf32, #tpu.memory_space<vmem>>) offsets(%arg6 : memref<64xi32, #tpu.memory_space<vmem>>) semaphore(%arg9 : memref<!tpu.dma_semaphore, #tpu.memory_space<semaphore_mem>>)
    %dma_wait3A_20 = arith.constant 0 : i32
    %dma_wait3A_21 = arith.constant 0 : i32
    %dma_wait3A_22 = tpu.memref_slice %arg2[%dma_wait3A_20, %dma_wait3A_21] : memref<2048x1024xf32, #tpu.memory_space<hbm>> -> memref<2048x1024xf32, #tpu.memory_space<hbm>>
    tpu.wait_indirect_dma semaphore(%arg9 : memref<!tpu.dma_semaphore, #tpu.memory_space<semaphore_mem>>) src(%dma_wait3A_22 : memref<2048x1024xf32, #tpu.memory_space<hbm>>) dst(%arg8 : memref<64x1024xf32, #tpu.memory_space<vmem>>)
    %dma_start3A_23 = arith.constant 0 : i32
    %dma_start3A_24 = arith.constant 0 : i32
    %dma_start3A_25 = tpu.memref_slice %arg5[%dma_start3A_23, %dma_start3A_24] : memref<6144x1024xf32, #tpu.memory_space<hbm>> -> memref<6144x1024xf32, #tpu.memory_space<hbm>>
    tpu.enqueue_indirect_dma source(%arg8 : memref<64x1024xf32, #tpu.memory_space<vmem>>) target(%dma_start3A_25 : memref<6144x1024xf32, #tpu.memory_space<hbm>>) offsets(%arg7 : memref<64xi32, #tpu.memory_space<vmem>>) semaphore(%arg9 : memref<!tpu.dma_semaphore, #tpu.memory_space<semaphore_mem>>)
    %dma_wait3A_26 = arith.constant 0 : i32
    %dma_wait3A_27 = arith.constant 0 : i32
    %dma_wait3A_28 = tpu.memref_slice %arg5[%dma_wait3A_26, %dma_wait3A_27] : memref<6144x1024xf32, #tpu.memory_space<hbm>> -> memref<6144x1024xf32, #tpu.memory_space<hbm>>
    tpu.wait_indirect_dma semaphore(%arg9 : memref<!tpu.dma_semaphore, #tpu.memory_space<semaphore_mem>>) src(%arg8 : memref<64x1024xf32, #tpu.memory_space<vmem>>) dst(%dma_wait3A_28 : memref<6144x1024xf32, #tpu.memory_space<hbm>>)
    return
  }
}

module attributes {stable_mosaic.version = 14 : i64} {
  func.func @_router_dispatch_kernel(%arg0: i32, %arg1: memref<2048x1024xf32, #tpu.memory_space<vmem>>, %arg2: memref<8x1024xf32, #tpu.memory_space<vmem>>, %arg3: memref<1x8xf32, #tpu.memory_space<vmem>>, %arg4: memref<2048x8xi32, #tpu.memory_space<vmem>>, %arg5: memref<2048x8xf32, #tpu.memory_space<vmem>>, %arg6: memref<1x8xi32, #tpu.memory_space<vmem>>) attributes {dimension_semantics = [#tpu.dimension_semantics<arbitrary>], iteration_bounds = array<i64: 1>, scalar_prefetch = 0 : i64, scratch_operands = 0 : i64, tpu.core_type = #tpu.core_type<tc>, window_params = [{pipeline_mode = #tpu.pipeline_mode<synchronous>, transform_indices = @transform_0, window_bounds = array<i64: 2048, 1024>}, {pipeline_mode = #tpu.pipeline_mode<synchronous>, transform_indices = @transform_1, window_bounds = array<i64: 8, 1024>}, {pipeline_mode = #tpu.pipeline_mode<synchronous>, transform_indices = @transform_2, window_bounds = array<i64: 1, 8>}, {pipeline_mode = #tpu.pipeline_mode<synchronous>, transform_indices = @transform_3, window_bounds = array<i64: 2048, 8>}, {pipeline_mode = #tpu.pipeline_mode<synchronous>, transform_indices = @transform_4, window_bounds = array<i64: 2048, 8>}, {pipeline_mode = #tpu.pipeline_mode<synchronous>, transform_indices = @transform_5, window_bounds = array<i64: 1, 8>}]} {
    %get3A = arith.constant 0 : index
    %get3A_0 = arith.constant 0 : index
    %get3A_1 = vector.load %arg1[%get3A, %get3A_0] : memref<2048x1024xf32, #tpu.memory_space<vmem>>, vector<2048x1024xf32>
    %get3A_2 = arith.constant 0 : index
    %get3A_3 = arith.constant 0 : index
    %get3A_4 = vector.load %arg2[%get3A_2, %get3A_3] : memref<8x1024xf32, #tpu.memory_space<vmem>>, vector<8x1024xf32>
    %dot_general3A = arith.constant dense<0.000000e+00> : vector<2048x8xf32>
    %dot_general3A_5 = tpu.matmul %get3A_1, %get3A_4, %dot_general3A {dimension_numbers = #tpu.dot_dimension_numbers<[1], [1], [0], [0], [0, 0, 1, 0], [], []>, transpose_lhs_hint = false} : vector<2048x1024xf32>, vector<8x1024xf32>, vector<2048x8xf32> -> vector<2048x8xf32>
    %reduce_max3A = arith.constant dense<0xFF800000> : vector<2048xf32>
    %reduce_max3A_6 = vector.multi_reduction <maximumf>, %dot_general3A_5, %reduce_max3A [1] : vector<2048x8xf32> to vector<2048xf32>
    %broadcast_in_dim3A = vector.shape_cast %reduce_max3A_6 : vector<2048xf32> to vector<2048x1xf32>
    %sub3A = vector.broadcast %broadcast_in_dim3A : vector<2048x1xf32> to vector<2048x8xf32>
    %sub3A_7 = arith.subf %dot_general3A_5, %sub3A : vector<2048x8xf32>
    %exp3A = math.exp %sub3A_7 : vector<2048x8xf32>
    %reduce_sum3A = arith.constant dense<0.000000e+00> : vector<2048xf32>
    %reduce_sum3A_8 = vector.multi_reduction <add>, %exp3A, %reduce_sum3A [1] : vector<2048x8xf32> to vector<2048xf32>
    %broadcast_in_dim3A_9 = vector.shape_cast %reduce_sum3A_8 : vector<2048xf32> to vector<2048x1xf32>
    %div3A = vector.broadcast %broadcast_in_dim3A_9 : vector<2048x1xf32> to vector<2048x8xf32>
    %div3A_10 = arith.divf %exp3A, %div3A : vector<2048x8xf32>
    %get3A_11 = arith.constant 0 : index
    %get3A_12 = arith.constant 0 : index
    %get3A_13 = vector.load %arg3[%get3A_11, %get3A_12] : memref<1x8xf32, #tpu.memory_space<vmem>>, vector<1x8xf32>
    %add3A = vector.broadcast %get3A_13 : vector<1x8xf32> to vector<2048x8xf32>
    %add3A_14 = arith.addf %div3A_10, %add3A : vector<2048x8xf32>
    %iota3A = tpu.iota {dimensions = array<i32: 1>} : vector<2048x8xi32>
    %reduce_max3A_15 = arith.constant dense<0xFF800000> : vector<2048xf32>
    %reduce_max3A_16 = vector.multi_reduction <maximumf>, %add3A_14, %reduce_max3A_15 [1] : vector<2048x8xf32> to vector<2048xf32>
    %broadcast_in_dim3A_17 = vector.shape_cast %reduce_max3A_16 : vector<2048xf32> to vector<2048x1xf32>
    %eq3A = vector.broadcast %broadcast_in_dim3A_17 : vector<2048x1xf32> to vector<2048x8xf32>
    %eq3A_18 = arith.cmpf oeq, %add3A_14, %eq3A : vector<2048x8xf32>
    %jit3A = arith.constant 16 : i32
    %broadcast_in_dim3A_19 = vector.broadcast %jit3A : i32 to vector<2048x8xi32>
    %select_n3A = arith.select %eq3A_18, %iota3A, %broadcast_in_dim3A_19 : vector<2048x8xi1>, vector<2048x8xi32>
    %reduce_min3A = arith.constant dense<2147483647> : vector<2048xi32>
    %reduce_min3A_20 = vector.multi_reduction <minsi>, %select_n3A, %reduce_min3A [1] : vector<2048x8xi32> to vector<2048xi32>
    %broadcast_in_dim3A_21 = vector.shape_cast %reduce_min3A_20 : vector<2048xi32> to vector<2048x1xi32>
    %eq3A_22 = vector.broadcast %broadcast_in_dim3A_21 : vector<2048x1xi32> to vector<2048x8xi32>
    %eq3A_23 = arith.cmpi eq, %iota3A, %eq3A_22 : vector<2048x8xi32>
    %jit3A_24 = arith.constant -1.000000e+30 : f32
    %broadcast_in_dim3A_25 = vector.broadcast %jit3A_24 : f32 to vector<2048x8xf32>
    %select_n3A_26 = arith.select %eq3A_23, %broadcast_in_dim3A_25, %add3A_14 : vector<2048x8xi1>, vector<2048x8xf32>
    %reduce_max3A_27 = arith.constant dense<0xFF800000> : vector<2048xf32>
    %reduce_max3A_28 = vector.multi_reduction <maximumf>, %select_n3A_26, %reduce_max3A_27 [1] : vector<2048x8xf32> to vector<2048xf32>
    %broadcast_in_dim3A_29 = vector.shape_cast %reduce_max3A_28 : vector<2048xf32> to vector<2048x1xf32>
    %eq3A_30 = vector.broadcast %broadcast_in_dim3A_29 : vector<2048x1xf32> to vector<2048x8xf32>
    %eq3A_31 = arith.cmpf oeq, %select_n3A_26, %eq3A_30 : vector<2048x8xf32>
    %jit3A_32 = arith.constant 16 : i32
    %broadcast_in_dim3A_33 = vector.broadcast %jit3A_32 : i32 to vector<2048x8xi32>
    %select_n3A_34 = arith.select %eq3A_31, %iota3A, %broadcast_in_dim3A_33 : vector<2048x8xi1>, vector<2048x8xi32>
    %reduce_min3A_35 = arith.constant dense<2147483647> : vector<2048xi32>
    %reduce_min3A_36 = vector.multi_reduction <minsi>, %select_n3A_34, %reduce_min3A_35 [1] : vector<2048x8xi32> to vector<2048xi32>
    %broadcast_in_dim3A_37 = vector.shape_cast %reduce_min3A_36 : vector<2048xi32> to vector<2048x1xi32>
    %eq3A_38 = vector.broadcast %broadcast_in_dim3A_37 : vector<2048x1xi32> to vector<2048x8xi32>
    %eq3A_39 = arith.cmpi eq, %iota3A, %eq3A_38 : vector<2048x8xi32>
    %jit3A_40 = arith.constant 0.000000e+00 : f32
    %broadcast_in_dim3A_41 = vector.broadcast %jit3A_40 : f32 to vector<2048x8xf32>
    %select_n3A_42 = arith.select %eq3A_23, %div3A_10, %broadcast_in_dim3A_41 : vector<2048x8xi1>, vector<2048x8xf32>
    %reduce_sum3A_43 = arith.constant dense<0.000000e+00> : vector<2048xf32>
    %reduce_sum3A_44 = vector.multi_reduction <add>, %select_n3A_42, %reduce_sum3A_43 [1] : vector<2048x8xf32> to vector<2048xf32>
    %broadcast_in_dim3A_45 = vector.shape_cast %reduce_sum3A_44 : vector<2048xf32> to vector<2048x1xf32>
    %jit3A_46 = arith.constant 0.000000e+00 : f32
    %broadcast_in_dim3A_47 = vector.broadcast %jit3A_46 : f32 to vector<2048x8xf32>
    %select_n3A_48 = arith.select %eq3A_39, %div3A_10, %broadcast_in_dim3A_47 : vector<2048x8xi1>, vector<2048x8xf32>
    %reduce_sum3A_49 = arith.constant dense<0.000000e+00> : vector<2048xf32>
    %reduce_sum3A_50 = vector.multi_reduction <add>, %select_n3A_48, %reduce_sum3A_49 [1] : vector<2048x8xf32> to vector<2048xf32>
    %broadcast_in_dim3A_51 = vector.shape_cast %reduce_sum3A_50 : vector<2048xf32> to vector<2048x1xf32>
    %or3A = arith.ori %eq3A_23, %eq3A_39 : vector<2048x8xi1>
    %convert_element_type3A = arith.extui %or3A : vector<2048x8xi1> to vector<2048x8xi32>
    %broadcast_in_dim3A_52 = arith.constant 0 : i32
    %broadcast_in_dim3A_53 = vector.broadcast %broadcast_in_dim3A_52 : i32 to vector<1x8xi32>
    %slice3A = vector.extract_strided_slice %convert_element_type3A {offsets = [0, 0], sizes = [2047, 8], strides = [1, 1]} : vector<2048x8xi32> to vector<2047x8xi32>
    %concatenate3A = tpu.concatenate %broadcast_in_dim3A_53, %slice3A in 0 : vector<1x8xi32>, vector<2047x8xi32> -> vector<2048x8xi32>
    %add3A_54 = arith.addi %convert_element_type3A, %concatenate3A : vector<2048x8xi32>
    %broadcast_in_dim3A_55 = arith.constant 0 : i32
    %broadcast_in_dim3A_56 = vector.broadcast %broadcast_in_dim3A_55 : i32 to vector<2x8xi32>
    %slice3A_57 = vector.extract_strided_slice %add3A_54 {offsets = [0, 0], sizes = [2046, 8], strides = [1, 1]} : vector<2048x8xi32> to vector<2046x8xi32>
    %concatenate3A_58 = tpu.concatenate %broadcast_in_dim3A_56, %slice3A_57 in 0 : vector<2x8xi32>, vector<2046x8xi32> -> vector<2048x8xi32>
    %add3A_59 = arith.addi %add3A_54, %concatenate3A_58 : vector<2048x8xi32>
    %broadcast_in_dim3A_60 = arith.constant 0 : i32
    %broadcast_in_dim3A_61 = vector.broadcast %broadcast_in_dim3A_60 : i32 to vector<4x8xi32>
    %slice3A_62 = vector.extract_strided_slice %add3A_59 {offsets = [0, 0], sizes = [2044, 8], strides = [1, 1]} : vector<2048x8xi32> to vector<2044x8xi32>
    %concatenate3A_63 = tpu.concatenate %broadcast_in_dim3A_61, %slice3A_62 in 0 : vector<4x8xi32>, vector<2044x8xi32> -> vector<2048x8xi32>
    %add3A_64 = arith.addi %add3A_59, %concatenate3A_63 : vector<2048x8xi32>
    %broadcast_in_dim3A_65 = arith.constant 0 : i32
    %broadcast_in_dim3A_66 = vector.broadcast %broadcast_in_dim3A_65 : i32 to vector<8x8xi32>
    %slice3A_67 = vector.extract_strided_slice %add3A_64 {offsets = [0, 0], sizes = [2040, 8], strides = [1, 1]} : vector<2048x8xi32> to vector<2040x8xi32>
    %concatenate3A_68 = tpu.concatenate %broadcast_in_dim3A_66, %slice3A_67 in 0 : vector<8x8xi32>, vector<2040x8xi32> -> vector<2048x8xi32>
    %add3A_69 = arith.addi %add3A_64, %concatenate3A_68 : vector<2048x8xi32>
    %broadcast_in_dim3A_70 = arith.constant 0 : i32
    %broadcast_in_dim3A_71 = vector.broadcast %broadcast_in_dim3A_70 : i32 to vector<16x8xi32>
    %slice3A_72 = vector.extract_strided_slice %add3A_69 {offsets = [0, 0], sizes = [2032, 8], strides = [1, 1]} : vector<2048x8xi32> to vector<2032x8xi32>
    %concatenate3A_73 = tpu.concatenate %broadcast_in_dim3A_71, %slice3A_72 in 0 : vector<16x8xi32>, vector<2032x8xi32> -> vector<2048x8xi32>
    %add3A_74 = arith.addi %add3A_69, %concatenate3A_73 : vector<2048x8xi32>
    %broadcast_in_dim3A_75 = arith.constant 0 : i32
    %broadcast_in_dim3A_76 = vector.broadcast %broadcast_in_dim3A_75 : i32 to vector<32x8xi32>
    %slice3A_77 = vector.extract_strided_slice %add3A_74 {offsets = [0, 0], sizes = [2016, 8], strides = [1, 1]} : vector<2048x8xi32> to vector<2016x8xi32>
    %concatenate3A_78 = tpu.concatenate %broadcast_in_dim3A_76, %slice3A_77 in 0 : vector<32x8xi32>, vector<2016x8xi32> -> vector<2048x8xi32>
    %add3A_79 = arith.addi %add3A_74, %concatenate3A_78 : vector<2048x8xi32>
    %broadcast_in_dim3A_80 = arith.constant 0 : i32
    %broadcast_in_dim3A_81 = vector.broadcast %broadcast_in_dim3A_80 : i32 to vector<64x8xi32>
    %slice3A_82 = vector.extract_strided_slice %add3A_79 {offsets = [0, 0], sizes = [1984, 8], strides = [1, 1]} : vector<2048x8xi32> to vector<1984x8xi32>
    %concatenate3A_83 = tpu.concatenate %broadcast_in_dim3A_81, %slice3A_82 in 0 : vector<64x8xi32>, vector<1984x8xi32> -> vector<2048x8xi32>
    %add3A_84 = arith.addi %add3A_79, %concatenate3A_83 : vector<2048x8xi32>
    %broadcast_in_dim3A_85 = arith.constant 0 : i32
    %broadcast_in_dim3A_86 = vector.broadcast %broadcast_in_dim3A_85 : i32 to vector<128x8xi32>
    %slice3A_87 = vector.extract_strided_slice %add3A_84 {offsets = [0, 0], sizes = [1920, 8], strides = [1, 1]} : vector<2048x8xi32> to vector<1920x8xi32>
    %concatenate3A_88 = tpu.concatenate %broadcast_in_dim3A_86, %slice3A_87 in 0 : vector<128x8xi32>, vector<1920x8xi32> -> vector<2048x8xi32>
    %add3A_89 = arith.addi %add3A_84, %concatenate3A_88 : vector<2048x8xi32>
    %broadcast_in_dim3A_90 = arith.constant 0 : i32
    %broadcast_in_dim3A_91 = vector.broadcast %broadcast_in_dim3A_90 : i32 to vector<256x8xi32>
    %slice3A_92 = vector.extract_strided_slice %add3A_89 {offsets = [0, 0], sizes = [1792, 8], strides = [1, 1]} : vector<2048x8xi32> to vector<1792x8xi32>
    %concatenate3A_93 = tpu.concatenate %broadcast_in_dim3A_91, %slice3A_92 in 0 : vector<256x8xi32>, vector<1792x8xi32> -> vector<2048x8xi32>
    %add3A_94 = arith.addi %add3A_89, %concatenate3A_93 : vector<2048x8xi32>
    %broadcast_in_dim3A_95 = arith.constant 0 : i32
    %broadcast_in_dim3A_96 = vector.broadcast %broadcast_in_dim3A_95 : i32 to vector<512x8xi32>
    %slice3A_97 = vector.extract_strided_slice %add3A_94 {offsets = [0, 0], sizes = [1536, 8], strides = [1, 1]} : vector<2048x8xi32> to vector<1536x8xi32>
    %concatenate3A_98 = tpu.concatenate %broadcast_in_dim3A_96, %slice3A_97 in 0 : vector<512x8xi32>, vector<1536x8xi32> -> vector<2048x8xi32>
    %add3A_99 = arith.addi %add3A_94, %concatenate3A_98 : vector<2048x8xi32>
    %broadcast_in_dim3A_100 = arith.constant 0 : i32
    %broadcast_in_dim3A_101 = vector.broadcast %broadcast_in_dim3A_100 : i32 to vector<1024x8xi32>
    %slice3A_102 = vector.extract_strided_slice %add3A_99 {offsets = [0, 0], sizes = [1024, 8], strides = [1, 1]} : vector<2048x8xi32> to vector<1024x8xi32>
    %concatenate3A_103 = tpu.concatenate %broadcast_in_dim3A_101, %slice3A_102 in 0 : vector<1024x8xi32>, vector<1024x8xi32> -> vector<2048x8xi32>
    %add3A_104 = arith.addi %add3A_99, %concatenate3A_103 : vector<2048x8xi32>
    %sub3A_105 = arith.subi %add3A_104, %convert_element_type3A : vector<2048x8xi32>
    %slice3A_106 = vector.extract_strided_slice %add3A_104 {offsets = [2047, 0], sizes = [1, 8], strides = [1, 1]} : vector<2048x8xi32> to vector<1x8xi32>
    %add3A_107 = arith.constant 256 : i32
    %add3A_108 = vector.broadcast %add3A_107 : i32 to vector<1x8xi32>
    %add3A_109 = arith.addi %slice3A_106, %add3A_108 : vector<1x8xi32>
    %sub3A_110 = arith.constant 1 : i32
    %sub3A_111 = vector.broadcast %sub3A_110 : i32 to vector<1x8xi32>
    %sub3A_112 = arith.subi %add3A_109, %sub3A_111 : vector<1x8xi32>
    %jit3A_113 = arith.constant 256 : i32
    %div3A_114 = vector.broadcast %jit3A_113 : i32 to vector<1x8xi32>
    %div3A_115 = arith.divsi %sub3A_112, %div3A_114 : vector<1x8xi32>
    %sign3A = arith.constant 0 : i32
    %sign3A_116 = vector.broadcast %sign3A : i32 to vector<1x8xi32>
    %sign3A_117 = arith.cmpi sgt, %sub3A_112, %sign3A_116 : vector<1x8xi32>
    %sign3A_118 = arith.extui %sign3A_117 : vector<1x8xi1> to vector<1x8xi32>
    %sign3A_119 = arith.constant 0 : i32
    %sign3A_120 = vector.broadcast %sign3A_119 : i32 to vector<1x8xi32>
    %sign3A_121 = arith.cmpi slt, %sub3A_112, %sign3A_120 : vector<1x8xi32>
    %sign3A_122 = arith.extui %sign3A_121 : vector<1x8xi1> to vector<1x8xi32>
    %sign3A_123 = arith.subi %sign3A_118, %sign3A_122 : vector<1x8xi32>
    %sign3A_124 = arith.constant 0 : i32
    %sign3A_125 = arith.cmpi sgt, %jit3A_113, %sign3A_124 : i32
    %sign3A_126 = arith.extui %sign3A_125 : i1 to i32
    %sign3A_127 = arith.constant 0 : i32
    %sign3A_128 = arith.cmpi slt, %jit3A_113, %sign3A_127 : i32
    %sign3A_129 = arith.extui %sign3A_128 : i1 to i32
    %sign3A_130 = arith.subi %sign3A_126, %sign3A_129 : i32
    %ne3A = vector.broadcast %sign3A_130 : i32 to vector<1x8xi32>
    %ne3A_131 = arith.cmpi ne, %sign3A_123, %ne3A : vector<1x8xi32>
    %rem3A = vector.broadcast %jit3A_113 : i32 to vector<1x8xi32>
    %rem3A_132 = arith.remsi %sub3A_112, %rem3A : vector<1x8xi32>
    %ne3A_133 = arith.constant 0 : i32
    %ne3A_134 = vector.broadcast %ne3A_133 : i32 to vector<1x8xi32>
    %ne3A_135 = arith.cmpi ne, %rem3A_132, %ne3A_134 : vector<1x8xi32>
    %and3A = arith.andi %ne3A_131, %ne3A_135 : vector<1x8xi1>
    %sub3A_136 = arith.constant 1 : i32
    %sub3A_137 = vector.broadcast %sub3A_136 : i32 to vector<1x8xi32>
    %sub3A_138 = arith.subi %div3A_115, %sub3A_137 : vector<1x8xi32>
    %select_n3A_139 = arith.select %and3A, %sub3A_138, %div3A_115 : vector<1x8xi1>, vector<1x8xi32>
    %mul3A = arith.constant 256 : i32
    %mul3A_140 = vector.broadcast %mul3A : i32 to vector<1x8xi32>
    %mul3A_141 = arith.muli %select_n3A_139, %mul3A_140 : vector<1x8xi32>
    %broadcast_in_dim3A_142 = arith.constant 0 : i32
    %broadcast_in_dim3A_143 = vector.broadcast %broadcast_in_dim3A_142 : i32 to vector<1x1xi32>
    %slice3A_144 = vector.extract_strided_slice %mul3A_141 {offsets = [0, 0], sizes = [1, 7], strides = [1, 1]} : vector<1x8xi32> to vector<1x7xi32>
    %concatenate3A_145 = tpu.concatenate %broadcast_in_dim3A_143, %slice3A_144 in 1 : vector<1x1xi32>, vector<1x7xi32> -> vector<1x8xi32>
    %add3A_146 = arith.addi %mul3A_141, %concatenate3A_145 : vector<1x8xi32>
    %broadcast_in_dim3A_147 = arith.constant 0 : i32
    %broadcast_in_dim3A_148 = vector.broadcast %broadcast_in_dim3A_147 : i32 to vector<1x2xi32>
    %slice3A_149 = vector.extract_strided_slice %add3A_146 {offsets = [0, 0], sizes = [1, 6], strides = [1, 1]} : vector<1x8xi32> to vector<1x6xi32>
    %concatenate3A_150 = tpu.concatenate %broadcast_in_dim3A_148, %slice3A_149 in 1 : vector<1x2xi32>, vector<1x6xi32> -> vector<1x8xi32>
    %add3A_151 = arith.addi %add3A_146, %concatenate3A_150 : vector<1x8xi32>
    %broadcast_in_dim3A_152 = arith.constant 0 : i32
    %broadcast_in_dim3A_153 = vector.broadcast %broadcast_in_dim3A_152 : i32 to vector<1x4xi32>
    %slice3A_154 = vector.extract_strided_slice %add3A_151 {offsets = [0, 0], sizes = [1, 4], strides = [1, 1]} : vector<1x8xi32> to vector<1x4xi32>
    %concatenate3A_155 = tpu.concatenate %broadcast_in_dim3A_153, %slice3A_154 in 1 : vector<1x4xi32>, vector<1x4xi32> -> vector<1x8xi32>
    %add3A_156 = arith.addi %add3A_151, %concatenate3A_155 : vector<1x8xi32>
    %sub3A_157 = arith.subi %add3A_156, %mul3A_141 : vector<1x8xi32>
    %add3A_158 = vector.broadcast %sub3A_157 : vector<1x8xi32> to vector<2048x8xi32>
    %add3A_159 = arith.addi %add3A_158, %sub3A_105 : vector<2048x8xi32>
    %jit3A_160 = arith.constant 0 : i32
    %broadcast_in_dim3A_161 = vector.broadcast %jit3A_160 : i32 to vector<2048x8xi32>
    %select_n3A_162 = arith.select %eq3A_23, %add3A_159, %broadcast_in_dim3A_161 : vector<2048x8xi1>, vector<2048x8xi32>
    %reduce_sum3A_163 = arith.constant dense<0> : vector<2048xi32>
    %reduce_sum3A_164 = vector.multi_reduction <add>, %select_n3A_162, %reduce_sum3A_163 [1] : vector<2048x8xi32> to vector<2048xi32>
    %broadcast_in_dim3A_165 = vector.shape_cast %reduce_sum3A_164 : vector<2048xi32> to vector<2048x1xi32>
    %jit3A_166 = arith.constant 0 : i32
    %broadcast_in_dim3A_167 = vector.broadcast %jit3A_166 : i32 to vector<2048x8xi32>
    %select_n3A_168 = arith.select %eq3A_39, %add3A_159, %broadcast_in_dim3A_167 : vector<2048x8xi1>, vector<2048x8xi32>
    %reduce_sum3A_169 = arith.constant dense<0> : vector<2048xi32>
    %reduce_sum3A_170 = vector.multi_reduction <add>, %select_n3A_168, %reduce_sum3A_169 [1] : vector<2048x8xi32> to vector<2048xi32>
    %broadcast_in_dim3A_171 = vector.shape_cast %reduce_sum3A_170 : vector<2048xi32> to vector<2048x1xi32>
    %eq3A_172 = arith.constant 0 : i32
    %eq3A_173 = vector.broadcast %eq3A_172 : i32 to vector<2048x8xi32>
    %eq3A_174 = arith.cmpi eq, %iota3A, %eq3A_173 : vector<2048x8xi32>
    %eq3A_175 = arith.constant 1 : i32
    %eq3A_176 = vector.broadcast %eq3A_175 : i32 to vector<2048x8xi32>
    %eq3A_177 = arith.cmpi eq, %iota3A, %eq3A_176 : vector<2048x8xi32>
    %jit3A_178 = arith.constant 0 : i32
    %broadcast_in_dim3A_179 = vector.shape_cast %broadcast_in_dim3A_171 : vector<2048x1xi32> to vector<2048x1xi32>
    %broadcast_in_dim3A_180 = vector.broadcast %broadcast_in_dim3A_179 : vector<2048x1xi32> to vector<2048x8xi32>
    %broadcast_in_dim3A_181 = vector.broadcast %jit3A_178 : i32 to vector<2048x8xi32>
    %select_n3A_182 = arith.select %eq3A_177, %broadcast_in_dim3A_180, %broadcast_in_dim3A_181 : vector<2048x8xi1>, vector<2048x8xi32>
    %broadcast_in_dim3A_183 = vector.shape_cast %broadcast_in_dim3A_165 : vector<2048x1xi32> to vector<2048x1xi32>
    %broadcast_in_dim3A_184 = vector.broadcast %broadcast_in_dim3A_183 : vector<2048x1xi32> to vector<2048x8xi32>
    %select_n3A_185 = arith.select %eq3A_174, %broadcast_in_dim3A_184, %select_n3A_182 : vector<2048x8xi1>, vector<2048x8xi32>
    %swap3A = arith.constant 0 : index
    %swap3A_186 = arith.constant 0 : index
    %swap3A_187 = vector.load %arg4[%swap3A, %swap3A_186] : memref<2048x8xi32, #tpu.memory_space<vmem>>, vector<2048x8xi32>
    tpu.vector_store %arg4[%swap3A, %swap3A_186], %select_n3A_185 {strides = array<i32>} : memref<2048x8xi32, #tpu.memory_space<vmem>>, vector<2048x8xi32>,
    %eq3A_188 = arith.constant 0 : i32
    %eq3A_189 = vector.broadcast %eq3A_188 : i32 to vector<2048x8xi32>
    %eq3A_190 = arith.cmpi eq, %iota3A, %eq3A_189 : vector<2048x8xi32>
    %eq3A_191 = arith.constant 1 : i32
    %eq3A_192 = vector.broadcast %eq3A_191 : i32 to vector<2048x8xi32>
    %eq3A_193 = arith.cmpi eq, %iota3A, %eq3A_192 : vector<2048x8xi32>
    %jit3A_194 = arith.constant 0.000000e+00 : f32
    %broadcast_in_dim3A_195 = vector.shape_cast %broadcast_in_dim3A_51 : vector<2048x1xf32> to vector<2048x1xf32>
    %broadcast_in_dim3A_196 = vector.broadcast %broadcast_in_dim3A_195 : vector<2048x1xf32> to vector<2048x8xf32>
    %broadcast_in_dim3A_197 = vector.broadcast %jit3A_194 : f32 to vector<2048x8xf32>
    %select_n3A_198 = arith.select %eq3A_193, %broadcast_in_dim3A_196, %broadcast_in_dim3A_197 : vector<2048x8xi1>, vector<2048x8xf32>
    %broadcast_in_dim3A_199 = vector.shape_cast %broadcast_in_dim3A_45 : vector<2048x1xf32> to vector<2048x1xf32>
    %broadcast_in_dim3A_200 = vector.broadcast %broadcast_in_dim3A_199 : vector<2048x1xf32> to vector<2048x8xf32>
    %select_n3A_201 = arith.select %eq3A_190, %broadcast_in_dim3A_200, %select_n3A_198 : vector<2048x8xi1>, vector<2048x8xf32>
    %swap3A_202 = arith.constant 0 : index
    %swap3A_203 = arith.constant 0 : index
    %swap3A_204 = vector.load %arg5[%swap3A_202, %swap3A_203] : memref<2048x8xf32, #tpu.memory_space<vmem>>, vector<2048x8xf32>
    tpu.vector_store %arg5[%swap3A_202, %swap3A_203], %select_n3A_201 {strides = array<i32>} : memref<2048x8xf32, #tpu.memory_space<vmem>>, vector<2048x8xf32>,
    %swap3A_205 = arith.constant 0 : index
    %swap3A_206 = arith.constant 0 : index
    %swap3A_207 = vector.load %arg6[%swap3A_205, %swap3A_206] : memref<1x8xi32, #tpu.memory_space<vmem>>, vector<1x8xi32>
    tpu.vector_store %arg6[%swap3A_205, %swap3A_206], %add3A_156 {strides = array<i32>} : memref<1x8xi32, #tpu.memory_space<vmem>>, vector<1x8xi32>,
    return
  }
  func.func @transform_0(%arg0: i32) -> (i32, i32) {
    %c0_i32 = arith.constant 0 : i32
    %c0_i32_0 = arith.constant 0 : i32
    %c0_i32_1 = arith.constant 0 : i32
    return %c0_i32, %c0_i32_0 : i32, i32
  }
  func.func @transform_1(%arg0: i32) -> (i32, i32) {
    %c0_i32 = arith.constant 0 : i32
    %c0_i32_0 = arith.constant 0 : i32
    %c0_i32_1 = arith.constant 0 : i32
    return %c0_i32, %c0_i32_0 : i32, i32
  }
  func.func @transform_2(%arg0: i32) -> (i32, i32) {
    %c0_i32 = arith.constant 0 : i32
    %c0_i32_0 = arith.constant 0 : i32
    %c0_i32_1 = arith.constant 0 : i32
    return %c0_i32, %c0_i32_0 : i32, i32
  }
  func.func @transform_3(%arg0: i32) -> (i32, i32) {
    %c0_i32 = arith.constant 0 : i32
    %c0_i32_0 = arith.constant 0 : i32
    %c0_i32_1 = arith.constant 0 : i32
    return %c0_i32, %c0_i32_0 : i32, i32
  }
  func.func @transform_4(%arg0: i32) -> (i32, i32) {
    %c0_i32 = arith.constant 0 : i32
    %c0_i32_0 = arith.constant 0 : i32
    %c0_i32_1 = arith.constant 0 : i32
    return %c0_i32, %c0_i32_0 : i32, i32
  }
  func.func @transform_5(%arg0: i32) -> (i32, i32) {
    %c0_i32 = arith.constant 0 : i32
    %c0_i32_0 = arith.constant 0 : i32
    %c0_i32_1 = arith.constant 0 : i32
    return %c0_i32, %c0_i32_0 : i32, i32
  }
}

module attributes {stable_mosaic.version = 14 : i64} {
  func.func @_grouped_kernel(%arg0: i32, %arg1: memref<8xi32, #tpu.memory_space<smem>>, %arg2: memref<256x1024xf32, #tpu.memory_space<vmem>>, %arg3: memref<1x1024x1024xf32, #tpu.memory_space<vmem>>, %arg4: memref<1x1024x1024xf32, #tpu.memory_space<vmem>>, %arg5: memref<1x1024x1024xf32, #tpu.memory_space<vmem>>, %arg6: memref<256x1024xf32, #tpu.memory_space<vmem>>) attributes {dimension_semantics = [#tpu.dimension_semantics<arbitrary>], iteration_bounds = array<i64: 24>, scalar_prefetch = 1 : i64, scratch_operands = 0 : i64, tpu.core_type = #tpu.core_type<tc>, window_params = [{transform_indices = @transform_0, window_bounds = array<i64: 256, 1024>}, {transform_indices = @transform_1, window_bounds = array<i64: 1, 1024, 1024>}, {transform_indices = @transform_2, window_bounds = array<i64: 1, 1024, 1024>}, {transform_indices = @transform_3, window_bounds = array<i64: 1, 1024, 1024>}, {transform_indices = @transform_4, window_bounds = array<i64: 256, 1024>}]} {
    %mul3A = arith.constant 256 : i32
    %mul3A_0 = arith.muli %arg0, %mul3A : i32
    %get3A = arith.constant 7 : index
    %get3A_1 = memref.load %arg1[%get3A] : memref<8xi32, #tpu.memory_space<smem>>
    %lt3A = arith.cmpi slt, %mul3A_0, %get3A_1 : i32
    %convert_element_type3A = arith.extui %lt3A : i1 to i32
    %cond3A = arith.constant 0 : i32
    %cond3A_2 = arith.cmpi ne, %convert_element_type3A, %cond3A : i32
    scf.if %cond3A_2 {
      %get3A_3 = arith.constant 0 : index
      %get3A_4 = arith.constant 0 : index
      %get3A_5 = vector.load %arg2[%get3A_3, %get3A_4] : memref<256x1024xf32, #tpu.memory_space<vmem>>, vector<256x1024xf32>
      %convert_element_type3A_6 = arith.truncf %get3A_5 : vector<256x1024xf32> to vector<256x1024xbf16>
      %get3A_7 = arith.constant 0 : index
      %get3A_8 = arith.constant 0 : index
      %get3A_9 = arith.constant 0 : index
      %get3A_10 = vector.load %arg3[%get3A_7, %get3A_8, %get3A_9] : memref<1x1024x1024xf32, #tpu.memory_space<vmem>>, vector<1x1024x1024xf32>
      %get3A_11 = vector.shape_cast %get3A_10 : vector<1x1024x1024xf32> to vector<1024x1024xf32>
      %convert_element_type3A_12 = arith.truncf %get3A_11 : vector<1024x1024xf32> to vector<1024x1024xbf16>
      %dot_general3A = arith.constant dense<0.000000e+00> : vector<256x1024xf32>
      %dot_general3A_13 = tpu.matmul %convert_element_type3A_6, %convert_element_type3A_12, %dot_general3A {dimension_numbers = #tpu.dot_dimension_numbers<[1], [1], [0], [0], [0, 0, 1, 0], [], []>, transpose_lhs_hint = false} : vector<256x1024xbf16>, vector<1024x1024xbf16>, vector<256x1024xf32> -> vector<256x1024xf32>
      %get3A_14 = arith.constant 0 : index
      %get3A_15 = arith.constant 0 : index
      %get3A_16 = arith.constant 0 : index
      %get3A_17 = vector.load %arg4[%get3A_14, %get3A_15, %get3A_16] : memref<1x1024x1024xf32, #tpu.memory_space<vmem>>, vector<1x1024x1024xf32>
      %get3A_18 = vector.shape_cast %get3A_17 : vector<1x1024x1024xf32> to vector<1024x1024xf32>
      %convert_element_type3A_19 = arith.truncf %get3A_18 : vector<1024x1024xf32> to vector<1024x1024xbf16>
      %dot_general3A_20 = arith.constant dense<0.000000e+00> : vector<256x1024xf32>
      %dot_general3A_21 = tpu.matmul %convert_element_type3A_6, %convert_element_type3A_19, %dot_general3A_20 {dimension_numbers = #tpu.dot_dimension_numbers<[1], [1], [0], [0], [0, 0, 1, 0], [], []>, transpose_lhs_hint = false} : vector<256x1024xbf16>, vector<1024x1024xbf16>, vector<256x1024xf32> -> vector<256x1024xf32>
      %logistic3A = arith.negf %dot_general3A_13 : vector<256x1024xf32>
      %logistic3A_22 = math.exp %logistic3A : vector<256x1024xf32>
      %logistic3A_23 = arith.constant 1.000000e+00 : f32
      %logistic3A_24 = vector.broadcast %logistic3A_23 : f32 to vector<256x1024xf32>
      %logistic3A_25 = arith.addf %logistic3A_24, %logistic3A_22 : vector<256x1024xf32>
      %logistic3A_26 = arith.divf %logistic3A_24, %logistic3A_25 : vector<256x1024xf32>
      %mul3A_27 = arith.mulf %dot_general3A_13, %logistic3A_26 : vector<256x1024xf32>
      %mul3A_28 = arith.mulf %mul3A_27, %dot_general3A_21 : vector<256x1024xf32>
      %convert_element_type3A_29 = arith.truncf %mul3A_28 : vector<256x1024xf32> to vector<256x1024xbf16>
      %get3A_30 = arith.constant 0 : index
      %get3A_31 = arith.constant 0 : index
      %get3A_32 = arith.constant 0 : index
      %get3A_33 = vector.load %arg5[%get3A_30, %get3A_31, %get3A_32] : memref<1x1024x1024xf32, #tpu.memory_space<vmem>>, vector<1x1024x1024xf32>
      %get3A_34 = vector.shape_cast %get3A_33 : vector<1x1024x1024xf32> to vector<1024x1024xf32>
      %convert_element_type3A_35 = arith.truncf %get3A_34 : vector<1024x1024xf32> to vector<1024x1024xbf16>
      %dot_general3A_36 = arith.constant dense<0.000000e+00> : vector<256x1024xf32>
      %dot_general3A_37 = tpu.matmul %convert_element_type3A_29, %convert_element_type3A_35, %dot_general3A_36 {dimension_numbers = #tpu.dot_dimension_numbers<[1], [1], [0], [0], [0, 0, 1, 0], [], []>, transpose_lhs_hint = false} : vector<256x1024xbf16>, vector<1024x1024xbf16>, vector<256x1024xf32> -> vector<256x1024xf32>
      %swap3A = arith.constant 0 : index
      %swap3A_38 = arith.constant 0 : index
      %swap3A_39 = vector.load %arg6[%swap3A, %swap3A_38] : memref<256x1024xf32, #tpu.memory_space<vmem>>, vector<256x1024xf32>
      tpu.vector_store %arg6[%swap3A, %swap3A_38], %dot_general3A_37 {strides = array<i32>} : memref<256x1024xf32, #tpu.memory_space<vmem>>, vector<256x1024xf32>,
    } else {
    }
    return
  }
  func.func @transform_0(%arg0: i32, %arg1: memref<8xi32, #tpu.memory_space<smem>>) -> (i32, i32) {
    %c0_i32 = arith.constant 0 : i32
    %c0_i32_0 = arith.constant 0 : i32
    return %arg0, %c0_i32 : i32, i32
  }
  func.func @transform_1(%arg0: i32, %arg1: memref<8xi32, #tpu.memory_space<smem>>) -> (i32, i32, i32) {
    %mul3A = arith.constant 256 : i32
    %mul3A_0 = arith.muli %arg0, %mul3A : i32
    %get3A = arith.constant 0 : index
    %get3A_1 = memref.load %arg1[%get3A] : memref<8xi32, #tpu.memory_space<smem>>
    %ge3A = arith.cmpi sge, %mul3A_0, %get3A_1 : i32
    %jit3A = arith.constant 1 : i32
    %jit3A_2 = arith.constant 0 : i32
    %select_n3A = arith.select %ge3A, %jit3A, %jit3A_2 : i32
    %add3A = arith.constant 0 : i32
    %add3A_3 = arith.addi %add3A, %select_n3A : i32
    %get3A_4 = arith.constant 1 : index
    %get3A_5 = memref.load %arg1[%get3A_4] : memref<8xi32, #tpu.memory_space<smem>>
    %ge3A_6 = arith.cmpi sge, %mul3A_0, %get3A_5 : i32
    %jit3A_7 = arith.constant 1 : i32
    %jit3A_8 = arith.constant 0 : i32
    %select_n3A_9 = arith.select %ge3A_6, %jit3A_7, %jit3A_8 : i32
    %add3A_10 = arith.addi %add3A_3, %select_n3A_9 : i32
    %get3A_11 = arith.constant 2 : index
    %get3A_12 = memref.load %arg1[%get3A_11] : memref<8xi32, #tpu.memory_space<smem>>
    %ge3A_13 = arith.cmpi sge, %mul3A_0, %get3A_12 : i32
    %jit3A_14 = arith.constant 1 : i32
    %jit3A_15 = arith.constant 0 : i32
    %select_n3A_16 = arith.select %ge3A_13, %jit3A_14, %jit3A_15 : i32
    %add3A_17 = arith.addi %add3A_10, %select_n3A_16 : i32
    %get3A_18 = arith.constant 3 : index
    %get3A_19 = memref.load %arg1[%get3A_18] : memref<8xi32, #tpu.memory_space<smem>>
    %ge3A_20 = arith.cmpi sge, %mul3A_0, %get3A_19 : i32
    %jit3A_21 = arith.constant 1 : i32
    %jit3A_22 = arith.constant 0 : i32
    %select_n3A_23 = arith.select %ge3A_20, %jit3A_21, %jit3A_22 : i32
    %add3A_24 = arith.addi %add3A_17, %select_n3A_23 : i32
    %get3A_25 = arith.constant 4 : index
    %get3A_26 = memref.load %arg1[%get3A_25] : memref<8xi32, #tpu.memory_space<smem>>
    %ge3A_27 = arith.cmpi sge, %mul3A_0, %get3A_26 : i32
    %jit3A_28 = arith.constant 1 : i32
    %jit3A_29 = arith.constant 0 : i32
    %select_n3A_30 = arith.select %ge3A_27, %jit3A_28, %jit3A_29 : i32
    %add3A_31 = arith.addi %add3A_24, %select_n3A_30 : i32
    %get3A_32 = arith.constant 5 : index
    %get3A_33 = memref.load %arg1[%get3A_32] : memref<8xi32, #tpu.memory_space<smem>>
    %ge3A_34 = arith.cmpi sge, %mul3A_0, %get3A_33 : i32
    %jit3A_35 = arith.constant 1 : i32
    %jit3A_36 = arith.constant 0 : i32
    %select_n3A_37 = arith.select %ge3A_34, %jit3A_35, %jit3A_36 : i32
    %add3A_38 = arith.addi %add3A_31, %select_n3A_37 : i32
    %get3A_39 = arith.constant 6 : index
    %get3A_40 = memref.load %arg1[%get3A_39] : memref<8xi32, #tpu.memory_space<smem>>
    %ge3A_41 = arith.cmpi sge, %mul3A_0, %get3A_40 : i32
    %jit3A_42 = arith.constant 1 : i32
    %jit3A_43 = arith.constant 0 : i32
    %select_n3A_44 = arith.select %ge3A_41, %jit3A_42, %jit3A_43 : i32
    %add3A_45 = arith.addi %add3A_38, %select_n3A_44 : i32
    %get3A_46 = arith.constant 7 : index
    %get3A_47 = memref.load %arg1[%get3A_46] : memref<8xi32, #tpu.memory_space<smem>>
    %ge3A_48 = arith.cmpi sge, %mul3A_0, %get3A_47 : i32
    %jit3A_49 = arith.constant 1 : i32
    %jit3A_50 = arith.constant 0 : i32
    %select_n3A_51 = arith.select %ge3A_48, %jit3A_49, %jit3A_50 : i32
    %add3A_52 = arith.addi %add3A_45, %select_n3A_51 : i32
    %min3A = arith.constant 7 : i32
    %min3A_53 = arith.minsi %add3A_52, %min3A : i32
    %c0_i32 = arith.constant 0 : i32
    %c0_i32_54 = arith.constant 0 : i32
    %c0_i32_55 = arith.constant 0 : i32
    return %min3A_53, %c0_i32, %c0_i32_54 : i32, i32, i32
  }
  func.func @transform_2(%arg0: i32, %arg1: memref<8xi32, #tpu.memory_space<smem>>) -> (i32, i32, i32) {
    %mul3A = arith.constant 256 : i32
    %mul3A_0 = arith.muli %arg0, %mul3A : i32
    %get3A = arith.constant 0 : index
    %get3A_1 = memref.load %arg1[%get3A] : memref<8xi32, #tpu.memory_space<smem>>
    %ge3A = arith.cmpi sge, %mul3A_0, %get3A_1 : i32
    %jit3A = arith.constant 1 : i32
    %jit3A_2 = arith.constant 0 : i32
    %select_n3A = arith.select %ge3A, %jit3A, %jit3A_2 : i32
    %add3A = arith.constant 0 : i32
    %add3A_3 = arith.addi %add3A, %select_n3A : i32
    %get3A_4 = arith.constant 1 : index
    %get3A_5 = memref.load %arg1[%get3A_4] : memref<8xi32, #tpu.memory_space<smem>>
    %ge3A_6 = arith.cmpi sge, %mul3A_0, %get3A_5 : i32
    %jit3A_7 = arith.constant 1 : i32
    %jit3A_8 = arith.constant 0 : i32
    %select_n3A_9 = arith.select %ge3A_6, %jit3A_7, %jit3A_8 : i32
    %add3A_10 = arith.addi %add3A_3, %select_n3A_9 : i32
    %get3A_11 = arith.constant 2 : index
    %get3A_12 = memref.load %arg1[%get3A_11] : memref<8xi32, #tpu.memory_space<smem>>
    %ge3A_13 = arith.cmpi sge, %mul3A_0, %get3A_12 : i32
    %jit3A_14 = arith.constant 1 : i32
    %jit3A_15 = arith.constant 0 : i32
    %select_n3A_16 = arith.select %ge3A_13, %jit3A_14, %jit3A_15 : i32
    %add3A_17 = arith.addi %add3A_10, %select_n3A_16 : i32
    %get3A_18 = arith.constant 3 : index
    %get3A_19 = memref.load %arg1[%get3A_18] : memref<8xi32, #tpu.memory_space<smem>>
    %ge3A_20 = arith.cmpi sge, %mul3A_0, %get3A_19 : i32
    %jit3A_21 = arith.constant 1 : i32
    %jit3A_22 = arith.constant 0 : i32
    %select_n3A_23 = arith.select %ge3A_20, %jit3A_21, %jit3A_22 : i32
    %add3A_24 = arith.addi %add3A_17, %select_n3A_23 : i32
    %get3A_25 = arith.constant 4 : index
    %get3A_26 = memref.load %arg1[%get3A_25] : memref<8xi32, #tpu.memory_space<smem>>
    %ge3A_27 = arith.cmpi sge, %mul3A_0, %get3A_26 : i32
    %jit3A_28 = arith.constant 1 : i32
    %jit3A_29 = arith.constant 0 : i32
    %select_n3A_30 = arith.select %ge3A_27, %jit3A_28, %jit3A_29 : i32
    %add3A_31 = arith.addi %add3A_24, %select_n3A_30 : i32
    %get3A_32 = arith.constant 5 : index
    %get3A_33 = memref.load %arg1[%get3A_32] : memref<8xi32, #tpu.memory_space<smem>>
    %ge3A_34 = arith.cmpi sge, %mul3A_0, %get3A_33 : i32
    %jit3A_35 = arith.constant 1 : i32
    %jit3A_36 = arith.constant 0 : i32
    %select_n3A_37 = arith.select %ge3A_34, %jit3A_35, %jit3A_36 : i32
    %add3A_38 = arith.addi %add3A_31, %select_n3A_37 : i32
    %get3A_39 = arith.constant 6 : index
    %get3A_40 = memref.load %arg1[%get3A_39] : memref<8xi32, #tpu.memory_space<smem>>
    %ge3A_41 = arith.cmpi sge, %mul3A_0, %get3A_40 : i32
    %jit3A_42 = arith.constant 1 : i32
    %jit3A_43 = arith.constant 0 : i32
    %select_n3A_44 = arith.select %ge3A_41, %jit3A_42, %jit3A_43 : i32
    %add3A_45 = arith.addi %add3A_38, %select_n3A_44 : i32
    %get3A_46 = arith.constant 7 : index
    %get3A_47 = memref.load %arg1[%get3A_46] : memref<8xi32, #tpu.memory_space<smem>>
    %ge3A_48 = arith.cmpi sge, %mul3A_0, %get3A_47 : i32
    %jit3A_49 = arith.constant 1 : i32
    %jit3A_50 = arith.constant 0 : i32
    %select_n3A_51 = arith.select %ge3A_48, %jit3A_49, %jit3A_50 : i32
    %add3A_52 = arith.addi %add3A_45, %select_n3A_51 : i32
    %min3A = arith.constant 7 : i32
    %min3A_53 = arith.minsi %add3A_52, %min3A : i32
    %c0_i32 = arith.constant 0 : i32
    %c0_i32_54 = arith.constant 0 : i32
    %c0_i32_55 = arith.constant 0 : i32
    return %min3A_53, %c0_i32, %c0_i32_54 : i32, i32, i32
  }
  func.func @transform_3(%arg0: i32, %arg1: memref<8xi32, #tpu.memory_space<smem>>) -> (i32, i32, i32) {
    %mul3A = arith.constant 256 : i32
    %mul3A_0 = arith.muli %arg0, %mul3A : i32
    %get3A = arith.constant 0 : index
    %get3A_1 = memref.load %arg1[%get3A] : memref<8xi32, #tpu.memory_space<smem>>
    %ge3A = arith.cmpi sge, %mul3A_0, %get3A_1 : i32
    %jit3A = arith.constant 1 : i32
    %jit3A_2 = arith.constant 0 : i32
    %select_n3A = arith.select %ge3A, %jit3A, %jit3A_2 : i32
    %add3A = arith.constant 0 : i32
    %add3A_3 = arith.addi %add3A, %select_n3A : i32
    %get3A_4 = arith.constant 1 : index
    %get3A_5 = memref.load %arg1[%get3A_4] : memref<8xi32, #tpu.memory_space<smem>>
    %ge3A_6 = arith.cmpi sge, %mul3A_0, %get3A_5 : i32
    %jit3A_7 = arith.constant 1 : i32
    %jit3A_8 = arith.constant 0 : i32
    %select_n3A_9 = arith.select %ge3A_6, %jit3A_7, %jit3A_8 : i32
    %add3A_10 = arith.addi %add3A_3, %select_n3A_9 : i32
    %get3A_11 = arith.constant 2 : index
    %get3A_12 = memref.load %arg1[%get3A_11] : memref<8xi32, #tpu.memory_space<smem>>
    %ge3A_13 = arith.cmpi sge, %mul3A_0, %get3A_12 : i32
    %jit3A_14 = arith.constant 1 : i32
    %jit3A_15 = arith.constant 0 : i32
    %select_n3A_16 = arith.select %ge3A_13, %jit3A_14, %jit3A_15 : i32
    %add3A_17 = arith.addi %add3A_10, %select_n3A_16 : i32
    %get3A_18 = arith.constant 3 : index
    %get3A_19 = memref.load %arg1[%get3A_18] : memref<8xi32, #tpu.memory_space<smem>>
    %ge3A_20 = arith.cmpi sge, %mul3A_0, %get3A_19 : i32
    %jit3A_21 = arith.constant 1 : i32
    %jit3A_22 = arith.constant 0 : i32
    %select_n3A_23 = arith.select %ge3A_20, %jit3A_21, %jit3A_22 : i32
    %add3A_24 = arith.addi %add3A_17, %select_n3A_23 : i32
    %get3A_25 = arith.constant 4 : index
    %get3A_26 = memref.load %arg1[%get3A_25] : memref<8xi32, #tpu.memory_space<smem>>
    %ge3A_27 = arith.cmpi sge, %mul3A_0, %get3A_26 : i32
    %jit3A_28 = arith.constant 1 : i32
    %jit3A_29 = arith.constant 0 : i32
    %select_n3A_30 = arith.select %ge3A_27, %jit3A_28, %jit3A_29 : i32
    %add3A_31 = arith.addi %add3A_24, %select_n3A_30 : i32
    %get3A_32 = arith.constant 5 : index
    %get3A_33 = memref.load %arg1[%get3A_32] : memref<8xi32, #tpu.memory_space<smem>>
    %ge3A_34 = arith.cmpi sge, %mul3A_0, %get3A_33 : i32
    %jit3A_35 = arith.constant 1 : i32
    %jit3A_36 = arith.constant 0 : i32
    %select_n3A_37 = arith.select %ge3A_34, %jit3A_35, %jit3A_36 : i32
    %add3A_38 = arith.addi %add3A_31, %select_n3A_37 : i32
    %get3A_39 = arith.constant 6 : index
    %get3A_40 = memref.load %arg1[%get3A_39] : memref<8xi32, #tpu.memory_space<smem>>
    %ge3A_41 = arith.cmpi sge, %mul3A_0, %get3A_40 : i32
    %jit3A_42 = arith.constant 1 : i32
    %jit3A_43 = arith.constant 0 : i32
    %select_n3A_44 = arith.select %ge3A_41, %jit3A_42, %jit3A_43 : i32
    %add3A_45 = arith.addi %add3A_38, %select_n3A_44 : i32
    %get3A_46 = arith.constant 7 : index
    %get3A_47 = memref.load %arg1[%get3A_46] : memref<8xi32, #tpu.memory_space<smem>>
    %ge3A_48 = arith.cmpi sge, %mul3A_0, %get3A_47 : i32
    %jit3A_49 = arith.constant 1 : i32
    %jit3A_50 = arith.constant 0 : i32
    %select_n3A_51 = arith.select %ge3A_48, %jit3A_49, %jit3A_50 : i32
    %add3A_52 = arith.addi %add3A_45, %select_n3A_51 : i32
    %min3A = arith.constant 7 : i32
    %min3A_53 = arith.minsi %add3A_52, %min3A : i32
    %c0_i32 = arith.constant 0 : i32
    %c0_i32_54 = arith.constant 0 : i32
    %c0_i32_55 = arith.constant 0 : i32
    return %min3A_53, %c0_i32, %c0_i32_54 : i32, i32, i32
  }
  func.func @transform_4(%arg0: i32, %arg1: memref<8xi32, #tpu.memory_space<smem>>) -> (i32, i32) {
    %c0_i32 = arith.constant 0 : i32
    %c0_i32_0 = arith.constant 0 : i32
    return %arg0, %c0_i32 : i32, i32
  }
}

</mosaic_0001>

<sc_bundles>
// kernel: kernel.6.cloned.1.call-start
scs
__scs_entry_jumppad:
0x0: {  	(pc) =	sbr.rel $0x88, $3  }
0x1: {  	(tag) =	ssettag $0x0;
	lr =	simm.s32 $0x1  }
0x2: {  	[smem:$0x3F9B] =	sst lr;
	_ =	strace $0xD0000000  }
0x3: {  	_ = 	snop  }
0x4: {  	_ = 	snop  }
0x5: {  	_ = 	snop  }
0x6: {  	_ = 	snop  }
0x7: {  	_ = 	snop  }
__scs_overlays_trampoline_lowered:
0x8: {  	[smem:$0x3FAA] =	sst s0  }
0x9: {  	[smem:$0x3FAB] =	sst s1  }
0xa: {  	[smem:$0x3FAC] =	sst s2  }
0xb: {  	[smem:$0x3FAD] =	sst s3  }
0xc: {  	[smem:$0x3FAE] =	sst s4  }
0xd: {  	[smem:$0x3FAF] =	sst s5  }
0xe: {  	[smem:$0x3FB0] =	sst s6  }
0xf: {  	[smem:$0x3FB1] =	sst s7  }
0x10: {  	[smem:$0x3FB2] =	sst s8  }
0x11: {  	[smem:$0x3FB3] =	sst s9;
	s0 =	simm.s32 @!p0 $0x0  }
0x12: {  	s1 =	sld [smem:$0x3F99];
	s0 =	simm.s32 @p0 $0x1  }
0x13: {  	[smem:$0x3FB4] =	sst s0;
	s0 =	simm.s32 @!p1 $0x0  }
0x14: {  	s2 =	sld [smem:$0x3F98];
	s0 =	simm.s32 @p1 $0x1  }
0x15: {  	[smem:$0x3FB5] =	sst s0;
	s0 =	simm.s32 @!p2 $0x0  }
0x16: {  	s3 =	sld [smem:$0x3FDB];
	s0 =	simm.s32 @p2 $0x1  }
0x17: {  	s4 =	simm.s32 $0x1BF5;
	[smem:$0x3FB7] =	sst s0  }
0x18: {  	s0 =	sld [smem:$0x3F9A];
	_ =	swait.ge [sflag:s4], $0x0  }
0x19: {  	s7 =	sld [smem:$0x3F9B]  }
0x1a: {  	s8 =	sadd.s32 $0xFFFFE003, lr  }
0x1b: {  	s9 =	sadd.s32 $0xFFFFFEF7, lr;
	s5 =	simm.s32 $0xFFFFFFFF;
	p2 =	slt.u32 s8, $0xFFFFF086  }
0x1c: {  	p1 =	slt.u32 s9, $0xF7A;
	s5 =	simm.s32 @!p2 $0x0  }
0x1d: {  	s5 =	simm.s32 @p1 $0x1;
	p0 =	seq.s32 s7, s2  }
0x1e: {  	s7 =	smul.u32 @!p0 $0xF7A, s2;
	p2 =	seq.s32 @!p0 s5, $0x0  }
0x1f: {  	s9 =	smul.u32 $0xF7A, s1;
	s8 =	simm.s32 @!p0 $0x1BF5;
	p2 =	por !p2, p0  }
0x20: {  	[sflag:s8] =	ssyncset.s32 @!p0 $0xFFFFF086;
	s6 =	sadd.s32 @!p0 s3, s7;
	s7 =	simm.s32 @!p0 $0x108  }
0x21: {  	s3 =	sadd.s32 s3, s9;
	s6 =	sadd.s32 @!p0 $0x88, s6;
	s7 =	simm.s32 @p2 $0x1082  }
0x22: {  	[simem:s7], [sflag:s8] =	dma.local @!p0 [hbm:s6], $0xF7A  }
0x23: {  	s9 =	sor.u32 $0xD0000000, s2;
	s6 =	simm.s32 $0x108;
	_ =	swait.ge @!p0 [sflag:s8], $0x0  }
0x24: {  	s3 =	sadd.s32 $0x88, s3;
	s6 =	simm.s32 @!p1 $0x1082;
	[sflag:s4] =	ssyncset.s32 $0xFFFFF086  }
0x25: {  	[simem:s6], [sflag:s4] =	dma.local [hbm:s3], $0xF7A  }
0x26: {  	[smem:$0x3F9B] =	sst s1;
	(tag) =	ssettag s2;
	_ =	strace s9  }
0x27: {  	s1 =	sld [smem:$0x3FAB]  }
0x28: {  	s2 =	sld [smem:$0x3FAC]  }
0x29: {  	s4 =	sld [smem:$0x3FAE]  }
0x2a: {  	p0 =	seq.s32 s5, $0x0;
	s5 =	sld [smem:$0x3FAF]  }
0x2b: {  	s6 =	sld [smem:$0x3FB0]  }
0x2c: {  	s7 =	sld [smem:$0x3FB1]  }
0x2d: {  	s3 =	simm.s32 $0x108;
	s8 =	sld [smem:$0x3FB2]  }
0x2e: {  	s3 =	simm.s32 @!p0 $0x1082;
	s9 =	sld [smem:$0x3FB3]  }
0x2f: {  	lr =	sadd.s32 s0, s3;
	s0 =	sld [smem:$0x3FAA]  }
0x30: {  	s3 =	sld [smem:$0x3FAD]  }
0x31: {  	[smem:$0x3FB6] =	sst s10  }
0x32: {  	s10 =	sld [smem:$0x3FB4];
	_ =	sdelay $0x3  }
0x33: {  	p0 =	seq.s32 s10, $0x1;
	s10 =	sld [smem:$0x3FB6];
	_ =	sdelay $0x3  }
0x34: {  	[smem:$0x3FB6] =	sst s10  }
0x35: {  	s10 =	sld [smem:$0x3FB5];
	_ =	sdelay $0x3  }
0x36: {  	p1 =	seq.s32 s10, $0x1;
	s10 =	sld [smem:$0x3FB6];
	_ =	sdelay $0x3  }
0x37: {  	[smem:$0x3FB6] =	sst s10  }
0x38: {  	s10 =	sld [smem:$0x3FB7]  }
0x39: {  	_ = 	snop;
	(pc) =	sbr.ind lr, $3  }
0x3a: {  	_ = 	snop  }
0x3b: {  	_ = 	snop  }
0x3c: {  	p2 =	seq.s32 s10, $0x1;
	s10 =	sld [smem:$0x3FB6]  }
0x3d: {  	_ =	shalt  }
0x3e: {  	_ =	shalt  }
0x3f: {  	_ =	shalt  }
0x40: {  	_ =	shalt  }
0x41: {  	_ =	shalt  }
0x42: {  	_ =	shalt  }
0x43: {  	_ =	shalt  }
0x44: {  	_ =	shalt  }
0x45: {  	_ =	shalt  }
0x46: {  	_ =	shalt  }
0x47: {  	_ =	shalt  }
0x48: {  	_ =	shalt  }
0x49: {  	_ =	shalt  }
0x4a: {  	_ =	shalt  }
0x4b: {  	_ =	shalt  }
0x4c: {  	_ =	shalt  }
0x4d: {  	_ =	shalt  }
0x4e: {  	_ =	shalt  }
0x4f: {  	_ =	shalt  }
0x50: {  	_ =	shalt  }
0x51: {  	_ =	shalt  }
0x52: {  	_ =	shalt  }
0x53: {  	_ =	shalt  }
0x54: {  	_ =	shalt  }
0x55: {  	_ =	shalt  }
0x56: {  	_ =	shalt  }
0x57: {  	_ =	shalt  }
0x58: {  	_ =	shalt  }
0x59: {  	_ =	shalt  }
0x5a: {  	_ =	shalt  }
0x5b: {  	_ =	shalt  }
0x5c: {  	_ =	shalt  }
0x5d: {  	_ =	shalt  }
0x5e: {  	_ =	shalt  }
0x5f: {  	_ =	shalt  }
0x60: {  	_ =	shalt  }
0x61: {  	_ =	shalt  }
0x62: {  	_ =	shalt  }
0x63: {  	_ =	shalt  }
0x64: {  	_ =	shalt  }
0x65: {  	_ =	shalt  }
0x66: {  	_ =	shalt  }
0x67: {  	_ =	shalt  }
0x68: {  	_ =	shalt  }
0x69: {  	_ =	shalt  }
0x6a: {  	_ =	shalt  }
0x6b: {  	_ =	shalt  }
0x6c: {  	_ =	shalt  }
0x6d: {  	_ =	shalt  }
0x6e: {  	_ =	shalt  }
0x6f: {  	_ =	shalt  }
0x70: {  	_ =	shalt  }
0x71: {  	_ =	shalt  }
0x72: {  	_ =	shalt  }
0x73: {  	_ =	shalt  }
0x74: {  	_ =	shalt  }
0x75: {  	_ =	shalt  }
0x76: {  	_ =	shalt  }
0x77: {  	_ =	shalt  }
0x78: {  	_ =	shalt  }
0x79: {  	_ =	shalt  }
0x7a: {  	_ =	shalt  }
0x7b: {  	_ =	shalt  }
0x7c: {  	_ =	shalt  }
0x7d: {  	_ =	shalt  }
0x7e: {  	_ =	shalt  }
0x7f: {  	_ =	shalt  }
0x80: {  	_ =	shalt  }
0x81: {  	_ =	shalt  }
0x82: {  	_ =	shalt  }
0x83: {  	_ =	shalt  }
0x84: {  	_ =	shalt  }
0x85: {  	_ =	shalt  }
0x86: {  	_ =	shalt  }
0x87: {  	_ =	shalt  }
.Lfunc_end0:
.L_simem_size_0:
called_computation_lowered:
.L_overlay_start_0:
0x88: {  	s2 =	sld [smem:$0x3FD9]  }
0x89: {  	s3 =	sld [smem:$0x3FFE];
	_ =	sdelay $0x1  }
0x8a: {  	s1 =	srdreg.scid  }
0x8b: {  	s0 =	sand.u32 $0x1, s1  }
0x8c: {  	s17 =	sshll.u32 s0, $0xA;
	s2 =	sadd.s32 s3, s2  }
0x8d: {  	s2 =	sadd.s32 s2, s17  }
0x8e: {  	[smem:$0x3FC2] =	sst s2  }
0x8f: {  	_ = 	snop  }
0x90: {  	s2 =	sld [smem:$0x3FC9]  }
0x91: {  	s18 =	sld [smem:$0x3FD0];
	(tm) =	ssettm $0x1  }
0x92: {  	s4 =	sld [smem:$0x3FFB];
	_ =	sdelay $0x3  }
0x93: {  	_ =	strace s4  }
0x94: {  	s4 =	sld [smem:$0x3FFC];
	_ =	sdelay $0x3  }
0x95: {  	_ =	strace s4  }
0x96: {  	s4 =	sld [smem:$0x3FFD];
	_ =	sdelay $0x3  }
0x97: {  	_ =	strace s4  }
0x98: {  	_ =	strace $0x8FFFFFFF  }
0x99: {  	s19 =	sld [smem:$0x3FDB];
	_ =	sdelay $0x1  }
0x9a: {  	s5 =	simm.s32 $_scs_section_size  }
0x9b: {  	s6 =	simm.s32 $_size__tile_overlayer_lowered;
	s7 =	simm.s32 $_tile_overlayer_lowered  }
0x9c: {  	s22 =	simm.s32 $0x1BFF;
	s21 =	sshll.u32 s7, $0x1;
	s4 =	sadd.s32 s5, s19  }
0x9d: {  	s8 =	simm.s32 $0x0;
	s20 =	sshll.u32 s6, $0x1;
	s6 =	sadd.s32 s21, s4  }
0x9e: {  	[timem:s8], [sflag:s22] =	dma.local [hbm:s6], s20  }
0x9f: {  	_ =	swait.ge [sflag:s22], s20  }
0xa0: {  	s5 =	ssub.s32 $0x0, s20;
	[sflag:s22] =	ssyncset.done $0x0  }
0xa1: {  	[sflag:s22] =	ssyncadd.s32 s5;
	_ =	sdelay $0x1  }
0xa2: {  	s23 =	simm.s32 $0x1B8B  }
0xa3: {  	_ =	swait.ge [sflag:s23], $0x1  }
0xa4: {  	[sflag:s23] =	ssyncset.done $0x0  }
0xa5: {  	s25 =	simm.s32 $0x1B8E;
	s24 =	sld [smem:$0x3FFE];
	[sflag:s23] =	ssyncadd.s32 $0xFFFFFFFF  }
0xa6: {  	s26 =	simm.s32 $execute0_lowered;
	[smem:$0x3FD2] =	sst s25  }
0xa7: {  	s6 =	sshll.u32 s26, $0x1;
	_ =	strace $0x80000046;
	[dreg:$0x1] =	wrdreg $0xFFFFFFFF  }
0xa8: {  	s28 =	simm.s32 $_size_execute0_lowered;
	s4 =	sadd.s32 s4, s6;
	[dreg:$0x0] =	wrdreg $0x0  }
0xa9: {  	s6 =	sshll.u32 s28, $0x1;
	[dreg:$0x2] =	wrdreg s4  }
0xaa: {  	[dreg:$0x3] =	wrdreg s6  }
0xab: {  	[dreg:$0x4] =	wrdreg $0xC0  }
0xac: {  	_ =	task [dreg:s8], $0x5FFFF  }
0xad: {  	[dreg:$0x1] =	wrdreg $0xFFFFFFFF  }
0xae: {  	[dreg:$0x0] =	wrdreg $0x60  }
0xaf: {  	[dreg:$0x2] =	wrdreg s2  }
0xb0: {  	[dreg:$0x3] =	wrdreg s18  }
0xb1: {  	[dreg:$0x4] =	wrdreg s24  }
0xb2: {  	[dreg:$0x5] =	wrdreg $0x9  }
0xb3: {  	_ =	task.clear_ibuf [dreg:s8], $0x6FFFF;
	_ =	strace $0x90000046  }
0xb4: {  	s29 =	simm.s32 $0x9;
	_ =	strace $0x80000048  }
0xb5: {  	_ =	swait.ge [sflag:s29], $0x1  }
0xb6: {  	[sflag:s29] =	ssyncadd.s32 $0xFFFFFFFF  }
0xb7: {  	_ =	strace $0x90000048  }
0xb8: {  	_ =	sfence  }
0xb9: {  	s30 =	sld [smem:$0x0];
	_ =	sdelay $0x2  }
0xba: {  	s31 =	sshll.u32 s1, $0xD;
	s1 =	sshrl.u32 s1, $0x2  }
0xbb: {  	s3 =	sand.u32 $0x4000, s31;
	s1 =	sadd.s32 s1, s30  }
0xbc: {  	s0 =	sor.u32 s3, s0;
	s1 =	sshll.u32 s1, $0x11  }
0xbd: {  	s0 =	sor.u32 s1, s0  }
0xbe: {  	s0 =	sadd.s32 $0x8F2B, s0  }
0xbf: {  	[sflag:s0] =	ssyncadd.remote.s32 $0x1  }
0xc0: {  	_ =	sfence.sel $0xFFFF  }
0xc1: {  	[dreg:$0x0] =	wrdreg $0xFFFFFFFF;
	(pc) =	sbr.abs _section_cstart, $3  }
0xc2: {  	[dreg:$0x1] =	wrdreg $0xFFFFFFFF  }
0xc3: {  	_ =	task.clear_ibuf [dreg:s8], $0x2FFFF;
	_ =	strace $0x9FFFFFFF  }
0xc4: {  	(tm) =	ssettm $0x7FFFFFFF  }
0xc5: {  	_ =	shalt  }
tec
execute0_lowered:
.L_overlay_start_1:
0x0: {  	(tag) =	ssettag $0x1  }
0x1: {  	s1 =	rddreg [dreg:$0x0]  }
0x2: {  	s0 =	rddreg [dreg:$0x1]  }
0x3: {  	s2 =	rddreg [dreg:$0x2];
	s4 =	srdreg.scid  }
0x4: {  	s3 =	simm.s32 $0x0;
	s5 =	stileid.u32;
	s12 =	simm.s32 $0x2  }
0x5: {  	s26 =	simm.s32 $0x1;
	s4 =	sand.u32 $0x1, s4;
	[smem:$0x7FF] =	sst s3  }
0x6: {  	s5 =	sshll.u32 s5, $0x5;
	s10 =	sadd.s32 $0x500, s2;
	s6 =	sshll.u32 s4, $0x4  }
0x7: {  	_ =	strace $0x80000047;
	s7 =	ssub.s32 $0x2, s4;
	s4 =	sadd.s32 $0x200, s2  }
0x8: {  	s6 =	sor.u32 s6, s5;
	s29 =	sshrl.u32 s7, $0x1;
	s5 =	sadd.s32 $0x100, s1  }
0x9: {  	s8 =	sadd.s32 s0, s6;
	s11 =	ssub.s32 s7, s29;
	s30 =	sadd.s32 s2, s6  }
0xa: {  	s9 =	sor.u32 $0x8, s6;
	s6 =	sadd.s32 $0x200, s1;
	[dreg:$0x4] =	wrdreg s8  }
0xb: {  	v2 =	vlaneseq.u32;
	s7 =	sadd.s32 $0x300, s1;
	[dreg:$0x5] =	wrdreg s30;
	s0 =	sadd.s32 s0, s9  }
0xc: {  	vm0 =	vmmov $0xffff;
	v1 =	vshrl.u32 v2, $0x3;
	s8 =	sadd.s32 $0x300, s2;
	s31 =	sadd.s32 s2, s9;
	[dreg:$0x6] =	wrdreg s0  }
0xd: {  	v0 =	vand.u32 $0x7, v2;
	v2 =	vor.u32 $0x8, v2;
	v1 =	vmul.u32 $0x8, v1;
	s9 =	sadd.s32 $0x400, s2;
	s11 =	smax.u32 s11, $0x1;
	[dreg:$0x7] =	wrdreg s31  }
.LBB2_1:
0xe: {  	s28 =	rddreg [dreg:$0x4]  }
0xf: {  	[tilespmem:s3], [sflag:$0x2] =	stream.linear.gather [hbm4b:s28+s3], $0x40, $0x38;
	[tilespmem:$0x10100] =	vst v63  }
0x10: {  	_ =	swait.ge [sflag:s12], $0x40  }
0x11: {  	[sflag:s12] =	ssyncset.done $0x0  }
0x12: {  	s0 =	simm.s32 $0x80;
	s15 =	rddreg [dreg:$0x5];
	[sflag:s12] =	ssyncadd.s32 $0xFFFFFFC0  }
0x13: {  	[tilespmem:s0], [sflag:$0x2] =	stream.linear.gather [hbm4b:s15+s3], $0x40, $0x38;
	[tilespmem:$0x10100] =	vst v63  }
0x14: {  	_ =	swait.ge [sflag:s12], $0x40  }
0x15: {  	[sflag:s12] =	ssyncset.done $0x0  }
0x16: {  	[sflag:s12] =	ssyncadd.s32 $0xFFFFFFC0  }
0x17: {  	v3 =	vld [tilespmem:$0x0];
	_ =	sdelay $0x4  }
0x18: {  	v4 =	vshll.u32 v3, $0x3  }
0x19: {  	v3 =	vand.u32 $0x7, v3;
	v4 =	vand.u32 $0xFFFFFFC0, v4  }
0x1a: {  	v3 =	vor.u32 v3, v4  }
0x1b: {  	v4 =	vperm.xlane v3, v0;
	_ =	sdelay $0x1  }
0x1c: {  	v4 =	vadd.s32 v1, v4;
	_ =	sdelay $0x3  }
0x1d: {  	s16 =	simm.s32 $0x100  }
0x1e: {  	[tilespmem:s16], [sflag:$0x1] =	stream.indirect_vreg.gather [hbm4b:s1+s3], $0x80, v4, vm0, $0xb8;
	[tilespmem:$0x10100] =	vst v63  }
0x1f: {  	s17 =	simm.s32 $0x900;
	v3 =	vperm.xlane v3, v2  }
0x20: {  	[tilespmem:s17], [sflag:$0x1] =	stream.indirect_vreg.gather [hbm4b:s5+s3], $0x80, v4, vm0, $0xb8;
	[tilespmem:$0x10100] =	vst v63  }
0x21: {  	s18 =	simm.s32 $0x1100;
	v3 =	vadd.s32 v1, v3  }
0x22: {  	[tilespmem:s18], [sflag:$0x1] =	stream.indirect_vreg.gather [hbm4b:s6+s3], $0x80, v4, vm0, $0xb8;
	[tilespmem:$0x10100] =	vst v63  }
0x23: {  	s19 =	simm.s32 $0x1900  }
0x24: {  	[tilespmem:s19], [sflag:$0x1] =	stream.indirect_vreg.gather [hbm4b:s7+s3], $0x80, v4, vm0, $0xb8;
	[tilespmem:$0x10100] =	vst v63  }
0x25: {  	s20 =	simm.s32 $0x2100  }
0x26: {  	[tilespmem:s20], [sflag:$0x1] =	stream.indirect_vreg.gather [hbm4b:s1+s3], $0x80, v3, vm0, $0xb8;
	[tilespmem:$0x10100] =	vst v63  }
0x27: {  	s21 =	simm.s32 $0x2900  }
0x28: {  	[tilespmem:s21], [sflag:$0x1] =	stream.indirect_vreg.gather [hbm4b:s5+s3], $0x80, v3, vm0, $0xb8;
	[tilespmem:$0x10100] =	vst v63  }
0x29: {  	s22 =	simm.s32 $0x3100  }
0x2a: {  	[tilespmem:s22], [sflag:$0x1] =	stream.indirect_vreg.gather [hbm4b:s6+s3], $0x80, v3, vm0, $0xb8;
	[tilespmem:$0x10100] =	vst v63  }
0x2b: {  	s23 =	simm.s32 $0x3900  }
0x2c: {  	[tilespmem:s23], [sflag:$0x1] =	stream.indirect_vreg.gather [hbm4b:s7+s3], $0x80, v3, vm0, $0xb8;
	[tilespmem:$0x10100] =	vst v63  }
0x2d: {  	v3 =	vld [tilespmem:$0x10];
	_ =	sdelay $0x4  }
0x2e: {  	v49 =	vshll.u32 v3, $0x3  }
0x2f: {  	v3 =	vand.u32 $0x7, v3;
	v4 =	vand.u32 $0xFFFFFFC0, v49  }
0x30: {  	v3 =	vor.u32 v3, v4  }
0x31: {  	v4 =	vperm.xlane v3, v0;
	_ =	sdelay $0x1  }
0x32: {  	v4 =	vadd.s32 v1, v4;
	_ =	sdelay $0x3  }
0x33: {  	s24 =	simm.s32 $0x4100  }
0x34: {  	[tilespmem:s24], [sflag:$0x1] =	stream.indirect_vreg.gather [hbm4b:s1+s3], $0x80, v4, vm0, $0xb8;
	[tilespmem:$0x10100] =	vst v63  }
0x35: {  	s25 =	simm.s32 $0x4900;
	v3 =	vperm.xlane v3, v2  }
0x36: {  	[tilespmem:s25], [sflag:$0x1] =	stream.indirect_vreg.gather [hbm4b:s5+s3], $0x80, v4, vm0, $0xb8;
	[tilespmem:$0x10100] =	vst v63  }
0x37: {  	s28 =	simm.s32 $0x5100;
	v3 =	vadd.s32 v1, v3  }
0x38: {  	[tilespmem:s28], [sflag:$0x1] =	stream.indirect_vreg.gather [hbm4b:s6+s3], $0x80, v4, vm0, $0xb8;
	[tilespmem:$0x10100] =	vst v63  }
0x39: {  	s29 =	simm.s32 $0x5900  }
0x3a: {  	[tilespmem:s29], [sflag:$0x1] =	stream.indirect_vreg.gather [hbm4b:s7+s3], $0x80, v4, vm0, $0xb8;
	[tilespmem:$0x10100] =	vst v63  }
0x3b: {  	s30 =	simm.s32 $0x6100  }
0x3c: {  	[tilespmem:s30], [sflag:$0x1] =	stream.indirect_vreg.gather [hbm4b:s1+s3], $0x80, v3, vm0, $0xb8;
	[tilespmem:$0x10100] =	vst v63  }
0x3d: {  	s31 =	simm.s32 $0x6900  }
0x3e: {  	[tilespmem:s31], [sflag:$0x1] =	stream.indirect_vreg.gather [hbm4b:s5+s3], $0x80, v3, vm0, $0xb8;
	[tilespmem:$0x10100] =	vst v63  }
0x3f: {  	s14 =	simm.s32 $0x7100  }
0x40: {  	[tilespmem:s14], [sflag:$0x1] =	stream.indirect_vreg.gather [hbm4b:s6+s3], $0x80, v3, vm0, $0xb8;
	[tilespmem:$0x10100] =	vst v63  }
0x41: {  	s15 =	simm.s32 $0x7900  }
0x42: {  	[tilespmem:s15], [sflag:$0x1] =	stream.indirect_vreg.gather [hbm4b:s7+s3], $0x80, v3, vm0, $0xb8;
	[tilespmem:$0x10100] =	vst v63  }
0x43: {  	v3 =	vld [tilespmem:$0x20];
	_ =	sdelay $0x4  }
0x44: {  	v50 =	vshll.u32 v3, $0x3  }
0x45: {  	v3 =	vand.u32 $0x7, v3;
	v4 =	vand.u32 $0xFFFFFFC0, v50  }
0x46: {  	v3 =	vor.u32 v3, v4  }
0x47: {  	v4 =	vperm.xlane v3, v0;
	_ =	sdelay $0x1  }
0x48: {  	v4 =	vadd.s32 v1, v4;
	_ =	sdelay $0x3  }
0x49: {  	s19 =	simm.s32 $0x8100  }
0x4a: {  	[tilespmem:s19], [sflag:$0x1] =	stream.indirect_vreg.gather [hbm4b:s1+s3], $0x80, v4, vm0, $0xb8;
	[tilespmem:$0x10100] =	vst v63  }
0x4b: {  	s20 =	simm.s32 $0x8900;
	v3 =	vperm.xlane v3, v2  }
0x4c: {  	[tilespmem:s20], [sflag:$0x1] =	stream.indirect_vreg.gather [hbm4b:s5+s3], $0x80, v4, vm0, $0xb8;
	[tilespmem:$0x10100] =	vst v63  }
0x4d: {  	s21 =	simm.s32 $0x9100;
	v3 =	vadd.s32 v1, v3  }
0x4e: {  	[tilespmem:s21], [sflag:$0x1] =	stream.indirect_vreg.gather [hbm4b:s6+s3], $0x80, v4, vm0, $0xb8;
	[tilespmem:$0x10100] =	vst v63  }
0x4f: {  	s22 =	simm.s32 $0x9900  }
0x50: {  	[tilespmem:s22], [sflag:$0x1] =	stream.indirect_vreg.gather [hbm4b:s7+s3], $0x80, v4, vm0, $0xb8;
	[tilespmem:$0x10100] =	vst v63  }
0x51: {  	s23 =	simm.s32 $0xA100  }
0x52: {  	[tilespmem:s23], [sflag:$0x1] =	stream.indirect_vreg.gather [hbm4b:s1+s3], $0x80, v3, vm0, $0xb8;
	[tilespmem:$0x10100] =	vst v63  }
0x53: {  	s24 =	simm.s32 $0xA900  }
0x54: {  	[tilespmem:s24], [sflag:$0x1] =	stream.indirect_vreg.gather [hbm4b:s5+s3], $0x80, v3, vm0, $0xb8;
	[tilespmem:$0x10100] =	vst v63  }
0x55: {  	s25 =	simm.s32 $0xB100  }
0x56: {  	[tilespmem:s25], [sflag:$0x1] =	stream.indirect_vreg.gather [hbm4b:s6+s3], $0x80, v3, vm0, $0xb8;
	[tilespmem:$0x10100] =	vst v63  }
0x57: {  	s30 =	simm.s32 $0xB900  }
0x58: {  	[tilespmem:s30], [sflag:$0x1] =	stream.indirect_vreg.gather [hbm4b:s7+s3], $0x80, v3, vm0, $0xb8;
	[tilespmem:$0x10100] =	vst v63  }
0x59: {  	v3 =	vld [tilespmem:$0x30];
	_ =	sdelay $0x4  }
0x5a: {  	v51 =	vshll.u32 v3, $0x3  }
0x5b: {  	v3 =	vand.u32 $0x7, v3;
	v4 =	vand.u32 $0xFFFFFFC0, v51  }
0x5c: {  	v3 =	vor.u32 v3, v4  }
0x5d: {  	v4 =	vperm.xlane v3, v0;
	_ =	sdelay $0x1  }
0x5e: {  	v4 =	vadd.s32 v1, v4;
	_ =	sdelay $0x3  }
0x5f: {  	s31 =	simm.s32 $0xC100  }
0x60: {  	[tilespmem:s31], [sflag:$0x1] =	stream.indirect_vreg.gather [hbm4b:s1+s3], $0x80, v4, vm0, $0xb8;
	[tilespmem:$0x10100] =	vst v63  }
0x61: {  	s0 =	simm.s32 $0xC900;
	v3 =	vperm.xlane v3, v2  }
0x62: {  	[tilespmem:s0], [sflag:$0x1] =	stream.indirect_vreg.gather [hbm4b:s5+s3], $0x80, v4, vm0, $0xb8;
	[tilespmem:$0x10100] =	vst v63  }
0x63: {  	s14 =	simm.s32 $0xD100;
	v3 =	vadd.s32 v1, v3  }
0x64: {  	[tilespmem:s14], [sflag:$0x1] =	stream.indirect_vreg.gather [hbm4b:s6+s3], $0x80, v4, vm0, $0xb8;
	[tilespmem:$0x10100] =	vst v63  }
0x65: {  	s15 =	simm.s32 $0xD900  }
0x66: {  	[tilespmem:s15], [sflag:$0x1] =	stream.indirect_vreg.gather [hbm4b:s7+s3], $0x80, v4, vm0, $0xb8;
	[tilespmem:$0x10100] =	vst v63  }
0x67: {  	s19 =	simm.s32 $0xE100  }
0x68: {  	[tilespmem:s19], [sflag:$0x1] =	stream.indirect_vreg.gather [hbm4b:s1+s3], $0x80, v3, vm0, $0xb8;
	[tilespmem:$0x10100] =	vst v63  }
0x69: {  	s20 =	simm.s32 $0xE900  }
0x6a: {  	[tilespmem:s20], [sflag:$0x1] =	stream.indirect_vreg.gather [hbm4b:s5+s3], $0x80, v3, vm0, $0xb8;
	[tilespmem:$0x10100] =	vst v63  }
0x6b: {  	s21 =	simm.s32 $0xF100  }
0x6c: {  	[tilespmem:s21], [sflag:$0x1] =	stream.indirect_vreg.gather [hbm4b:s6+s3], $0x80, v3, vm0, $0xb8;
	[tilespmem:$0x10100] =	vst v63  }
0x6d: {  	s22 =	simm.s32 $0xF900  }
0x6e: {  	[tilespmem:s22], [sflag:$0x1] =	stream.indirect_vreg.gather [hbm4b:s7+s3], $0x80, v3, vm0, $0xb8;
	[tilespmem:$0x10100] =	vst v63  }
0x6f: {  	_ =	swait.ge [sflag:s26], $0x10000  }
0x70: {  	[sflag:s26] =	ssyncset.done $0x0  }
0x71: {  	[sflag:s26] =	ssyncadd.s32 $0xFFFF0000  }
0x72: {  	v3 =	vld [tilespmem:$0x80];
	_ =	sdelay $0x4  }
0x73: {  	v52 =	vshll.u32 v3, $0x3  }
0x74: {  	v3 =	vand.u32 $0x7, v3;
	v4 =	vand.u32 $0xFFFFFFC0, v52  }
0x75: {  	v3 =	vor.u32 v3, v4  }
0x76: {  	v4 =	vperm.xlane v3, v0;
	_ =	sdelay $0x1  }
0x77: {  	v4 =	vadd.s32 v1, v4;
	_ =	sdelay $0x3  }
0x78: {  	s2 =	simm.s32 $0x100  }
0x79: {  	[hbm4b:s4+s3] =	stream.indirect_vreg.scatter [tilespmem:s2], [sflag:$0x1], $0x80, v4, vm0, $0xb8;
	[tilespmem:$0x10100] =	vst v63  }
0x7a: {  	s13 =	simm.s32 $0x900;
	v3 =	vperm.xlane v3, v2  }
0x7b: {  	[hbm4b:s8+s3] =	stream.indirect_vreg.scatter [tilespmem:s13], [sflag:$0x1], $0x80, v4, vm0, $0xb8;
	[tilespmem:$0x10100] =	vst v63  }
0x7c: {  	s0 =	simm.s32 $0x1100;
	v3 =	vadd.s32 v1, v3  }
0x7d: {  	[hbm4b:s9+s3] =	stream.indirect_vreg.scatter [tilespmem:s0], [sflag:$0x1], $0x80, v4, vm0, $0xb8;
	[tilespmem:$0x10100] =	vst v63  }
0x7e: {  	s2 =	simm.s32 $0x1900  }
0x7f: {  	[hbm4b:s10+s3] =	stream.indirect_vreg.scatter [tilespmem:s2], [sflag:$0x1], $0x80, v4, vm0, $0xb8;
	[tilespmem:$0x10100] =	vst v63  }
0x80: {  	s13 =	simm.s32 $0x2100  }
0x81: {  	[hbm4b:s4+s3] =	stream.indirect_vreg.scatter [tilespmem:s13], [sflag:$0x1], $0x80, v3, vm0, $0xb8;
	[tilespmem:$0x10100] =	vst v63  }
0x82: {  	s14 =	simm.s32 $0x2900  }
0x83: {  	[hbm4b:s8+s3] =	stream.indirect_vreg.scatter [tilespmem:s14], [sflag:$0x1], $0x80, v3, vm0, $0xb8;
	[tilespmem:$0x10100] =	vst v63  }
0x84: {  	s15 =	simm.s32 $0x3100  }
0x85: {  	[hbm4b:s9+s3] =	stream.indirect_vreg.scatter [tilespmem:s15], [sflag:$0x1], $0x80, v3, vm0, $0xb8;
	[tilespmem:$0x10100] =	vst v63  }
0x86: {  	s16 =	simm.s32 $0x3900  }
0x87: {  	[hbm4b:s10+s3] =	stream.indirect_vreg.scatter [tilespmem:s16], [sflag:$0x1], $0x80, v3, vm0, $0xb8;
	[tilespmem:$0x10100] =	vst v63  }
0x88: {  	v3 =	vld [tilespmem:$0x90];
	_ =	sdelay $0x4  }
0x89: {  	v53 =	vshll.u32 v3, $0x3  }
0x8a: {  	v3 =	vand.u32 $0x7, v3;
	v4 =	vand.u32 $0xFFFFFFC0, v53  }
0x8b: {  	v3 =	vor.u32 v3, v4  }
0x8c: {  	v4 =	vperm.xlane v3, v0;
	_ =	sdelay $0x1  }
0x8d: {  	v4 =	vadd.s32 v1, v4;
	_ =	sdelay $0x3  }
0x8e: {  	s17 =	simm.s32 $0x4100  }
0x8f: {  	[hbm4b:s4+s3] =	stream.indirect_vreg.scatter [tilespmem:s17], [sflag:$0x1], $0x80, v4, vm0, $0xb8;
	[tilespmem:$0x10100] =	vst v63  }
0x90: {  	s18 =	simm.s32 $0x4900;
	v3 =	vperm.xlane v3, v2  }
0x91: {  	[hbm4b:s8+s3] =	stream.indirect_vreg.scatter [tilespmem:s18], [sflag:$0x1], $0x80, v4, vm0, $0xb8;
	[tilespmem:$0x10100] =	vst v63  }
0x92: {  	s16 =	simm.s32 $0x5100;
	v3 =	vadd.s32 v1, v3  }
0x93: {  	[hbm4b:s9+s3] =	stream.indirect_vreg.scatter [tilespmem:s16], [sflag:$0x1], $0x80, v4, vm0, $0xb8;
	[tilespmem:$0x10100] =	vst v63  }
0x94: {  	s17 =	simm.s32 $0x5900  }
0x95: {  	[hbm4b:s10+s3] =	stream.indirect_vreg.scatter [tilespmem:s17], [sflag:$0x1], $0x80, v4, vm0, $0xb8;
	[tilespmem:$0x10100] =	vst v63  }
0x96: {  	s18 =	simm.s32 $0x6100  }
0x97: {  	[hbm4b:s4+s3] =	stream.indirect_vreg.scatter [tilespmem:s18], [sflag:$0x1], $0x80, v3, vm0, $0xb8;
	[tilespmem:$0x10100] =	vst v63  }
0x98: {  	s19 =	simm.s32 $0x6900  }
0x99: {  	[hbm4b:s8+s3] =	stream.indirect_vreg.scatter [tilespmem:s19], [sflag:$0x1], $0x80, v3, vm0, $0xb8;
	[tilespmem:$0x10100] =	vst v63  }
0x9a: {  	s20 =	simm.s32 $0x7100  }
0x9b: {  	[hbm4b:s9+s3] =	stream.indirect_vreg.scatter [tilespmem:s20], [sflag:$0x1], $0x80, v3, vm0, $0xb8;
	[tilespmem:$0x10100] =	vst v63  }
0x9c: {  	s21 =	simm.s32 $0x7900  }
0x9d: {  	[hbm4b:s10+s3] =	stream.indirect_vreg.scatter [tilespmem:s21], [sflag:$0x1], $0x80, v3, vm0, $0xb8;
	[tilespmem:$0x10100] =	vst v63  }
0x9e: {  	v3 =	vld [tilespmem:$0xA0];
	_ =	sdelay $0x4  }
0x9f: {  	v54 =	vshll.u32 v3, $0x3  }
0xa0: {  	v3 =	vand.u32 $0x7, v3;
	v4 =	vand.u32 $0xFFFFFFC0, v54  }
0xa1: {  	v3 =	vor.u32 v3, v4  }
0xa2: {  	v4 =	vperm.xlane v3, v0;
	_ =	sdelay $0x1  }
0xa3: {  	v4 =	vadd.s32 v1, v4;
	_ =	sdelay $0x3  }
0xa4: {  	s22 =	simm.s32 $0x8100  }
0xa5: {  	[hbm4b:s4+s3] =	stream.indirect_vreg.scatter [tilespmem:s22], [sflag:$0x1], $0x80, v4, vm0, $0xb8;
	[tilespmem:$0x10100] =	vst v63  }
0xa6: {  	s29 =	simm.s32 $0x8900;
	v3 =	vperm.xlane v3, v2  }
0xa7: {  	[hbm4b:s8+s3] =	stream.indirect_vreg.scatter [tilespmem:s29], [sflag:$0x1], $0x80, v4, vm0, $0xb8;
	[tilespmem:$0x10100] =	vst v63  }
0xa8: {  	v3 =	vadd.s32 v1, v3;
	s29 =	simm.s32 $0x9100  }
0xa9: {  	[hbm4b:s9+s3] =	stream.indirect_vreg.scatter [tilespmem:s29], [sflag:$0x1], $0x80, v4, vm0, $0xb8;
	[tilespmem:$0x10100] =	vst v63  }
0xaa: {  	s29 =	simm.s32 $0x9900  }
0xab: {  	[hbm4b:s10+s3] =	stream.indirect_vreg.scatter [tilespmem:s29], [sflag:$0x1], $0x80, v4, vm0, $0xb8;
	[tilespmem:$0x10100] =	vst v63  }
0xac: {  	s29 =	simm.s32 $0xA100  }
0xad: {  	[hbm4b:s4+s3] =	stream.indirect_vreg.scatter [tilespmem:s29], [sflag:$0x1], $0x80, v3, vm0, $0xb8;
	[tilespmem:$0x10100] =	vst v63  }
0xae: {  	s29 =	simm.s32 $0xA900  }
0xaf: {  	[hbm4b:s8+s3] =	stream.indirect_vreg.scatter [tilespmem:s29], [sflag:$0x1], $0x80, v3, vm0, $0xb8;
	[tilespmem:$0x10100] =	vst v63  }
0xb0: {  	s29 =	simm.s32 $0xB100  }
0xb1: {  	[hbm4b:s9+s3] =	stream.indirect_vreg.scatter [tilespmem:s29], [sflag:$0x1], $0x80, v3, vm0, $0xb8;
	[tilespmem:$0x10100] =	vst v63  }
0xb2: {  	s24 =	simm.s32 $0xB900  }
0xb3: {  	[hbm4b:s10+s3] =	stream.indirect_vreg.scatter [tilespmem:s24], [sflag:$0x1], $0x80, v3, vm0, $0xb8;
	[tilespmem:$0x10100] =	vst v63  }
0xb4: {  	v3 =	vld [tilespmem:$0xB0];
	_ =	sdelay $0x4  }
0xb5: {  	v55 =	vshll.u32 v3, $0x3  }
0xb6: {  	v3 =	vand.u32 $0x7, v3;
	v4 =	vand.u32 $0xFFFFFFC0, v55  }
0xb7: {  	v3 =	vor.u32 v3, v4  }
0xb8: {  	v4 =	vperm.xlane v3, v0;
	_ =	sdelay $0x1  }
0xb9: {  	v4 =	vadd.s32 v1, v4;
	_ =	sdelay $0x3  }
0xba: {  	s25 =	simm.s32 $0xC100  }
0xbb: {  	[hbm4b:s4+s3] =	stream.indirect_vreg.scatter [tilespmem:s25], [sflag:$0x1], $0x80, v4, vm0, $0xb8;
	[tilespmem:$0x10100] =	vst v63  }
0xbc: {  	s23 =	simm.s32 $0xC900;
	v3 =	vperm.xlane v3, v2  }
0xbd: {  	[hbm4b:s8+s3] =	stream.indirect_vreg.scatter [tilespmem:s23], [sflag:$0x1], $0x80, v4, vm0, $0xb8;
	[tilespmem:$0x10100] =	vst v63  }
0xbe: {  	s29 =	simm.s32 $0xD100;
	v3 =	vadd.s32 v1, v3  }
0xbf: {  	[hbm4b:s9+s3] =	stream.indirect_vreg.scatter [tilespmem:s29], [sflag:$0x1], $0x80, v4, vm0, $0xb8;
	[tilespmem:$0x10100] =	vst v63  }
0xc0: {  	s30 =	simm.s32 $0xD900  }
0xc1: {  	[hbm4b:s10+s3] =	stream.indirect_vreg.scatter [tilespmem:s30], [sflag:$0x1], $0x80, v4, vm0, $0xb8;
	[tilespmem:$0x10100] =	vst v63  }
0xc2: {  	s31 =	simm.s32 $0xE100  }
0xc3: {  	[hbm4b:s4+s3] =	stream.indirect_vreg.scatter [tilespmem:s31], [sflag:$0x1], $0x80, v3, vm0, $0xb8;
	[tilespmem:$0x10100] =	vst v63  }
0xc4: {  	s30 =	simm.s32 $0xE900  }
0xc5: {  	[hbm4b:s8+s3] =	stream.indirect_vreg.scatter [tilespmem:s30], [sflag:$0x1], $0x80, v3, vm0, $0xb8;
	[tilespmem:$0x10100] =	vst v63  }
0xc6: {  	s31 =	simm.s32 $0xF100  }
0xc7: {  	[hbm4b:s9+s3] =	stream.indirect_vreg.scatter [tilespmem:s31], [sflag:$0x1], $0x80, v3, vm0, $0xb8;
	[tilespmem:$0x10100] =	vst v63  }
0xc8: {  	s28 =	simm.s32 $0xF900  }
0xc9: {  	[hbm4b:s10+s3] =	stream.indirect_vreg.scatter [tilespmem:s28], [sflag:$0x1], $0x80, v3, vm0, $0xb8;
	[tilespmem:$0x10100] =	vst v63  }
0xca: {  	_ =	swait.ge [sflag:s26], $0x10000  }
0xcb: {  	[sflag:s26] =	ssyncset.done $0x0  }
0xcc: {  	s24 =	rddreg [dreg:$0x6];
	[sflag:s26] =	ssyncadd.s32 $0xFFFF0000  }
0xcd: {  	[tilespmem:s3], [sflag:$0x2] =	stream.linear.gather [hbm4b:s24+s3], $0x40, $0x38;
	[tilespmem:$0x10100] =	vst v63  }
0xce: {  	_ =	swait.ge [sflag:s12], $0x40  }
0xcf: {  	[sflag:s12] =	ssyncset.done $0x0  }
0xd0: {  	s29 =	simm.s32 $0x80;
	s25 =	rddreg [dreg:$0x7];
	[sflag:s12] =	ssyncadd.s32 $0xFFFFFFC0  }
0xd1: {  	[tilespmem:s29], [sflag:$0x2] =	stream.linear.gather [hbm4b:s25+s3], $0x40, $0x38;
	[tilespmem:$0x10100] =	vst v63  }
0xd2: {  	_ =	swait.ge [sflag:s12], $0x40  }
0xd3: {  	[sflag:s12] =	ssyncset.done $0x0  }
0xd4: {  	[sflag:s12] =	ssyncadd.s32 $0xFFFFFFC0  }
0xd5: {  	v3 =	vld [tilespmem:$0x0];
	_ =	sdelay $0x4  }
0xd6: {  	v56 =	vshll.u32 v3, $0x3  }
0xd7: {  	v3 =	vand.u32 $0x7, v3;
	v4 =	vand.u32 $0xFFFFFFC0, v56  }
0xd8: {  	v3 =	vor.u32 v3, v4  }
0xd9: {  	v4 =	vperm.xlane v3, v0;
	_ =	sdelay $0x1  }
0xda: {  	v4 =	vadd.s32 v1, v4;
	_ =	sdelay $0x3  }
0xdb: {  	s30 =	simm.s32 $0x100  }
0xdc: {  	[tilespmem:s30], [sflag:$0x1] =	stream.indirect_vreg.gather [hbm4b:s1+s3], $0x80, v4, vm0, $0xb8;
	[tilespmem:$0x10100] =	vst v63  }
0xdd: {  	s31 =	simm.s32 $0x900;
	v3 =	vperm.xlane v3, v2  }
0xde: {  	[tilespmem:s31], [sflag:$0x1] =	stream.indirect_vreg.gather [hbm4b:s5+s3], $0x80, v4, vm0, $0xb8;
	[tilespmem:$0x10100] =	vst v63  }
0xdf: {  	v3 =	vadd.s32 v1, v3  }
0xe0: {  	[tilespmem:s0], [sflag:$0x1] =	stream.indirect_vreg.gather [hbm4b:s6+s3], $0x80, v4, vm0, $0xb8;
	[tilespmem:$0x10100] =	vst v63  }
0xe1: {  	_ = 	snop  }
0xe2: {  	[tilespmem:s2], [sflag:$0x1] =	stream.indirect_vreg.gather [hbm4b:s7+s3], $0x80, v4, vm0, $0xb8;
	[tilespmem:$0x10100] =	vst v63  }
0xe3: {  	_ = 	snop  }
0xe4: {  	[tilespmem:s13], [sflag:$0x1] =	stream.indirect_vreg.gather [hbm4b:s1+s3], $0x80, v3, vm0, $0xb8;
	[tilespmem:$0x10100] =	vst v63  }
0xe5: {  	_ = 	snop  }
0xe6: {  	[tilespmem:s14], [sflag:$0x1] =	stream.indirect_vreg.gather [hbm4b:s5+s3], $0x80, v3, vm0, $0xb8;
	[tilespmem:$0x10100] =	vst v63  }
0xe7: {  	_ = 	snop  }
0xe8: {  	[tilespmem:s15], [sflag:$0x1] =	stream.indirect_vreg.gather [hbm4b:s6+s3], $0x80, v3, vm0, $0xb8;
	[tilespmem:$0x10100] =	vst v63  }
0xe9: {  	s13 =	simm.s32 $0x3900  }
0xea: {  	[tilespmem:s13], [sflag:$0x1] =	stream.indirect_vreg.gather [hbm4b:s7+s3], $0x80, v3, vm0, $0xb8;
	[tilespmem:$0x10100] =	vst v63  }
0xeb: {  	v3 =	vld [tilespmem:$0x10];
	_ =	sdelay $0x4  }
0xec: {  	v57 =	vshll.u32 v3, $0x3  }
0xed: {  	v3 =	vand.u32 $0x7, v3;
	v4 =	vand.u32 $0xFFFFFFC0, v57  }
0xee: {  	v3 =	vor.u32 v3, v4  }
0xef: {  	v4 =	vperm.xlane v3, v0;
	_ =	sdelay $0x1  }
0xf0: {  	v4 =	vadd.s32 v1, v4;
	_ =	sdelay $0x3  }
0xf1: {  	s14 =	simm.s32 $0x4100  }
0xf2: {  	[tilespmem:s14], [sflag:$0x1] =	stream.indirect_vreg.gather [hbm4b:s1+s3], $0x80, v4, vm0, $0xb8;
	[tilespmem:$0x10100] =	vst v63  }
0xf3: {  	s15 =	simm.s32 $0x4900;
	v3 =	vperm.xlane v3, v2  }
0xf4: {  	[tilespmem:s15], [sflag:$0x1] =	stream.indirect_vreg.gather [hbm4b:s5+s3], $0x80, v4, vm0, $0xb8;
	[tilespmem:$0x10100] =	vst v63  }
0xf5: {  	v3 =	vadd.s32 v1, v3  }
0xf6: {  	[tilespmem:s16], [sflag:$0x1] =	stream.indirect_vreg.gather [hbm4b:s6+s3], $0x80, v4, vm0, $0xb8;
	[tilespmem:$0x10100] =	vst v63  }
0xf7: {  	_ = 	snop  }
0xf8: {  	[tilespmem:s17], [sflag:$0x1] =	stream.indirect_vreg.gather [hbm4b:s7+s3], $0x80, v4, vm0, $0xb8;
	[tilespmem:$0x10100] =	vst v63  }
0xf9: {  	_ = 	snop  }
0xfa: {  	[tilespmem:s18], [sflag:$0x1] =	stream.indirect_vreg.gather [hbm4b:s1+s3], $0x80, v3, vm0, $0xb8;
	[tilespmem:$0x10100] =	vst v63  }
0xfb: {  	_ = 	snop  }
0xfc: {  	[tilespmem:s19], [sflag:$0x1] =	stream.indirect_vreg.gather [hbm4b:s5+s3], $0x80, v3, vm0, $0xb8;
	[tilespmem:$0x10100] =	vst v63  }
0xfd: {  	_ = 	snop  }
0xfe: {  	[tilespmem:s20], [sflag:$0x1] =	stream.indirect_vreg.gather [hbm4b:s6+s3], $0x80, v3, vm0, $0xb8;
	[tilespmem:$0x10100] =	vst v63  }
0xff: {  	_ = 	snop  }
0x100: {  	[tilespmem:s21], [sflag:$0x1] =	stream.indirect_vreg.gather [hbm4b:s7+s3], $0x80, v3, vm0, $0xb8;
	[tilespmem:$0x10100] =	vst v63  }
0x101: {  	v3 =	vld [tilespmem:$0x20];
	_ =	sdelay $0x4  }
0x102: {  	v58 =	vshll.u32 v3, $0x3  }
0x103: {  	v3 =	vand.u32 $0x7, v3;
	v4 =	vand.u32 $0xFFFFFFC0, v58  }
0x104: {  	v3 =	vor.u32 v3, v4  }
0x105: {  	v4 =	vperm.xlane v3, v0;
	_ =	sdelay $0x1  }
0x106: {  	v4 =	vadd.s32 v1, v4;
	_ =	sdelay $0x4  }
0x107: {  	[tilespmem:s22], [sflag:$0x1] =	stream.indirect_vreg.gather [hbm4b:s1+s3], $0x80, v4, vm0, $0xb8;
	[tilespmem:$0x10100] =	vst v63  }
0x108: {  	s19 =	simm.s32 $0x8900;
	v3 =	vperm.xlane v3, v2  }
0x109: {  	[tilespmem:s19], [sflag:$0x1] =	stream.indirect_vreg.gather [hbm4b:s5+s3], $0x80, v4, vm0, $0xb8;
	[tilespmem:$0x10100] =	vst v63  }
0x10a: {  	s28 =	simm.s32 $0x9100;
	v3 =	vadd.s32 v1, v3  }
0x10b: {  	[tilespmem:s28], [sflag:$0x1] =	stream.indirect_vreg.gather [hbm4b:s6+s3], $0x80, v4, vm0, $0xb8;
	[tilespmem:$0x10100] =	vst v63  }
0x10c: {  	s20 =	simm.s32 $0x9900  }
0x10d: {  	[tilespmem:s20], [sflag:$0x1] =	stream.indirect_vreg.gather [hbm4b:s7+s3], $0x80, v4, vm0, $0xb8;
	[tilespmem:$0x10100] =	vst v63  }
0x10e: {  	s21 =	simm.s32 $0xA100  }
0x10f: {  	[tilespmem:s21], [sflag:$0x1] =	stream.indirect_vreg.gather [hbm4b:s1+s3], $0x80, v3, vm0, $0xb8;
	[tilespmem:$0x10100] =	vst v63  }
0x110: {  	s0 =	simm.s32 $0xA900  }
0x111: {  	[tilespmem:s0], [sflag:$0x1] =	stream.indirect_vreg.gather [hbm4b:s5+s3], $0x80, v3, vm0, $0xb8;
	[tilespmem:$0x10100] =	vst v63  }
0x112: {  	s2 =	simm.s32 $0xB100  }
0x113: {  	[tilespmem:s2], [sflag:$0x1] =	stream.indirect_vreg.gather [hbm4b:s6+s3], $0x80, v3, vm0, $0xb8;
	[tilespmem:$0x10100] =	vst v63  }
0x114: {  	s18 =	simm.s32 $0xB900  }
0x115: {  	[tilespmem:s18], [sflag:$0x1] =	stream.indirect_vreg.gather [hbm4b:s7+s3], $0x80, v3, vm0, $0xb8;
	[tilespmem:$0x10100] =	vst v63  }
0x116: {  	v3 =	vld [tilespmem:$0x30];
	_ =	sdelay $0x4  }
0x117: {  	v59 =	vshll.u32 v3, $0x3  }
0x118: {  	v3 =	vand.u32 $0x7, v3;
	v4 =	vand.u32 $0xFFFFFFC0, v59  }
0x119: {  	v3 =	vor.u32 v3, v4  }
0x11a: {  	v4 =	vperm.xlane v3, v0;
	_ =	sdelay $0x1  }
0x11b: {  	v4 =	vadd.s32 v1, v4;
	_ =	sdelay $0x3  }
0x11c: {  	s19 =	simm.s32 $0xC100  }
0x11d: {  	[tilespmem:s19], [sflag:$0x1] =	stream.indirect_vreg.gather [hbm4b:s1+s3], $0x80, v4, vm0, $0xb8;
	[tilespmem:$0x10100] =	vst v63  }
0x11e: {  	s20 =	simm.s32 $0xC900;
	v3 =	vperm.xlane v3, v2  }
0x11f: {  	[tilespmem:s20], [sflag:$0x1] =	stream.indirect_vreg.gather [hbm4b:s5+s3], $0x80, v4, vm0, $0xb8;
	[tilespmem:$0x10100] =	vst v63  }
0x120: {  	s13 =	simm.s32 $0xD100;
	v3 =	vadd.s32 v1, v3  }
0x121: {  	[tilespmem:s13], [sflag:$0x1] =	stream.indirect_vreg.gather [hbm4b:s6+s3], $0x80, v4, vm0, $0xb8;
	[tilespmem:$0x10100] =	vst v63  }
0x122: {  	s14 =	simm.s32 $0xD900  }
0x123: {  	[tilespmem:s14], [sflag:$0x1] =	stream.indirect_vreg.gather [hbm4b:s7+s3], $0x80, v4, vm0, $0xb8;
	[tilespmem:$0x10100] =	vst v63  }
0x124: {  	s15 =	simm.s32 $0xE100  }
0x125: {  	[tilespmem:s15], [sflag:$0x1] =	stream.indirect_vreg.gather [hbm4b:s1+s3], $0x80, v3, vm0, $0xb8;
	[tilespmem:$0x10100] =	vst v63  }
0x126: {  	s16 =	simm.s32 $0xE900  }
0x127: {  	[tilespmem:s16], [sflag:$0x1] =	stream.indirect_vreg.gather [hbm4b:s5+s3], $0x80, v3, vm0, $0xb8;
	[tilespmem:$0x10100] =	vst v63  }
0x128: {  	s17 =	simm.s32 $0xF100  }
0x129: {  	[tilespmem:s17], [sflag:$0x1] =	stream.indirect_vreg.gather [hbm4b:s6+s3], $0x80, v3, vm0, $0xb8;
	[tilespmem:$0x10100] =	vst v63  }
0x12a: {  	s21 =	simm.s32 $0xF900  }
0x12b: {  	[tilespmem:s21], [sflag:$0x1] =	stream.indirect_vreg.gather [hbm4b:s7+s3], $0x80, v3, vm0, $0xb8;
	[tilespmem:$0x10100] =	vst v63  }
0x12c: {  	_ =	swait.ge [sflag:s26], $0x10000  }
0x12d: {  	[sflag:s26] =	ssyncset.done $0x0  }
0x12e: {  	[sflag:s26] =	ssyncadd.s32 $0xFFFF0000  }
0x12f: {  	v3 =	vld [tilespmem:$0x80];
	_ =	sdelay $0x4  }
0x130: {  	v60 =	vshll.u32 v3, $0x3  }
0x131: {  	v3 =	vand.u32 $0x7, v3;
	v4 =	vand.u32 $0xFFFFFFC0, v60  }
0x132: {  	v3 =	vor.u32 v3, v4  }
0x133: {  	v4 =	vperm.xlane v3, v0;
	_ =	sdelay $0x1  }
0x134: {  	v4 =	vadd.s32 v1, v4;
	_ =	sdelay $0x3  }
0x135: {  	s22 =	simm.s32 $0x100  }
0x136: {  	[hbm4b:s4+s3] =	stream.indirect_vreg.scatter [tilespmem:s22], [sflag:$0x1], $0x80, v4, vm0, $0xb8;
	[tilespmem:$0x10100] =	vst v63  }
0x137: {  	v3 =	vperm.xlane v3, v2;
	s22 =	simm.s32 $0x900  }
0x138: {  	[hbm4b:s8+s3] =	stream.indirect_vreg.scatter [tilespmem:s22], [sflag:$0x1], $0x80, v4, vm0, $0xb8;
	[tilespmem:$0x10100] =	vst v63  }
0x139: {  	s24 =	simm.s32 $0x1100;
	v3 =	vadd.s32 v1, v3  }
0x13a: {  	[hbm4b:s9+s3] =	stream.indirect_vreg.scatter [tilespmem:s24], [sflag:$0x1], $0x80, v4, vm0, $0xb8;
	[tilespmem:$0x10100] =	vst v63  }
0x13b: {  	s25 =	simm.s32 $0x1900  }
0x13c: {  	[hbm4b:s10+s3] =	stream.indirect_vreg.scatter [tilespmem:s25], [sflag:$0x1], $0x80, v4, vm0, $0xb8;
	[tilespmem:$0x10100] =	vst v63  }
0x13d: {  	s30 =	simm.s32 $0x2100  }
0x13e: {  	[hbm4b:s4+s3] =	stream.indirect_vreg.scatter [tilespmem:s30], [sflag:$0x1], $0x80, v3, vm0, $0xb8;
	[tilespmem:$0x10100] =	vst v63  }
0x13f: {  	s31 =	simm.s32 $0x2900  }
0x140: {  	[hbm4b:s8+s3] =	stream.indirect_vreg.scatter [tilespmem:s31], [sflag:$0x1], $0x80, v3, vm0, $0xb8;
	[tilespmem:$0x10100] =	vst v63  }
0x141: {  	s22 =	simm.s32 $0x3100  }
0x142: {  	[hbm4b:s9+s3] =	stream.indirect_vreg.scatter [tilespmem:s22], [sflag:$0x1], $0x80, v3, vm0, $0xb8;
	[tilespmem:$0x10100] =	vst v63  }
0x143: {  	s25 =	simm.s32 $0x3900  }
0x144: {  	[hbm4b:s10+s3] =	stream.indirect_vreg.scatter [tilespmem:s25], [sflag:$0x1], $0x80, v3, vm0, $0xb8;
	[tilespmem:$0x10100] =	vst v63  }
0x145: {  	v3 =	vld [tilespmem:$0x90];
	_ =	sdelay $0x4  }
0x146: {  	v61 =	vshll.u32 v3, $0x3  }
0x147: {  	v3 =	vand.u32 $0x7, v3;
	v4 =	vand.u32 $0xFFFFFFC0, v61  }
0x148: {  	v3 =	vor.u32 v3, v4  }
0x149: {  	v4 =	vperm.xlane v3, v0;
	_ =	sdelay $0x1  }
0x14a: {  	v4 =	vadd.s32 v1, v4;
	_ =	sdelay $0x3  }
0x14b: {  	s30 =	simm.s32 $0x4100  }
0x14c: {  	[hbm4b:s4+s3] =	stream.indirect_vreg.scatter [tilespmem:s30], [sflag:$0x1], $0x80, v4, vm0, $0xb8;
	[tilespmem:$0x10100] =	vst v63  }
0x14d: {  	s31 =	simm.s32 $0x4900;
	v3 =	vperm.xlane v3, v2  }
0x14e: {  	[hbm4b:s8+s3] =	stream.indirect_vreg.scatter [tilespmem:s31], [sflag:$0x1], $0x80, v4, vm0, $0xb8;
	[tilespmem:$0x10100] =	vst v63  }
0x14f: {  	s22 =	simm.s32 $0x5100;
	v3 =	vadd.s32 v1, v3  }
0x150: {  	[hbm4b:s9+s3] =	stream.indirect_vreg.scatter [tilespmem:s22], [sflag:$0x1], $0x80, v4, vm0, $0xb8;
	[tilespmem:$0x10100] =	vst v63  }
0x151: {  	s25 =	simm.s32 $0x5900  }
0x152: {  	[hbm4b:s10+s3] =	stream.indirect_vreg.scatter [tilespmem:s25], [sflag:$0x1], $0x80, v4, vm0, $0xb8;
	[tilespmem:$0x10100] =	vst v63  }
0x153: {  	s30 =	simm.s32 $0x6100  }
0x154: {  	[hbm4b:s4+s3] =	stream.indirect_vreg.scatter [tilespmem:s30], [sflag:$0x1], $0x80, v3, vm0, $0xb8;
	[tilespmem:$0x10100] =	vst v63  }
0x155: {  	s31 =	simm.s32 $0x6900  }
0x156: {  	[hbm4b:s8+s3] =	stream.indirect_vreg.scatter [tilespmem:s31], [sflag:$0x1], $0x80, v3, vm0, $0xb8;
	[tilespmem:$0x10100] =	vst v63  }
0x157: {  	s22 =	simm.s32 $0x7100  }
0x158: {  	[hbm4b:s9+s3] =	stream.indirect_vreg.scatter [tilespmem:s22], [sflag:$0x1], $0x80, v3, vm0, $0xb8;
	[tilespmem:$0x10100] =	vst v63  }
0x159: {  	s25 =	simm.s32 $0x7900  }
0x15a: {  	[hbm4b:s10+s3] =	stream.indirect_vreg.scatter [tilespmem:s25], [sflag:$0x1], $0x80, v3, vm0, $0xb8;
	[tilespmem:$0x10100] =	vst v63  }
0x15b: {  	v3 =	vld [tilespmem:$0xA0];
	_ =	sdelay $0x4  }
0x15c: {  	v62 =	vshll.u32 v3, $0x3  }
0x15d: {  	v3 =	vand.u32 $0x7, v3;
	v4 =	vand.u32 $0xFFFFFFC0, v62  }
0x15e: {  	v3 =	vor.u32 v3, v4  }
0x15f: {  	v4 =	vperm.xlane v3, v0;
	_ =	sdelay $0x1  }
0x160: {  	v4 =	vadd.s32 v1, v4;
	_ =	sdelay $0x3  }
0x161: {  	s30 =	simm.s32 $0x8100  }
0x162: {  	[hbm4b:s4+s3] =	stream.indirect_vreg.scatter [tilespmem:s30], [sflag:$0x1], $0x80, v4, vm0, $0xb8;
	[tilespmem:$0x10100] =	vst v63  }
0x163: {  	s31 =	simm.s32 $0x8900;
	v3 =	vperm.xlane v3, v2  }
0x164: {  	[hbm4b:s8+s3] =	stream.indirect_vreg.scatter [tilespmem:s31], [sflag:$0x1], $0x80, v4, vm0, $0xb8;
	[tilespmem:$0x10100] =	vst v63  }
0x165: {  	v3 =	vadd.s32 v1, v3  }
0x166: {  	[hbm4b:s9+s3] =	stream.indirect_vreg.scatter [tilespmem:s28], [sflag:$0x1], $0x80, v4, vm0, $0xb8;
	[tilespmem:$0x10100] =	vst v63  }
0x167: {  	s29 =	simm.s32 $0x9900  }
0x168: {  	[hbm4b:s10+s3] =	stream.indirect_vreg.scatter [tilespmem:s29], [sflag:$0x1], $0x80, v4, vm0, $0xb8;
	[tilespmem:$0x10100] =	vst v63  }
0x169: {  	s23 =	simm.s32 $0xA100  }
0x16a: {  	[hbm4b:s4+s3] =	stream.indirect_vreg.scatter [tilespmem:s23], [sflag:$0x1], $0x80, v3, vm0, $0xb8;
	[tilespmem:$0x10100] =	vst v63  }
0x16b: {  	_ = 	snop  }
0x16c: {  	[hbm4b:s8+s3] =	stream.indirect_vreg.scatter [tilespmem:s0], [sflag:$0x1], $0x80, v3, vm0, $0xb8;
	[tilespmem:$0x10100] =	vst v63  }
0x16d: {  	_ = 	snop  }
0x16e: {  	[hbm4b:s9+s3] =	stream.indirect_vreg.scatter [tilespmem:s2], [sflag:$0x1], $0x80, v3, vm0, $0xb8;
	[tilespmem:$0x10100] =	vst v63  }
0x16f: {  	_ = 	snop  }
0x170: {  	[hbm4b:s10+s3] =	stream.indirect_vreg.scatter [tilespmem:s18], [sflag:$0x1], $0x80, v3, vm0, $0xb8;
	[tilespmem:$0x10100] =	vst v63  }
0x171: {  	v3 =	vld [tilespmem:$0xB0];
	_ =	sdelay $0x4  }
0x172: {  	v63 =	vshll.u32 v3, $0x3  }
0x173: {  	v3 =	vand.u32 $0x7, v3;
	v4 =	vand.u32 $0xFFFFFFC0, v63  }
0x174: {  	v3 =	vor.u32 v3, v4  }
0x175: {  	v4 =	vperm.xlane v3, v0;
	_ =	sdelay $0x1  }
0x176: {  	v4 =	vadd.s32 v1, v4;
	_ =	sdelay $0x4  }
0x177: {  	[hbm4b:s4+s3] =	stream.indirect_vreg.scatter [tilespmem:s19], [sflag:$0x1], $0x80, v4, vm0, $0xb8;
	[tilespmem:$0x10100] =	vst v63  }
0x178: {  	v3 =	vperm.xlane v3, v2  }
0x179: {  	[hbm4b:s8+s3] =	stream.indirect_vreg.scatter [tilespmem:s20], [sflag:$0x1], $0x80, v4, vm0, $0xb8;
	[tilespmem:$0x10100] =	vst v63  }
0x17a: {  	v3 =	vadd.s32 v1, v3  }
0x17b: {  	[hbm4b:s9+s3] =	stream.indirect_vreg.scatter [tilespmem:s13], [sflag:$0x1], $0x80, v4, vm0, $0xb8;
	[tilespmem:$0x10100] =	vst v63  }
0x17c: {  	_ = 	snop  }
0x17d: {  	[hbm4b:s10+s3] =	stream.indirect_vreg.scatter [tilespmem:s14], [sflag:$0x1], $0x80, v4, vm0, $0xb8;
	[tilespmem:$0x10100] =	vst v63  }
0x17e: {  	_ = 	snop  }
0x17f: {  	[hbm4b:s4+s3] =	stream.indirect_vreg.scatter [tilespmem:s15], [sflag:$0x1], $0x80, v3, vm0, $0xb8;
	[tilespmem:$0x10100] =	vst v63  }
0x180: {  	_ = 	snop  }
0x181: {  	[hbm4b:s8+s3] =	stream.indirect_vreg.scatter [tilespmem:s16], [sflag:$0x1], $0x80, v3, vm0, $0xb8;
	[tilespmem:$0x10100] =	vst v63  }
0x182: {  	p0 =	sne.s32 s11, $0x1  }
0x183: {  	[hbm4b:s9+s3] =	stream.indirect_vreg.scatter [tilespmem:s17], [sflag:$0x1], $0x80, v3, vm0, $0xb8;
	[tilespmem:$0x10100] =	vst v63  }
.Ltmp0:
0x184: {  	_ = 	snop;
	(pc) =	sbr.rel @p0 .LBB2_1-.Ltmp0, $4  }
0x185: {  	[hbm4b:s10+s3] =	stream.indirect_vreg.scatter [tilespmem:s21], [sflag:$0x1], $0x80, v3, vm0, $0xb8;
	[tilespmem:$0x10100] =	vst v63  }
0x186: {  	_ =	swait.ge [sflag:s26], $0x10000  }
0x187: {  	[sflag:s26] =	ssyncset.done $0x0  }
0x188: {  	s11 =	sadd.s32 $0xFFFFFFFF, s11;
	[sflag:s26] =	ssyncadd.s32 $0xFFFF0000  }
0x189: {  	_ =	sfence.sel $0x180000  }
0x18a: {  	[bflag:$0x0] =	sbarrier.arrive $0xFFFF  }
0x18b: {  	_ =	strace $0x90000047  }
0x18c: {  	s0 =	stileid.u32;
	[bflag:$0x2] =	sbarrier.arrive $0xFFFF  }
0x18d: {  	p0 =	sne.s32 s0, $0x0;
	s0 =	rddreg [dreg:$0x3]  }
0x18e: {  	s0 =	sadd.s32 @!p0 $0x100000, s0  }
0x18f: {  	[sflag:s0] =	ssyncadd.tile.s32 @!p0 $0x1;
	_ =	shalt  }
.Lfunc_end2:
_tile_overlayer_lowered:
.L_overlay_start_2:
0x190: {  	(tag) =	ssettag $0x2  }
0x191: {  	s0 =	rddreg [dreg:$0x0];
	s2 =	stileid.u32  }
0x192: {  	s1 =	rddreg [dreg:$0x1];
	p0 =	sne.s32 s2, $0x0  }
0x193: {  	s3 =	rddreg [dreg:$0x2];
	[bflag:$0x3] =	sbarrier.arrive $0xFFFF;
	s2 =	simm.s32 @!p0 $0x1C02  }
0x194: {  	[timem:s3], [sflag:s2] =	dma.local @!p0 [hbm:s0], s1  }
0x195: {  	s0 =	simm.s32 @!p0 $0x2  }
0x196: {  	_ =	swait.ge @!p0 [sflag:s0], s1  }
0x197: {  	s1 =	ssub.s32 @!p0 $0x0, s1;
	[sflag:s0] =	ssyncset.done @!p0 $0x0  }
0x198: {  	[sflag:s0] =	ssyncadd.s32 @!p0 s1  }
0x199: {  	[bflag:$0x3] =	sbarrier.arrive $0xFFFF  }
0x19a: {  	_ =	shalt  }

// kernel: kernel.9.cloned.1.call-start
scs
__scs_entry_jumppad:
0x0: {  	(pc) =	sbr.rel $0x88, $3  }
0x1: {  	(tag) =	ssettag $0x0;
	lr =	simm.s32 $0x1  }
0x2: {  	[smem:$0x3F9B] =	sst lr;
	_ =	strace $0xD0000000  }
0x3: {  	_ = 	snop  }
0x4: {  	_ = 	snop  }
0x5: {  	_ = 	snop  }
0x6: {  	_ = 	snop  }
0x7: {  	_ = 	snop  }
__scs_overlays_trampoline_lowered:
0x8: {  	[smem:$0x3FAA] =	sst s0  }
0x9: {  	[smem:$0x3FAB] =	sst s1  }
0xa: {  	[smem:$0x3FAC] =	sst s2  }
0xb: {  	[smem:$0x3FAD] =	sst s3  }
0xc: {  	[smem:$0x3FAE] =	sst s4  }
0xd: {  	[smem:$0x3FAF] =	sst s5  }
0xe: {  	[smem:$0x3FB0] =	sst s6  }
0xf: {  	[smem:$0x3FB1] =	sst s7  }
0x10: {  	[smem:$0x3FB2] =	sst s8  }
0x11: {  	[smem:$0x3FB3] =	sst s9;
	s0 =	simm.s32 @!p0 $0x0  }
0x12: {  	s1 =	sld [smem:$0x3F99];
	s0 =	simm.s32 @p0 $0x1  }
0x13: {  	[smem:$0x3FB4] =	sst s0;
	s0 =	simm.s32 @!p1 $0x0  }
0x14: {  	s2 =	sld [smem:$0x3F98];
	s0 =	simm.s32 @p1 $0x1  }
0x15: {  	[smem:$0x3FB5] =	sst s0;
	s0 =	simm.s32 @!p2 $0x0  }
0x16: {  	s3 =	sld [smem:$0x3FDB];
	s0 =	simm.s32 @p2 $0x1  }
0x17: {  	s4 =	simm.s32 $0x1BF5;
	[smem:$0x3FB7] =	sst s0  }
0x18: {  	s0 =	sld [smem:$0x3F9A];
	_ =	swait.ge [sflag:s4], $0x0  }
0x19: {  	s7 =	sld [smem:$0x3F9B]  }
0x1a: {  	s8 =	sadd.s32 $0xFFFFE003, lr  }
0x1b: {  	s9 =	sadd.s32 $0xFFFFFEF7, lr;
	s5 =	simm.s32 $0xFFFFFFFF;
	p2 =	slt.u32 s8, $0xFFFFF086  }
0x1c: {  	p1 =	slt.u32 s9, $0xF7A;
	s5 =	simm.s32 @!p2 $0x0  }
0x1d: {  	s5 =	simm.s32 @p1 $0x1;
	p0 =	seq.s32 s7, s2  }
0x1e: {  	s7 =	smul.u32 @!p0 $0xF7A, s2;
	p2 =	seq.s32 @!p0 s5, $0x0  }
0x1f: {  	s9 =	smul.u32 $0xF7A, s1;
	s8 =	simm.s32 @!p0 $0x1BF5;
	p2 =	por !p2, p0  }
0x20: {  	[sflag:s8] =	ssyncset.s32 @!p0 $0xFFFFF086;
	s6 =	sadd.s32 @!p0 s3, s7;
	s7 =	simm.s32 @!p0 $0x108  }
0x21: {  	s3 =	sadd.s32 s3, s9;
	s6 =	sadd.s32 @!p0 $0x88, s6;
	s7 =	simm.s32 @p2 $0x1082  }
0x22: {  	[simem:s7], [sflag:s8] =	dma.local @!p0 [hbm:s6], $0xF7A  }
0x23: {  	s9 =	sor.u32 $0xD0000000, s2;
	s6 =	simm.s32 $0x108;
	_ =	swait.ge @!p0 [sflag:s8], $0x0  }
0x24: {  	s3 =	sadd.s32 $0x88, s3;
	s6 =	simm.s32 @!p1 $0x1082;
	[sflag:s4] =	ssyncset.s32 $0xFFFFF086  }
0x25: {  	[simem:s6], [sflag:s4] =	dma.local [hbm:s3], $0xF7A  }
0x26: {  	[smem:$0x3F9B] =	sst s1;
	(tag) =	ssettag s2;
	_ =	strace s9  }
0x27: {  	s1 =	sld [smem:$0x3FAB]  }
0x28: {  	s2 =	sld [smem:$0x3FAC]  }
0x29: {  	s4 =	sld [smem:$0x3FAE]  }
0x2a: {  	p0 =	seq.s32 s5, $0x0;
	s5 =	sld [smem:$0x3FAF]  }
0x2b: {  	s6 =	sld [smem:$0x3FB0]  }
0x2c: {  	s7 =	sld [smem:$0x3FB1]  }
0x2d: {  	s3 =	simm.s32 $0x108;
	s8 =	sld [smem:$0x3FB2]  }
0x2e: {  	s3 =	simm.s32 @!p0 $0x1082;
	s9 =	sld [smem:$0x3FB3]  }
0x2f: {  	lr =	sadd.s32 s0, s3;
	s0 =	sld [smem:$0x3FAA]  }
0x30: {  	s3 =	sld [smem:$0x3FAD]  }
0x31: {  	[smem:$0x3FB6] =	sst s10  }
0x32: {  	s10 =	sld [smem:$0x3FB4];
	_ =	sdelay $0x3  }
0x33: {  	p0 =	seq.s32 s10, $0x1;
	s10 =	sld [smem:$0x3FB6];
	_ =	sdelay $0x3  }
0x34: {  	[smem:$0x3FB6] =	sst s10  }
0x35: {  	s10 =	sld [smem:$0x3FB5];
	_ =	sdelay $0x3  }
0x36: {  	p1 =	seq.s32 s10, $0x1;
	s10 =	sld [smem:$0x3FB6];
	_ =	sdelay $0x3  }
0x37: {  	[smem:$0x3FB6] =	sst s10  }
0x38: {  	s10 =	sld [smem:$0x3FB7]  }
0x39: {  	_ = 	snop;
	(pc) =	sbr.ind lr, $3  }
0x3a: {  	_ = 	snop  }
0x3b: {  	_ = 	snop  }
0x3c: {  	p2 =	seq.s32 s10, $0x1;
	s10 =	sld [smem:$0x3FB6]  }
0x3d: {  	_ =	shalt  }
0x3e: {  	_ =	shalt  }
0x3f: {  	_ =	shalt  }
0x40: {  	_ =	shalt  }
0x41: {  	_ =	shalt  }
0x42: {  	_ =	shalt  }
0x43: {  	_ =	shalt  }
0x44: {  	_ =	shalt  }
0x45: {  	_ =	shalt  }
0x46: {  	_ =	shalt  }
0x47: {  	_ =	shalt  }
0x48: {  	_ =	shalt  }
0x49: {  	_ =	shalt  }
0x4a: {  	_ =	shalt  }
0x4b: {  	_ =	shalt  }
0x4c: {  	_ =	shalt  }
0x4d: {  	_ =	shalt  }
0x4e: {  	_ =	shalt  }
0x4f: {  	_ =	shalt  }
0x50: {  	_ =	shalt  }
0x51: {  	_ =	shalt  }
0x52: {  	_ =	shalt  }
0x53: {  	_ =	shalt  }
0x54: {  	_ =	shalt  }
0x55: {  	_ =	shalt  }
0x56: {  	_ =	shalt  }
0x57: {  	_ =	shalt  }
0x58: {  	_ =	shalt  }
0x59: {  	_ =	shalt  }
0x5a: {  	_ =	shalt  }
0x5b: {  	_ =	shalt  }
0x5c: {  	_ =	shalt  }
0x5d: {  	_ =	shalt  }
0x5e: {  	_ =	shalt  }
0x5f: {  	_ =	shalt  }
0x60: {  	_ =	shalt  }
0x61: {  	_ =	shalt  }
0x62: {  	_ =	shalt  }
0x63: {  	_ =	shalt  }
0x64: {  	_ =	shalt  }
0x65: {  	_ =	shalt  }
0x66: {  	_ =	shalt  }
0x67: {  	_ =	shalt  }
0x68: {  	_ =	shalt  }
0x69: {  	_ =	shalt  }
0x6a: {  	_ =	shalt  }
0x6b: {  	_ =	shalt  }
0x6c: {  	_ =	shalt  }
0x6d: {  	_ =	shalt  }
0x6e: {  	_ =	shalt  }
0x6f: {  	_ =	shalt  }
0x70: {  	_ =	shalt  }
0x71: {  	_ =	shalt  }
0x72: {  	_ =	shalt  }
0x73: {  	_ =	shalt  }
0x74: {  	_ =	shalt  }
0x75: {  	_ =	shalt  }
0x76: {  	_ =	shalt  }
0x77: {  	_ =	shalt  }
0x78: {  	_ =	shalt  }
0x79: {  	_ =	shalt  }
0x7a: {  	_ =	shalt  }
0x7b: {  	_ =	shalt  }
0x7c: {  	_ =	shalt  }
0x7d: {  	_ =	shalt  }
0x7e: {  	_ =	shalt  }
0x7f: {  	_ =	shalt  }
0x80: {  	_ =	shalt  }
0x81: {  	_ =	shalt  }
0x82: {  	_ =	shalt  }
0x83: {  	_ =	shalt  }
0x84: {  	_ =	shalt  }
0x85: {  	_ =	shalt  }
0x86: {  	_ =	shalt  }
0x87: {  	_ =	shalt  }
.Lfunc_end0:
.L_simem_size_0:
called_computation.1_lowered:
.L_overlay_start_0:
0x88: {  	s2 =	sld [smem:$0x3FD9]  }
0x89: {  	s3 =	sld [smem:$0x3FFE];
	_ =	sdelay $0x1  }
0x8a: {  	s1 =	srdreg.scid  }
0x8b: {  	s0 =	sand.u32 $0x1, s1  }
0x8c: {  	s17 =	sshll.u32 s0, $0xA;
	s2 =	sadd.s32 s3, s2  }
0x8d: {  	s2 =	sadd.s32 s2, s17  }
0x8e: {  	[smem:$0x3FC2] =	sst s2  }
0x8f: {  	_ = 	snop  }
0x90: {  	s2 =	sld [smem:$0x3FD0];
	(tm) =	ssettm $0x1  }
0x91: {  	s18 =	sld [smem:$0x3FFB];
	_ =	sdelay $0x3  }
0x92: {  	_ =	strace s18  }
0x93: {  	s3 =	sld [smem:$0x3FFC];
	_ =	sdelay $0x3  }
0x94: {  	_ =	strace s3  }
0x95: {  	s3 =	sld [smem:$0x3FFD];
	_ =	sdelay $0x3  }
0x96: {  	_ =	strace s3  }
0x97: {  	_ =	strace $0x8FFFFFFF  }
0x98: {  	s19 =	sld [smem:$0x3FDB];
	_ =	sdelay $0x1  }
0x99: {  	s4 =	simm.s32 $_scs_section_size  }
0x9a: {  	s5 =	simm.s32 $_size__tile_overlayer_lowered;
	s6 =	simm.s32 $_tile_overlayer_lowered  }
0x9b: {  	s22 =	simm.s32 $0x1BFF;
	s21 =	sshll.u32 s6, $0x1;
	s3 =	sadd.s32 s4, s19  }
0x9c: {  	s7 =	simm.s32 $0x0;
	s20 =	sshll.u32 s5, $0x1;
	s5 =	sadd.s32 s21, s3  }
0x9d: {  	[timem:s7], [sflag:s22] =	dma.local [hbm:s5], s20  }
0x9e: {  	_ =	swait.ge [sflag:s22], s20  }
0x9f: {  	s4 =	ssub.s32 $0x0, s20;
	[sflag:s22] =	ssyncset.done $0x0  }
0xa0: {  	[sflag:s22] =	ssyncadd.s32 s4;
	_ =	sdelay $0x1  }
0xa1: {  	s23 =	simm.s32 $0x1B8B  }
0xa2: {  	_ =	swait.ge [sflag:s23], $0x1  }
0xa3: {  	[sflag:s23] =	ssyncset.done $0x0  }
0xa4: {  	s25 =	simm.s32 $0x1B8E;
	s24 =	sld [smem:$0x3FFE];
	[sflag:s23] =	ssyncadd.s32 $0xFFFFFFFF  }
0xa5: {  	s26 =	simm.s32 $execute0_lowered;
	[smem:$0x3FD2] =	sst s25  }
0xa6: {  	s5 =	sshll.u32 s26, $0x1;
	_ =	strace $0x80000049;
	[dreg:$0x1] =	wrdreg $0xFFFFFFFF  }
0xa7: {  	s28 =	simm.s32 $_size_execute0_lowered;
	s3 =	sadd.s32 s3, s5;
	[dreg:$0x0] =	wrdreg $0x0  }
0xa8: {  	s5 =	sshll.u32 s28, $0x1;
	[dreg:$0x2] =	wrdreg s3  }
0xa9: {  	[dreg:$0x3] =	wrdreg s5  }
0xaa: {  	[dreg:$0x4] =	wrdreg $0xC0  }
0xab: {  	_ =	task [dreg:s7], $0x5FFFF  }
0xac: {  	[dreg:$0x1] =	wrdreg $0xFFFFFFFF  }
0xad: {  	[dreg:$0x0] =	wrdreg $0x60  }
0xae: {  	[dreg:$0x2] =	wrdreg s24  }
0xaf: {  	[dreg:$0x3] =	wrdreg s2  }
0xb0: {  	[dreg:$0x4] =	wrdreg $0x9  }
0xb1: {  	_ =	task.clear_ibuf [dreg:s7], $0x5FFFF;
	_ =	strace $0x90000049  }
0xb2: {  	s29 =	simm.s32 $0x9;
	_ =	strace $0x8000004B  }
0xb3: {  	_ =	swait.ge [sflag:s29], $0x1  }
0xb4: {  	[sflag:s29] =	ssyncadd.s32 $0xFFFFFFFF  }
0xb5: {  	_ =	strace $0x9000004B  }
0xb6: {  	_ =	sfence  }
0xb7: {  	s30 =	sld [smem:$0x0];
	_ =	sdelay $0x2  }
0xb8: {  	s31 =	sshll.u32 s1, $0xD;
	s1 =	sshrl.u32 s1, $0x2  }
0xb9: {  	s3 =	sand.u32 $0x4000, s31;
	s1 =	sadd.s32 s1, s30  }
0xba: {  	s0 =	sor.u32 s3, s0;
	s1 =	sshll.u32 s1, $0x11  }
0xbb: {  	s0 =	sor.u32 s1, s0  }
0xbc: {  	s0 =	sadd.s32 $0x8F2B, s0  }
0xbd: {  	[sflag:s0] =	ssyncadd.remote.s32 $0x1  }
0xbe: {  	_ =	sfence.sel $0xFFFF  }
0xbf: {  	[dreg:$0x0] =	wrdreg $0xFFFFFFFF;
	(pc) =	sbr.abs _section_cstart, $3  }
0xc0: {  	[dreg:$0x1] =	wrdreg $0xFFFFFFFF  }
0xc1: {  	_ =	task.clear_ibuf [dreg:s7], $0x2FFFF;
	_ =	strace $0x9FFFFFFF  }
0xc2: {  	(tm) =	ssettm $0x7FFFFFFF  }
0xc3: {  	_ =	shalt  }
tec
execute0_lowered:
.L_overlay_start_1:
0x0: {  	(tag) =	ssettag $0x1  }
0x1: {  	s0 =	rddreg [dreg:$0x0]  }
0x2: {  	s2 =	rddreg [dreg:$0x1]  }
0x3: {  	s1 =	simm.s32 $0x0;
	s4 =	srdreg.scid;
	s6 =	stileid.u32  }
0x4: {  	s18 =	simm.s32 $0x2;
	s28 =	simm.s32 $0xF100;
	s29 =	simm.s32 $0xF900  }
0x5: {  	s30 =	simm.s32 $0x10900;
	s14 =	simm.s32 $0x11100;
	s31 =	simm.s32 $0x11900  }
0x6: {  	s15 =	simm.s32 $0x0;
	[smem:$0x7FF] =	sst s1;
	s3 =	sadd.s32 $0xC0600, s0  }
0x7: {  	s4 =	sand.u32 $0x1, s4;
	s5 =	sadd.s32 $0xC0400, s0;
	s6 =	sshll.u32 s6, $0x7  }
0x8: {  	s11 =	sadd.s32 $0xC0200, s0;
	s19 =	sadd.s32 $0x8000, s0;
	s7 =	sshll.u32 s4, $0x6  }
0x9: {  	s10 =	sadd.s32 $0xC0900, s0;
	s4 =	ssub.s32 $0x2, s4;
	s6 =	sor.u32 s7, s6  }
0xa: {  	_ =	strace $0x8000004A;
	s8 =	sshrl.u32 s4, $0x1;
	s9 =	sshrl.u32 s6, $0x3  }
0xb: {  	s4 =	ssub.s32 s4, s8;
	s21 =	sshll.u32 s6, $0x4;
	s12 =	sor.u32 $0x20, s6  }
0xc: {  	s6 =	sshll.u32 s6, $0x7;
	s20 =	sadd.s32 s5, s9;
	s9 =	sadd.s32 s11, s9  }
0xd: {  	s22 =	sadd.s32 s0, s21;
	s8 =	sadd.s32 s19, s21;
	s13 =	sshrl.u32 s12, $0x3  }
0xe: {  	s6 =	sadd.s32 s2, s6;
	s23 =	sshll.u32 s12, $0x4;
	[dreg:$0x3] =	wrdreg s20  }
0xf: {  	s25 =	sshll.u32 s12, $0x7;
	s26 =	smax.u32 s4, $0x1;
	[dreg:$0x4] =	wrdreg s9  }
0x10: {  	s21 =	simm.s32 $0xB100;
	s12 =	simm.s32 $0xE900;
	[dreg:$0x5] =	wrdreg s22  }
0x11: {  	[dreg:$0x6] =	wrdreg s8;
	s8 =	sadd.s32 $0xC0700, s0;
	s9 =	sadd.s32 $0xC0800, s0  }
0x12: {  	[dreg:$0x7] =	wrdreg s6;
	s5 =	sadd.s32 s5, s13;
	s24 =	sadd.s32 s11, s13  }
0x13: {  	s0 =	sadd.s32 s0, s23;
	[dreg:$0xd] =	wrdreg s26;
	s20 =	simm.s32 $0x2100  }
0x14: {  	v2 =	vlaneseq.u32;
	s22 =	simm.s32 $0xB900;
	s11 =	simm.s32 $0xD900;
	[dreg:$0x8] =	wrdreg s5  }
0x15: {  	v0 =	vand.u32 $0x7, v2;
	v1 =	vshrl.u32 v2, $0x3;
	s26 =	simm.s32 $0xE100;
	s13 =	simm.s32 $0x10100;
	[dreg:$0x9] =	wrdreg s24  }
0x16: {  	v63 =	vor.u32 $0x8, v2;
	[tilespmem:$0x1FFD0] =	vst v0;
	v62 =	vmul.u32 $0x8, v1;
	[dreg:$0xa] =	wrdreg s0;
	s5 =	sadd.s32 s19, s23;
	s0 =	sadd.s32 s2, s25  }
0x17: {  	[tilespmem:$0x1FFF0] =	vst v63;
	s23 =	simm.s32 $0xC100;
	s24 =	simm.s32 $0xC900;
	[dreg:$0xb] =	wrdreg s5  }
0x18: {  	vm0 =	vmmov $0xffff;
	[tilespmem:$0x1FFE0] =	vst v62;
	s25 =	simm.s32 $0xD100;
	[dreg:$0xc] =	wrdreg s0;
	s0 =	simm.s32 $0x1  }
.LBB2_1:
0x19: {  	s2 =	rddreg [dreg:$0x3]  }
0x1a: {  	[tilespmem:s1], [sflag:$0x2] =	stream.linear.gather [hbm4b:s2+s1], $0x20, $0x38;
	[tilespmem:$0x12100] =	vst v63  }
0x1b: {  	_ =	swait.ge [sflag:s18], $0x20  }
0x1c: {  	[sflag:s18] =	ssyncset.done $0x0  }
0x1d: {  	s4 =	simm.s32 $0x80;
	s5 =	rddreg [dreg:$0x4];
	[sflag:s18] =	ssyncadd.s32 $0xFFFFFFE0  }
0x1e: {  	[tilespmem:s4], [sflag:$0x2] =	stream.linear.gather [hbm4b:s5+s1], $0x20, $0x38;
	[tilespmem:$0x12100] =	vst v63  }
0x1f: {  	_ =	swait.ge [sflag:s18], $0x20  }
0x20: {  	[sflag:s18] =	ssyncset.done $0x0  }
0x21: {  	s2 =	simm.s32 $0x100;
	s6 =	rddreg [dreg:$0x5];
	[sflag:s18] =	ssyncadd.s32 $0xFFFFFFE0  }
0x22: {  	[tilespmem:s2], [sflag:$0x2] =	stream.linear.gather [hbm4b:s6+s1], $0x1000, $0x38;
	[tilespmem:$0x12100] =	vst v63  }
0x23: {  	_ =	swait.ge [sflag:s18], $0x1000  }
0x24: {  	[sflag:s18] =	ssyncset.done $0x0  }
0x25: {  	s16 =	simm.s32 $0x1100;
	s7 =	rddreg [dreg:$0x6];
	[sflag:s18] =	ssyncadd.s32 $0xFFFFF000  }
0x26: {  	[tilespmem:s16], [sflag:$0x2] =	stream.linear.gather [hbm4b:s7+s1], $0x1000, $0x38;
	[tilespmem:$0x12100] =	vst v63  }
0x27: {  	_ =	swait.ge [sflag:s18], $0x1000  }
0x28: {  	[sflag:s18] =	ssyncset.done $0x0  }
0x29: {  	[sflag:s18] =	ssyncadd.s32 $0xFFFFF000  }
0x2a: {  	v3 =	vld [tilespmem:$0x0];
	_ =	sdelay $0x2  }
0x2b: {  	v0 =	vld [tilespmem:$0x1FFD0];
	_ =	sdelay $0x1  }
0x2c: {  	v1 =	vld [tilespmem:$0x1FFE0];
	v4 =	vshll.u32 v3, $0x3  }
0x2d: {  	v3 =	vand.u32 $0x7, v3;
	v4 =	vand.u32 $0xFFFFFFC0, v4  }
0x2e: {  	v3 =	vor.u32 v3, v4  }
0x2f: {  	v4 =	vperm.xlane v3, v0;
	_ =	sdelay $0x1  }
0x30: {  	v4 =	vadd.s32 v1, v4  }
0x31: {  	v2 =	vld [tilespmem:$0x1FFF0];
	_ =	sdelay $0x3  }
0x32: {  	[tilespmem:s20], [sflag:$0x1] =	stream.indirect_vreg.gather [hbm4b:s3+s1], $0x80, v4, vm0, $0xb8;
	[tilespmem:$0x12100] =	vst v63  }
0x33: {  	s17 =	simm.s32 $0x2900;
	v3 =	vperm.xlane v3, v2  }
0x34: {  	[tilespmem:s17], [sflag:$0x1] =	stream.indirect_vreg.gather [hbm4b:s8+s1], $0x80, v4, vm0, $0xb8;
	[tilespmem:$0x12100] =	vst v63  }
0x35: {  	s19 =	simm.s32 $0x3100;
	v3 =	vadd.s32 v1, v3  }
0x36: {  	[tilespmem:s19], [sflag:$0x1] =	stream.indirect_vreg.gather [hbm4b:s9+s1], $0x80, v4, vm0, $0xb8;
	[tilespmem:$0x12100] =	vst v63  }
0x37: {  	s5 =	simm.s32 $0x3900  }
0x38: {  	[tilespmem:s5], [sflag:$0x1] =	stream.indirect_vreg.gather [hbm4b:s10+s1], $0x80, v4, vm0, $0xb8;
	[tilespmem:$0x12100] =	vst v63  }
0x39: {  	s6 =	simm.s32 $0x4100  }
0x3a: {  	[tilespmem:s6], [sflag:$0x1] =	stream.indirect_vreg.gather [hbm4b:s3+s1], $0x80, v3, vm0, $0xb8;
	[tilespmem:$0x12100] =	vst v63  }
0x3b: {  	s7 =	simm.s32 $0x4900  }
0x3c: {  	[tilespmem:s7], [sflag:$0x1] =	stream.indirect_vreg.gather [hbm4b:s8+s1], $0x80, v3, vm0, $0xb8;
	[tilespmem:$0x12100] =	vst v63  }
0x3d: {  	s17 =	simm.s32 $0x5100  }
0x3e: {  	[tilespmem:s17], [sflag:$0x1] =	stream.indirect_vreg.gather [hbm4b:s9+s1], $0x80, v3, vm0, $0xb8;
	[tilespmem:$0x12100] =	vst v63  }
0x3f: {  	s19 =	simm.s32 $0x5900  }
0x40: {  	[tilespmem:s19], [sflag:$0x1] =	stream.indirect_vreg.gather [hbm4b:s10+s1], $0x80, v3, vm0, $0xb8;
	[tilespmem:$0x12100] =	vst v63  }
0x41: {  	v3 =	vld [tilespmem:$0x10];
	_ =	sdelay $0x4  }
0x42: {  	v61 =	vshll.u32 v3, $0x3  }
0x43: {  	v3 =	vand.u32 $0x7, v3;
	v4 =	vand.u32 $0xFFFFFFC0, v61  }
0x44: {  	v3 =	vor.u32 v3, v4  }
0x45: {  	v4 =	vperm.xlane v3, v0;
	_ =	sdelay $0x1  }
0x46: {  	v4 =	vadd.s32 v1, v4;
	_ =	sdelay $0x3  }
0x47: {  	s5 =	simm.s32 $0x6100  }
0x48: {  	[tilespmem:s5], [sflag:$0x1] =	stream.indirect_vreg.gather [hbm4b:s3+s1], $0x80, v4, vm0, $0xb8;
	[tilespmem:$0x12100] =	vst v63  }
0x49: {  	s6 =	simm.s32 $0x6900;
	v3 =	vperm.xlane v3, v2  }
0x4a: {  	[tilespmem:s6], [sflag:$0x1] =	stream.indirect_vreg.gather [hbm4b:s8+s1], $0x80, v4, vm0, $0xb8;
	[tilespmem:$0x12100] =	vst v63  }
0x4b: {  	s7 =	simm.s32 $0x7100;
	v3 =	vadd.s32 v1, v3  }
0x4c: {  	[tilespmem:s7], [sflag:$0x1] =	stream.indirect_vreg.gather [hbm4b:s9+s1], $0x80, v4, vm0, $0xb8;
	[tilespmem:$0x12100] =	vst v63  }
0x4d: {  	s17 =	simm.s32 $0x7900  }
0x4e: {  	[tilespmem:s17], [sflag:$0x1] =	stream.indirect_vreg.gather [hbm4b:s10+s1], $0x80, v4, vm0, $0xb8;
	[tilespmem:$0x12100] =	vst v63  }
0x4f: {  	s19 =	simm.s32 $0x8100  }
0x50: {  	[tilespmem:s19], [sflag:$0x1] =	stream.indirect_vreg.gather [hbm4b:s3+s1], $0x80, v3, vm0, $0xb8;
	[tilespmem:$0x12100] =	vst v63  }
0x51: {  	s5 =	simm.s32 $0x8900  }
0x52: {  	[tilespmem:s5], [sflag:$0x1] =	stream.indirect_vreg.gather [hbm4b:s8+s1], $0x80, v3, vm0, $0xb8;
	[tilespmem:$0x12100] =	vst v63  }
0x53: {  	s6 =	simm.s32 $0x9100  }
0x54: {  	[tilespmem:s6], [sflag:$0x1] =	stream.indirect_vreg.gather [hbm4b:s9+s1], $0x80, v3, vm0, $0xb8;
	[tilespmem:$0x12100] =	vst v63  }
0x55: {  	s7 =	simm.s32 $0x9900  }
0x56: {  	[tilespmem:s7], [sflag:$0x1] =	stream.indirect_vreg.gather [hbm4b:s10+s1], $0x80, v3, vm0, $0xb8;
	[tilespmem:$0x12100] =	vst v63  }
0x57: {  	v3 =	vld [tilespmem:$0x80];
	_ =	sdelay $0x4  }
0x58: {  	v62 =	vshll.u32 v3, $0x3  }
0x59: {  	v3 =	vand.u32 $0x7, v3;
	v4 =	vand.u32 $0xFFFFFFC0, v62  }
0x5a: {  	v3 =	vor.u32 v3, v4  }
0x5b: {  	v4 =	vperm.xlane v3, v0;
	_ =	sdelay $0x1  }
0x5c: {  	v4 =	vadd.s32 v1, v4;
	_ =	sdelay $0x3  }
0x5d: {  	s17 =	simm.s32 $0xA100  }
0x5e: {  	[tilespmem:s17], [sflag:$0x1] =	stream.indirect_vreg.gather [hbm4b:s3+s1], $0x80, v4, vm0, $0xb8;
	[tilespmem:$0x12100] =	vst v63  }
0x5f: {  	s19 =	simm.s32 $0xA900;
	v3 =	vperm.xlane v3, v2  }
0x60: {  	[tilespmem:s19], [sflag:$0x1] =	stream.indirect_vreg.gather [hbm4b:s8+s1], $0x80, v4, vm0, $0xb8;
	[tilespmem:$0x12100] =	vst v63  }
0x61: {  	v3 =	vadd.s32 v1, v3  }
0x62: {  	[tilespmem:s21], [sflag:$0x1] =	stream.indirect_vreg.gather [hbm4b:s9+s1], $0x80, v4, vm0, $0xb8;
	[tilespmem:$0x12100] =	vst v63  }
0x63: {  	_ = 	snop  }
0x64: {  	[tilespmem:s22], [sflag:$0x1] =	stream.indirect_vreg.gather [hbm4b:s10+s1], $0x80, v4, vm0, $0xb8;
	[tilespmem:$0x12100] =	vst v63  }
0x65: {  	_ = 	snop  }
0x66: {  	[tilespmem:s23], [sflag:$0x1] =	stream.indirect_vreg.gather [hbm4b:s3+s1], $0x80, v3, vm0, $0xb8;
	[tilespmem:$0x12100] =	vst v63  }
0x67: {  	_ = 	snop  }
0x68: {  	[tilespmem:s24], [sflag:$0x1] =	stream.indirect_vreg.gather [hbm4b:s8+s1], $0x80, v3, vm0, $0xb8;
	[tilespmem:$0x12100] =	vst v63  }
0x69: {  	_ = 	snop  }
0x6a: {  	[tilespmem:s25], [sflag:$0x1] =	stream.indirect_vreg.gather [hbm4b:s9+s1], $0x80, v3, vm0, $0xb8;
	[tilespmem:$0x12100] =	vst v63  }
0x6b: {  	_ = 	snop  }
0x6c: {  	[tilespmem:s11], [sflag:$0x1] =	stream.indirect_vreg.gather [hbm4b:s10+s1], $0x80, v3, vm0, $0xb8;
	[tilespmem:$0x12100] =	vst v63  }
0x6d: {  	v3 =	vld [tilespmem:$0x90];
	_ =	sdelay $0x4  }
0x6e: {  	v63 =	vshll.u32 v3, $0x3  }
0x6f: {  	v3 =	vand.u32 $0x7, v3;
	v4 =	vand.u32 $0xFFFFFFC0, v63  }
0x70: {  	v3 =	vor.u32 v3, v4  }
0x71: {  	v4 =	vperm.xlane v3, v0;
	_ =	sdelay $0x1  }
0x72: {  	v4 =	vadd.s32 v1, v4;
	_ =	sdelay $0x4  }
0x73: {  	[tilespmem:s26], [sflag:$0x1] =	stream.indirect_vreg.gather [hbm4b:s3+s1], $0x80, v4, vm0, $0xb8;
	[tilespmem:$0x12100] =	vst v63  }
0x74: {  	v3 =	vperm.xlane v3, v2  }
0x75: {  	[tilespmem:s12], [sflag:$0x1] =	stream.indirect_vreg.gather [hbm4b:s8+s1], $0x80, v4, vm0, $0xb8;
	[tilespmem:$0x12100] =	vst v63  }
0x76: {  	v3 =	vadd.s32 v1, v3  }
0x77: {  	[tilespmem:s28], [sflag:$0x1] =	stream.indirect_vreg.gather [hbm4b:s9+s1], $0x80, v4, vm0, $0xb8;
	[tilespmem:$0x12100] =	vst v63  }
0x78: {  	_ = 	snop  }
0x79: {  	[tilespmem:s29], [sflag:$0x1] =	stream.indirect_vreg.gather [hbm4b:s10+s1], $0x80, v4, vm0, $0xb8;
	[tilespmem:$0x12100] =	vst v63  }
0x7a: {  	_ = 	snop  }
0x7b: {  	[tilespmem:s13], [sflag:$0x1] =	stream.indirect_vreg.gather [hbm4b:s3+s1], $0x80, v3, vm0, $0xb8;
	[tilespmem:$0x12100] =	vst v63  }
0x7c: {  	_ = 	snop  }
0x7d: {  	[tilespmem:s30], [sflag:$0x1] =	stream.indirect_vreg.gather [hbm4b:s8+s1], $0x80, v3, vm0, $0xb8;
	[tilespmem:$0x12100] =	vst v63  }
0x7e: {  	_ = 	snop  }
0x7f: {  	[tilespmem:s14], [sflag:$0x1] =	stream.indirect_vreg.gather [hbm4b:s9+s1], $0x80, v3, vm0, $0xb8;
	[tilespmem:$0x12100] =	vst v63  }
0x80: {  	_ = 	snop  }
0x81: {  	[tilespmem:s31], [sflag:$0x1] =	stream.indirect_vreg.gather [hbm4b:s10+s1], $0x80, v3, vm0, $0xb8;
	[tilespmem:$0x12100] =	vst v63  }
0x82: {  	_ =	swait.ge [sflag:s0], $0x8000  }
0x83: {  	[sflag:s0] =	ssyncset.done $0x0  }
0x84: {  	[sflag:s0] =	ssyncadd.s32 $0xFFFF8000  }
0x85: {  	_ =	swait.ge [sflag:s0], $0x8000  }
0x86: {  	s4 =	simm.s32 $0x0;
	[sflag:s0] =	ssyncset.done $0x0  }
0x87: {  	s5 =	simm.s32 $0x0;
	s17 =	simm.s32 $0x0;
	[sflag:s0] =	ssyncadd.s32 $0xFFFF8000  }
.LBB2_2:
0x88: {  	v3 =	vld [tilespmem:s2+$0x0];
	s6 =	sand.u32 $0x6000, s17;
	s7 =	sand.u32 $0x380, s5  }
0x89: {  	v4 =	vld [tilespmem:s16+$0x0];
	s6 =	sor.u32 s7, s6  }
0x8a: {  	v6 =	vld [tilespmem:s6+$0x2100]  }
0x8b: {  	v7 =	vld [tilespmem:s6+$0xA100]  }
0x8c: {  	v10 =	vld [tilespmem:s6+$0x2110]  }
0x8d: {  	v11 =	vld [tilespmem:s6+$0xA110]  }
0x8e: {  	v14 =	vld [tilespmem:s6+$0x2120]  }
0x8f: {  	v17 =	vld [tilespmem:s6+$0xA120]  }
0x90: {  	v20 =	vld [tilespmem:s6+$0x2130]  }
0x91: {  	v21 =	vld [tilespmem:s6+$0xA130]  }
0x92: {  	v26 =	vld [tilespmem:s6+$0x2140]  }
0x93: {  	v27 =	vld [tilespmem:s6+$0xA140]  }
0x94: {  	v28 =	vld [tilespmem:s6+$0x2150]  }
0x95: {  	v29 =	vld [tilespmem:s6+$0xA150]  }
0x96: {  	v30 =	vld [tilespmem:s6+$0x2160]  }
0x97: {  	v31 =	vld [tilespmem:s6+$0xA160]  }
0x98: {  	v32 =	vld [tilespmem:s6+$0x2170]  }
0x99: {  	v33 =	vld [tilespmem:s6+$0xA170]  }
0x9a: {  	v34 =	vld [tilespmem:s6+$0x2500]  }
0x9b: {  	v35 =	vld [tilespmem:s6+$0xA500]  }
0x9c: {  	v36 =	vld [tilespmem:s6+$0x2510]  }
0x9d: {  	v37 =	vld [tilespmem:s6+$0xA510]  }
0x9e: {  	v38 =	vld [tilespmem:s6+$0x2520]  }
0x9f: {  	v39 =	vld [tilespmem:s6+$0xA520]  }
0xa0: {  	v40 =	vld [tilespmem:s6+$0x2530]  }
0xa1: {  	v41 =	vld [tilespmem:s6+$0xA530]  }
0xa2: {  	v42 =	vld [tilespmem:s6+$0x2540]  }
0xa3: {  	v43 =	vld [tilespmem:s6+$0xA540]  }
0xa4: {  	v44 =	vld [tilespmem:s6+$0x2550]  }
0xa5: {  	v45 =	vld [tilespmem:s6+$0xA550]  }
0xa6: {  	v46 =	vld [tilespmem:s6+$0x2560]  }
0xa7: {  	v47 =	vld [tilespmem:s6+$0xA560]  }
0xa8: {  	v48 =	vld [tilespmem:s6+$0x2570]  }
0xa9: {  	v49 =	vld [tilespmem:s6+$0xA570]  }
0xaa: {  	v50 =	vld [tilespmem:s6+$0x2900]  }
0xab: {  	v51 =	vld [tilespmem:s6+$0xA900]  }
0xac: {  	v52 =	vld [tilespmem:s6+$0x2910]  }
0xad: {  	v53 =	vld [tilespmem:s6+$0xA910]  }
0xae: {  	v54 =	vld [tilespmem:s6+$0x2920]  }
0xaf: {  	v55 =	vld [tilespmem:s6+$0xA920]  }
0xb0: {  	v56 =	vld [tilespmem:s6+$0x2930]  }
0xb1: {  	v57 =	vld [tilespmem:s6+$0xA930]  }
0xb2: {  	v58 =	vld [tilespmem:s6+$0x2940]  }
0xb3: {  	v59 =	vld [tilespmem:s6+$0xA940]  }
0xb4: {  	v60 =	vld [tilespmem:s6+$0x2950]  }
0xb5: {  	v61 =	vld [tilespmem:s6+$0xA950]  }
0xb6: {  	v62 =	vld [tilespmem:s6+$0x2960]  }
0xb7: {  	v63 =	vld [tilespmem:s6+$0xA960]  }
0xb8: {  	v5 =	vld [tilespmem:s6+$0x2970]  }
0xb9: {  	v2 =	vld [tilespmem:s6+$0xA970]  }
0xba: {  	v24 =	vld [tilespmem:s6+$0x2D00]  }
0xbb: {  	v25 =	vld [tilespmem:s6+$0xAD00]  }
0xbc: {  	v22 =	vld [tilespmem:s6+$0x2D10]  }
0xbd: {  	v23 =	vld [tilespmem:s6+$0xAD10]  }
0xbe: {  	v18 =	vld [tilespmem:s6+$0x2D20]  }
0xbf: {  	v0 =	vld [tilespmem:s6+$0x2D60]  }
0xc0: {  	v19 =	vld [tilespmem:s6+$0xAD20]  }
0xc1: {  	v15 =	vld [tilespmem:s6+$0x2D30]  }
0xc2: {  	v16 =	vld [tilespmem:s6+$0xAD30]  }
0xc3: {  	v12 =	vld [tilespmem:s6+$0x2D40];
	v1 =	vmul.f32 v6, v3  }
0xc4: {  	v13 =	vld [tilespmem:s6+$0xAD40];
	[tilespmem:$0x1FFC0] =	vst v0;
	v0 =	vmul.f32 v7, v4;
	v10 =	vmul.f32 v10, v3  }
0xc5: {  	v8 =	vld [tilespmem:s6+$0x2D50];
	v11 =	vmul.f32 v11, v4;
	v14 =	vmul.f32 v14, v3  }
0xc6: {  	v9 =	vld [tilespmem:s6+$0xAD50];
	v17 =	vmul.f32 v17, v4;
	v20 =	vmul.f32 v20, v3  }
0xc7: {  	v7 =	vld [tilespmem:s6+$0xAD60];
	v21 =	vmul.f32 v21, v4;
	v26 =	vmul.f32 v26, v3  }
0xc8: {  	v6 =	vld [tilespmem:s6+$0x2D70];
	v27 =	vmul.f32 v27, v4;
	v34 =	vmul.f32 v34, v3  }
0xc9: {  	v35 =	vmul.f32 v35, v4;
	v38 =	vmul.f32 v38, v3;
	v1 =	vadd.f32 v0, v1;
	v0 =	vld [tilespmem:s6+$0xAD70]  }
0xca: {  	v39 =	vmul.f32 v39, v4;
	v40 =	vmul.f32 v40, v3;
	v10 =	vadd.f32 v11, v10;
	v11 =	vld [tilespmem:s6+$0x3100]  }
0xcb: {  	v5 =	vmul.f32 v5, v3;
	v2 =	vmul.f32 v2, v4;
	[tilespmem:s6+$0x2100] =	vst v1;
	v1 =	vadd.f32 v17, v14;
	v14 =	vld [tilespmem:s6+$0xB100]  }
0xcc: {  	[tilespmem:s6+$0x2110] =	vst v10;
	v10 =	vadd.f32 v21, v20;
	v21 =	vmul.f32 v28, v3;
	v28 =	vmul.f32 v29, v4;
	v17 =	vld [tilespmem:s6+$0x3110]  }
0xcd: {  	v52 =	vmul.f32 v52, v3;
	v2 =	vadd.f32 v2, v5;
	v20 =	vld [tilespmem:s6+$0xB110];
	v29 =	vmul.f32 v33, v4;
	[tilespmem:s6+$0x2120] =	vst v1  }
0xce: {  	v1 =	vadd.f32 v27, v26;
	v26 =	vmul.f32 v30, v3;
	[tilespmem:s6+$0x2130] =	vst v10;
	v10 =	vadd.f32 v28, v21;
	v21 =	vld [tilespmem:s6+$0x3120]  }
0xcf: {  	v27 =	vmul.f32 v31, v4;
	v28 =	vmul.f32 v32, v3;
	v31 =	vld [tilespmem:s6+$0x3130]  }
0xd0: {  	v24 =	vmul.f32 v24, v3;
	v25 =	vmul.f32 v25, v4;
	[tilespmem:s6+$0x2970] =	vst v2;
	v32 =	vld [tilespmem:s6+$0xB130]  }
0xd1: {  	v18 =	vmul.f32 v18, v3;
	v33 =	vadd.f32 v27, v26;
	v26 =	vld [tilespmem:s6+$0xB120];
	[tilespmem:s6+$0x2150] =	vst v10;
	v10 =	vadd.f32 v29, v28  }
0xd2: {  	[tilespmem:s6+$0x2140] =	vst v1;
	v28 =	vmul.f32 v36, v3;
	v36 =	vmul.f32 v37, v4;
	v37 =	vadd.f32 v35, v34;
	v34 =	vld [tilespmem:s6+$0xB140]  }
0xd3: {  	v19 =	vmul.f32 v19, v4;
	v12 =	vmul.f32 v12, v3;
	v35 =	vld [tilespmem:s6+$0x3150];
	[tilespmem:s6+$0x2160] =	vst v33  }
0xd4: {  	v13 =	vmul.f32 v13, v4;
	v27 =	vld [tilespmem:s6+$0xB520];
	v29 =	vadd.f32 v25, v24;
	[tilespmem:s6+$0x2170] =	vst v10;
	v10 =	vadd.f32 v36, v28  }
0xd5: {  	v36 =	vmul.f32 v41, v4;
	v33 =	vld [tilespmem:s6+$0x3140];
	[tilespmem:s6+$0x2500] =	vst v37;
	v37 =	vadd.f32 v39, v38;
	v38 =	vmul.f32 v42, v3  }
0xd6: {  	v39 =	vmul.f32 v43, v4;
	v41 =	vmul.f32 v45, v4;
	v28 =	vld [tilespmem:s6+$0x3520];
	[tilespmem:s6+$0x2D00] =	vst v29  }
0xd7: {  	v43 =	vmul.f32 v46, v3;
	[tilespmem:s6+$0x2510] =	vst v10;
	v10 =	vadd.f32 v36, v40;
	v40 =	vmul.f32 v44, v3;
	v36 =	vld [tilespmem:s6+$0xB150]  }
0xd8: {  	v46 =	vmul.f32 v48, v3;
	[tilespmem:s6+$0x2520] =	vst v37;
	v42 =	vadd.f32 v39, v38;
	v44 =	vmul.f32 v47, v4;
	v37 =	vld [tilespmem:s6+$0x3160]  }
0xd9: {  	v47 =	vmul.f32 v49, v4;
	v49 =	vmul.f32 v50, v3;
	v38 =	vld [tilespmem:s6+$0xB160];
	[tilespmem:s6+$0x2530] =	vst v10;
	v45 =	vadd.f32 v41, v40  }
0xda: {  	v50 =	vmul.f32 v51, v4;
	v39 =	vld [tilespmem:s6+$0x3170];
	[tilespmem:s6+$0x2540] =	vst v42;
	v48 =	vadd.f32 v44, v43;
	v44 =	vmul.f32 v53, v4  }
0xdb: {  	v51 =	vadd.f32 v47, v46;
	v46 =	vmul.f32 v54, v3;
	v47 =	vmul.f32 v55, v4;
	v40 =	vld [tilespmem:s6+$0xB170];
	[tilespmem:s6+$0x2550] =	vst v45  }
0xdc: {  	v41 =	vld [tilespmem:s6+$0x3500];
	v53 =	vmul.f32 v59, v4;
	v55 =	vmul.f32 v60, v3;
	[tilespmem:s6+$0x2560] =	vst v48;
	v45 =	vadd.f32 v50, v49  }
0xdd: {  	v42 =	vld [tilespmem:s6+$0xB500];
	v59 =	vmul.f32 v63, v4;
	v63 =	vmul.f32 v23, v4;
	[tilespmem:s6+$0x2570] =	vst v51;
	v48 =	vadd.f32 v44, v52  }
0xde: {  	v43 =	vld [tilespmem:s6+$0x3510];
	v49 =	vmul.f32 v56, v3;
	v50 =	vmul.f32 v57, v4;
	v51 =	vadd.f32 v47, v46;
	[tilespmem:s6+$0x2900] =	vst v45  }
0xdf: {  	v23 =	vld [tilespmem:s6+$0xB530];
	v25 =	vmul.f32 v33, v3;
	v52 =	vmul.f32 v58, v3;
	v47 =	vadd.f32 v19, v18;
	[tilespmem:s6+$0x2910] =	vst v48  }
0xe0: {  	v56 =	vmul.f32 v61, v4;
	v58 =	vmul.f32 v62, v3;
	v44 =	vld [tilespmem:s6+$0xB510];
	v54 =	vadd.f32 v50, v49;
	[tilespmem:s6+$0x2920] =	vst v51  }
0xe1: {  	v62 =	vmul.f32 v22, v3;
	v22 =	vld [tilespmem:s6+$0x3530];
	v46 =	vmul.f32 v16, v4;
	v57 =	vadd.f32 v53, v52;
	[tilespmem:s6+$0x2D20] =	vst v47  }
0xe2: {  	v16 =	vld [tilespmem:s6+$0xB540];
	v33 =	vmul.f32 v37, v3;
	v60 =	vadd.f32 v56, v55;
	v45 =	vmul.f32 v15, v3;
	[tilespmem:s6+$0x2930] =	vst v54  }
0xe3: {  	v18 =	vld [tilespmem:s6+$0x3910];
	v61 =	vadd.f32 v59, v58;
	v49 =	vmul.f32 v8, v3;
	v50 =	vmul.f32 v9, v4;
	[tilespmem:s6+$0x2940] =	vst v57  }
0xe4: {  	v19 =	vld [tilespmem:s6+$0xB910];
	v30 =	vadd.f32 v63, v62;
	v56 =	vmul.f32 v11, v3;
	v58 =	vmul.f32 v17, v3;
	[tilespmem:s6+$0x2950] =	vst v60  }
0xe5: {  	v15 =	vld [tilespmem:s6+$0x3540];
	v51 =	vadd.f32 v13, v12;
	v59 =	vmul.f32 v20, v4;
	v62 =	vmul.f32 v26, v4;
	[tilespmem:s6+$0x2960] =	vst v61  }
0xe6: {  	v9 =	vld [tilespmem:s6+$0x3550];
	v20 =	vmul.f32 v31, v3;
	v26 =	vmul.f32 v34, v4;
	[tilespmem:s6+$0x2D10] =	vst v30;
	v48 =	vadd.f32 v46, v45  }
0xe7: {  	v52 =	vld [tilespmem:$0x1FFC0];
	v31 =	vmul.f32 v36, v4;
	v34 =	vmul.f32 v38, v4;
	v53 =	vadd.f32 v50, v49;
	[tilespmem:s6+$0x2D40] =	vst v51  }
0xe8: {  	v12 =	vld [tilespmem:s6+$0xB550];
	v36 =	vmul.f32 v39, v3;
	v37 =	vmul.f32 v40, v4;
	v63 =	vadd.f32 v59, v58;
	[tilespmem:s6+$0x2D30] =	vst v48  }
0xe9: {  	v11 =	vld [tilespmem:s6+$0x3570];
	v61 =	vmul.f32 v21, v3;
	v21 =	vmul.f32 v32, v4;
	v32 =	vadd.f32 v26, v25;
	[tilespmem:s6+$0x2D50] =	vst v53  }
0xea: {  	v13 =	vld [tilespmem:s6+$0xB570];
	v39 =	vmul.f32 v41, v3;
	v40 =	vmul.f32 v42, v4;
	v38 =	vadd.f32 v34, v33;
	[tilespmem:s6+$0x3110] =	vst v63  }
0xeb: {  	v0 =	vmul.f32 v0, v4;
	v17 =	vld [tilespmem:s6+$0xB900];
	v54 =	vmul.f32 v6, v3;
	v42 =	vadd.f32 v37, v36;
	[tilespmem:s6+$0x3140] =	vst v32  }
0xec: {  	v41 =	vld [tilespmem:s6+$0xB920];
	v57 =	vmul.f32 v14, v4;
	v47 =	vadd.f32 v40, v39;
	[tilespmem:s6+$0x3160] =	vst v38  }
0xed: {  	v6 =	vld [tilespmem:s6+$0x3560];
	v0 =	vadd.f32 v0, v54;
	[tilespmem:s6+$0x3170] =	vst v42  }
0xee: {  	v14 =	vld [tilespmem:s6+$0x3900];
	v60 =	vadd.f32 v57, v56;
	[tilespmem:s6+$0x3500] =	vst v47  }
0xef: {  	v7 =	vmul.f32 v7, v4;
	v30 =	vmul.f32 v35, v3;
	v46 =	vld [tilespmem:s6+$0x3930];
	v24 =	vadd.f32 v62, v61;
	[tilespmem:s6+$0x2D70] =	vst v0  }
0xf0: {  	v43 =	vmul.f32 v43, v3;
	v50 =	vld [tilespmem:s6+$0xB930];
	v45 =	vmul.f32 v44, v4;
	v29 =	vadd.f32 v21, v20;
	[tilespmem:s6+$0x3100] =	vst v60  }
0xf1: {  	v49 =	vmul.f32 v27, v4;
	v58 =	vld [tilespmem:s6+$0x3950];
	v35 =	vadd.f32 v31, v30;
	v10 =	vmul.f32 v52, v3;
	[tilespmem:s6+$0x3120] =	vst v24  }
0xf2: {  	v36 =	vld [tilespmem:s6+$0xB970];
	v53 =	vmul.f32 v23, v4;
	v51 =	vadd.f32 v45, v43;
	v52 =	vmul.f32 v22, v3;
	[tilespmem:s6+$0x3130] =	vst v29  }
0xf3: {  	v40 =	vld [tilespmem:s6+$0xB940];
	v57 =	vmul.f32 v16, v4;
	v56 =	vmul.f32 v15, v3;
	[tilespmem:s6+$0x3150] =	vst v35;
	v55 =	vadd.f32 v7, v10  }
0xf4: {  	v20 =	vld [tilespmem:s6+$0x3920];
	v26 =	vmul.f32 v11, v3;
	v27 =	vmul.f32 v13, v4;
	[tilespmem:s6+$0x3510] =	vst v51;
	v59 =	vadd.f32 v53, v52  }
0xf5: {  	v62 =	vld [tilespmem:s6+$0xB950];
	v61 =	vmul.f32 v12, v4;
	v60 =	vmul.f32 v9, v3;
	v63 =	vadd.f32 v57, v56;
	[tilespmem:s6+$0x2D60] =	vst v55  }
0xf6: {  	v34 =	vmul.f32 v18, v3;
	v16 =	vld [tilespmem:s6+$0x3960];
	v35 =	vmul.f32 v19, v4;
	v33 =	vadd.f32 v27, v26;
	[tilespmem:s6+$0x3530] =	vst v59  }
0xf7: {  	v48 =	vmul.f32 v28, v3;
	v28 =	vld [tilespmem:s6+$0xB960];
	v31 =	vmul.f32 v17, v4;
	v23 =	vadd.f32 v61, v60;
	[tilespmem:s6+$0x3540] =	vst v63  }
0xf8: {  	v32 =	vld [tilespmem:s6+$0x3970];
	v39 =	vmul.f32 v41, v4;
	v30 =	vmul.f32 v14, v3;
	v41 =	vadd.f32 v35, v34;
	[tilespmem:s6+$0x3570] =	vst v33  }
0xf9: {  	v10 =	vld [tilespmem:s6+$0xB560];
	v42 =	vmul.f32 v46, v3;
	v43 =	vmul.f32 v50, v4;
	v55 =	vadd.f32 v49, v48;
	[tilespmem:s6+$0x3550] =	vst v23  }
0xfa: {  	v54 =	vld [tilespmem:s6+$0x3940];
	v37 =	vadd.f32 v31, v30;
	v38 =	vmul.f32 v20, v3;
	[tilespmem:s6+$0x3910] =	vst v41  }
0xfb: {  	v45 =	vmul.f32 v58, v3;
	v46 =	vmul.f32 v62, v4;
	v47 =	vadd.f32 v43, v42;
	[tilespmem:s6+$0x3520] =	vst v55  }
0xfc: {  	v48 =	vmul.f32 v16, v3;
	v49 =	vmul.f32 v28, v4;
	[tilespmem:s6+$0x3900] =	vst v37;
	v44 =	vadd.f32 v39, v38  }
0xfd: {  	v52 =	vmul.f32 v36, v4;
	v51 =	vmul.f32 v32, v3;
	v50 =	vadd.f32 v46, v45;
	[tilespmem:s6+$0x3930] =	vst v47  }
0xfe: {  	v6 =	vmul.f32 v6, v3;
	v53 =	vadd.f32 v49, v48;
	v12 =	vmul.f32 v10, v4;
	[tilespmem:s6+$0x3920] =	vst v44  }
0xff: {  	s19 =	sand.u32 $0x7, s4;
	v54 =	vmul.f32 v54, v3;
	v55 =	vmul.f32 v40, v4;
	v56 =	vadd.f32 v52, v51;
	[tilespmem:s6+$0x3950] =	vst v50  }
0x100: {  	s7 =	sshll.u32 s19, $0x7;
	[tilespmem:s6+$0x3960] =	vst v53;
	v29 =	vadd.f32 v12, v6  }
0x101: {  	s7 =	sadd.s32 s7, s17;
	v2 =	vadd.f32 v55, v54;
	[tilespmem:s6+$0x3970] =	vst v56  }
0x102: {  	s19 =	sor.u32 $0x1C00, s7;
	[tilespmem:s6+$0x3560] =	vst v29  }
0x103: {  	[tilespmem:s6+$0x3940] =	vst v2;
	v0 =	vld [tilespmem:s19+$0x2100]  }
0x104: {  	v1 =	vld [tilespmem:s19+$0xA100];
	_ =	sdelay $0x4  }
0x105: {  	v0 =	vmul.f32 v0, v3;
	v1 =	vmul.f32 v1, v4;
	_ =	sdelay $0x1  }
0x106: {  	v0 =	vadd.f32 v1, v0;
	_ =	sdelay $0x1  }
0x107: {  	[tilespmem:s19+$0x2100] =	vst v0;
	s19 =	sor.u32 $0x1C10, s7  }
0x108: {  	v0 =	vld [tilespmem:s19+$0x2100]  }
0x109: {  	v57 =	vld [tilespmem:s19+$0xA100];
	_ =	sdelay $0x4  }
0x10a: {  	v0 =	vmul.f32 v0, v3;
	v1 =	vmul.f32 v57, v4;
	_ =	sdelay $0x1  }
0x10b: {  	v0 =	vadd.f32 v1, v0;
	_ =	sdelay $0x1  }
0x10c: {  	[tilespmem:s19+$0x2100] =	vst v0;
	s19 =	sor.u32 $0x1C20, s7  }
0x10d: {  	v0 =	vld [tilespmem:s19+$0x2100]  }
0x10e: {  	v58 =	vld [tilespmem:s19+$0xA100];
	_ =	sdelay $0x4  }
0x10f: {  	v0 =	vmul.f32 v0, v3;
	v1 =	vmul.f32 v58, v4;
	_ =	sdelay $0x1  }
0x110: {  	v0 =	vadd.f32 v1, v0;
	_ =	sdelay $0x1  }
0x111: {  	[tilespmem:s19+$0x2100] =	vst v0;
	s19 =	sor.u32 $0x1C30, s7  }
0x112: {  	v0 =	vld [tilespmem:s19+$0x2100]  }
0x113: {  	v59 =	vld [tilespmem:s19+$0xA100];
	_ =	sdelay $0x4  }
0x114: {  	v0 =	vmul.f32 v0, v3;
	v1 =	vmul.f32 v59, v4;
	_ =	sdelay $0x1  }
0x115: {  	v0 =	vadd.f32 v1, v0;
	_ =	sdelay $0x1  }
0x116: {  	[tilespmem:s19+$0x2100] =	vst v0;
	s19 =	sor.u32 $0x1C40, s7  }
0x117: {  	v0 =	vld [tilespmem:s19+$0x2100]  }
0x118: {  	v60 =	vld [tilespmem:s19+$0xA100];
	_ =	sdelay $0x4  }
0x119: {  	v0 =	vmul.f32 v0, v3;
	v1 =	vmul.f32 v60, v4;
	_ =	sdelay $0x1  }
0x11a: {  	v0 =	vadd.f32 v1, v0;
	_ =	sdelay $0x1  }
0x11b: {  	[tilespmem:s19+$0x2100] =	vst v0;
	s19 =	sor.u32 $0x1C50, s7  }
0x11c: {  	v0 =	vld [tilespmem:s19+$0x2100]  }
0x11d: {  	v61 =	vld [tilespmem:s19+$0xA100];
	_ =	sdelay $0x4  }
0x11e: {  	v0 =	vmul.f32 v0, v3;
	v1 =	vmul.f32 v61, v4;
	_ =	sdelay $0x1  }
0x11f: {  	v0 =	vadd.f32 v1, v0;
	_ =	sdelay $0x1  }
0x120: {  	[tilespmem:s19+$0x2100] =	vst v0;
	s19 =	sor.u32 $0x1C60, s7  }
0x121: {  	v0 =	vld [tilespmem:s19+$0x2100]  }
0x122: {  	v62 =	vld [tilespmem:s19+$0xA100];
	_ =	sdelay $0x4  }
0x123: {  	v0 =	vmul.f32 v0, v3;
	v1 =	vmul.f32 v62, v4;
	_ =	sdelay $0x1  }
0x124: {  	v0 =	vadd.f32 v1, v0;
	_ =	sdelay $0x1  }
0x125: {  	[tilespmem:s19+$0x2100] =	vst v0;
	s19 =	sor.u32 $0x1C70, s7  }
0x126: {  	v0 =	vld [tilespmem:s19+$0x2100]  }
0x127: {  	v63 =	vld [tilespmem:s19+$0xA100];
	_ =	sdelay $0x3  }
0x128: {  	p0 =	sne.s32 s5, $0xF80  }
.Ltmp0:
0x129: {  	v0 =	vmul.f32 v0, v3;
	v1 =	vmul.f32 v63, v4;
	(pc) =	sbr.rel @p0 .LBB2_2-.Ltmp0, $4  }
0x12a: {  	_ = 	snop  }
0x12b: {  	v0 =	vadd.f32 v1, v0  }
0x12c: {  	s4 =	sadd.s32 $0x1, s4;
	s2 =	sadd.s32 $0x80, s2  }
0x12d: {  	s16 =	sadd.s32 $0x80, s16;
	s5 =	sadd.s32 $0x80, s5;
	s17 =	sadd.s32 $0x400, s17;
	[tilespmem:s19+$0x2100] =	vst v0  }
0x12e: {  	s2 =	simm.s32 $0x0;
	s4 =	rddreg [dreg:$0x7]  }
0x12f: {  	[hbm4b:s4+s2] =	stream.linear.scatter [tilespmem:s20], [sflag:$0x2], $0x8000, $0x38;
	[tilespmem:$0x12100] =	vst v63  }
0x130: {  	_ =	swait.ge [sflag:s18], $0x8000  }
0x131: {  	[sflag:s18] =	ssyncset.done $0x0  }
0x132: {  	s5 =	rddreg [dreg:$0x8];
	[sflag:s18] =	ssyncadd.s32 $0xFFFF8000  }
0x133: {  	[tilespmem:s2], [sflag:$0x2] =	stream.linear.gather [hbm4b:s5+s2], $0x20, $0x38;
	[tilespmem:$0x12100] =	vst v63  }
0x134: {  	_ =	swait.ge [sflag:s18], $0x20  }
0x135: {  	[sflag:s18] =	ssyncset.done $0x0  }
0x136: {  	s5 =	simm.s32 $0x80;
	s6 =	rddreg [dreg:$0x9];
	[sflag:s18] =	ssyncadd.s32 $0xFFFFFFE0  }
0x137: {  	[tilespmem:s5], [sflag:$0x2] =	stream.linear.gather [hbm4b:s6+s2], $0x20, $0x38;
	[tilespmem:$0x12100] =	vst v63  }
0x138: {  	_ =	swait.ge [sflag:s18], $0x20  }
0x139: {  	[sflag:s18] =	ssyncset.done $0x0  }
0x13a: {  	s16 =	simm.s32 $0x100;
	s7 =	rddreg [dreg:$0xa];
	[sflag:s18] =	ssyncadd.s32 $0xFFFFFFE0  }
0x13b: {  	[tilespmem:s16], [sflag:$0x2] =	stream.linear.gather [hbm4b:s7+s2], $0x1000, $0x38;
	[tilespmem:$0x12100] =	vst v63  }
0x13c: {  	_ =	swait.ge [sflag:s18], $0x1000  }
0x13d: {  	[sflag:s18] =	ssyncset.done $0x0  }
0x13e: {  	s4 =	simm.s32 $0x1100;
	s17 =	rddreg [dreg:$0xb];
	[sflag:s18] =	ssyncadd.s32 $0xFFFFF000  }
0x13f: {  	[tilespmem:s4], [sflag:$0x2] =	stream.linear.gather [hbm4b:s17+s2], $0x1000, $0x38;
	[tilespmem:$0x12100] =	vst v63  }
0x140: {  	_ =	swait.ge [sflag:s18], $0x1000  }
0x141: {  	[sflag:s18] =	ssyncset.done $0x0  }
0x142: {  	[sflag:s18] =	ssyncadd.s32 $0xFFFFF000  }
0x143: {  	v0 =	vld [tilespmem:$0x0];
	_ =	sdelay $0x2  }
0x144: {  	v2 =	vld [tilespmem:$0x1FFD0];
	_ =	sdelay $0x1  }
0x145: {  	v3 =	vld [tilespmem:$0x1FFE0];
	v1 =	vshll.u32 v0, $0x3  }
0x146: {  	v0 =	vand.u32 $0x7, v0;
	v1 =	vand.u32 $0xFFFFFFC0, v1  }
0x147: {  	v0 =	vor.u32 v0, v1  }
0x148: {  	v1 =	vperm.xlane v0, v2;
	_ =	sdelay $0x1  }
0x149: {  	v1 =	vadd.s32 v3, v1  }
0x14a: {  	v4 =	vld [tilespmem:$0x1FFF0];
	_ =	sdelay $0x3  }
0x14b: {  	[tilespmem:s20], [sflag:$0x1] =	stream.indirect_vreg.gather [hbm4b:s3+s2], $0x80, v1, vm0, $0xb8;
	[tilespmem:$0x12100] =	vst v63  }
0x14c: {  	s19 =	simm.s32 $0x2900;
	v0 =	vperm.xlane v0, v4  }
0x14d: {  	[tilespmem:s19], [sflag:$0x1] =	stream.indirect_vreg.gather [hbm4b:s8+s2], $0x80, v1, vm0, $0xb8;
	[tilespmem:$0x12100] =	vst v63  }
0x14e: {  	s6 =	simm.s32 $0x3100;
	v0 =	vadd.s32 v3, v0  }
0x14f: {  	[tilespmem:s6], [sflag:$0x1] =	stream.indirect_vreg.gather [hbm4b:s9+s2], $0x80, v1, vm0, $0xb8;
	[tilespmem:$0x12100] =	vst v63  }
0x150: {  	s7 =	simm.s32 $0x3900  }
0x151: {  	[tilespmem:s7], [sflag:$0x1] =	stream.indirect_vreg.gather [hbm4b:s10+s2], $0x80, v1, vm0, $0xb8;
	[tilespmem:$0x12100] =	vst v63  }
0x152: {  	s17 =	simm.s32 $0x4100  }
0x153: {  	[tilespmem:s17], [sflag:$0x1] =	stream.indirect_vreg.gather [hbm4b:s3+s2], $0x80, v0, vm0, $0xb8;
	[tilespmem:$0x12100] =	vst v63  }
0x154: {  	s19 =	simm.s32 $0x4900  }
0x155: {  	[tilespmem:s19], [sflag:$0x1] =	stream.indirect_vreg.gather [hbm4b:s8+s2], $0x80, v0, vm0, $0xb8;
	[tilespmem:$0x12100] =	vst v63  }
0x156: {  	s6 =	simm.s32 $0x5100  }
0x157: {  	[tilespmem:s6], [sflag:$0x1] =	stream.indirect_vreg.gather [hbm4b:s9+s2], $0x80, v0, vm0, $0xb8;
	[tilespmem:$0x12100] =	vst v63  }
0x158: {  	s7 =	simm.s32 $0x5900  }
0x159: {  	[tilespmem:s7], [sflag:$0x1] =	stream.indirect_vreg.gather [hbm4b:s10+s2], $0x80, v0, vm0, $0xb8;
	[tilespmem:$0x12100] =	vst v63  }
0x15a: {  	v0 =	vld [tilespmem:$0x10];
	_ =	sdelay $0x4  }
0x15b: {  	v61 =	vshll.u32 v0, $0x3  }
0x15c: {  	v0 =	vand.u32 $0x7, v0;
	v1 =	vand.u32 $0xFFFFFFC0, v61  }
0x15d: {  	v0 =	vor.u32 v0, v1  }
0x15e: {  	v1 =	vperm.xlane v0, v2;
	_ =	sdelay $0x1  }
0x15f: {  	v1 =	vadd.s32 v3, v1;
	_ =	sdelay $0x3  }
0x160: {  	s17 =	simm.s32 $0x6100  }
0x161: {  	[tilespmem:s17], [sflag:$0x1] =	stream.indirect_vreg.gather [hbm4b:s3+s2], $0x80, v1, vm0, $0xb8;
	[tilespmem:$0x12100] =	vst v63  }
0x162: {  	s19 =	simm.s32 $0x6900;
	v0 =	vperm.xlane v0, v4  }
0x163: {  	[tilespmem:s19], [sflag:$0x1] =	stream.indirect_vreg.gather [hbm4b:s8+s2], $0x80, v1, vm0, $0xb8;
	[tilespmem:$0x12100] =	vst v63  }
0x164: {  	s6 =	simm.s32 $0x7100;
	v0 =	vadd.s32 v3, v0  }
0x165: {  	[tilespmem:s6], [sflag:$0x1] =	stream.indirect_vreg.gather [hbm4b:s9+s2], $0x80, v1, vm0, $0xb8;
	[tilespmem:$0x12100] =	vst v63  }
0x166: {  	s7 =	simm.s32 $0x7900  }
0x167: {  	[tilespmem:s7], [sflag:$0x1] =	stream.indirect_vreg.gather [hbm4b:s10+s2], $0x80, v1, vm0, $0xb8;
	[tilespmem:$0x12100] =	vst v63  }
0x168: {  	s17 =	simm.s32 $0x8100  }
0x169: {  	[tilespmem:s17], [sflag:$0x1] =	stream.indirect_vreg.gather [hbm4b:s3+s2], $0x80, v0, vm0, $0xb8;
	[tilespmem:$0x12100] =	vst v63  }
0x16a: {  	s19 =	simm.s32 $0x8900  }
0x16b: {  	[tilespmem:s19], [sflag:$0x1] =	stream.indirect_vreg.gather [hbm4b:s8+s2], $0x80, v0, vm0, $0xb8;
	[tilespmem:$0x12100] =	vst v63  }
0x16c: {  	s6 =	simm.s32 $0x9100  }
0x16d: {  	[tilespmem:s6], [sflag:$0x1] =	stream.indirect_vreg.gather [hbm4b:s9+s2], $0x80, v0, vm0, $0xb8;
	[tilespmem:$0x12100] =	vst v63  }
0x16e: {  	s7 =	simm.s32 $0x9900  }
0x16f: {  	[tilespmem:s7], [sflag:$0x1] =	stream.indirect_vreg.gather [hbm4b:s10+s2], $0x80, v0, vm0, $0xb8;
	[tilespmem:$0x12100] =	vst v63  }
0x170: {  	v0 =	vld [tilespmem:$0x80];
	_ =	sdelay $0x4  }
0x171: {  	v62 =	vshll.u32 v0, $0x3  }
0x172: {  	v0 =	vand.u32 $0x7, v0;
	v1 =	vand.u32 $0xFFFFFFC0, v62  }
0x173: {  	v0 =	vor.u32 v0, v1  }
0x174: {  	v1 =	vperm.xlane v0, v2;
	_ =	sdelay $0x1  }
0x175: {  	v1 =	vadd.s32 v3, v1;
	_ =	sdelay $0x3  }
0x176: {  	s17 =	simm.s32 $0xA100  }
0x177: {  	[tilespmem:s17], [sflag:$0x1] =	stream.indirect_vreg.gather [hbm4b:s3+s2], $0x80, v1, vm0, $0xb8;
	[tilespmem:$0x12100] =	vst v63  }
0x178: {  	s19 =	simm.s32 $0xA900;
	v0 =	vperm.xlane v0, v4  }
0x179: {  	[tilespmem:s19], [sflag:$0x1] =	stream.indirect_vreg.gather [hbm4b:s8+s2], $0x80, v1, vm0, $0xb8;
	[tilespmem:$0x12100] =	vst v63  }
0x17a: {  	v0 =	vadd.s32 v3, v0  }
0x17b: {  	[tilespmem:s21], [sflag:$0x1] =	stream.indirect_vreg.gather [hbm4b:s9+s2], $0x80, v1, vm0, $0xb8;
	[tilespmem:$0x12100] =	vst v63  }
0x17c: {  	_ = 	snop  }
0x17d: {  	[tilespmem:s22], [sflag:$0x1] =	stream.indirect_vreg.gather [hbm4b:s10+s2], $0x80, v1, vm0, $0xb8;
	[tilespmem:$0x12100] =	vst v63  }
0x17e: {  	_ = 	snop  }
0x17f: {  	[tilespmem:s23], [sflag:$0x1] =	stream.indirect_vreg.gather [hbm4b:s3+s2], $0x80, v0, vm0, $0xb8;
	[tilespmem:$0x12100] =	vst v63  }
0x180: {  	_ = 	snop  }
0x181: {  	[tilespmem:s24], [sflag:$0x1] =	stream.indirect_vreg.gather [hbm4b:s8+s2], $0x80, v0, vm0, $0xb8;
	[tilespmem:$0x12100] =	vst v63  }
0x182: {  	_ = 	snop  }
0x183: {  	[tilespmem:s25], [sflag:$0x1] =	stream.indirect_vreg.gather [hbm4b:s9+s2], $0x80, v0, vm0, $0xb8;
	[tilespmem:$0x12100] =	vst v63  }
0x184: {  	_ = 	snop  }
0x185: {  	[tilespmem:s11], [sflag:$0x1] =	stream.indirect_vreg.gather [hbm4b:s10+s2], $0x80, v0, vm0, $0xb8;
	[tilespmem:$0x12100] =	vst v63  }
0x186: {  	v0 =	vld [tilespmem:$0x90];
	_ =	sdelay $0x4  }
0x187: {  	v63 =	vshll.u32 v0, $0x3  }
0x188: {  	v0 =	vand.u32 $0x7, v0;
	v1 =	vand.u32 $0xFFFFFFC0, v63  }
0x189: {  	v0 =	vor.u32 v0, v1  }
0x18a: {  	v1 =	vperm.xlane v0, v2;
	_ =	sdelay $0x1  }
0x18b: {  	v1 =	vadd.s32 v3, v1;
	_ =	sdelay $0x4  }
0x18c: {  	[tilespmem:s26], [sflag:$0x1] =	stream.indirect_vreg.gather [hbm4b:s3+s2], $0x80, v1, vm0, $0xb8;
	[tilespmem:$0x12100] =	vst v63  }
0x18d: {  	v0 =	vperm.xlane v0, v4  }
0x18e: {  	[tilespmem:s12], [sflag:$0x1] =	stream.indirect_vreg.gather [hbm4b:s8+s2], $0x80, v1, vm0, $0xb8;
	[tilespmem:$0x12100] =	vst v63  }
0x18f: {  	v0 =	vadd.s32 v3, v0  }
0x190: {  	[tilespmem:s28], [sflag:$0x1] =	stream.indirect_vreg.gather [hbm4b:s9+s2], $0x80, v1, vm0, $0xb8;
	[tilespmem:$0x12100] =	vst v63  }
0x191: {  	_ = 	snop  }
0x192: {  	[tilespmem:s29], [sflag:$0x1] =	stream.indirect_vreg.gather [hbm4b:s10+s2], $0x80, v1, vm0, $0xb8;
	[tilespmem:$0x12100] =	vst v63  }
0x193: {  	_ = 	snop  }
0x194: {  	[tilespmem:s13], [sflag:$0x1] =	stream.indirect_vreg.gather [hbm4b:s3+s2], $0x80, v0, vm0, $0xb8;
	[tilespmem:$0x12100] =	vst v63  }
0x195: {  	_ = 	snop  }
0x196: {  	[tilespmem:s30], [sflag:$0x1] =	stream.indirect_vreg.gather [hbm4b:s8+s2], $0x80, v0, vm0, $0xb8;
	[tilespmem:$0x12100] =	vst v63  }
0x197: {  	_ = 	snop  }
0x198: {  	[tilespmem:s14], [sflag:$0x1] =	stream.indirect_vreg.gather [hbm4b:s9+s2], $0x80, v0, vm0, $0xb8;
	[tilespmem:$0x12100] =	vst v63  }
0x199: {  	_ = 	snop  }
0x19a: {  	[tilespmem:s31], [sflag:$0x1] =	stream.indirect_vreg.gather [hbm4b:s10+s2], $0x80, v0, vm0, $0xb8;
	[tilespmem:$0x12100] =	vst v63  }
0x19b: {  	_ =	swait.ge [sflag:s0], $0x8000  }
0x19c: {  	[sflag:s0] =	ssyncset.done $0x0  }
0x19d: {  	[sflag:s0] =	ssyncadd.s32 $0xFFFF8000  }
0x19e: {  	_ =	swait.ge [sflag:s0], $0x8000  }
0x19f: {  	[sflag:s0] =	ssyncset.done $0x0  }
0x1a0: {  	s5 =	simm.s32 $0x0;
	s17 =	simm.s32 $0x0;
	[sflag:s0] =	ssyncadd.s32 $0xFFFF8000  }
.LBB2_4:
0x1a1: {  	v3 =	vld [tilespmem:s16+$0x0];
	s6 =	sand.u32 $0x6000, s17;
	s7 =	sand.u32 $0x380, s5  }
0x1a2: {  	v4 =	vld [tilespmem:s4+$0x0];
	s6 =	sor.u32 s7, s6  }
0x1a3: {  	v0 =	vld [tilespmem:s6+$0x2100]  }
0x1a4: {  	v1 =	vld [tilespmem:s6+$0xA100]  }
0x1a5: {  	v2 =	vld [tilespmem:s6+$0x2110]  }
0x1a6: {  	v6 =	vld [tilespmem:s6+$0xA110]  }
0x1a7: {  	v10 =	vld [tilespmem:s6+$0x2120]  }
0x1a8: {  	v11 =	vld [tilespmem:s6+$0xA120]  }
0x1a9: {  	v14 =	vld [tilespmem:s6+$0x2130]  }
0x1aa: {  	v17 =	vld [tilespmem:s6+$0xA130]  }
0x1ab: {  	v20 =	vld [tilespmem:s6+$0x2140]  }
0x1ac: {  	v21 =	vld [tilespmem:s6+$0xA140]  }
0x1ad: {  	v26 =	vld [tilespmem:s6+$0x2150]  }
0x1ae: {  	v27 =	vld [tilespmem:s6+$0xA150]  }
0x1af: {  	v28 =	vld [tilespmem:s6+$0x2160]  }
0x1b0: {  	v29 =	vld [tilespmem:s6+$0xA160]  }
0x1b1: {  	v30 =	vld [tilespmem:s6+$0x2170]  }
0x1b2: {  	v31 =	vld [tilespmem:s6+$0xA170]  }
0x1b3: {  	v32 =	vld [tilespmem:s6+$0x2500]  }
0x1b4: {  	v33 =	vld [tilespmem:s6+$0xA500]  }
0x1b5: {  	v34 =	vld [tilespmem:s6+$0x2510]  }
0x1b6: {  	v35 =	vld [tilespmem:s6+$0xA510]  }
0x1b7: {  	v36 =	vld [tilespmem:s6+$0x2520]  }
0x1b8: {  	v37 =	vld [tilespmem:s6+$0xA520]  }
0x1b9: {  	v38 =	vld [tilespmem:s6+$0x2530]  }
0x1ba: {  	v39 =	vld [tilespmem:s6+$0xA530]  }
0x1bb: {  	v40 =	vld [tilespmem:s6+$0x2540]  }
0x1bc: {  	v41 =	vld [tilespmem:s6+$0xA540]  }
0x1bd: {  	v42 =	vld [tilespmem:s6+$0x2550]  }
0x1be: {  	v43 =	vld [tilespmem:s6+$0xA550]  }
0x1bf: {  	v44 =	vld [tilespmem:s6+$0x2560]  }
0x1c0: {  	v45 =	vld [tilespmem:s6+$0xA560]  }
0x1c1: {  	v46 =	vld [tilespmem:s6+$0x2570]  }
0x1c2: {  	v47 =	vld [tilespmem:s6+$0xA570]  }
0x1c3: {  	v48 =	vld [tilespmem:s6+$0x2900]  }
0x1c4: {  	v49 =	vld [tilespmem:s6+$0xA900]  }
0x1c5: {  	v50 =	vld [tilespmem:s6+$0x2910]  }
0x1c6: {  	v51 =	vld [tilespmem:s6+$0xA910]  }
0x1c7: {  	v52 =	vld [tilespmem:s6+$0x2920]  }
0x1c8: {  	v53 =	vld [tilespmem:s6+$0xA920]  }
0x1c9: {  	v54 =	vld [tilespmem:s6+$0x2930]  }
0x1ca: {  	v55 =	vld [tilespmem:s6+$0xA930]  }
0x1cb: {  	v56 =	vld [tilespmem:s6+$0x2940]  }
0x1cc: {  	v57 =	vld [tilespmem:s6+$0xA940]  }
0x1cd: {  	v58 =	vld [tilespmem:s6+$0x2950]  }
0x1ce: {  	v59 =	vld [tilespmem:s6+$0xA950]  }
0x1cf: {  	v60 =	vld [tilespmem:s6+$0x2960]  }
0x1d0: {  	v61 =	vld [tilespmem:s6+$0xA960]  }
0x1d1: {  	v62 =	vld [tilespmem:s6+$0x2970]  }
0x1d2: {  	v63 =	vld [tilespmem:s6+$0xA970]  }
0x1d3: {  	v24 =	vld [tilespmem:s6+$0x2D00]  }
0x1d4: {  	v25 =	vld [tilespmem:s6+$0xAD00]  }
0x1d5: {  	v22 =	vld [tilespmem:s6+$0x2D10]  }
0x1d6: {  	v23 =	vld [tilespmem:s6+$0xAD10]  }
0x1d7: {  	v18 =	vld [tilespmem:s6+$0x2D20]  }
0x1d8: {  	v19 =	vld [tilespmem:s6+$0xAD20]  }
0x1d9: {  	v15 =	vld [tilespmem:s6+$0x2D30]  }
0x1da: {  	v16 =	vld [tilespmem:s6+$0xAD30]  }
0x1db: {  	v5 =	vld [tilespmem:s6+$0x2D60]  }
0x1dc: {  	v12 =	vld [tilespmem:s6+$0x2D40]  }
0x1dd: {  	v13 =	vld [tilespmem:s6+$0xAD40]  }
0x1de: {  	v8 =	vld [tilespmem:s6+$0x2D50]  }
0x1df: {  	v9 =	vld [tilespmem:s6+$0xAD50];
	v0 =	vmul.f32 v0, v3;
	v1 =	vmul.f32 v1, v4  }
0x1e0: {  	v7 =	vld [tilespmem:s6+$0xAD60];
	[tilespmem:$0x1FFA0] =	vst v5;
	v5 =	vmul.f32 v2, v3;
	v2 =	vmul.f32 v6, v4  }
0x1e1: {  	v6 =	vld [tilespmem:s6+$0x2D70];
	v17 =	vmul.f32 v17, v4;
	v0 =	vadd.f32 v1, v0  }
0x1e2: {  	v1 =	vmul.f32 v10, v3;
	v10 =	vld [tilespmem:s6+$0xAD70];
	v5 =	vadd.f32 v2, v5;
	v2 =	vmul.f32 v14, v3  }
0x1e3: {  	v11 =	vmul.f32 v11, v4;
	v14 =	vld [tilespmem:s6+$0xB100]  }
0x1e4: {  	v26 =	vmul.f32 v26, v3;
	v2 =	vadd.f32 v17, v2;
	v17 =	vld [tilespmem:s6+$0x3110]  }
0x1e5: {  	[tilespmem:s6+$0x2100] =	vst v0;
	v0 =	vadd.f32 v11, v1;
	v1 =	vmul.f32 v20, v3;
	v11 =	vmul.f32 v21, v4;
	v20 =	vld [tilespmem:s6+$0xB110]  }
0x1e6: {  	v27 =	vmul.f32 v27, v4;
	v30 =	vmul.f32 v30, v3;
	v21 =	vld [tilespmem:s6+$0x3120];
	[tilespmem:$0x1FFB0] =	vst v6  }
0x1e7: {  	v31 =	vmul.f32 v31, v4;
	v33 =	vmul.f32 v33, v4;
	v6 =	vld [tilespmem:s6+$0x3100];
	[tilespmem:s6+$0x2120] =	vst v0;
	v0 =	vadd.f32 v11, v1  }
0x1e8: {  	v1 =	vmul.f32 v28, v3;
	v11 =	vmul.f32 v29, v4;
	[tilespmem:s6+$0x2130] =	vst v2;
	v2 =	vadd.f32 v27, v26;
	v26 =	vld [tilespmem:s6+$0xB120]  }
0x1e9: {  	v42 =	vmul.f32 v42, v3;
	[tilespmem:s6+$0x2110] =	vst v5;
	v5 =	vmul.f32 v34, v3;
	v28 =	vld [tilespmem:s6+$0x3130]  }
0x1ea: {  	v34 =	vmul.f32 v37, v4;
	v29 =	vld [tilespmem:s6+$0xB130];
	[tilespmem:s6+$0x2140] =	vst v0;
	v0 =	vadd.f32 v11, v1;
	v1 =	vmul.f32 v32, v3  }
0x1eb: {  	v37 =	vmul.f32 v39, v4;
	[tilespmem:s6+$0x2150] =	vst v2;
	v2 =	vadd.f32 v31, v30;
	v32 =	vmul.f32 v35, v4;
	v30 =	vld [tilespmem:s6+$0x3140]  }
0x1ec: {  	v31 =	vld [tilespmem:s6+$0xB140];
	[tilespmem:s6+$0x2160] =	vst v0;
	v0 =	vadd.f32 v33, v1;
	v33 =	vmul.f32 v36, v3;
	v36 =	vmul.f32 v38, v3  }
0x1ed: {  	v39 =	vmul.f32 v40, v3;
	v40 =	vmul.f32 v41, v4;
	v11 =	vld [tilespmem:s6+$0xB550];
	[tilespmem:s6+$0x2170] =	vst v2;
	v35 =	vadd.f32 v32, v5  }
0x1ee: {  	v56 =	vmul.f32 v56, v3;
	v32 =	vld [tilespmem:s6+$0x3150];
	[tilespmem:s6+$0x2500] =	vst v0;
	v38 =	vadd.f32 v34, v33;
	v41 =	vadd.f32 v37, v36  }
0x1ef: {  	[tilespmem:s6+$0x2510] =	vst v35;
	v36 =	vmul.f32 v43, v4;
	v37 =	vadd.f32 v40, v39;
	v39 =	vmul.f32 v45, v4;
	v33 =	vld [tilespmem:s6+$0xB150]  }
0x1f0: {  	v34 =	vld [tilespmem:s6+$0x3160];
	v45 =	vmul.f32 v49, v4;
	[tilespmem:s6+$0x2520] =	vst v38;
	v38 =	vmul.f32 v44, v3  }
0x1f1: {  	v35 =	vld [tilespmem:s6+$0xB160];
	[tilespmem:s6+$0x2530] =	vst v41;
	v40 =	vadd.f32 v36, v42;
	v41 =	vmul.f32 v46, v3;
	v42 =	vmul.f32 v47, v4  }
0x1f2: {  	[tilespmem:s6+$0x2540] =	vst v37;
	v44 =	vmul.f32 v48, v3;
	v47 =	vmul.f32 v50, v3;
	v36 =	vld [tilespmem:s6+$0x3170];
	v43 =	vadd.f32 v39, v38  }
0x1f3: {  	v48 =	vmul.f32 v51, v4;
	v50 =	vmul.f32 v52, v3;
	v37 =	vld [tilespmem:s6+$0xB170];
	[tilespmem:s6+$0x2550] =	vst v40;
	v46 =	vadd.f32 v42, v41  }
0x1f4: {  	v51 =	vmul.f32 v53, v4;
	v53 =	vmul.f32 v54, v3;
	v49 =	vadd.f32 v45, v44;
	v38 =	vld [tilespmem:s6+$0x3500];
	[tilespmem:s6+$0x2560] =	vst v43  }
0x1f5: {  	v54 =	vmul.f32 v55, v4;
	v52 =	vadd.f32 v48, v47;
	v44 =	vmul.f32 v57, v4;
	v39 =	vld [tilespmem:s6+$0xB500];
	[tilespmem:s6+$0x2570] =	vst v46  }
0x1f6: {  	v55 =	vadd.f32 v51, v50;
	v47 =	vmul.f32 v59, v4;
	v40 =	vld [tilespmem:s6+$0x3510];
	v50 =	vmul.f32 v61, v4;
	[tilespmem:s6+$0x2900] =	vst v49  }
0x1f7: {  	v45 =	vadd.f32 v54, v53;
	v41 =	vld [tilespmem:s6+$0xB510];
	v53 =	vmul.f32 v63, v4;
	[tilespmem:s6+$0x2910] =	vst v52;
	v46 =	vmul.f32 v58, v3  }
0x1f8: {  	v42 =	vld [tilespmem:s6+$0x3520];
	v59 =	vmul.f32 v23, v4;
	[tilespmem:s6+$0x2920] =	vst v55;
	v48 =	vadd.f32 v44, v56;
	v49 =	vmul.f32 v60, v3  }
0x1f9: {  	v23 =	vld [tilespmem:s6+$0x3530];
	v61 =	vmul.f32 v18, v3;
	[tilespmem:s6+$0x2930] =	vst v45;
	v52 =	vmul.f32 v62, v3;
	v51 =	vadd.f32 v47, v46  }
0x1fa: {  	v18 =	vld [tilespmem:s6+$0xB530];
	v55 =	vmul.f32 v24, v3;
	v56 =	vmul.f32 v25, v4;
	[tilespmem:s6+$0x2940] =	vst v48;
	v54 =	vadd.f32 v50, v49  }
0x1fb: {  	v24 =	vld [tilespmem:s6+$0xB520];
	v58 =	vmul.f32 v22, v3;
	v62 =	vmul.f32 v19, v4;
	v57 =	vadd.f32 v53, v52;
	[tilespmem:s6+$0x2950] =	vst v51  }
0x1fc: {  	v22 =	vmul.f32 v15, v3;
	v25 =	vmul.f32 v16, v4;
	v16 =	vld [tilespmem:s6+$0x3540];
	v60 =	vadd.f32 v56, v55;
	[tilespmem:s6+$0x2960] =	vst v54  }
0x1fd: {  	v43 =	vmul.f32 v12, v3;
	v44 =	vmul.f32 v13, v4;
	v12 =	vld [tilespmem:s6+$0xB540];
	v63 =	vadd.f32 v59, v58;
	[tilespmem:s6+$0x2970] =	vst v57  }
0x1fe: {  	v13 =	vld [tilespmem:s6+$0x3570];
	v27 =	vadd.f32 v62, v61;
	v46 =	vmul.f32 v8, v3;
	v47 =	vmul.f32 v9, v4;
	[tilespmem:s6+$0x2D00] =	vst v60  }
0x1ff: {  	v15 =	vld [tilespmem:s6+$0x3900];
	v45 =	vadd.f32 v25, v22;
	v55 =	vmul.f32 v14, v4;
	v58 =	vmul.f32 v20, v4;
	[tilespmem:s6+$0x2D10] =	vst v63  }
0x200: {  	v19 =	vld [tilespmem:s6+$0x3910];
	v48 =	vadd.f32 v44, v43;
	v22 =	vmul.f32 v30, v3;
	v25 =	vmul.f32 v31, v4;
	[tilespmem:s6+$0x2D20] =	vst v27  }
0x201: {  	v9 =	vld [tilespmem:s6+$0x3550];
	v30 =	vmul.f32 v34, v3;
	v31 =	vmul.f32 v35, v4;
	[tilespmem:s6+$0x2D30] =	vst v45;
	v50 =	vadd.f32 v47, v46  }
0x202: {  	v49 =	vld [tilespmem:$0x1FFA0];
	v20 =	vmul.f32 v29, v4;
	[tilespmem:s6+$0x2D40] =	vst v48;
	v54 =	vmul.f32 v6, v3;
	v29 =	vadd.f32 v25, v22  }
0x203: {  	v52 =	vmul.f32 v10, v4;
	v10 =	vld [tilespmem:s6+$0x3560];
	v57 =	vmul.f32 v17, v3;
	v35 =	vadd.f32 v31, v30;
	[tilespmem:s6+$0x2D50] =	vst v50  }
0x204: {  	v61 =	vmul.f32 v26, v4;
	v14 =	vld [tilespmem:s6+$0xB570];
	v60 =	vmul.f32 v21, v3;
	v59 =	vadd.f32 v55, v54;
	[tilespmem:s6+$0x3140] =	vst v29  }
0x205: {  	v7 =	vmul.f32 v7, v4;
	v44 =	vld [tilespmem:s6+$0x3930];
	v63 =	vmul.f32 v28, v3;
	v62 =	vadd.f32 v58, v57;
	[tilespmem:s6+$0x3160] =	vst v35  }
0x206: {  	v51 =	vld [tilespmem:$0x1FFB0];
	v27 =	vmul.f32 v32, v3;
	v28 =	vmul.f32 v33, v4;
	v21 =	vadd.f32 v61, v60;
	[tilespmem:s6+$0x3100] =	vst v59  }
0x207: {  	v34 =	vmul.f32 v37, v4;
	v17 =	vld [tilespmem:s6+$0xB900];
	v33 =	vmul.f32 v36, v3;
	v26 =	vadd.f32 v20, v63;
	[tilespmem:s6+$0x3110] =	vst v62  }
0x208: {  	v37 =	vmul.f32 v39, v4;
	v36 =	vmul.f32 v38, v3;
	v38 =	vld [tilespmem:s6+$0xB920];
	v32 =	vadd.f32 v28, v27;
	[tilespmem:s6+$0x3120] =	vst v21  }
0x209: {  	v40 =	vmul.f32 v40, v3;
	v43 =	vmul.f32 v41, v4;
	v48 =	vld [tilespmem:s6+$0xB930];
	v39 =	vadd.f32 v34, v33;
	[tilespmem:s6+$0x3130] =	vst v26  }
0x20a: {  	v31 =	vld [tilespmem:s6+$0x3970];
	v45 =	vadd.f32 v37, v36;
	v50 =	vmul.f32 v23, v3;
	v1 =	vmul.f32 v49, v3;
	[tilespmem:s6+$0x3150] =	vst v32  }
0x20b: {  	v20 =	vld [tilespmem:s6+$0xB910];
	v23 =	vmul.f32 v13, v3;
	v49 =	vadd.f32 v43, v40;
	[tilespmem:s6+$0x3170] =	vst v39;
	v26 =	vmul.f32 v14, v4  }
0x20c: {  	v46 =	vmul.f32 v42, v3;
	v55 =	vld [tilespmem:s6+$0x3950];
	[tilespmem:s6+$0x3500] =	vst v45;
	v5 =	vmul.f32 v51, v3;
	v53 =	vadd.f32 v7, v1  }
0x20d: {  	v47 =	vmul.f32 v24, v4;
	v58 =	vmul.f32 v11, v4;
	v63 =	vld [tilespmem:s6+$0x3960];
	[tilespmem:s6+$0x3510] =	vst v49;
	v32 =	vadd.f32 v26, v23  }
0x20e: {  	v27 =	vld [tilespmem:s6+$0xB960];
	v29 =	vmul.f32 v15, v3;
	v57 =	vmul.f32 v9, v3;
	v56 =	vadd.f32 v52, v5;
	[tilespmem:s6+$0x2D60] =	vst v53  }
0x20f: {  	v35 =	vld [tilespmem:s6+$0xB970];
	v41 =	vmul.f32 v44, v3;
	v30 =	vmul.f32 v17, v4;
	v52 =	vadd.f32 v47, v46;
	[tilespmem:s6+$0x3570] =	vst v32  }
0x210: {  	v21 =	vld [tilespmem:s6+$0x3920];
	v42 =	vmul.f32 v48, v4;
	v53 =	vmul.f32 v16, v3;
	v16 =	vadd.f32 v58, v57;
	[tilespmem:s6+$0x2D70] =	vst v56  }
0x211: {  	v59 =	vld [tilespmem:s6+$0xB950];
	v51 =	vmul.f32 v18, v4;
	v36 =	vadd.f32 v30, v29;
	[tilespmem:s6+$0x3520] =	vst v52  }
0x212: {  	v54 =	vmul.f32 v12, v4;
	v39 =	vld [tilespmem:s6+$0xB940];
	v46 =	vadd.f32 v42, v41;
	[tilespmem:s6+$0x3550] =	vst v16  }
0x213: {  	v33 =	vmul.f32 v19, v3;
	v7 =	vld [tilespmem:s6+$0xB560];
	v34 =	vmul.f32 v20, v4;
	v56 =	vadd.f32 v51, v50;
	[tilespmem:s6+$0x3900] =	vst v36  }
0x214: {  	v18 =	vld [tilespmem:s6+$0x3940];
	v47 =	vmul.f32 v63, v3;
	v48 =	vmul.f32 v27, v4;
	v60 =	vadd.f32 v54, v53;
	[tilespmem:s6+$0x3930] =	vst v46  }
0x215: {  	v38 =	vmul.f32 v38, v4;
	v37 =	vmul.f32 v21, v3;
	v40 =	vadd.f32 v34, v33;
	[tilespmem:s6+$0x3530] =	vst v56  }
0x216: {  	v44 =	vmul.f32 v55, v3;
	v45 =	vmul.f32 v59, v4;
	v52 =	vadd.f32 v48, v47;
	[tilespmem:s6+$0x3540] =	vst v60  }
0x217: {  	v50 =	vmul.f32 v31, v3;
	v51 =	vmul.f32 v35, v4;
	v43 =	vadd.f32 v38, v37;
	[tilespmem:s6+$0x3910] =	vst v40  }
0x218: {  	v61 =	vmul.f32 v10, v3;
	v62 =	vmul.f32 v7, v4;
	v49 =	vadd.f32 v45, v44;
	[tilespmem:s6+$0x3960] =	vst v52  }
0x219: {  	s19 =	sand.u32 $0x7, s2;
	v54 =	vmul.f32 v39, v4;
	v53 =	vmul.f32 v18, v3;
	v55 =	vadd.f32 v51, v50;
	[tilespmem:s6+$0x3920] =	vst v43  }
0x21a: {  	s7 =	sshll.u32 s19, $0x7;
	v28 =	vadd.f32 v62, v61;
	[tilespmem:s6+$0x3950] =	vst v49  }
0x21b: {  	s7 =	sadd.s32 s7, s17;
	v56 =	vadd.f32 v54, v53;
	[tilespmem:s6+$0x3970] =	vst v55  }
0x21c: {  	s19 =	sor.u32 $0x1C00, s7;
	[tilespmem:s6+$0x3560] =	vst v28  }
0x21d: {  	[tilespmem:s6+$0x3940] =	vst v56;
	v0 =	vld [tilespmem:s19+$0x2100]  }
0x21e: {  	v1 =	vld [tilespmem:s19+$0xA100];
	_ =	sdelay $0x4  }
0x21f: {  	v0 =	vmul.f32 v0, v3;
	v1 =	vmul.f32 v1, v4;
	_ =	sdelay $0x1  }
0x220: {  	v0 =	vadd.f32 v1, v0;
	_ =	sdelay $0x1  }
0x221: {  	[tilespmem:s19+$0x2100] =	vst v0;
	s19 =	sor.u32 $0x1C10, s7  }
0x222: {  	v0 =	vld [tilespmem:s19+$0x2100]  }
0x223: {  	v57 =	vld [tilespmem:s19+$0xA100];
	_ =	sdelay $0x4  }
0x224: {  	v0 =	vmul.f32 v0, v3;
	v1 =	vmul.f32 v57, v4;
	_ =	sdelay $0x1  }
0x225: {  	v0 =	vadd.f32 v1, v0;
	_ =	sdelay $0x1  }
0x226: {  	[tilespmem:s19+$0x2100] =	vst v0;
	s19 =	sor.u32 $0x1C20, s7  }
0x227: {  	v0 =	vld [tilespmem:s19+$0x2100]  }
0x228: {  	v58 =	vld [tilespmem:s19+$0xA100];
	_ =	sdelay $0x4  }
0x229: {  	v0 =	vmul.f32 v0, v3;
	v1 =	vmul.f32 v58, v4;
	_ =	sdelay $0x1  }
0x22a: {  	v0 =	vadd.f32 v1, v0;
	_ =	sdelay $0x1  }
0x22b: {  	[tilespmem:s19+$0x2100] =	vst v0;
	s19 =	sor.u32 $0x1C30, s7  }
0x22c: {  	v0 =	vld [tilespmem:s19+$0x2100]  }
0x22d: {  	v59 =	vld [tilespmem:s19+$0xA100];
	_ =	sdelay $0x4  }
0x22e: {  	v0 =	vmul.f32 v0, v3;
	v1 =	vmul.f32 v59, v4;
	_ =	sdelay $0x1  }
0x22f: {  	v0 =	vadd.f32 v1, v0;
	_ =	sdelay $0x1  }
0x230: {  	[tilespmem:s19+$0x2100] =	vst v0;
	s19 =	sor.u32 $0x1C40, s7  }
0x231: {  	v0 =	vld [tilespmem:s19+$0x2100]  }
0x232: {  	v60 =	vld [tilespmem:s19+$0xA100];
	_ =	sdelay $0x4  }
0x233: {  	v0 =	vmul.f32 v0, v3;
	v1 =	vmul.f32 v60, v4;
	_ =	sdelay $0x1  }
0x234: {  	v0 =	vadd.f32 v1, v0;
	_ =	sdelay $0x1  }
0x235: {  	[tilespmem:s19+$0x2100] =	vst v0;
	s19 =	sor.u32 $0x1C50, s7  }
0x236: {  	v0 =	vld [tilespmem:s19+$0x2100]  }
0x237: {  	v61 =	vld [tilespmem:s19+$0xA100];
	_ =	sdelay $0x4  }
0x238: {  	v0 =	vmul.f32 v0, v3;
	v1 =	vmul.f32 v61, v4;
	_ =	sdelay $0x1  }
0x239: {  	v0 =	vadd.f32 v1, v0;
	_ =	sdelay $0x1  }
0x23a: {  	[tilespmem:s19+$0x2100] =	vst v0;
	s19 =	sor.u32 $0x1C60, s7  }
0x23b: {  	v0 =	vld [tilespmem:s19+$0x2100]  }
0x23c: {  	v62 =	vld [tilespmem:s19+$0xA100];
	_ =	sdelay $0x4  }
0x23d: {  	v0 =	vmul.f32 v0, v3;
	v1 =	vmul.f32 v62, v4;
	_ =	sdelay $0x1  }
0x23e: {  	v0 =	vadd.f32 v1, v0;
	_ =	sdelay $0x1  }
0x23f: {  	[tilespmem:s19+$0x2100] =	vst v0;
	s19 =	sor.u32 $0x1C70, s7  }
0x240: {  	v0 =	vld [tilespmem:s19+$0x2100]  }
0x241: {  	v63 =	vld [tilespmem:s19+$0xA100];
	_ =	sdelay $0x3  }
0x242: {  	p0 =	sne.s32 s5, $0xF80  }
.Ltmp1:
0x243: {  	v0 =	vmul.f32 v0, v3;
	v1 =	vmul.f32 v63, v4;
	(pc) =	sbr.rel @p0 .LBB2_4-.Ltmp1, $4  }
0x244: {  	_ = 	snop  }
0x245: {  	v0 =	vadd.f32 v1, v0  }
0x246: {  	s2 =	sadd.s32 $0x1, s2;
	s16 =	sadd.s32 $0x80, s16  }
0x247: {  	s4 =	sadd.s32 $0x80, s4;
	s5 =	sadd.s32 $0x80, s5;
	s17 =	sadd.s32 $0x400, s17;
	[tilespmem:s19+$0x2100] =	vst v0  }
0x248: {  	s2 =	rddreg [dreg:$0xc]  }
0x249: {  	[hbm4b:s2+s1] =	stream.linear.scatter [tilespmem:s20], [sflag:$0x2], $0x8000, $0x38;
	[tilespmem:$0x12100] =	vst v63  }
0x24a: {  	_ =	swait.ge [sflag:s18], $0x8000  }
0x24b: {  	s15 =	sadd.s32 $0x1, s15;
	s19 =	rddreg [dreg:$0xd]  }
0x24c: {  	p0 =	sne.s32 s15, s19  }
.Ltmp2:
0x24d: {  	_ = 	snop;
	(pc) =	sbr.rel @p0 .LBB2_1-.Ltmp2, $3  }
0x24e: {  	_ =	sdelay $0x1  }
0x24f: {  	[sflag:s18] =	ssyncset.done $0x0  }
0x250: {  	[sflag:s18] =	ssyncadd.s32 $0xFFFF8000  }
0x251: {  	_ =	sfence.sel $0x180000  }
0x252: {  	[bflag:$0x0] =	sbarrier.arrive $0xFFFF  }
0x253: {  	_ =	strace $0x9000004A  }
0x254: {  	s0 =	stileid.u32;
	[bflag:$0x2] =	sbarrier.arrive $0xFFFF  }
0x255: {  	p0 =	sne.s32 s0, $0x0;
	s0 =	rddreg [dreg:$0x2]  }
0x256: {  	s0 =	sadd.s32 @!p0 $0x100000, s0  }
0x257: {  	[sflag:s0] =	ssyncadd.tile.s32 @!p0 $0x1;
	_ =	shalt  }
.Lfunc_end2:
_tile_overlayer_lowered:
.L_overlay_start_2:
0x258: {  	(tag) =	ssettag $0x2  }
0x259: {  	s0 =	rddreg [dreg:$0x0];
	s2 =	stileid.u32  }
0x25a: {  	s1 =	rddreg [dreg:$0x1];
	p0 =	sne.s32 s2, $0x0  }
0x25b: {  	s3 =	rddreg [dreg:$0x2];
	[bflag:$0x3] =	sbarrier.arrive $0xFFFF;
	s2 =	simm.s32 @!p0 $0x1C02  }
0x25c: {  	[timem:s3], [sflag:s2] =	dma.local @!p0 [hbm:s0], s1  }
0x25d: {  	s0 =	simm.s32 @!p0 $0x2  }
0x25e: {  	_ =	swait.ge @!p0 [sflag:s0], s1  }
0x25f: {  	s1 =	ssub.s32 @!p0 $0x0, s1;
	[sflag:s0] =	ssyncset.done @!p0 $0x0  }
0x260: {  	[sflag:s0] =	ssyncadd.s32 @!p0 s1  }
0x261: {  	[bflag:$0x3] =	sbarrier.arrive $0xFFFF  }
0x262: {  	_ =	shalt  }

</sc_bundles>
